<compile_context>
chip_gen: v7x
topology: tpu7x:2x2x1
jax: 0.10.2.dev20260603
libtpu: 0.0.44.dev20260713+nightly
codegen_flags: <defaults>
</compile_context>

<pallas_src>
import functools

import numpy as np
import jax
import jax.numpy as jnp
from jax import lax
from jax.experimental import pallas as pl
from jax.experimental.pallas import tpu as pltpu
from jax.experimental.pallas import tpu_sc as plsc

_EMBED_DIM = 16
_NC = 2
_NS = 16
_NW = _NC * _NS
_R = 800
_NBUF = 3


def _pos_encoding_np(max_pos: int, embed_dim: int) -> np.ndarray:
    pos = np.arange(max_pos)[:, np.newaxis]
    i = np.arange(embed_dim)[np.newaxis, :]
    angle_rates = 1.0 / np.power(10000, 2 * (i // 2) / np.float32(embed_dim))
    angle_rads = pos * angle_rates
    angle_rads[:, 0::2] = np.sin(angle_rads[:, 0::2])
    angle_rads[:, 1::2] = np.cos(angle_rads[:, 1::2])
    return angle_rads.astype(np.float32)


@functools.partial(jax.jit, static_argnames=("n_rows",))
def _sc_embed(x_flat, table, pos_tiled, *, n_rows: int):
    per_w = n_rows // _NW
    n_chunks = per_w // _R
    mesh = plsc.VectorSubcoreMesh(
        core_axis_name="c", subcore_axis_name="s",
        num_cores=_NC, num_subcores=_NS)

    @functools.partial(
        pl.kernel,
        out_type=jax.ShapeDtypeStruct((n_rows, _EMBED_DIM), jnp.float32),
        mesh=mesh,
        scratch_types=[
            pltpu.VMEM((per_w,), jnp.int32),
            pltpu.VMEM((_R, _EMBED_DIM), jnp.float32),
        ] + [pltpu.VMEM((_R, _EMBED_DIM), jnp.float32)] * _NBUF
          + [pltpu.SemaphoreType.DMA] * (2 * _NBUF),
        compiler_params=pltpu.CompilerParams(use_tc_tiling_on_sc=False),
    )
    def k(idx_hbm, table_hbm, pos_hbm, out_hbm, idx_all, pos_v, *bufs_sems):
        bufs = bufs_sems[:_NBUF]
        gsems = bufs_sems[_NBUF:2 * _NBUF]
        osems = bufs_sems[2 * _NBUF:]
        wid = lax.axis_index("s") * _NC + lax.axis_index("c")
        base = wid * per_w
        pltpu.sync_copy(idx_hbm.at[pl.ds(base, per_w)], idx_all)
        pltpu.sync_copy(pos_hbm, pos_v)

        def prefill(buf):
            def row(i, c2):
                buf[i, :] = pos_v[i, :]
                return c2
            lax.fori_loop(0, _R, row, 0, unroll=8)

        def fire_gather(c, b):
            pltpu.async_copy(
                table_hbm.at[idx_all.at[pl.ds(c * _R, _R)]],
                bufs[b], gsems[b], add=True)

        def fire_out(c, b):
            pltpu.async_copy(
                bufs[b], out_hbm.at[pl.ds(base + c * _R, _R)], osems[b])

        for b in range(_NBUF):
            prefill(bufs[b])
        for c in range(min(_NBUF, n_chunks)):
            fire_gather(c, c % _NBUF)

        for c in range(n_chunks):
            b = c % _NBUF
            pltpu.make_async_copy(
                table_hbm.at[idx_all.at[pl.ds(c * _R, _R)]],
                bufs[b], gsems[b]).wait()
            fire_out(c, b)
            if c + _NBUF < n_chunks:
                pltpu.make_async_copy(
                    bufs[b], out_hbm.at[pl.ds(base + c * _R, _R)],
                    osems[b]).wait()
                prefill(bufs[b])
                fire_gather(c + _NBUF, b)

        for c in range(max(0, n_chunks - _NBUF), n_chunks):
            b = c % _NBUF
            pltpu.make_async_copy(
                bufs[b], out_hbm.at[pl.ds(base + c * _R, _R)],
                osems[b]).wait()

    return k(x_flat, table, pos_tiled)


def kernel(x_in, table):
    b, s = x_in.shape
    n_rows = b * s
    pos_tiled = jnp.asarray(
        np.tile(_pos_encoding_np(s, _EMBED_DIM), (_R // s, 1)))
    x_flat = x_in.reshape(n_rows).astype(jnp.int32)
    out = _sc_embed(x_flat, table, pos_tiled, n_rows=n_rows)
    return out.reshape(b, s, _EMBED_DIM)

# --- scband reference (transcript-rebuilt; emitter-appended) ---
"""Pipeline reference for scband-chords-embedder-32830730010677 (READ-ONLY COPY).

The authoritative reference and input builder live on the scoring server;
editing this copy changes nothing except your own understanding.
"""

import jax, jax.numpy as jnp
import numpy as np

CHORDS_POOL_SIZE = 100000
MAX_POS = 512
EMBED_DIM = 16


def positional_encoding(max_pos, embed_dim):
    pos = np.arange(max_pos)[:, np.newaxis]
    i = np.arange(embed_dim)[np.newaxis, :]
    angle_rates = 1.0 / np.power(10000, 2 * (i // 2) / np.float32(embed_dim))
    angle_rads = pos * angle_rates
    angle_rads[:, 0::2] = np.sin(angle_rads[:, 0::2])
    angle_rads[:, 1::2] = np.cos(angle_rads[:, 1::2])
    pos_encoding = angle_rads[np.newaxis, ...]
    return jnp.asarray(pos_encoding, dtype=jnp.float32)


def setup_inputs(seed: int = 0) -> dict:
    key = jax.random.key(seed)
    k1, k2 = jax.random.split(key)
    x_in = jax.random.randint(k1, (4096, 200), 0, CHORDS_POOL_SIZE, dtype=jnp.int64 if jax.config.jax_enable_x64 else jnp.int32)
    # Embedding table (Keras Embedding default: uniform init)
    table = jax.random.uniform(k2, (CHORDS_POOL_SIZE, EMBED_DIM), dtype=jnp.float32, minval=-0.05, maxval=0.05)
    return {"x_in": x_in, "table": table}


def reference(x_in, table):
    # Embedding lookup (gather)
    chords_emb = jnp.take(table, x_in, axis=0)  # [B, S, D]
    pos_emb = positional_encoding(MAX_POS, EMBED_DIM)  # [1, MAX_POS, D]
    seq_len = x_in.shape[1]
    combine = chords_emb + pos_emb[:, :seq_len, :]
    # Dropout is identity at inference (training=None -> no-op in deterministic reference)
    return combine

if __name__ == "__main__":
    import jax
    _d = setup_inputs()
    print(jax.jit(kernel)(*tuple(_d.values())))

</pallas_src>

<mosaic_0001>
#map = affine_map<(d0, d1) -> (0)>
#map1 = affine_map<(d0, d1) -> (0, 0)>
module attributes {stable_mosaic.version = 14 : i64} {
  func.func @k(%arg0: i32, %arg1: i32, %arg2: memref<819200xi32, #tpu.memory_space<hbm>>, %arg3: memref<100000x16xf32, #tpu.memory_space<hbm>>, %arg4: memref<800x16xf32, #tpu.memory_space<hbm>>, %arg5: memref<819200x16xf32, #tpu.memory_space<hbm>>, %arg6: memref<25600xi32, #tpu.memory_space<vmem>>, %arg7: memref<800x16xf32, #tpu.memory_space<vmem>>, %arg8: memref<800x16xf32, #tpu.memory_space<vmem>>, %arg9: memref<800x16xf32, #tpu.memory_space<vmem>>, %arg10: memref<800x16xf32, #tpu.memory_space<vmem>>, %arg11: memref<!tpu.dma_semaphore, #tpu.memory_space<semaphore_mem>>, %arg12: memref<!tpu.dma_semaphore, #tpu.memory_space<semaphore_mem>>, %arg13: memref<!tpu.dma_semaphore, #tpu.memory_space<semaphore_mem>>, %arg14: memref<!tpu.dma_semaphore, #tpu.memory_space<semaphore_mem>>, %arg15: memref<!tpu.dma_semaphore, #tpu.memory_space<semaphore_mem>>, %arg16: memref<!tpu.dma_semaphore, #tpu.memory_space<semaphore_mem>>) attributes {dimension_semantics = [#tpu.dimension_semantics<core_parallel>, #tpu.dimension_semantics<subcore_parallel>], iteration_bounds = array<i64: 2, 16>, scalar_prefetch = 0 : i64, scratch_operands = 11 : i64, tpu.core_type = #tpu.core_type<sc_vector_subcore>, window_params = [{transform_indices = #map}, {transform_indices = #map1}, {transform_indices = #map1}, {transform_indices = #map1}]} {
    %mul3A = arith.constant 2 : i32
    %mul3A_0 = arith.muli %arg1, %mul3A : i32
    %add3A = arith.addi %mul3A_0, %arg0 : i32
    %mul3A_1 = arith.constant 25600 : i32
    %mul3A_2 = arith.muli %add3A, %mul3A_1 : i32
    "tpu.region"() ({
      %run_scoped3A = tpu.sem_alloc : memref<!tpu.dma_semaphore, #tpu.memory_space<semaphore_mem>>
      %dma_start3A_896 = tpu.memref_slice %arg2[%mul3A_2] : memref<819200xi32, #tpu.memory_space<hbm>> -> memref<25600xi32, #tpu.memory_space<hbm>>
      %dma_start3A_897 = tpu.memref_slice %arg2[%mul3A_2] : memref<819200xi32, #tpu.memory_space<hbm>> -> memref<25600xi32, #tpu.memory_space<hbm>>
      tpu.enqueue_dma source(%dma_start3A_897 : memref<25600xi32, #tpu.memory_space<hbm>>) target(%arg6 : memref<25600xi32, #tpu.memory_space<vmem>>) target_semaphore(%run_scoped3A : memref<!tpu.dma_semaphore, #tpu.memory_space<semaphore_mem>>)
      %dma_wait3A_898 = tpu.memref_slice %arg2[%mul3A_2] : memref<819200xi32, #tpu.memory_space<hbm>> -> memref<25600xi32, #tpu.memory_space<hbm>>
      %dma_wait3A_899 = tpu.memref_slice %arg2[%mul3A_2] : memref<819200xi32, #tpu.memory_space<hbm>> -> memref<25600xi32, #tpu.memory_space<hbm>>
      tpu.wait_dma2 semaphore(%run_scoped3A : memref<!tpu.dma_semaphore, #tpu.memory_space<semaphore_mem>>) src(%dma_wait3A_899 : memref<25600xi32, #tpu.memory_space<hbm>>) dst(%arg6 : memref<25600xi32, #tpu.memory_space<vmem>>)
      tpu.yield
    }) : () -> ()
    "tpu.region"() ({
      %run_scoped3A = tpu.sem_alloc : memref<!tpu.dma_semaphore, #tpu.memory_space<semaphore_mem>>
      tpu.enqueue_dma source(%arg4 : memref<800x16xf32, #tpu.memory_space<hbm>>) target(%arg7 : memref<800x16xf32, #tpu.memory_space<vmem>>) target_semaphore(%run_scoped3A : memref<!tpu.dma_semaphore, #tpu.memory_space<semaphore_mem>>)
      tpu.wait_dma2 semaphore(%run_scoped3A : memref<!tpu.dma_semaphore, #tpu.memory_space<semaphore_mem>>) src(%arg4 : memref<800x16xf32, #tpu.memory_space<hbm>>) dst(%arg7 : memref<800x16xf32, #tpu.memory_space<vmem>>)
      tpu.yield
    }) : () -> ()
    %scan3A = arith.constant 0 : i32
    %scan3A_3 = arith.constant 0 : i32
    %scan3A_4 = arith.constant 800 : i32
    %scan3A_5 = arith.addi %scan3A_3, %scan3A_4 : i32
    %scan3A_6 = arith.constant 8 : i32
    scf.for %scan3A_896 = %scan3A_3 to %scan3A_5 step %scan3A_6  : i32 {
      %get3A = arith.index_cast %scan3A_896 : i32 to index
      %get3A_897 = arith.constant 0 : index
      %get3A_898 = tpu.vector_load %arg7[%get3A, %get3A_897] {strides = array<i32>} : memref<800x16xf32, #tpu.memory_space<vmem>>, vector<1x16xf32>,
      %get3A_899 = vector.shape_cast %get3A_898 : vector<1x16xf32> to vector<16xf32>
      %swap3A = arith.index_cast %scan3A_896 : i32 to index
      %swap3A_900 = arith.constant 0 : index
      %swap3A_901 = tpu.vector_load %arg8[%swap3A, %swap3A_900] {strides = array<i32>} : memref<800x16xf32, #tpu.memory_space<vmem>>, vector<1x16xf32>,
      %swap3A_902 = vector.shape_cast %swap3A_901 : vector<1x16xf32> to vector<16xf32>
      %swap3A_903 = vector.shape_cast %get3A_899 : vector<16xf32> to vector<1x16xf32>
      tpu.vector_store %arg8[%swap3A, %swap3A_900], %swap3A_903 {strides = array<i32>} : memref<800x16xf32, #tpu.memory_space<vmem>>, vector<1x16xf32>,
      %scan3A_904 = arith.constant 1 : i32
      %scan3A_905 = arith.addi %scan3A_896, %scan3A_904 : i32
      %get3A_906 = arith.index_cast %scan3A_905 : i32 to index
      %get3A_907 = arith.constant 0 : index
      %get3A_908 = tpu.vector_load %arg7[%get3A_906, %get3A_907] {strides = array<i32>} : memref<800x16xf32, #tpu.memory_space<vmem>>, vector<1x16xf32>,
      %get3A_909 = vector.shape_cast %get3A_908 : vector<1x16xf32> to vector<16xf32>
      %swap3A_910 = arith.index_cast %scan3A_905 : i32 to index
      %swap3A_911 = arith.constant 0 : index
      %swap3A_912 = tpu.vector_load %arg8[%swap3A_910, %swap3A_911] {strides = array<i32>} : memref<800x16xf32, #tpu.memory_space<vmem>>, vector<1x16xf32>,
      %swap3A_913 = vector.shape_cast %swap3A_912 : vector<1x16xf32> to vector<16xf32>
      %swap3A_914 = vector.shape_cast %get3A_909 : vector<16xf32> to vector<1x16xf32>
      tpu.vector_store %arg8[%swap3A_910, %swap3A_911], %swap3A_914 {strides = array<i32>} : memref<800x16xf32, #tpu.memory_space<vmem>>, vector<1x16xf32>,
      %scan3A_915 = arith.constant 2 : i32
      %scan3A_916 = arith.addi %scan3A_896, %scan3A_915 : i32
      %get3A_917 = arith.index_cast %scan3A_916 : i32 to index
      %get3A_918 = arith.constant 0 : index
      %get3A_919 = tpu.vector_load %arg7[%get3A_917, %get3A_918] {strides = array<i32>} : memref<800x16xf32, #tpu.memory_space<vmem>>, vector<1x16xf32>,
      %get3A_920 = vector.shape_cast %get3A_919 : vector<1x16xf32> to vector<16xf32>
      %swap3A_921 = arith.index_cast %scan3A_916 : i32 to index
      %swap3A_922 = arith.constant 0 : index
      %swap3A_923 = tpu.vector_load %arg8[%swap3A_921, %swap3A_922] {strides = array<i32>} : memref<800x16xf32, #tpu.memory_space<vmem>>, vector<1x16xf32>,
      %swap3A_924 = vector.shape_cast %swap3A_923 : vector<1x16xf32> to vector<16xf32>
      %swap3A_925 = vector.shape_cast %get3A_920 : vector<16xf32> to vector<1x16xf32>
      tpu.vector_store %arg8[%swap3A_921, %swap3A_922], %swap3A_925 {strides = array<i32>} : memref<800x16xf32, #tpu.memory_space<vmem>>, vector<1x16xf32>,
      %scan3A_926 = arith.constant 3 : i32
      %scan3A_927 = arith.addi %scan3A_896, %scan3A_926 : i32
      %get3A_928 = arith.index_cast %scan3A_927 : i32 to index
      %get3A_929 = arith.constant 0 : index
      %get3A_930 = tpu.vector_load %arg7[%get3A_928, %get3A_929] {strides = array<i32>} : memref<800x16xf32, #tpu.memory_space<vmem>>, vector<1x16xf32>,
      %get3A_931 = vector.shape_cast %get3A_930 : vector<1x16xf32> to vector<16xf32>
      %swap3A_932 = arith.index_cast %scan3A_927 : i32 to index
      %swap3A_933 = arith.constant 0 : index
      %swap3A_934 = tpu.vector_load %arg8[%swap3A_932, %swap3A_933] {strides = array<i32>} : memref<800x16xf32, #tpu.memory_space<vmem>>, vector<1x16xf32>,
      %swap3A_935 = vector.shape_cast %swap3A_934 : vector<1x16xf32> to vector<16xf32>
      %swap3A_936 = vector.shape_cast %get3A_931 : vector<16xf32> to vector<1x16xf32>
      tpu.vector_store %arg8[%swap3A_932, %swap3A_933], %swap3A_936 {strides = array<i32>} : memref<800x16xf32, #tpu.memory_space<vmem>>, vector<1x16xf32>,
      %scan3A_937 = arith.constant 4 : i32
      %scan3A_938 = arith.addi %scan3A_896, %scan3A_937 : i32
      %get3A_939 = arith.index_cast %scan3A_938 : i32 to index
      %get3A_940 = arith.constant 0 : index
      %get3A_941 = tpu.vector_load %arg7[%get3A_939, %get3A_940] {strides = array<i32>} : memref<800x16xf32, #tpu.memory_space<vmem>>, vector<1x16xf32>,
      %get3A_942 = vector.shape_cast %get3A_941 : vector<1x16xf32> to vector<16xf32>
      %swap3A_943 = arith.index_cast %scan3A_938 : i32 to index
      %swap3A_944 = arith.constant 0 : index
      %swap3A_945 = tpu.vector_load %arg8[%swap3A_943, %swap3A_944] {strides = array<i32>} : memref<800x16xf32, #tpu.memory_space<vmem>>, vector<1x16xf32>,
      %swap3A_946 = vector.shape_cast %swap3A_945 : vector<1x16xf32> to vector<16xf32>
      %swap3A_947 = vector.shape_cast %get3A_942 : vector<16xf32> to vector<1x16xf32>
      tpu.vector_store %arg8[%swap3A_943, %swap3A_944], %swap3A_947 {strides = array<i32>} : memref<800x16xf32, #tpu.memory_space<vmem>>, vector<1x16xf32>,
      %scan3A_948 = arith.constant 5 : i32
      %scan3A_949 = arith.addi %scan3A_896, %scan3A_948 : i32
      %get3A_950 = arith.index_cast %scan3A_949 : i32 to index
      %get3A_951 = arith.constant 0 : index
      %get3A_952 = tpu.vector_load %arg7[%get3A_950, %get3A_951] {strides = array<i32>} : memref<800x16xf32, #tpu.memory_space<vmem>>, vector<1x16xf32>,
      %get3A_953 = vector.shape_cast %get3A_952 : vector<1x16xf32> to vector<16xf32>
      %swap3A_954 = arith.index_cast %scan3A_949 : i32 to index
      %swap3A_955 = arith.constant 0 : index
      %swap3A_956 = tpu.vector_load %arg8[%swap3A_954, %swap3A_955] {strides = array<i32>} : memref<800x16xf32, #tpu.memory_space<vmem>>, vector<1x16xf32>,
      %swap3A_957 = vector.shape_cast %swap3A_956 : vector<1x16xf32> to vector<16xf32>
      %swap3A_958 = vector.shape_cast %get3A_953 : vector<16xf32> to vector<1x16xf32>
      tpu.vector_store %arg8[%swap3A_954, %swap3A_955], %swap3A_958 {strides = array<i32>} : memref<800x16xf32, #tpu.memory_space<vmem>>, vector<1x16xf32>,
      %scan3A_959 = arith.constant 6 : i32
      %scan3A_960 = arith.addi %scan3A_896, %scan3A_959 : i32
      %get3A_961 = arith.index_cast %scan3A_960 : i32 to index
      %get3A_962 = arith.constant 0 : index
      %get3A_963 = tpu.vector_load %arg7[%get3A_961, %get3A_962] {strides = array<i32>} : memref<800x16xf32, #tpu.memory_space<vmem>>, vector<1x16xf32>,
      %get3A_964 = vector.shape_cast %get3A_963 : vector<1x16xf32> to vector<16xf32>
      %swap3A_965 = arith.index_cast %scan3A_960 : i32 to index
      %swap3A_966 = arith.constant 0 : index
      %swap3A_967 = tpu.vector_load %arg8[%swap3A_965, %swap3A_966] {strides = array<i32>} : memref<800x16xf32, #tpu.memory_space<vmem>>, vector<1x16xf32>,
      %swap3A_968 = vector.shape_cast %swap3A_967 : vector<1x16xf32> to vector<16xf32>
      %swap3A_969 = vector.shape_cast %get3A_964 : vector<16xf32> to vector<1x16xf32>
      tpu.vector_store %arg8[%swap3A_965, %swap3A_966], %swap3A_969 {strides = array<i32>} : memref<800x16xf32, #tpu.memory_space<vmem>>, vector<1x16xf32>,
      %scan3A_970 = arith.constant 7 : i32
      %scan3A_971 = arith.addi %scan3A_896, %scan3A_970 : i32
      %get3A_972 = arith.index_cast %scan3A_971 : i32 to index
      %get3A_973 = arith.constant 0 : index
      %get3A_974 = tpu.vector_load %arg7[%get3A_972, %get3A_973] {strides = array<i32>} : memref<800x16xf32, #tpu.memory_space<vmem>>, vector<1x16xf32>,
      %get3A_975 = vector.shape_cast %get3A_974 : vector<1x16xf32> to vector<16xf32>
      %swap3A_976 = arith.index_cast %scan3A_971 : i32 to index
      %swap3A_977 = arith.constant 0 : index
      %swap3A_978 = tpu.vector_load %arg8[%swap3A_976, %swap3A_977] {strides = array<i32>} : memref<800x16xf32, #tpu.memory_space<vmem>>, vector<1x16xf32>,
      %swap3A_979 = vector.shape_cast %swap3A_978 : vector<1x16xf32> to vector<16xf32>
      %swap3A_980 = vector.shape_cast %get3A_975 : vector<16xf32> to vector<1x16xf32>
      tpu.vector_store %arg8[%swap3A_976, %swap3A_977], %swap3A_980 {strides = array<i32>} : memref<800x16xf32, #tpu.memory_space<vmem>>, vector<1x16xf32>,
    }
    %scan3A_7 = arith.constant 800 : i32
    %scan3A_8 = arith.constant 0 : i32
    %scan3A_9 = arith.constant 0 : i32
    %scan3A_10 = arith.constant 800 : i32
    %scan3A_11 = arith.addi %scan3A_9, %scan3A_10 : i32
    %scan3A_12 = arith.constant 8 : i32
    scf.for %scan3A_896 = %scan3A_9 to %scan3A_11 step %scan3A_12  : i32 {
      %get3A = arith.index_cast %scan3A_896 : i32 to index
      %get3A_897 = arith.constant 0 : index
      %get3A_898 = tpu.vector_load %arg7[%get3A, %get3A_897] {strides = array<i32>} : memref<800x16xf32, #tpu.memory_space<vmem>>, vector<1x16xf32>,
      %get3A_899 = vector.shape_cast %get3A_898 : vector<1x16xf32> to vector<16xf32>
      %swap3A = arith.index_cast %scan3A_896 : i32 to index
      %swap3A_900 = arith.constant 0 : index
      %swap3A_901 = tpu.vector_load %arg9[%swap3A, %swap3A_900] {strides = array<i32>} : memref<800x16xf32, #tpu.memory_space<vmem>>, vector<1x16xf32>,
      %swap3A_902 = vector.shape_cast %swap3A_901 : vector<1x16xf32> to vector<16xf32>
      %swap3A_903 = vector.shape_cast %get3A_899 : vector<16xf32> to vector<1x16xf32>
      tpu.vector_store %arg9[%swap3A, %swap3A_900], %swap3A_903 {strides = array<i32>} : memref<800x16xf32, #tpu.memory_space<vmem>>, vector<1x16xf32>,
      %scan3A_904 = arith.constant 1 : i32
      %scan3A_905 = arith.addi %scan3A_896, %scan3A_904 : i32
      %get3A_906 = arith.index_cast %scan3A_905 : i32 to index
      %get3A_907 = arith.constant 0 : index
      %get3A_908 = tpu.vector_load %arg7[%get3A_906, %get3A_907] {strides = array<i32>} : memref<800x16xf32, #tpu.memory_space<vmem>>, vector<1x16xf32>,
      %get3A_909 = vector.shape_cast %get3A_908 : vector<1x16xf32> to vector<16xf32>
      %swap3A_910 = arith.index_cast %scan3A_905 : i32 to index
      %swap3A_911 = arith.constant 0 : index
      %swap3A_912 = tpu.vector_load %arg9[%swap3A_910, %swap3A_911] {strides = array<i32>} : memref<800x16xf32, #tpu.memory_space<vmem>>, vector<1x16xf32>,
      %swap3A_913 = vector.shape_cast %swap3A_912 : vector<1x16xf32> to vector<16xf32>
      %swap3A_914 = vector.shape_cast %get3A_909 : vector<16xf32> to vector<1x16xf32>
      tpu.vector_store %arg9[%swap3A_910, %swap3A_911], %swap3A_914 {strides = array<i32>} : memref<800x16xf32, #tpu.memory_space<vmem>>, vector<1x16xf32>,
      %scan3A_915 = arith.constant 2 : i32
      %scan3A_916 = arith.addi %scan3A_896, %scan3A_915 : i32
      %get3A_917 = arith.index_cast %scan3A_916 : i32 to index
      %get3A_918 = arith.constant 0 : index
      %get3A_919 = tpu.vector_load %arg7[%get3A_917, %get3A_918] {strides = array<i32>} : memref<800x16xf32, #tpu.memory_space<vmem>>, vector<1x16xf32>,
      %get3A_920 = vector.shape_cast %get3A_919 : vector<1x16xf32> to vector<16xf32>
      %swap3A_921 = arith.index_cast %scan3A_916 : i32 to index
      %swap3A_922 = arith.constant 0 : index
      %swap3A_923 = tpu.vector_load %arg9[%swap3A_921, %swap3A_922] {strides = array<i32>} : memref<800x16xf32, #tpu.memory_space<vmem>>, vector<1x16xf32>,
      %swap3A_924 = vector.shape_cast %swap3A_923 : vector<1x16xf32> to vector<16xf32>
      %swap3A_925 = vector.shape_cast %get3A_920 : vector<16xf32> to vector<1x16xf32>
      tpu.vector_store %arg9[%swap3A_921, %swap3A_922], %swap3A_925 {strides = array<i32>} : memref<800x16xf32, #tpu.memory_space<vmem>>, vector<1x16xf32>,
      %scan3A_926 = arith.constant 3 : i32
      %scan3A_927 = arith.addi %scan3A_896, %scan3A_926 : i32
      %get3A_928 = arith.index_cast %scan3A_927 : i32 to index
      %get3A_929 = arith.constant 0 : index
      %get3A_930 = tpu.vector_load %arg7[%get3A_928, %get3A_929] {strides = array<i32>} : memref<800x16xf32, #tpu.memory_space<vmem>>, vector<1x16xf32>,
      %get3A_931 = vector.shape_cast %get3A_930 : vector<1x16xf32> to vector<16xf32>
      %swap3A_932 = arith.index_cast %scan3A_927 : i32 to index
      %swap3A_933 = arith.constant 0 : index
      %swap3A_934 = tpu.vector_load %arg9[%swap3A_932, %swap3A_933] {strides = array<i32>} : memref<800x16xf32, #tpu.memory_space<vmem>>, vector<1x16xf32>,
      %swap3A_935 = vector.shape_cast %swap3A_934 : vector<1x16xf32> to vector<16xf32>
      %swap3A_936 = vector.shape_cast %get3A_931 : vector<16xf32> to vector<1x16xf32>
      tpu.vector_store %arg9[%swap3A_932, %swap3A_933], %swap3A_936 {strides = array<i32>} : memref<800x16xf32, #tpu.memory_space<vmem>>, vector<1x16xf32>,
      %scan3A_937 = arith.constant 4 : i32
      %scan3A_938 = arith.addi %scan3A_896, %scan3A_937 : i32
      %get3A_939 = arith.index_cast %scan3A_938 : i32 to index
      %get3A_940 = arith.constant 0 : index
      %get3A_941 = tpu.vector_load %arg7[%get3A_939, %get3A_940] {strides = array<i32>} : memref<800x16xf32, #tpu.memory_space<vmem>>, vector<1x16xf32>,
      %get3A_942 = vector.shape_cast %get3A_941 : vector<1x16xf32> to vector<16xf32>
      %swap3A_943 = arith.index_cast %scan3A_938 : i32 to index
      %swap3A_944 = arith.constant 0 : index
      %swap3A_945 = tpu.vector_load %arg9[%swap3A_943, %swap3A_944] {strides = array<i32>} : memref<800x16xf32, #tpu.memory_space<vmem>>, vector<1x16xf32>,
      %swap3A_946 = vector.shape_cast %swap3A_945 : vector<1x16xf32> to vector<16xf32>
      %swap3A_947 = vector.shape_cast %get3A_942 : vector<16xf32> to vector<1x16xf32>
      tpu.vector_store %arg9[%swap3A_943, %swap3A_944], %swap3A_947 {strides = array<i32>} : memref<800x16xf32, #tpu.memory_space<vmem>>, vector<1x16xf32>,
      %scan3A_948 = arith.constant 5 : i32
      %scan3A_949 = arith.addi %scan3A_896, %scan3A_948 : i32
      %get3A_950 = arith.index_cast %scan3A_949 : i32 to index
      %get3A_951 = arith.constant 0 : index
      %get3A_952 = tpu.vector_load %arg7[%get3A_950, %get3A_951] {strides = array<i32>} : memref<800x16xf32, #tpu.memory_space<vmem>>, vector<1x16xf32>,
      %get3A_953 = vector.shape_cast %get3A_952 : vector<1x16xf32> to vector<16xf32>
      %swap3A_954 = arith.index_cast %scan3A_949 : i32 to index
      %swap3A_955 = arith.constant 0 : index
      %swap3A_956 = tpu.vector_load %arg9[%swap3A_954, %swap3A_955] {strides = array<i32>} : memref<800x16xf32, #tpu.memory_space<vmem>>, vector<1x16xf32>,
      %swap3A_957 = vector.shape_cast %swap3A_956 : vector<1x16xf32> to vector<16xf32>
      %swap3A_958 = vector.shape_cast %get3A_953 : vector<16xf32> to vector<1x16xf32>
      tpu.vector_store %arg9[%swap3A_954, %swap3A_955], %swap3A_958 {strides = array<i32>} : memref<800x16xf32, #tpu.memory_space<vmem>>, vector<1x16xf32>,
      %scan3A_959 = arith.constant 6 : i32
      %scan3A_960 = arith.addi %scan3A_896, %scan3A_959 : i32
      %get3A_961 = arith.index_cast %scan3A_960 : i32 to index
      %get3A_962 = arith.constant 0 : index
      %get3A_963 = tpu.vector_load %arg7[%get3A_961, %get3A_962] {strides = array<i32>} : memref<800x16xf32, #tpu.memory_space<vmem>>, vector<1x16xf32>,
      %get3A_964 = vector.shape_cast %get3A_963 : vector<1x16xf32> to vector<16xf32>
      %swap3A_965 = arith.index_cast %scan3A_960 : i32 to index
      %swap3A_966 = arith.constant 0 : index
      %swap3A_967 = tpu.vector_load %arg9[%swap3A_965, %swap3A_966] {strides = array<i32>} : memref<800x16xf32, #tpu.memory_space<vmem>>, vector<1x16xf32>,
      %swap3A_968 = vector.shape_cast %swap3A_967 : vector<1x16xf32> to vector<16xf32>
      %swap3A_969 = vector.shape_cast %get3A_964 : vector<16xf32> to vector<1x16xf32>
      tpu.vector_store %arg9[%swap3A_965, %swap3A_966], %swap3A_969 {strides = array<i32>} : memref<800x16xf32, #tpu.memory_space<vmem>>, vector<1x16xf32>,
      %scan3A_970 = arith.constant 7 : i32
      %scan3A_971 = arith.addi %scan3A_896, %scan3A_970 : i32
      %get3A_972 = arith.index_cast %scan3A_971 : i32 to index
      %get3A_973 = arith.constant 0 : index
      %get3A_974 = tpu.vector_load %arg7[%get3A_972, %get3A_973] {strides = array<i32>} : memref<800x16xf32, #tpu.memory_space<vmem>>, vector<1x16xf32>,
      %get3A_975 = vector.shape_cast %get3A_974 : vector<1x16xf32> to vector<16xf32>
      %swap3A_976 = arith.index_cast %scan3A_971 : i32 to index
      %swap3A_977 = arith.constant 0 : index
      %swap3A_978 = tpu.vector_load %arg9[%swap3A_976, %swap3A_977] {strides = array<i32>} : memref<800x16xf32, #tpu.memory_space<vmem>>, vector<1x16xf32>,
      %swap3A_979 = vector.shape_cast %swap3A_978 : vector<1x16xf32> to vector<16xf32>
      %swap3A_980 = vector.shape_cast %get3A_975 : vector<16xf32> to vector<1x16xf32>
      tpu.vector_store %arg9[%swap3A_976, %swap3A_977], %swap3A_980 {strides = array<i32>} : memref<800x16xf32, #tpu.memory_space<vmem>>, vector<1x16xf32>,
    }
    %scan3A_13 = arith.constant 800 : i32
    %scan3A_14 = arith.constant 0 : i32
    %scan3A_15 = arith.constant 0 : i32
    %scan3A_16 = arith.constant 800 : i32
    %scan3A_17 = arith.addi %scan3A_15, %scan3A_16 : i32
    %scan3A_18 = arith.constant 8 : i32
    scf.for %scan3A_896 = %scan3A_15 to %scan3A_17 step %scan3A_18  : i32 {
      %get3A = arith.index_cast %scan3A_896 : i32 to index
      %get3A_897 = arith.constant 0 : index
      %get3A_898 = tpu.vector_load %arg7[%get3A, %get3A_897] {strides = array<i32>} : memref<800x16xf32, #tpu.memory_space<vmem>>, vector<1x16xf32>,
      %get3A_899 = vector.shape_cast %get3A_898 : vector<1x16xf32> to vector<16xf32>
      %swap3A = arith.index_cast %scan3A_896 : i32 to index
      %swap3A_900 = arith.constant 0 : index
      %swap3A_901 = tpu.vector_load %arg10[%swap3A, %swap3A_900] {strides = array<i32>} : memref<800x16xf32, #tpu.memory_space<vmem>>, vector<1x16xf32>,
      %swap3A_902 = vector.shape_cast %swap3A_901 : vector<1x16xf32> to vector<16xf32>
      %swap3A_903 = vector.shape_cast %get3A_899 : vector<16xf32> to vector<1x16xf32>
      tpu.vector_store %arg10[%swap3A, %swap3A_900], %swap3A_903 {strides = array<i32>} : memref<800x16xf32, #tpu.memory_space<vmem>>, vector<1x16xf32>,
      %scan3A_904 = arith.constant 1 : i32
      %scan3A_905 = arith.addi %scan3A_896, %scan3A_904 : i32
      %get3A_906 = arith.index_cast %scan3A_905 : i32 to index
      %get3A_907 = arith.constant 0 : index
      %get3A_908 = tpu.vector_load %arg7[%get3A_906, %get3A_907] {strides = array<i32>} : memref<800x16xf32, #tpu.memory_space<vmem>>, vector<1x16xf32>,
      %get3A_909 = vector.shape_cast %get3A_908 : vector<1x16xf32> to vector<16xf32>
      %swap3A_910 = arith.index_cast %scan3A_905 : i32 to index
      %swap3A_911 = arith.constant 0 : index
      %swap3A_912 = tpu.vector_load %arg10[%swap3A_910, %swap3A_911] {strides = array<i32>} : memref<800x16xf32, #tpu.memory_space<vmem>>, vector<1x16xf32>,
      %swap3A_913 = vector.shape_cast %swap3A_912 : vector<1x16xf32> to vector<16xf32>
      %swap3A_914 = vector.shape_cast %get3A_909 : vector<16xf32> to vector<1x16xf32>
      tpu.vector_store %arg10[%swap3A_910, %swap3A_911], %swap3A_914 {strides = array<i32>} : memref<800x16xf32, #tpu.memory_space<vmem>>, vector<1x16xf32>,
      %scan3A_915 = arith.constant 2 : i32
      %scan3A_916 = arith.addi %scan3A_896, %scan3A_915 : i32
      %get3A_917 = arith.index_cast %scan3A_916 : i32 to index
      %get3A_918 = arith.constant 0 : index
      %get3A_919 = tpu.vector_load %arg7[%get3A_917, %get3A_918] {strides = array<i32>} : memref<800x16xf32, #tpu.memory_space<vmem>>, vector<1x16xf32>,
      %get3A_920 = vector.shape_cast %get3A_919 : vector<1x16xf32> to vector<16xf32>
      %swap3A_921 = arith.index_cast %scan3A_916 : i32 to index
      %swap3A_922 = arith.constant 0 : index
      %swap3A_923 = tpu.vector_load %arg10[%swap3A_921, %swap3A_922] {strides = array<i32>} : memref<800x16xf32, #tpu.memory_space<vmem>>, vector<1x16xf32>,
      %swap3A_924 = vector.shape_cast %swap3A_923 : vector<1x16xf32> to vector<16xf32>
      %swap3A_925 = vector.shape_cast %get3A_920 : vector<16xf32> to vector<1x16xf32>
      tpu.vector_store %arg10[%swap3A_921, %swap3A_922], %swap3A_925 {strides = array<i32>} : memref<800x16xf32, #tpu.memory_space<vmem>>, vector<1x16xf32>,
      %scan3A_926 = arith.constant 3 : i32
      %scan3A_927 = arith.addi %scan3A_896, %scan3A_926 : i32
      %get3A_928 = arith.index_cast %scan3A_927 : i32 to index
      %get3A_929 = arith.constant 0 : index
      %get3A_930 = tpu.vector_load %arg7[%get3A_928, %get3A_929] {strides = array<i32>} : memref<800x16xf32, #tpu.memory_space<vmem>>, vector<1x16xf32>,
      %get3A_931 = vector.shape_cast %get3A_930 : vector<1x16xf32> to vector<16xf32>
      %swap3A_932 = arith.index_cast %scan3A_927 : i32 to index
      %swap3A_933 = arith.constant 0 : index
      %swap3A_934 = tpu.vector_load %arg10[%swap3A_932, %swap3A_933] {strides = array<i32>} : memref<800x16xf32, #tpu.memory_space<vmem>>, vector<1x16xf32>,
      %swap3A_935 = vector.shape_cast %swap3A_934 : vector<1x16xf32> to vector<16xf32>
      %swap3A_936 = vector.shape_cast %get3A_931 : vector<16xf32> to vector<1x16xf32>
      tpu.vector_store %arg10[%swap3A_932, %swap3A_933], %swap3A_936 {strides = array<i32>} : memref<800x16xf32, #tpu.memory_space<vmem>>, vector<1x16xf32>,
      %scan3A_937 = arith.constant 4 : i32
      %scan3A_938 = arith.addi %scan3A_896, %scan3A_937 : i32
      %get3A_939 = arith.index_cast %scan3A_938 : i32 to index
      %get3A_940 = arith.constant 0 : index
      %get3A_941 = tpu.vector_load %arg7[%get3A_939, %get3A_940] {strides = array<i32>} : memref<800x16xf32, #tpu.memory_space<vmem>>, vector<1x16xf32>,
      %get3A_942 = vector.shape_cast %get3A_941 : vector<1x16xf32> to vector<16xf32>
      %swap3A_943 = arith.index_cast %scan3A_938 : i32 to index
      %swap3A_944 = arith.constant 0 : index
      %swap3A_945 = tpu.vector_load %arg10[%swap3A_943, %swap3A_944] {strides = array<i32>} : memref<800x16xf32, #tpu.memory_space<vmem>>, vector<1x16xf32>,
      %swap3A_946 = vector.shape_cast %swap3A_945 : vector<1x16xf32> to vector<16xf32>
      %swap3A_947 = vector.shape_cast %get3A_942 : vector<16xf32> to vector<1x16xf32>
      tpu.vector_store %arg10[%swap3A_943, %swap3A_944], %swap3A_947 {strides = array<i32>} : memref<800x16xf32, #tpu.memory_space<vmem>>, vector<1x16xf32>,
      %scan3A_948 = arith.constant 5 : i32
      %scan3A_949 = arith.addi %scan3A_896, %scan3A_948 : i32
      %get3A_950 = arith.index_cast %scan3A_949 : i32 to index
      %get3A_951 = arith.constant 0 : index
      %get3A_952 = tpu.vector_load %arg7[%get3A_950, %get3A_951] {strides = array<i32>} : memref<800x16xf32, #tpu.memory_space<vmem>>, vector<1x16xf32>,
      %get3A_953 = vector.shape_cast %get3A_952 : vector<1x16xf32> to vector<16xf32>
      %swap3A_954 = arith.index_cast %scan3A_949 : i32 to index
      %swap3A_955 = arith.constant 0 : index
      %swap3A_956 = tpu.vector_load %arg10[%swap3A_954, %swap3A_955] {strides = array<i32>} : memref<800x16xf32, #tpu.memory_space<vmem>>, vector<1x16xf32>,
      %swap3A_957 = vector.shape_cast %swap3A_956 : vector<1x16xf32> to vector<16xf32>
      %swap3A_958 = vector.shape_cast %get3A_953 : vector<16xf32> to vector<1x16xf32>
      tpu.vector_store %arg10[%swap3A_954, %swap3A_955], %swap3A_958 {strides = array<i32>} : memref<800x16xf32, #tpu.memory_space<vmem>>, vector<1x16xf32>,
      %scan3A_959 = arith.constant 6 : i32
      %scan3A_960 = arith.addi %scan3A_896, %scan3A_959 : i32
      %get3A_961 = arith.index_cast %scan3A_960 : i32 to index
      %get3A_962 = arith.constant 0 : index
      %get3A_963 = tpu.vector_load %arg7[%get3A_961, %get3A_962] {strides = array<i32>} : memref<800x16xf32, #tpu.memory_space<vmem>>, vector<1x16xf32>,
      %get3A_964 = vector.shape_cast %get3A_963 : vector<1x16xf32> to vector<16xf32>
      %swap3A_965 = arith.index_cast %scan3A_960 : i32 to index
      %swap3A_966 = arith.constant 0 : index
      %swap3A_967 = tpu.vector_load %arg10[%swap3A_965, %swap3A_966] {strides = array<i32>} : memref<800x16xf32, #tpu.memory_space<vmem>>, vector<1x16xf32>,
      %swap3A_968 = vector.shape_cast %swap3A_967 : vector<1x16xf32> to vector<16xf32>
      %swap3A_969 = vector.shape_cast %get3A_964 : vector<16xf32> to vector<1x16xf32>
      tpu.vector_store %arg10[%swap3A_965, %swap3A_966], %swap3A_969 {strides = array<i32>} : memref<800x16xf32, #tpu.memory_space<vmem>>, vector<1x16xf32>,
      %scan3A_970 = arith.constant 7 : i32
      %scan3A_971 = arith.addi %scan3A_896, %scan3A_970 : i32
      %get3A_972 = arith.index_cast %scan3A_971 : i32 to index
      %get3A_973 = arith.constant 0 : index
      %get3A_974 = tpu.vector_load %arg7[%get3A_972, %get3A_973] {strides = array<i32>} : memref<800x16xf32, #tpu.memory_space<vmem>>, vector<1x16xf32>,
      %get3A_975 = vector.shape_cast %get3A_974 : vector<1x16xf32> to vector<16xf32>
      %swap3A_976 = arith.index_cast %scan3A_971 : i32 to index
      %swap3A_977 = arith.constant 0 : index
      %swap3A_978 = tpu.vector_load %arg10[%swap3A_976, %swap3A_977] {strides = array<i32>} : memref<800x16xf32, #tpu.memory_space<vmem>>, vector<1x16xf32>,
      %swap3A_979 = vector.shape_cast %swap3A_978 : vector<1x16xf32> to vector<16xf32>
      %swap3A_980 = vector.shape_cast %get3A_975 : vector<16xf32> to vector<1x16xf32>
      tpu.vector_store %arg10[%swap3A_976, %swap3A_977], %swap3A_980 {strides = array<i32>} : memref<800x16xf32, #tpu.memory_space<vmem>>, vector<1x16xf32>,
    }
    %scan3A_19 = arith.constant 800 : i32
    %dma_start3A = arith.constant 0 : i32
    %dma_start3A_20 = tpu.memref_slice %arg6[%dma_start3A] : memref<25600xi32, #tpu.memory_space<vmem>> -> memref<800xi32, #tpu.memory_space<vmem>>
    %dma_start3A_21 = arith.constant 0 : i32
    %dma_start3A_22 = arith.constant 0 : i32
    %dma_start3A_23 = tpu.memref_slice %arg3[%dma_start3A_21, %dma_start3A_22] : memref<100000x16xf32, #tpu.memory_space<hbm>> -> memref<100000x16xf32, #tpu.memory_space<hbm>>
    tpu.enqueue_indirect_dma source(%dma_start3A_23 : memref<100000x16xf32, #tpu.memory_space<hbm>>) target(%arg8 : memref<800x16xf32, #tpu.memory_space<vmem>>) offsets(%dma_start3A_20 : memref<800xi32, #tpu.memory_space<vmem>>) semaphore(%arg11 : memref<!tpu.dma_semaphore, #tpu.memory_space<semaphore_mem>>) {add = true}
    %dma_start3A_24 = arith.constant 800 : i32
    %dma_start3A_25 = tpu.memref_slice %arg6[%dma_start3A_24] : memref<25600xi32, #tpu.memory_space<vmem>> -> memref<800xi32, #tpu.memory_space<vmem>>
    %dma_start3A_26 = arith.constant 0 : i32
    %dma_start3A_27 = arith.constant 0 : i32
    %dma_start3A_28 = tpu.memref_slice %arg3[%dma_start3A_26, %dma_start3A_27] : memref<100000x16xf32, #tpu.memory_space<hbm>> -> memref<100000x16xf32, #tpu.memory_space<hbm>>
    tpu.enqueue_indirect_dma source(%dma_start3A_28 : memref<100000x16xf32, #tpu.memory_space<hbm>>) target(%arg9 : memref<800x16xf32, #tpu.memory_space<vmem>>) offsets(%dma_start3A_25 : memref<800xi32, #tpu.memory_space<vmem>>) semaphore(%arg12 : memref<!tpu.dma_semaphore, #tpu.memory_space<semaphore_mem>>) {add = true}
    %dma_start3A_29 = arith.constant 1600 : i32
    %dma_start3A_30 = tpu.memref_slice %arg6[%dma_start3A_29] : memref<25600xi32, #tpu.memory_space<vmem>> -> memref<800xi32, #tpu.memory_space<vmem>>
    %dma_start3A_31 = arith.constant 0 : i32
    %dma_start3A_32 = arith.constant 0 : i32
    %dma_start3A_33 = tpu.memref_slice %arg3[%dma_start3A_31, %dma_start3A_32] : memref<100000x16xf32, #tpu.memory_space<hbm>> -> memref<100000x16xf32, #tpu.memory_space<hbm>>
    tpu.enqueue_indirect_dma source(%dma_start3A_33 : memref<100000x16xf32, #tpu.memory_space<hbm>>) target(%arg10 : memref<800x16xf32, #tpu.memory_space<vmem>>) offsets(%dma_start3A_30 : memref<800xi32, #tpu.memory_space<vmem>>) semaphore(%arg13 : memref<!tpu.dma_semaphore, #tpu.memory_space<semaphore_mem>>) {add = true}
    %dma_wait3A = arith.constant 0 : i32
    %dma_wait3A_34 = tpu.memref_slice %arg6[%dma_wait3A] : memref<25600xi32, #tpu.memory_space<vmem>> -> memref<800xi32, #tpu.memory_space<vmem>>
    %dma_wait3A_35 = arith.constant 0 : i32
    %dma_wait3A_36 = arith.constant 0 : i32
    %dma_wait3A_37 = tpu.memref_slice %arg3[%dma_wait3A_35, %dma_wait3A_36] : memref<100000x16xf32, #tpu.memory_space<hbm>> -> memref<100000x16xf32, #tpu.memory_space<hbm>>
    tpu.wait_indirect_dma semaphore(%arg11 : memref<!tpu.dma_semaphore, #tpu.memory_space<semaphore_mem>>) src(%dma_wait3A_37 : memref<100000x16xf32, #tpu.memory_space<hbm>>) dst(%arg8 : memref<800x16xf32, #tpu.memory_space<vmem>>)
    %add3A_38 = arith.constant 0 : i32
    %add3A_39 = arith.addi %mul3A_2, %add3A_38 : i32
    %dma_start3A_40 = arith.constant 0 : i32
    %dma_start3A_41 = tpu.memref_slice %arg5[%add3A_39, %dma_start3A_40] : memref<819200x16xf32, #tpu.memory_space<hbm>> -> memref<800x16xf32, #tpu.memory_space<hbm>>
    %dma_start3A_42 = arith.constant 0 : i32
    %dma_start3A_43 = tpu.memref_slice %arg5[%add3A_39, %dma_start3A_42] : memref<819200x16xf32, #tpu.memory_space<hbm>> -> memref<800x16xf32, #tpu.memory_space<hbm>>
    tpu.enqueue_dma source(%arg8 : memref<800x16xf32, #tpu.memory_space<vmem>>) target(%dma_start3A_43 : memref<800x16xf32, #tpu.memory_space<hbm>>) target_semaphore(%arg14 : memref<!tpu.dma_semaphore, #tpu.memory_space<semaphore_mem>>)
    %add3A_44 = arith.constant 0 : i32
    %add3A_45 = arith.addi %mul3A_2, %add3A_44 : i32
    %dma_wait3A_46 = arith.constant 0 : i32
    %dma_wait3A_47 = tpu.memref_slice %arg5[%add3A_45, %dma_wait3A_46] : memref<819200x16xf32, #tpu.memory_space<hbm>> -> memref<800x16xf32, #tpu.memory_space<hbm>>
    %dma_wait3A_48 = arith.constant 0 : i32
    %dma_wait3A_49 = tpu.memref_slice %arg5[%add3A_45, %dma_wait3A_48] : memref<819200x16xf32, #tpu.memory_space<hbm>> -> memref<800x16xf32, #tpu.memory_space<hbm>>
    tpu.wait_dma2 semaphore(%arg14 : memref<!tpu.dma_semaphore, #tpu.memory_space<semaphore_mem>>) src(%arg8 : memref<800x16xf32, #tpu.memory_space<vmem>>) dst(%dma_wait3A_49 : memref<800x16xf32, #tpu.memory_space<hbm>>)
    %scan3A_50 = arith.constant 0 : i32
    %scan3A_51 = arith.constant 0 : i32
    %scan3A_52 = arith.constant 800 : i32
    %scan3A_53 = arith.addi %scan3A_51, %scan3A_52 : i32
    %scan3A_54 = arith.constant 8 : i32
    scf.for %scan3A_896 = %scan3A_51 to %scan3A_53 step %scan3A_54  : i32 {
      %get3A = arith.index_cast %scan3A_896 : i32 to index
      %get3A_897 = arith.constant 0 : index
      %get3A_898 = tpu.vector_load %arg7[%get3A, %get3A_897] {strides = array<i32>} : memref<800x16xf32, #tpu.memory_space<vmem>>, vector<1x16xf32>,
      %get3A_899 = vector.shape_cast %get3A_898 : vector<1x16xf32> to vector<16xf32>
      %swap3A = arith.index_cast %scan3A_896 : i32 to index
      %swap3A_900 = arith.constant 0 : index
      %swap3A_901 = tpu.vector_load %arg8[%swap3A, %swap3A_900] {strides = array<i32>} : memref<800x16xf32, #tpu.memory_space<vmem>>, vector<1x16xf32>,
      %swap3A_902 = vector.shape_cast %swap3A_901 : vector<1x16xf32> to vector<16xf32>
      %swap3A_903 = vector.shape_cast %get3A_899 : vector<16xf32> to vector<1x16xf32>
      tpu.vector_store %arg8[%swap3A, %swap3A_900], %swap3A_903 {strides = array<i32>} : memref<800x16xf32, #tpu.memory_space<vmem>>, vector<1x16xf32>,
      %scan3A_904 = arith.constant 1 : i32
      %scan3A_905 = arith.addi %scan3A_896, %scan3A_904 : i32
      %get3A_906 = arith.index_cast %scan3A_905 : i32 to index
      %get3A_907 = arith.constant 0 : index
      %get3A_908 = tpu.vector_load %arg7[%get3A_906, %get3A_907] {strides = array<i32>} : memref<800x16xf32, #tpu.memory_space<vmem>>, vector<1x16xf32>,
      %get3A_909 = vector.shape_cast %get3A_908 : vector<1x16xf32> to vector<16xf32>
      %swap3A_910 = arith.index_cast %scan3A_905 : i32 to index
      %swap3A_911 = arith.constant 0 : index
      %swap3A_912 = tpu.vector_load %arg8[%swap3A_910, %swap3A_911] {strides = array<i32>} : memref<800x16xf32, #tpu.memory_space<vmem>>, vector<1x16xf32>,
      %swap3A_913 = vector.shape_cast %swap3A_912 : vector<1x16xf32> to vector<16xf32>
      %swap3A_914 = vector.shape_cast %get3A_909 : vector<16xf32> to vector<1x16xf32>
      tpu.vector_store %arg8[%swap3A_910, %swap3A_911], %swap3A_914 {strides = array<i32>} : memref<800x16xf32, #tpu.memory_space<vmem>>, vector<1x16xf32>,
      %scan3A_915 = arith.constant 2 : i32
      %scan3A_916 = arith.addi %scan3A_896, %scan3A_915 : i32
      %get3A_917 = arith.index_cast %scan3A_916 : i32 to index
      %get3A_918 = arith.constant 0 : index
      %get3A_919 = tpu.vector_load %arg7[%get3A_917, %get3A_918] {strides = array<i32>} : memref<800x16xf32, #tpu.memory_space<vmem>>, vector<1x16xf32>,
      %get3A_920 = vector.shape_cast %get3A_919 : vector<1x16xf32> to vector<16xf32>
      %swap3A_921 = arith.index_cast %scan3A_916 : i32 to index
      %swap3A_922 = arith.constant 0 : index
      %swap3A_923 = tpu.vector_load %arg8[%swap3A_921, %swap3A_922] {strides = array<i32>} : memref<800x16xf32, #tpu.memory_space<vmem>>, vector<1x16xf32>,
      %swap3A_924 = vector.shape_cast %swap3A_923 : vector<1x16xf32> to vector<16xf32>
      %swap3A_925 = vector.shape_cast %get3A_920 : vector<16xf32> to vector<1x16xf32>
      tpu.vector_store %arg8[%swap3A_921, %swap3A_922], %swap3A_925 {strides = array<i32>} : memref<800x16xf32, #tpu.memory_space<vmem>>, vector<1x16xf32>,
      %scan3A_926 = arith.constant 3 : i32
      %scan3A_927 = arith.addi %scan3A_896, %scan3A_926 : i32
      %get3A_928 = arith.index_cast %scan3A_927 : i32 to index
      %get3A_929 = arith.constant 0 : index
      %get3A_930 = tpu.vector_load %arg7[%get3A_928, %get3A_929] {strides = array<i32>} : memref<800x16xf32, #tpu.memory_space<vmem>>, vector<1x16xf32>,
      %get3A_931 = vector.shape_cast %get3A_930 : vector<1x16xf32> to vector<16xf32>
      %swap3A_932 = arith.index_cast %scan3A_927 : i32 to index
      %swap3A_933 = arith.constant 0 : index
      %swap3A_934 = tpu.vector_load %arg8[%swap3A_932, %swap3A_933] {strides = array<i32>} : memref<800x16xf32, #tpu.memory_space<vmem>>, vector<1x16xf32>,
      %swap3A_935 = vector.shape_cast %swap3A_934 : vector<1x16xf32> to vector<16xf32>
      %swap3A_936 = vector.shape_cast %get3A_931 : vector<16xf32> to vector<1x16xf32>
      tpu.vector_store %arg8[%swap3A_932, %swap3A_933], %swap3A_936 {strides = array<i32>} : memref<800x16xf32, #tpu.memory_space<vmem>>, vector<1x16xf32>,
      %scan3A_937 = arith.constant 4 : i32
      %scan3A_938 = arith.addi %scan3A_896, %scan3A_937 : i32
      %get3A_939 = arith.index_cast %scan3A_938 : i32 to index
      %get3A_940 = arith.constant 0 : index
      %get3A_941 = tpu.vector_load %arg7[%get3A_939, %get3A_940] {strides = array<i32>} : memref<800x16xf32, #tpu.memory_space<vmem>>, vector<1x16xf32>,
      %get3A_942 = vector.shape_cast %get3A_941 : vector<1x16xf32> to vector<16xf32>
      %swap3A_943 = arith.index_cast %scan3A_938 : i32 to index
      %swap3A_944 = arith.constant 0 : index
      %swap3A_945 = tpu.vector_load %arg8[%swap3A_943, %swap3A_944] {strides = array<i32>} : memref<800x16xf32, #tpu.memory_space<vmem>>, vector<1x16xf32>,
      %swap3A_946 = vector.shape_cast %swap3A_945 : vector<1x16xf32> to vector<16xf32>
      %swap3A_947 = vector.shape_cast %get3A_942 : vector<16xf32> to vector<1x16xf32>
      tpu.vector_store %arg8[%swap3A_943, %swap3A_944], %swap3A_947 {strides = array<i32>} : memref<800x16xf32, #tpu.memory_space<vmem>>, vector<1x16xf32>,
      %scan3A_948 = arith.constant 5 : i32
      %scan3A_949 = arith.addi %scan3A_896, %scan3A_948 : i32
      %get3A_950 = arith.index_cast %scan3A_949 : i32 to index
      %get3A_951 = arith.constant 0 : index
      %get3A_952 = tpu.vector_load %arg7[%get3A_950, %get3A_951] {strides = array<i32>} : memref<800x16xf32, #tpu.memory_space<vmem>>, vector<1x16xf32>,
      %get3A_953 = vector.shape_cast %get3A_952 : vector<1x16xf32> to vector<16xf32>
      %swap3A_954 = arith.index_cast %scan3A_949 : i32 to index
      %swap3A_955 = arith.constant 0 : index
      %swap3A_956 = tpu.vector_load %arg8[%swap3A_954, %swap3A_955] {strides = array<i32>} : memref<800x16xf32, #tpu.memory_space<vmem>>, vector<1x16xf32>,
      %swap3A_957 = vector.shape_cast %swap3A_956 : vector<1x16xf32> to vector<16xf32>
      %swap3A_958 = vector.shape_cast %get3A_953 : vector<16xf32> to vector<1x16xf32>
      tpu.vector_store %arg8[%swap3A_954, %swap3A_955], %swap3A_958 {strides = array<i32>} : memref<800x16xf32, #tpu.memory_space<vmem>>, vector<1x16xf32>,
      %scan3A_959 = arith.constant 6 : i32
      %scan3A_960 = arith.addi %scan3A_896, %scan3A_959 : i32
      %get3A_961 = arith.index_cast %scan3A_960 : i32 to index
      %get3A_962 = arith.constant 0 : index
      %get3A_963 = tpu.vector_load %arg7[%get3A_961, %get3A_962] {strides = array<i32>} : memref<800x16xf32, #tpu.memory_space<vmem>>, vector<1x16xf32>,
      %get3A_964 = vector.shape_cast %get3A_963 : vector<1x16xf32> to vector<16xf32>
      %swap3A_965 = arith.index_cast %scan3A_960 : i32 to index
      %swap3A_966 = arith.constant 0 : index
      %swap3A_967 = tpu.vector_load %arg8[%swap3A_965, %swap3A_966] {strides = array<i32>} : memref<800x16xf32, #tpu.memory_space<vmem>>, vector<1x16xf32>,
      %swap3A_968 = vector.shape_cast %swap3A_967 : vector<1x16xf32> to vector<16xf32>
      %swap3A_969 = vector.shape_cast %get3A_964 : vector<16xf32> to vector<1x16xf32>
      tpu.vector_store %arg8[%swap3A_965, %swap3A_966], %swap3A_969 {strides = array<i32>} : memref<800x16xf32, #tpu.memory_space<vmem>>, vector<1x16xf32>,
      %scan3A_970 = arith.constant 7 : i32
      %scan3A_971 = arith.addi %scan3A_896, %scan3A_970 : i32
      %get3A_972 = arith.index_cast %scan3A_971 : i32 to index
      %get3A_973 = arith.constant 0 : index
      %get3A_974 = tpu.vector_load %arg7[%get3A_972, %get3A_973] {strides = array<i32>} : memref<800x16xf32, #tpu.memory_space<vmem>>, vector<1x16xf32>,
      %get3A_975 = vector.shape_cast %get3A_974 : vector<1x16xf32> to vector<16xf32>
      %swap3A_976 = arith.index_cast %scan3A_971 : i32 to index
      %swap3A_977 = arith.constant 0 : index
      %swap3A_978 = tpu.vector_load %arg8[%swap3A_976, %swap3A_977] {strides = array<i32>} : memref<800x16xf32, #tpu.memory_space<vmem>>, vector<1x16xf32>,
      %swap3A_979 = vector.shape_cast %swap3A_978 : vector<1x16xf32> to vector<16xf32>
      %swap3A_980 = vector.shape_cast %get3A_975 : vector<16xf32> to vector<1x16xf32>
      tpu.vector_store %arg8[%swap3A_976, %swap3A_977], %swap3A_980 {strides = array<i32>} : memref<800x16xf32, #tpu.memory_space<vmem>>, vector<1x16xf32>,
    }
    %scan3A_55 = arith.constant 800 : i32
    %dma_start3A_56 = arith.constant 2400 : i32
    %dma_start3A_57 = tpu.memref_slice %arg6[%dma_start3A_56] : memref<25600xi32, #tpu.memory_space<vmem>> -> memref<800xi32, #tpu.memory_space<vmem>>
    %dma_start3A_58 = arith.constant 0 : i32
    %dma_start3A_59 = arith.constant 0 : i32
    %dma_start3A_60 = tpu.memref_slice %arg3[%dma_start3A_58, %dma_start3A_59] : memref<100000x16xf32, #tpu.memory_space<hbm>> -> memref<100000x16xf32, #tpu.memory_space<hbm>>
    tpu.enqueue_indirect_dma source(%dma_start3A_60 : memref<100000x16xf32, #tpu.memory_space<hbm>>) target(%arg8 : memref<800x16xf32, #tpu.memory_space<vmem>>) offsets(%dma_start3A_57 : memref<800xi32, #tpu.memory_space<vmem>>) semaphore(%arg11 : memref<!tpu.dma_semaphore, #tpu.memory_space<semaphore_mem>>) {add = true}
    %dma_wait3A_61 = arith.constant 800 : i32
    %dma_wait3A_62 = tpu.memref_slice %arg6[%dma_wait3A_61] : memref<25600xi32, #tpu.memory_space<vmem>> -> memref<800xi32, #tpu.memory_space<vmem>>
    %dma_wait3A_63 = arith.constant 0 : i32
    %dma_wait3A_64 = arith.constant 0 : i32
    %dma_wait3A_65 = tpu.memref_slice %arg3[%dma_wait3A_63, %dma_wait3A_64] : memref<100000x16xf32, #tpu.memory_space<hbm>> -> memref<100000x16xf32, #tpu.memory_space<hbm>>
    tpu.wait_indirect_dma semaphore(%arg12 : memref<!tpu.dma_semaphore, #tpu.memory_space<semaphore_mem>>) src(%dma_wait3A_65 : memref<100000x16xf32, #tpu.memory_space<hbm>>) dst(%arg9 : memref<800x16xf32, #tpu.memory_space<vmem>>)
    %add3A_66 = arith.constant 800 : i32
    %add3A_67 = arith.addi %mul3A_2, %add3A_66 : i32
    %dma_start3A_68 = arith.constant 0 : i32
    %dma_start3A_69 = tpu.memref_slice %arg5[%add3A_67, %dma_start3A_68] : memref<819200x16xf32, #tpu.memory_space<hbm>> -> memref<800x16xf32, #tpu.memory_space<hbm>>
    %dma_start3A_70 = arith.constant 0 : i32
    %dma_start3A_71 = tpu.memref_slice %arg5[%add3A_67, %dma_start3A_70] : memref<819200x16xf32, #tpu.memory_space<hbm>> -> memref<800x16xf32, #tpu.memory_space<hbm>>
    tpu.enqueue_dma source(%arg9 : memref<800x16xf32, #tpu.memory_space<vmem>>) target(%dma_start3A_71 : memref<800x16xf32, #tpu.memory_space<hbm>>) target_semaphore(%arg15 : memref<!tpu.dma_semaphore, #tpu.memory_space<semaphore_mem>>)
    %add3A_72 = arith.constant 800 : i32
    %add3A_73 = arith.addi %mul3A_2, %add3A_72 : i32
    %dma_wait3A_74 = arith.constant 0 : i32
    %dma_wait3A_75 = tpu.memref_slice %arg5[%add3A_73, %dma_wait3A_74] : memref<819200x16xf32, #tpu.memory_space<hbm>> -> memref<800x16xf32, #tpu.memory_space<hbm>>
    %dma_wait3A_76 = arith.constant 0 : i32
    %dma_wait3A_77 = tpu.memref_slice %arg5[%add3A_73, %dma_wait3A_76] : memref<819200x16xf32, #tpu.memory_space<hbm>> -> memref<800x16xf32, #tpu.memory_space<hbm>>
    tpu.wait_dma2 semaphore(%arg15 : memref<!tpu.dma_semaphore, #tpu.memory_space<semaphore_mem>>) src(%arg9 : memref<800x16xf32, #tpu.memory_space<vmem>>) dst(%dma_wait3A_77 : memref<800x16xf32, #tpu.memory_space<hbm>>)
    %scan3A_78 = arith.constant 0 : i32
    %scan3A_79 = arith.constant 0 : i32
    %scan3A_80 = arith.constant 800 : i32
    %scan3A_81 = arith.addi %scan3A_79, %scan3A_80 : i32
    %scan3A_82 = arith.constant 8 : i32
    scf.for %scan3A_896 = %scan3A_79 to %scan3A_81 step %scan3A_82  : i32 {
      %get3A = arith.index_cast %scan3A_896 : i32 to index
      %get3A_897 = arith.constant 0 : index
      %get3A_898 = tpu.vector_load %arg7[%get3A, %get3A_897] {strides = array<i32>} : memref<800x16xf32, #tpu.memory_space<vmem>>, vector<1x16xf32>,
      %get3A_899 = vector.shape_cast %get3A_898 : vector<1x16xf32> to vector<16xf32>
      %swap3A = arith.index_cast %scan3A_896 : i32 to index
      %swap3A_900 = arith.constant 0 : index
      %swap3A_901 = tpu.vector_load %arg9[%swap3A, %swap3A_900] {strides = array<i32>} : memref<800x16xf32, #tpu.memory_space<vmem>>, vector<1x16xf32>,
      %swap3A_902 = vector.shape_cast %swap3A_901 : vector<1x16xf32> to vector<16xf32>
      %swap3A_903 = vector.shape_cast %get3A_899 : vector<16xf32> to vector<1x16xf32>
      tpu.vector_store %arg9[%swap3A, %swap3A_900], %swap3A_903 {strides = array<i32>} : memref<800x16xf32, #tpu.memory_space<vmem>>, vector<1x16xf32>,
      %scan3A_904 = arith.constant 1 : i32
      %scan3A_905 = arith.addi %scan3A_896, %scan3A_904 : i32
      %get3A_906 = arith.index_cast %scan3A_905 : i32 to index
      %get3A_907 = arith.constant 0 : index
      %get3A_908 = tpu.vector_load %arg7[%get3A_906, %get3A_907] {strides = array<i32>} : memref<800x16xf32, #tpu.memory_space<vmem>>, vector<1x16xf32>,
      %get3A_909 = vector.shape_cast %get3A_908 : vector<1x16xf32> to vector<16xf32>
      %swap3A_910 = arith.index_cast %scan3A_905 : i32 to index
      %swap3A_911 = arith.constant 0 : index
      %swap3A_912 = tpu.vector_load %arg9[%swap3A_910, %swap3A_911] {strides = array<i32>} : memref<800x16xf32, #tpu.memory_space<vmem>>, vector<1x16xf32>,
      %swap3A_913 = vector.shape_cast %swap3A_912 : vector<1x16xf32> to vector<16xf32>
      %swap3A_914 = vector.shape_cast %get3A_909 : vector<16xf32> to vector<1x16xf32>
      tpu.vector_store %arg9[%swap3A_910, %swap3A_911], %swap3A_914 {strides = array<i32>} : memref<800x16xf32, #tpu.memory_space<vmem>>, vector<1x16xf32>,
      %scan3A_915 = arith.constant 2 : i32
      %scan3A_916 = arith.addi %scan3A_896, %scan3A_915 : i32
      %get3A_917 = arith.index_cast %scan3A_916 : i32 to index
      %get3A_918 = arith.constant 0 : index
      %get3A_919 = tpu.vector_load %arg7[%get3A_917, %get3A_918] {strides = array<i32>} : memref<800x16xf32, #tpu.memory_space<vmem>>, vector<1x16xf32>,
      %get3A_920 = vector.shape_cast %get3A_919 : vector<1x16xf32> to vector<16xf32>
      %swap3A_921 = arith.index_cast %scan3A_916 : i32 to index
      %swap3A_922 = arith.constant 0 : index
      %swap3A_923 = tpu.vector_load %arg9[%swap3A_921, %swap3A_922] {strides = array<i32>} : memref<800x16xf32, #tpu.memory_space<vmem>>, vector<1x16xf32>,
      %swap3A_924 = vector.shape_cast %swap3A_923 : vector<1x16xf32> to vector<16xf32>
      %swap3A_925 = vector.shape_cast %get3A_920 : vector<16xf32> to vector<1x16xf32>
      tpu.vector_store %arg9[%swap3A_921, %swap3A_922], %swap3A_925 {strides = array<i32>} : memref<800x16xf32, #tpu.memory_space<vmem>>, vector<1x16xf32>,
      %scan3A_926 = arith.constant 3 : i32
      %scan3A_927 = arith.addi %scan3A_896, %scan3A_926 : i32
      %get3A_928 = arith.index_cast %scan3A_927 : i32 to index
      %get3A_929 = arith.constant 0 : index
      %get3A_930 = tpu.vector_load %arg7[%get3A_928, %get3A_929] {strides = array<i32>} : memref<800x16xf32, #tpu.memory_space<vmem>>, vector<1x16xf32>,
      %get3A_931 = vector.shape_cast %get3A_930 : vector<1x16xf32> to vector<16xf32>
      %swap3A_932 = arith.index_cast %scan3A_927 : i32 to index
      %swap3A_933 = arith.constant 0 : index
      %swap3A_934 = tpu.vector_load %arg9[%swap3A_932, %swap3A_933] {strides = array<i32>} : memref<800x16xf32, #tpu.memory_space<vmem>>, vector<1x16xf32>,
      %swap3A_935 = vector.shape_cast %swap3A_934 : vector<1x16xf32> to vector<16xf32>
      %swap3A_936 = vector.shape_cast %get3A_931 : vector<16xf32> to vector<1x16xf32>
      tpu.vector_store %arg9[%swap3A_932, %swap3A_933], %swap3A_936 {strides = array<i32>} : memref<800x16xf32, #tpu.memory_space<vmem>>, vector<1x16xf32>,
      %scan3A_937 = arith.constant 4 : i32
      %scan3A_938 = arith.addi %scan3A_896, %scan3A_937 : i32
      %get3A_939 = arith.index_cast %scan3A_938 : i32 to index
      %get3A_940 = arith.constant 0 : index
      %get3A_941 = tpu.vector_load %arg7[%get3A_939, %get3A_940] {strides = array<i32>} : memref<800x16xf32, #tpu.memory_space<vmem>>, vector<1x16xf32>,
      %get3A_942 = vector.shape_cast %get3A_941 : vector<1x16xf32> to vector<16xf32>
      %swap3A_943 = arith.index_cast %scan3A_938 : i32 to index
      %swap3A_944 = arith.constant 0 : index
      %swap3A_945 = tpu.vector_load %arg9[%swap3A_943, %swap3A_944] {strides = array<i32>} : memref<800x16xf32, #tpu.memory_space<vmem>>, vector<1x16xf32>,
      %swap3A_946 = vector.shape_cast %swap3A_945 : vector<1x16xf32> to vector<16xf32>
      %swap3A_947 = vector.shape_cast %get3A_942 : vector<16xf32> to vector<1x16xf32>
      tpu.vector_store %arg9[%swap3A_943, %swap3A_944], %swap3A_947 {strides = array<i32>} : memref<800x16xf32, #tpu.memory_space<vmem>>, vector<1x16xf32>,
      %scan3A_948 = arith.constant 5 : i32
      %scan3A_949 = arith.addi %scan3A_896, %scan3A_948 : i32
      %get3A_950 = arith.index_cast %scan3A_949 : i32 to index
      %get3A_951 = arith.constant 0 : index
      %get3A_952 = tpu.vector_load %arg7[%get3A_950, %get3A_951] {strides = array<i32>} : memref<800x16xf32, #tpu.memory_space<vmem>>, vector<1x16xf32>,
      %get3A_953 = vector.shape_cast %get3A_952 : vector<1x16xf32> to vector<16xf32>
      %swap3A_954 = arith.index_cast %scan3A_949 : i32 to index
      %swap3A_955 = arith.constant 0 : index
      %swap3A_956 = tpu.vector_load %arg9[%swap3A_954, %swap3A_955] {strides = array<i32>} : memref<800x16xf32, #tpu.memory_space<vmem>>, vector<1x16xf32>,
      %swap3A_957 = vector.shape_cast %swap3A_956 : vector<1x16xf32> to vector<16xf32>
      %swap3A_958 = vector.shape_cast %get3A_953 : vector<16xf32> to vector<1x16xf32>
      tpu.vector_store %arg9[%swap3A_954, %swap3A_955], %swap3A_958 {strides = array<i32>} : memref<800x16xf32, #tpu.memory_space<vmem>>, vector<1x16xf32>,
      %scan3A_959 = arith.constant 6 : i32
      %scan3A_960 = arith.addi %scan3A_896, %scan3A_959 : i32
      %get3A_961 = arith.index_cast %scan3A_960 : i32 to index
      %get3A_962 = arith.constant 0 : index
      %get3A_963 = tpu.vector_load %arg7[%get3A_961, %get3A_962] {strides = array<i32>} : memref<800x16xf32, #tpu.memory_space<vmem>>, vector<1x16xf32>,
      %get3A_964 = vector.shape_cast %get3A_963 : vector<1x16xf32> to vector<16xf32>
      %swap3A_965 = arith.index_cast %scan3A_960 : i32 to index
      %swap3A_966 = arith.constant 0 : index
      %swap3A_967 = tpu.vector_load %arg9[%swap3A_965, %swap3A_966] {strides = array<i32>} : memref<800x16xf32, #tpu.memory_space<vmem>>, vector<1x16xf32>,
      %swap3A_968 = vector.shape_cast %swap3A_967 : vector<1x16xf32> to vector<16xf32>
      %swap3A_969 = vector.shape_cast %get3A_964 : vector<16xf32> to vector<1x16xf32>
      tpu.vector_store %arg9[%swap3A_965, %swap3A_966], %swap3A_969 {strides = array<i32>} : memref<800x16xf32, #tpu.memory_space<vmem>>, vector<1x16xf32>,
      %scan3A_970 = arith.constant 7 : i32
      %scan3A_971 = arith.addi %scan3A_896, %scan3A_970 : i32
      %get3A_972 = arith.index_cast %scan3A_971 : i32 to index
      %get3A_973 = arith.constant 0 : index
      %get3A_974 = tpu.vector_load %arg7[%get3A_972, %get3A_973] {strides = array<i32>} : memref<800x16xf32, #tpu.memory_space<vmem>>, vector<1x16xf32>,
      %get3A_975 = vector.shape_cast %get3A_974 : vector<1x16xf32> to vector<16xf32>
      %swap3A_976 = arith.index_cast %scan3A_971 : i32 to index
      %swap3A_977 = arith.constant 0 : index
      %swap3A_978 = tpu.vector_load %arg9[%swap3A_976, %swap3A_977] {strides = array<i32>} : memref<800x16xf32, #tpu.memory_space<vmem>>, vector<1x16xf32>,
      %swap3A_979 = vector.shape_cast %swap3A_978 : vector<1x16xf32> to vector<16xf32>
      %swap3A_980 = vector.shape_cast %get3A_975 : vector<16xf32> to vector<1x16xf32>
      tpu.vector_store %arg9[%swap3A_976, %swap3A_977], %swap3A_980 {strides = array<i32>} : memref<800x16xf32, #tpu.memory_space<vmem>>, vector<1x16xf32>,
    }
    %scan3A_83 = arith.constant 800 : i32
    %dma_start3A_84 = arith.constant 3200 : i32
    %dma_start3A_85 = tpu.memref_slice %arg6[%dma_start3A_84] : memref<25600xi32, #tpu.memory_space<vmem>> -> memref<800xi32, #tpu.memory_space<vmem>>
    %dma_start3A_86 = arith.constant 0 : i32
    %dma_start3A_87 = arith.constant 0 : i32
    %dma_start3A_88 = tpu.memref_slice %arg3[%dma_start3A_86, %dma_start3A_87] : memref<100000x16xf32, #tpu.memory_space<hbm>> -> memref<100000x16xf32, #tpu.memory_space<hbm>>
    tpu.enqueue_indirect_dma source(%dma_start3A_88 : memref<100000x16xf32, #tpu.memory_space<hbm>>) target(%arg9 : memref<800x16xf32, #tpu.memory_space<vmem>>) offsets(%dma_start3A_85 : memref<800xi32, #tpu.memory_space<vmem>>) semaphore(%arg12 : memref<!tpu.dma_semaphore, #tpu.memory_space<semaphore_mem>>) {add = true}
    %dma_wait3A_89 = arith.constant 1600 : i32
    %dma_wait3A_90 = tpu.memref_slice %arg6[%dma_wait3A_89] : memref<25600xi32, #tpu.memory_space<vmem>> -> memref<800xi32, #tpu.memory_space<vmem>>
    %dma_wait3A_91 = arith.constant 0 : i32
    %dma_wait3A_92 = arith.constant 0 : i32
    %dma_wait3A_93 = tpu.memref_slice %arg3[%dma_wait3A_91, %dma_wait3A_92] : memref<100000x16xf32, #tpu.memory_space<hbm>> -> memref<100000x16xf32, #tpu.memory_space<hbm>>
    tpu.wait_indirect_dma semaphore(%arg13 : memref<!tpu.dma_semaphore, #tpu.memory_space<semaphore_mem>>) src(%dma_wait3A_93 : memref<100000x16xf32, #tpu.memory_space<hbm>>) dst(%arg10 : memref<800x16xf32, #tpu.memory_space<vmem>>)
    %add3A_94 = arith.constant 1600 : i32
    %add3A_95 = arith.addi %mul3A_2, %add3A_94 : i32
    %dma_start3A_96 = arith.constant 0 : i32
    %dma_start3A_97 = tpu.memref_slice %arg5[%add3A_95, %dma_start3A_96] : memref<819200x16xf32, #tpu.memory_space<hbm>> -> memref<800x16xf32, #tpu.memory_space<hbm>>
    %dma_start3A_98 = arith.constant 0 : i32
    %dma_start3A_99 = tpu.memref_slice %arg5[%add3A_95, %dma_start3A_98] : memref<819200x16xf32, #tpu.memory_space<hbm>> -> memref<800x16xf32, #tpu.memory_space<hbm>>
    tpu.enqueue_dma source(%arg10 : memref<800x16xf32, #tpu.memory_space<vmem>>) target(%dma_start3A_99 : memref<800x16xf32, #tpu.memory_space<hbm>>) target_semaphore(%arg16 : memref<!tpu.dma_semaphore, #tpu.memory_space<semaphore_mem>>)
    %add3A_100 = arith.constant 1600 : i32
    %add3A_101 = arith.addi %mul3A_2, %add3A_100 : i32
    %dma_wait3A_102 = arith.constant 0 : i32
    %dma_wait3A_103 = tpu.memref_slice %arg5[%add3A_101, %dma_wait3A_102] : memref<819200x16xf32, #tpu.memory_space<hbm>> -> memref<800x16xf32, #tpu.memory_space<hbm>>
    %dma_wait3A_104 = arith.constant 0 : i32
    %dma_wait3A_105 = tpu.memref_slice %arg5[%add3A_101, %dma_wait3A_104] : memref<819200x16xf32, #tpu.memory_space<hbm>> -> memref<800x16xf32, #tpu.memory_space<hbm>>
    tpu.wait_dma2 semaphore(%arg16 : memref<!tpu.dma_semaphore, #tpu.memory_space<semaphore_mem>>) src(%arg10 : memref<800x16xf32, #tpu.memory_space<vmem>>) dst(%dma_wait3A_105 : memref<800x16xf32, #tpu.memory_space<hbm>>)
    %scan3A_106 = arith.constant 0 : i32
    %scan3A_107 = arith.constant 0 : i32
    %scan3A_108 = arith.constant 800 : i32
    %scan3A_109 = arith.addi %scan3A_107, %scan3A_108 : i32
    %scan3A_110 = arith.constant 8 : i32
    scf.for %scan3A_896 = %scan3A_107 to %scan3A_109 step %scan3A_110  : i32 {
      %get3A = arith.index_cast %scan3A_896 : i32 to index
      %get3A_897 = arith.constant 0 : index
      %get3A_898 = tpu.vector_load %arg7[%get3A, %get3A_897] {strides = array<i32>} : memref<800x16xf32, #tpu.memory_space<vmem>>, vector<1x16xf32>,
      %get3A_899 = vector.shape_cast %get3A_898 : vector<1x16xf32> to vector<16xf32>
      %swap3A = arith.index_cast %scan3A_896 : i32 to index
      %swap3A_900 = arith.constant 0 : index
      %swap3A_901 = tpu.vector_load %arg10[%swap3A, %swap3A_900] {strides = array<i32>} : memref<800x16xf32, #tpu.memory_space<vmem>>, vector<1x16xf32>,
      %swap3A_902 = vector.shape_cast %swap3A_901 : vector<1x16xf32> to vector<16xf32>
      %swap3A_903 = vector.shape_cast %get3A_899 : vector<16xf32> to vector<1x16xf32>
      tpu.vector_store %arg10[%swap3A, %swap3A_900], %swap3A_903 {strides = array<i32>} : memref<800x16xf32, #tpu.memory_space<vmem>>, vector<1x16xf32>,
      %scan3A_904 = arith.constant 1 : i32
      %scan3A_905 = arith.addi %scan3A_896, %scan3A_904 : i32
      %get3A_906 = arith.index_cast %scan3A_905 : i32 to index
      %get3A_907 = arith.constant 0 : index
      %get3A_908 = tpu.vector_load %arg7[%get3A_906, %get3A_907] {strides = array<i32>} : memref<800x16xf32, #tpu.memory_space<vmem>>, vector<1x16xf32>,
      %get3A_909 = vector.shape_cast %get3A_908 : vector<1x16xf32> to vector<16xf32>
      %swap3A_910 = arith.index_cast %scan3A_905 : i32 to index
      %swap3A_911 = arith.constant 0 : index
      %swap3A_912 = tpu.vector_load %arg10[%swap3A_910, %swap3A_911] {strides = array<i32>} : memref<800x16xf32, #tpu.memory_space<vmem>>, vector<1x16xf32>,
      %swap3A_913 = vector.shape_cast %swap3A_912 : vector<1x16xf32> to vector<16xf32>
      %swap3A_914 = vector.shape_cast %get3A_909 : vector<16xf32> to vector<1x16xf32>
      tpu.vector_store %arg10[%swap3A_910, %swap3A_911], %swap3A_914 {strides = array<i32>} : memref<800x16xf32, #tpu.memory_space<vmem>>, vector<1x16xf32>,
      %scan3A_915 = arith.constant 2 : i32
      %scan3A_916 = arith.addi %scan3A_896, %scan3A_915 : i32
      %get3A_917 = arith.index_cast %scan3A_916 : i32 to index
      %get3A_918 = arith.constant 0 : index
      %get3A_919 = tpu.vector_load %arg7[%get3A_917, %get3A_918] {strides = array<i32>} : memref<800x16xf32, #tpu.memory_space<vmem>>, vector<1x16xf32>,
      %get3A_920 = vector.shape_cast %get3A_919 : vector<1x16xf32> to vector<16xf32>
      %swap3A_921 = arith.index_cast %scan3A_916 : i32 to index
      %swap3A_922 = arith.constant 0 : index
      %swap3A_923 = tpu.vector_load %arg10[%swap3A_921, %swap3A_922] {strides = array<i32>} : memref<800x16xf32, #tpu.memory_space<vmem>>, vector<1x16xf32>,
      %swap3A_924 = vector.shape_cast %swap3A_923 : vector<1x16xf32> to vector<16xf32>
      %swap3A_925 = vector.shape_cast %get3A_920 : vector<16xf32> to vector<1x16xf32>
      tpu.vector_store %arg10[%swap3A_921, %swap3A_922], %swap3A_925 {strides = array<i32>} : memref<800x16xf32, #tpu.memory_space<vmem>>, vector<1x16xf32>,
      %scan3A_926 = arith.constant 3 : i32
      %scan3A_927 = arith.addi %scan3A_896, %scan3A_926 : i32
      %get3A_928 = arith.index_cast %scan3A_927 : i32 to index
      %get3A_929 = arith.constant 0 : index
      %get3A_930 = tpu.vector_load %arg7[%get3A_928, %get3A_929] {strides = array<i32>} : memref<800x16xf32, #tpu.memory_space<vmem>>, vector<1x16xf32>,
      %get3A_931 = vector.shape_cast %get3A_930 : vector<1x16xf32> to vector<16xf32>
      %swap3A_932 = arith.index_cast %scan3A_927 : i32 to index
      %swap3A_933 = arith.constant 0 : index
      %swap3A_934 = tpu.vector_load %arg10[%swap3A_932, %swap3A_933] {strides = array<i32>} : memref<800x16xf32, #tpu.memory_space<vmem>>, vector<1x16xf32>,
      %swap3A_935 = vector.shape_cast %swap3A_934 : vector<1x16xf32> to vector<16xf32>
      %swap3A_936 = vector.shape_cast %get3A_931 : vector<16xf32> to vector<1x16xf32>
      tpu.vector_store %arg10[%swap3A_932, %swap3A_933], %swap3A_936 {strides = array<i32>} : memref<800x16xf32, #tpu.memory_space<vmem>>, vector<1x16xf32>,
      %scan3A_937 = arith.constant 4 : i32
      %scan3A_938 = arith.addi %scan3A_896, %scan3A_937 : i32
      %get3A_939 = arith.index_cast %scan3A_938 : i32 to index
      %get3A_940 = arith.constant 0 : index
      %get3A_941 = tpu.vector_load %arg7[%get3A_939, %get3A_940] {strides = array<i32>} : memref<800x16xf32, #tpu.memory_space<vmem>>, vector<1x16xf32>,
      %get3A_942 = vector.shape_cast %get3A_941 : vector<1x16xf32> to vector<16xf32>
      %swap3A_943 = arith.index_cast %scan3A_938 : i32 to index
      %swap3A_944 = arith.constant 0 : index
      %swap3A_945 = tpu.vector_load %arg10[%swap3A_943, %swap3A_944] {strides = array<i32>} : memref<800x16xf32, #tpu.memory_space<vmem>>, vector<1x16xf32>,
      %swap3A_946 = vector.shape_cast %swap3A_945 : vector<1x16xf32> to vector<16xf32>
      %swap3A_947 = vector.shape_cast %get3A_942 : vector<16xf32> to vector<1x16xf32>
      tpu.vector_store %arg10[%swap3A_943, %swap3A_944], %swap3A_947 {strides = array<i32>} : memref<800x16xf32, #tpu.memory_space<vmem>>, vector<1x16xf32>,
      %scan3A_948 = arith.constant 5 : i32
      %scan3A_949 = arith.addi %scan3A_896, %scan3A_948 : i32
      %get3A_950 = arith.index_cast %scan3A_949 : i32 to index
      %get3A_951 = arith.constant 0 : index
      %get3A_952 = tpu.vector_load %arg7[%get3A_950, %get3A_951] {strides = array<i32>} : memref<800x16xf32, #tpu.memory_space<vmem>>, vector<1x16xf32>,
      %get3A_953 = vector.shape_cast %get3A_952 : vector<1x16xf32> to vector<16xf32>
      %swap3A_954 = arith.index_cast %scan3A_949 : i32 to index
      %swap3A_955 = arith.constant 0 : index
      %swap3A_956 = tpu.vector_load %arg10[%swap3A_954, %swap3A_955] {strides = array<i32>} : memref<800x16xf32, #tpu.memory_space<vmem>>, vector<1x16xf32>,
      %swap3A_957 = vector.shape_cast %swap3A_956 : vector<1x16xf32> to vector<16xf32>
      %swap3A_958 = vector.shape_cast %get3A_953 : vector<16xf32> to vector<1x16xf32>
      tpu.vector_store %arg10[%swap3A_954, %swap3A_955], %swap3A_958 {strides = array<i32>} : memref<800x16xf32, #tpu.memory_space<vmem>>, vector<1x16xf32>,
      %scan3A_959 = arith.constant 6 : i32
      %scan3A_960 = arith.addi %scan3A_896, %scan3A_959 : i32
      %get3A_961 = arith.index_cast %scan3A_960 : i32 to index
      %get3A_962 = arith.constant 0 : index
      %get3A_963 = tpu.vector_load %arg7[%get3A_961, %get3A_962] {strides = array<i32>} : memref<800x16xf32, #tpu.memory_space<vmem>>, vector<1x16xf32>,
      %get3A_964 = vector.shape_cast %get3A_963 : vector<1x16xf32> to vector<16xf32>
      %swap3A_965 = arith.index_cast %scan3A_960 : i32 to index
      %swap3A_966 = arith.constant 0 : index
      %swap3A_967 = tpu.vector_load %arg10[%swap3A_965, %swap3A_966] {strides = array<i32>} : memref<800x16xf32, #tpu.memory_space<vmem>>, vector<1x16xf32>,
      %swap3A_968 = vector.shape_cast %swap3A_967 : vector<1x16xf32> to vector<16xf32>
      %swap3A_969 = vector.shape_cast %get3A_964 : vector<16xf32> to vector<1x16xf32>
      tpu.vector_store %arg10[%swap3A_965, %swap3A_966], %swap3A_969 {strides = array<i32>} : memref<800x16xf32, #tpu.memory_space<vmem>>, vector<1x16xf32>,
      %scan3A_970 = arith.constant 7 : i32
      %scan3A_971 = arith.addi %scan3A_896, %scan3A_970 : i32
      %get3A_972 = arith.index_cast %scan3A_971 : i32 to index
      %get3A_973 = arith.constant 0 : index
      %get3A_974 = tpu.vector_load %arg7[%get3A_972, %get3A_973] {strides = array<i32>} : memref<800x16xf32, #tpu.memory_space<vmem>>, vector<1x16xf32>,
      %get3A_975 = vector.shape_cast %get3A_974 : vector<1x16xf32> to vector<16xf32>
      %swap3A_976 = arith.index_cast %scan3A_971 : i32 to index
      %swap3A_977 = arith.constant 0 : index
      %swap3A_978 = tpu.vector_load %arg10[%swap3A_976, %swap3A_977] {strides = array<i32>} : memref<800x16xf32, #tpu.memory_space<vmem>>, vector<1x16xf32>,
      %swap3A_979 = vector.shape_cast %swap3A_978 : vector<1x16xf32> to vector<16xf32>
      %swap3A_980 = vector.shape_cast %get3A_975 : vector<16xf32> to vector<1x16xf32>
      tpu.vector_store %arg10[%swap3A_976, %swap3A_977], %swap3A_980 {strides = array<i32>} : memref<800x16xf32, #tpu.memory_space<vmem>>, vector<1x16xf32>,
    }
    %scan3A_111 = arith.constant 800 : i32
    %dma_start3A_112 = arith.constant 4000 : i32
    %dma_start3A_113 = tpu.memref_slice %arg6[%dma_start3A_112] : memref<25600xi32, #tpu.memory_space<vmem>> -> memref<800xi32, #tpu.memory_space<vmem>>
    %dma_start3A_114 = arith.constant 0 : i32
    %dma_start3A_115 = arith.constant 0 : i32
    %dma_start3A_116 = tpu.memref_slice %arg3[%dma_start3A_114, %dma_start3A_115] : memref<100000x16xf32, #tpu.memory_space<hbm>> -> memref<100000x16xf32, #tpu.memory_space<hbm>>
    tpu.enqueue_indirect_dma source(%dma_start3A_116 : memref<100000x16xf32, #tpu.memory_space<hbm>>) target(%arg10 : memref<800x16xf32, #tpu.memory_space<vmem>>) offsets(%dma_start3A_113 : memref<800xi32, #tpu.memory_space<vmem>>) semaphore(%arg13 : memref<!tpu.dma_semaphore, #tpu.memory_space<semaphore_mem>>) {add = true}
    %dma_wait3A_117 = arith.constant 2400 : i32
    %dma_wait3A_118 = tpu.memref_slice %arg6[%dma_wait3A_117] : memref<25600xi32, #tpu.memory_space<vmem>> -> memref<800xi32, #tpu.memory_space<vmem>>
    %dma_wait3A_119 = arith.constant 0 : i32
    %dma_wait3A_120 = arith.constant 0 : i32
    %dma_wait3A_121 = tpu.memref_slice %arg3[%dma_wait3A_119, %dma_wait3A_120] : memref<100000x16xf32, #tpu.memory_space<hbm>> -> memref<100000x16xf32, #tpu.memory_space<hbm>>
    tpu.wait_indirect_dma semaphore(%arg11 : memref<!tpu.dma_semaphore, #tpu.memory_space<semaphore_mem>>) src(%dma_wait3A_121 : memref<100000x16xf32, #tpu.memory_space<hbm>>) dst(%arg8 : memref<800x16xf32, #tpu.memory_space<vmem>>)
    %add3A_122 = arith.constant 2400 : i32
    %add3A_123 = arith.addi %mul3A_2, %add3A_122 : i32
    %dma_start3A_124 = arith.constant 0 : i32
    %dma_start3A_125 = tpu.memref_slice %arg5[%add3A_123, %dma_start3A_124] : memref<819200x16xf32, #tpu.memory_space<hbm>> -> memref<800x16xf32, #tpu.memory_space<hbm>>
    %dma_start3A_126 = arith.constant 0 : i32
    %dma_start3A_127 = tpu.memref_slice %arg5[%add3A_123, %dma_start3A_126] : memref<819200x16xf32, #tpu.memory_space<hbm>> -> memref<800x16xf32, #tpu.memory_space<hbm>>
    tpu.enqueue_dma source(%arg8 : memref<800x16xf32, #tpu.memory_space<vmem>>) target(%dma_start3A_127 : memref<800x16xf32, #tpu.memory_space<hbm>>) target_semaphore(%arg14 : memref<!tpu.dma_semaphore, #tpu.memory_space<semaphore_mem>>)
    %add3A_128 = arith.constant 2400 : i32
    %add3A_129 = arith.addi %mul3A_2, %add3A_128 : i32
    %dma_wait3A_130 = arith.constant 0 : i32
    %dma_wait3A_131 = tpu.memref_slice %arg5[%add3A_129, %dma_wait3A_130] : memref<819200x16xf32, #tpu.memory_space<hbm>> -> memref<800x16xf32, #tpu.memory_space<hbm>>
    %dma_wait3A_132 = arith.constant 0 : i32
    %dma_wait3A_133 = tpu.memref_slice %arg5[%add3A_129, %dma_wait3A_132] : memref<819200x16xf32, #tpu.memory_space<hbm>> -> memref<800x16xf32, #tpu.memory_space<hbm>>
    tpu.wait_dma2 semaphore(%arg14 : memref<!tpu.dma_semaphore, #tpu.memory_space<semaphore_mem>>) src(%arg8 : memref<800x16xf32, #tpu.memory_space<vmem>>) dst(%dma_wait3A_133 : memref<800x16xf32, #tpu.memory_space<hbm>>)
    %scan3A_134 = arith.constant 0 : i32
    %scan3A_135 = arith.constant 0 : i32
    %scan3A_136 = arith.constant 800 : i32
    %scan3A_137 = arith.addi %scan3A_135, %scan3A_136 : i32
    %scan3A_138 = arith.constant 8 : i32
    scf.for %scan3A_896 = %scan3A_135 to %scan3A_137 step %scan3A_138  : i32 {
      %get3A = arith.index_cast %scan3A_896 : i32 to index
      %get3A_897 = arith.constant 0 : index
      %get3A_898 = tpu.vector_load %arg7[%get3A, %get3A_897] {strides = array<i32>} : memref<800x16xf32, #tpu.memory_space<vmem>>, vector<1x16xf32>,
      %get3A_899 = vector.shape_cast %get3A_898 : vector<1x16xf32> to vector<16xf32>
      %swap3A = arith.index_cast %scan3A_896 : i32 to index
      %swap3A_900 = arith.constant 0 : index
      %swap3A_901 = tpu.vector_load %arg8[%swap3A, %swap3A_900] {strides = array<i32>} : memref<800x16xf32, #tpu.memory_space<vmem>>, vector<1x16xf32>,
      %swap3A_902 = vector.shape_cast %swap3A_901 : vector<1x16xf32> to vector<16xf32>
      %swap3A_903 = vector.shape_cast %get3A_899 : vector<16xf32> to vector<1x16xf32>
      tpu.vector_store %arg8[%swap3A, %swap3A_900], %swap3A_903 {strides = array<i32>} : memref<800x16xf32, #tpu.memory_space<vmem>>, vector<1x16xf32>,
      %scan3A_904 = arith.constant 1 : i32
      %scan3A_905 = arith.addi %scan3A_896, %scan3A_904 : i32
      %get3A_906 = arith.index_cast %scan3A_905 : i32 to index
      %get3A_907 = arith.constant 0 : index
      %get3A_908 = tpu.vector_load %arg7[%get3A_906, %get3A_907] {strides = array<i32>} : memref<800x16xf32, #tpu.memory_space<vmem>>, vector<1x16xf32>,
      %get3A_909 = vector.shape_cast %get3A_908 : vector<1x16xf32> to vector<16xf32>
      %swap3A_910 = arith.index_cast %scan3A_905 : i32 to index
      %swap3A_911 = arith.constant 0 : index
      %swap3A_912 = tpu.vector_load %arg8[%swap3A_910, %swap3A_911] {strides = array<i32>} : memref<800x16xf32, #tpu.memory_space<vmem>>, vector<1x16xf32>,
      %swap3A_913 = vector.shape_cast %swap3A_912 : vector<1x16xf32> to vector<16xf32>
      %swap3A_914 = vector.shape_cast %get3A_909 : vector<16xf32> to vector<1x16xf32>
      tpu.vector_store %arg8[%swap3A_910, %swap3A_911], %swap3A_914 {strides = array<i32>} : memref<800x16xf32, #tpu.memory_space<vmem>>, vector<1x16xf32>,
      %scan3A_915 = arith.constant 2 : i32
      %scan3A_916 = arith.addi %scan3A_896, %scan3A_915 : i32
      %get3A_917 = arith.index_cast %scan3A_916 : i32 to index
      %get3A_918 = arith.constant 0 : index
      %get3A_919 = tpu.vector_load %arg7[%get3A_917, %get3A_918] {strides = array<i32>} : memref<800x16xf32, #tpu.memory_space<vmem>>, vector<1x16xf32>,
      %get3A_920 = vector.shape_cast %get3A_919 : vector<1x16xf32> to vector<16xf32>
      %swap3A_921 = arith.index_cast %scan3A_916 : i32 to index
      %swap3A_922 = arith.constant 0 : index
      %swap3A_923 = tpu.vector_load %arg8[%swap3A_921, %swap3A_922] {strides = array<i32>} : memref<800x16xf32, #tpu.memory_space<vmem>>, vector<1x16xf32>,
      %swap3A_924 = vector.shape_cast %swap3A_923 : vector<1x16xf32> to vector<16xf32>
      %swap3A_925 = vector.shape_cast %get3A_920 : vector<16xf32> to vector<1x16xf32>
      tpu.vector_store %arg8[%swap3A_921, %swap3A_922], %swap3A_925 {strides = array<i32>} : memref<800x16xf32, #tpu.memory_space<vmem>>, vector<1x16xf32>,
      %scan3A_926 = arith.constant 3 : i32
      %scan3A_927 = arith.addi %scan3A_896, %scan3A_926 : i32
      %get3A_928 = arith.index_cast %scan3A_927 : i32 to index
      %get3A_929 = arith.constant 0 : index
      %get3A_930 = tpu.vector_load %arg7[%get3A_928, %get3A_929] {strides = array<i32>} : memref<800x16xf32, #tpu.memory_space<vmem>>, vector<1x16xf32>,
      %get3A_931 = vector.shape_cast %get3A_930 : vector<1x16xf32> to vector<16xf32>
      %swap3A_932 = arith.index_cast %scan3A_927 : i32 to index
      %swap3A_933 = arith.constant 0 : index
      %swap3A_934 = tpu.vector_load %arg8[%swap3A_932, %swap3A_933] {strides = array<i32>} : memref<800x16xf32, #tpu.memory_space<vmem>>, vector<1x16xf32>,
      %swap3A_935 = vector.shape_cast %swap3A_934 : vector<1x16xf32> to vector<16xf32>
      %swap3A_936 = vector.shape_cast %get3A_931 : vector<16xf32> to vector<1x16xf32>
      tpu.vector_store %arg8[%swap3A_932, %swap3A_933], %swap3A_936 {strides = array<i32>} : memref<800x16xf32, #tpu.memory_space<vmem>>, vector<1x16xf32>,
      %scan3A_937 = arith.constant 4 : i32
      %scan3A_938 = arith.addi %scan3A_896, %scan3A_937 : i32
      %get3A_939 = arith.index_cast %scan3A_938 : i32 to index
      %get3A_940 = arith.constant 0 : index
      %get3A_941 = tpu.vector_load %arg7[%get3A_939, %get3A_940] {strides = array<i32>} : memref<800x16xf32, #tpu.memory_space<vmem>>, vector<1x16xf32>,
      %get3A_942 = vector.shape_cast %get3A_941 : vector<1x16xf32> to vector<16xf32>
      %swap3A_943 = arith.index_cast %scan3A_938 : i32 to index
      %swap3A_944 = arith.constant 0 : index
      %swap3A_945 = tpu.vector_load %arg8[%swap3A_943, %swap3A_944] {strides = array<i32>} : memref<800x16xf32, #tpu.memory_space<vmem>>, vector<1x16xf32>,
      %swap3A_946 = vector.shape_cast %swap3A_945 : vector<1x16xf32> to vector<16xf32>
      %swap3A_947 = vector.shape_cast %get3A_942 : vector<16xf32> to vector<1x16xf32>
      tpu.vector_store %arg8[%swap3A_943, %swap3A_944], %swap3A_947 {strides = array<i32>} : memref<800x16xf32, #tpu.memory_space<vmem>>, vector<1x16xf32>,
      %scan3A_948 = arith.constant 5 : i32
      %scan3A_949 = arith.addi %scan3A_896, %scan3A_948 : i32
      %get3A_950 = arith.index_cast %scan3A_949 : i32 to index
      %get3A_951 = arith.constant 0 : index
      %get3A_952 = tpu.vector_load %arg7[%get3A_950, %get3A_951] {strides = array<i32>} : memref<800x16xf32, #tpu.memory_space<vmem>>, vector<1x16xf32>,
      %get3A_953 = vector.shape_cast %get3A_952 : vector<1x16xf32> to vector<16xf32>
      %swap3A_954 = arith.index_cast %scan3A_949 : i32 to index
      %swap3A_955 = arith.constant 0 : index
      %swap3A_956 = tpu.vector_load %arg8[%swap3A_954, %swap3A_955] {strides = array<i32>} : memref<800x16xf32, #tpu.memory_space<vmem>>, vector<1x16xf32>,
      %swap3A_957 = vector.shape_cast %swap3A_956 : vector<1x16xf32> to vector<16xf32>
      %swap3A_958 = vector.shape_cast %get3A_953 : vector<16xf32> to vector<1x16xf32>
      tpu.vector_store %arg8[%swap3A_954, %swap3A_955], %swap3A_958 {strides = array<i32>} : memref<800x16xf32, #tpu.memory_space<vmem>>, vector<1x16xf32>,
      %scan3A_959 = arith.constant 6 : i32
      %scan3A_960 = arith.addi %scan3A_896, %scan3A_959 : i32
      %get3A_961 = arith.index_cast %scan3A_960 : i32 to index
      %get3A_962 = arith.constant 0 : index
      %get3A_963 = tpu.vector_load %arg7[%get3A_961, %get3A_962] {strides = array<i32>} : memref<800x16xf32, #tpu.memory_space<vmem>>, vector<1x16xf32>,
      %get3A_964 = vector.shape_cast %get3A_963 : vector<1x16xf32> to vector<16xf32>
      %swap3A_965 = arith.index_cast %scan3A_960 : i32 to index
      %swap3A_966 = arith.constant 0 : index
      %swap3A_967 = tpu.vector_load %arg8[%swap3A_965, %swap3A_966] {strides = array<i32>} : memref<800x16xf32, #tpu.memory_space<vmem>>, vector<1x16xf32>,
      %swap3A_968 = vector.shape_cast %swap3A_967 : vector<1x16xf32> to vector<16xf32>
      %swap3A_969 = vector.shape_cast %get3A_964 : vector<16xf32> to vector<1x16xf32>
      tpu.vector_store %arg8[%swap3A_965, %swap3A_966], %swap3A_969 {strides = array<i32>} : memref<800x16xf32, #tpu.memory_space<vmem>>, vector<1x16xf32>,
      %scan3A_970 = arith.constant 7 : i32
      %scan3A_971 = arith.addi %scan3A_896, %scan3A_970 : i32
      %get3A_972 = arith.index_cast %scan3A_971 : i32 to index
      %get3A_973 = arith.constant 0 : index
      %get3A_974 = tpu.vector_load %arg7[%get3A_972, %get3A_973] {strides = array<i32>} : memref<800x16xf32, #tpu.memory_space<vmem>>, vector<1x16xf32>,
      %get3A_975 = vector.shape_cast %get3A_974 : vector<1x16xf32> to vector<16xf32>
      %swap3A_976 = arith.index_cast %scan3A_971 : i32 to index
      %swap3A_977 = arith.constant 0 : index
      %swap3A_978 = tpu.vector_load %arg8[%swap3A_976, %swap3A_977] {strides = array<i32>} : memref<800x16xf32, #tpu.memory_space<vmem>>, vector<1x16xf32>,
      %swap3A_979 = vector.shape_cast %swap3A_978 : vector<1x16xf32> to vector<16xf32>
      %swap3A_980 = vector.shape_cast %get3A_975 : vector<16xf32> to vector<1x16xf32>
      tpu.vector_store %arg8[%swap3A_976, %swap3A_977], %swap3A_980 {strides = array<i32>} : memref<800x16xf32, #tpu.memory_space<vmem>>, vector<1x16xf32>,
    }
    %scan3A_139 = arith.constant 800 : i32
    %dma_start3A_140 = arith.constant 4800 : i32
    %dma_start3A_141 = tpu.memref_slice %arg6[%dma_start3A_140] : memref<25600xi32, #tpu.memory_space<vmem>> -> memref<800xi32, #tpu.memory_space<vmem>>
    %dma_start3A_142 = arith.constant 0 : i32
    %dma_start3A_143 = arith.constant 0 : i32
    %dma_start3A_144 = tpu.memref_slice %arg3[%dma_start3A_142, %dma_start3A_143] : memref<100000x16xf32, #tpu.memory_space<hbm>> -> memref<100000x16xf32, #tpu.memory_space<hbm>>
    tpu.enqueue_indirect_dma source(%dma_start3A_144 : memref<100000x16xf32, #tpu.memory_space<hbm>>) target(%arg8 : memref<800x16xf32, #tpu.memory_space<vmem>>) offsets(%dma_start3A_141 : memref<800xi32, #tpu.memory_space<vmem>>) semaphore(%arg11 : memref<!tpu.dma_semaphore, #tpu.memory_space<semaphore_mem>>) {add = true}
    %dma_wait3A_145 = arith.constant 3200 : i32
    %dma_wait3A_146 = tpu.memref_slice %arg6[%dma_wait3A_145] : memref<25600xi32, #tpu.memory_space<vmem>> -> memref<800xi32, #tpu.memory_space<vmem>>
    %dma_wait3A_147 = arith.constant 0 : i32
    %dma_wait3A_148 = arith.constant 0 : i32
    %dma_wait3A_149 = tpu.memref_slice %arg3[%dma_wait3A_147, %dma_wait3A_148] : memref<100000x16xf32, #tpu.memory_space<hbm>> -> memref<100000x16xf32, #tpu.memory_space<hbm>>
    tpu.wait_indirect_dma semaphore(%arg12 : memref<!tpu.dma_semaphore, #tpu.memory_space<semaphore_mem>>) src(%dma_wait3A_149 : memref<100000x16xf32, #tpu.memory_space<hbm>>) dst(%arg9 : memref<800x16xf32, #tpu.memory_space<vmem>>)
    %add3A_150 = arith.constant 3200 : i32
    %add3A_151 = arith.addi %mul3A_2, %add3A_150 : i32
    %dma_start3A_152 = arith.constant 0 : i32
    %dma_start3A_153 = tpu.memref_slice %arg5[%add3A_151, %dma_start3A_152] : memref<819200x16xf32, #tpu.memory_space<hbm>> -> memref<800x16xf32, #tpu.memory_space<hbm>>
    %dma_start3A_154 = arith.constant 0 : i32
    %dma_start3A_155 = tpu.memref_slice %arg5[%add3A_151, %dma_start3A_154] : memref<819200x16xf32, #tpu.memory_space<hbm>> -> memref<800x16xf32, #tpu.memory_space<hbm>>
    tpu.enqueue_dma source(%arg9 : memref<800x16xf32, #tpu.memory_space<vmem>>) target(%dma_start3A_155 : memref<800x16xf32, #tpu.memory_space<hbm>>) target_semaphore(%arg15 : memref<!tpu.dma_semaphore, #tpu.memory_space<semaphore_mem>>)
    %add3A_156 = arith.constant 3200 : i32
    %add3A_157 = arith.addi %mul3A_2, %add3A_156 : i32
    %dma_wait3A_158 = arith.constant 0 : i32
    %dma_wait3A_159 = tpu.memref_slice %arg5[%add3A_157, %dma_wait3A_158] : memref<819200x16xf32, #tpu.memory_space<hbm>> -> memref<800x16xf32, #tpu.memory_space<hbm>>
    %dma_wait3A_160 = arith.constant 0 : i32
    %dma_wait3A_161 = tpu.memref_slice %arg5[%add3A_157, %dma_wait3A_160] : memref<819200x16xf32, #tpu.memory_space<hbm>> -> memref<800x16xf32, #tpu.memory_space<hbm>>
    tpu.wait_dma2 semaphore(%arg15 : memref<!tpu.dma_semaphore, #tpu.memory_space<semaphore_mem>>) src(%arg9 : memref<800x16xf32, #tpu.memory_space<vmem>>) dst(%dma_wait3A_161 : memref<800x16xf32, #tpu.memory_space<hbm>>)
    %scan3A_162 = arith.constant 0 : i32
    %scan3A_163 = arith.constant 0 : i32
    %scan3A_164 = arith.constant 800 : i32
    %scan3A_165 = arith.addi %scan3A_163, %scan3A_164 : i32
    %scan3A_166 = arith.constant 8 : i32
    scf.for %scan3A_896 = %scan3A_163 to %scan3A_165 step %scan3A_166  : i32 {
      %get3A = arith.index_cast %scan3A_896 : i32 to index
      %get3A_897 = arith.constant 0 : index
      %get3A_898 = tpu.vector_load %arg7[%get3A, %get3A_897] {strides = array<i32>} : memref<800x16xf32, #tpu.memory_space<vmem>>, vector<1x16xf32>,
      %get3A_899 = vector.shape_cast %get3A_898 : vector<1x16xf32> to vector<16xf32>
      %swap3A = arith.index_cast %scan3A_896 : i32 to index
      %swap3A_900 = arith.constant 0 : index
      %swap3A_901 = tpu.vector_load %arg9[%swap3A, %swap3A_900] {strides = array<i32>} : memref<800x16xf32, #tpu.memory_space<vmem>>, vector<1x16xf32>,
      %swap3A_902 = vector.shape_cast %swap3A_901 : vector<1x16xf32> to vector<16xf32>
      %swap3A_903 = vector.shape_cast %get3A_899 : vector<16xf32> to vector<1x16xf32>
      tpu.vector_store %arg9[%swap3A, %swap3A_900], %swap3A_903 {strides = array<i32>} : memref<800x16xf32, #tpu.memory_space<vmem>>, vector<1x16xf32>,
      %scan3A_904 = arith.constant 1 : i32
      %scan3A_905 = arith.addi %scan3A_896, %scan3A_904 : i32
      %get3A_906 = arith.index_cast %scan3A_905 : i32 to index
      %get3A_907 = arith.constant 0 : index
      %get3A_908 = tpu.vector_load %arg7[%get3A_906, %get3A_907] {strides = array<i32>} : memref<800x16xf32, #tpu.memory_space<vmem>>, vector<1x16xf32>,
      %get3A_909 = vector.shape_cast %get3A_908 : vector<1x16xf32> to vector<16xf32>
      %swap3A_910 = arith.index_cast %scan3A_905 : i32 to index
      %swap3A_911 = arith.constant 0 : index
      %swap3A_912 = tpu.vector_load %arg9[%swap3A_910, %swap3A_911] {strides = array<i32>} : memref<800x16xf32, #tpu.memory_space<vmem>>, vector<1x16xf32>,
      %swap3A_913 = vector.shape_cast %swap3A_912 : vector<1x16xf32> to vector<16xf32>
      %swap3A_914 = vector.shape_cast %get3A_909 : vector<16xf32> to vector<1x16xf32>
      tpu.vector_store %arg9[%swap3A_910, %swap3A_911], %swap3A_914 {strides = array<i32>} : memref<800x16xf32, #tpu.memory_space<vmem>>, vector<1x16xf32>,
      %scan3A_915 = arith.constant 2 : i32
      %scan3A_916 = arith.addi %scan3A_896, %scan3A_915 : i32
      %get3A_917 = arith.index_cast %scan3A_916 : i32 to index
      %get3A_918 = arith.constant 0 : index
      %get3A_919 = tpu.vector_load %arg7[%get3A_917, %get3A_918] {strides = array<i32>} : memref<800x16xf32, #tpu.memory_space<vmem>>, vector<1x16xf32>,
      %get3A_920 = vector.shape_cast %get3A_919 : vector<1x16xf32> to vector<16xf32>
      %swap3A_921 = arith.index_cast %scan3A_916 : i32 to index
      %swap3A_922 = arith.constant 0 : index
      %swap3A_923 = tpu.vector_load %arg9[%swap3A_921, %swap3A_922] {strides = array<i32>} : memref<800x16xf32, #tpu.memory_space<vmem>>, vector<1x16xf32>,
      %swap3A_924 = vector.shape_cast %swap3A_923 : vector<1x16xf32> to vector<16xf32>
      %swap3A_925 = vector.shape_cast %get3A_920 : vector<16xf32> to vector<1x16xf32>
      tpu.vector_store %arg9[%swap3A_921, %swap3A_922], %swap3A_925 {strides = array<i32>} : memref<800x16xf32, #tpu.memory_space<vmem>>, vector<1x16xf32>,
      %scan3A_926 = arith.constant 3 : i32
      %scan3A_927 = arith.addi %scan3A_896, %scan3A_926 : i32
      %get3A_928 = arith.index_cast %scan3A_927 : i32 to index
      %get3A_929 = arith.constant 0 : index
      %get3A_930 = tpu.vector_load %arg7[%get3A_928, %get3A_929] {strides = array<i32>} : memref<800x16xf32, #tpu.memory_space<vmem>>, vector<1x16xf32>,
      %get3A_931 = vector.shape_cast %get3A_930 : vector<1x16xf32> to vector<16xf32>
      %swap3A_932 = arith.index_cast %scan3A_927 : i32 to index
      %swap3A_933 = arith.constant 0 : index
      %swap3A_934 = tpu.vector_load %arg9[%swap3A_932, %swap3A_933] {strides = array<i32>} : memref<800x16xf32, #tpu.memory_space<vmem>>, vector<1x16xf32>,
      %swap3A_935 = vector.shape_cast %swap3A_934 : vector<1x16xf32> to vector<16xf32>
      %swap3A_936 = vector.shape_cast %get3A_931 : vector<16xf32> to vector<1x16xf32>
      tpu.vector_store %arg9[%swap3A_932, %swap3A_933], %swap3A_936 {strides = array<i32>} : memref<800x16xf32, #tpu.memory_space<vmem>>, vector<1x16xf32>,
      %scan3A_937 = arith.constant 4 : i32
      %scan3A_938 = arith.addi %scan3A_896, %scan3A_937 : i32
      %get3A_939 = arith.index_cast %scan3A_938 : i32 to index
      %get3A_940 = arith.constant 0 : index
      %get3A_941 = tpu.vector_load %arg7[%get3A_939, %get3A_940] {strides = array<i32>} : memref<800x16xf32, #tpu.memory_space<vmem>>, vector<1x16xf32>,
      %get3A_942 = vector.shape_cast %get3A_941 : vector<1x16xf32> to vector<16xf32>
      %swap3A_943 = arith.index_cast %scan3A_938 : i32 to index
      %swap3A_944 = arith.constant 0 : index
      %swap3A_945 = tpu.vector_load %arg9[%swap3A_943, %swap3A_944] {strides = array<i32>} : memref<800x16xf32, #tpu.memory_space<vmem>>, vector<1x16xf32>,
      %swap3A_946 = vector.shape_cast %swap3A_945 : vector<1x16xf32> to vector<16xf32>
      %swap3A_947 = vector.shape_cast %get3A_942 : vector<16xf32> to vector<1x16xf32>
      tpu.vector_store %arg9[%swap3A_943, %swap3A_944], %swap3A_947 {strides = array<i32>} : memref<800x16xf32, #tpu.memory_space<vmem>>, vector<1x16xf32>,
      %scan3A_948 = arith.constant 5 : i32
      %scan3A_949 = arith.addi %scan3A_896, %scan3A_948 : i32
      %get3A_950 = arith.index_cast %scan3A_949 : i32 to index
      %get3A_951 = arith.constant 0 : index
      %get3A_952 = tpu.vector_load %arg7[%get3A_950, %get3A_951] {strides = array<i32>} : memref<800x16xf32, #tpu.memory_space<vmem>>, vector<1x16xf32>,
      %get3A_953 = vector.shape_cast %get3A_952 : vector<1x16xf32> to vector<16xf32>
      %swap3A_954 = arith.index_cast %scan3A_949 : i32 to index
      %swap3A_955 = arith.constant 0 : index
      %swap3A_956 = tpu.vector_load %arg9[%swap3A_954, %swap3A_955] {strides = array<i32>} : memref<800x16xf32, #tpu.memory_space<vmem>>, vector<1x16xf32>,
      %swap3A_957 = vector.shape_cast %swap3A_956 : vector<1x16xf32> to vector<16xf32>
      %swap3A_958 = vector.shape_cast %get3A_953 : vector<16xf32> to vector<1x16xf32>
      tpu.vector_store %arg9[%swap3A_954, %swap3A_955], %swap3A_958 {strides = array<i32>} : memref<800x16xf32, #tpu.memory_space<vmem>>, vector<1x16xf32>,
      %scan3A_959 = arith.constant 6 : i32
      %scan3A_960 = arith.addi %scan3A_896, %scan3A_959 : i32
      %get3A_961 = arith.index_cast %scan3A_960 : i32 to index
      %get3A_962 = arith.constant 0 : index
      %get3A_963 = tpu.vector_load %arg7[%get3A_961, %get3A_962] {strides = array<i32>} : memref<800x16xf32, #tpu.memory_space<vmem>>, vector<1x16xf32>,
      %get3A_964 = vector.shape_cast %get3A_963 : vector<1x16xf32> to vector<16xf32>
      %swap3A_965 = arith.index_cast %scan3A_960 : i32 to index
      %swap3A_966 = arith.constant 0 : index
      %swap3A_967 = tpu.vector_load %arg9[%swap3A_965, %swap3A_966] {strides = array<i32>} : memref<800x16xf32, #tpu.memory_space<vmem>>, vector<1x16xf32>,
      %swap3A_968 = vector.shape_cast %swap3A_967 : vector<1x16xf32> to vector<16xf32>
      %swap3A_969 = vector.shape_cast %get3A_964 : vector<16xf32> to vector<1x16xf32>
      tpu.vector_store %arg9[%swap3A_965, %swap3A_966], %swap3A_969 {strides = array<i32>} : memref<800x16xf32, #tpu.memory_space<vmem>>, vector<1x16xf32>,
      %scan3A_970 = arith.constant 7 : i32
      %scan3A_971 = arith.addi %scan3A_896, %scan3A_970 : i32
      %get3A_972 = arith.index_cast %scan3A_971 : i32 to index
      %get3A_973 = arith.constant 0 : index
      %get3A_974 = tpu.vector_load %arg7[%get3A_972, %get3A_973] {strides = array<i32>} : memref<800x16xf32, #tpu.memory_space<vmem>>, vector<1x16xf32>,
      %get3A_975 = vector.shape_cast %get3A_974 : vector<1x16xf32> to vector<16xf32>
      %swap3A_976 = arith.index_cast %scan3A_971 : i32 to index
      %swap3A_977 = arith.constant 0 : index
      %swap3A_978 = tpu.vector_load %arg9[%swap3A_976, %swap3A_977] {strides = array<i32>} : memref<800x16xf32, #tpu.memory_space<vmem>>, vector<1x16xf32>,
      %swap3A_979 = vector.shape_cast %swap3A_978 : vector<1x16xf32> to vector<16xf32>
      %swap3A_980 = vector.shape_cast %get3A_975 : vector<16xf32> to vector<1x16xf32>
      tpu.vector_store %arg9[%swap3A_976, %swap3A_977], %swap3A_980 {strides = array<i32>} : memref<800x16xf32, #tpu.memory_space<vmem>>, vector<1x16xf32>,
    }
    %scan3A_167 = arith.constant 800 : i32
    %dma_start3A_168 = arith.constant 5600 : i32
    %dma_start3A_169 = tpu.memref_slice %arg6[%dma_start3A_168] : memref<25600xi32, #tpu.memory_space<vmem>> -> memref<800xi32, #tpu.memory_space<vmem>>
    %dma_start3A_170 = arith.constant 0 : i32
    %dma_start3A_171 = arith.constant 0 : i32
    %dma_start3A_172 = tpu.memref_slice %arg3[%dma_start3A_170, %dma_start3A_171] : memref<100000x16xf32, #tpu.memory_space<hbm>> -> memref<100000x16xf32, #tpu.memory_space<hbm>>
    tpu.enqueue_indirect_dma source(%dma_start3A_172 : memref<100000x16xf32, #tpu.memory_space<hbm>>) target(%arg9 : memref<800x16xf32, #tpu.memory_space<vmem>>) offsets(%dma_start3A_169 : memref<800xi32, #tpu.memory_space<vmem>>) semaphore(%arg12 : memref<!tpu.dma_semaphore, #tpu.memory_space<semaphore_mem>>) {add = true}
    %dma_wait3A_173 = arith.constant 4000 : i32
    %dma_wait3A_174 = tpu.memref_slice %arg6[%dma_wait3A_173] : memref<25600xi32, #tpu.memory_space<vmem>> -> memref<800xi32, #tpu.memory_space<vmem>>
    %dma_wait3A_175 = arith.constant 0 : i32
    %dma_wait3A_176 = arith.constant 0 : i32
    %dma_wait3A_177 = tpu.memref_slice %arg3[%dma_wait3A_175, %dma_wait3A_176] : memref<100000x16xf32, #tpu.memory_space<hbm>> -> memref<100000x16xf32, #tpu.memory_space<hbm>>
    tpu.wait_indirect_dma semaphore(%arg13 : memref<!tpu.dma_semaphore, #tpu.memory_space<semaphore_mem>>) src(%dma_wait3A_177 : memref<100000x16xf32, #tpu.memory_space<hbm>>) dst(%arg10 : memref<800x16xf32, #tpu.memory_space<vmem>>)
    %add3A_178 = arith.constant 4000 : i32
    %add3A_179 = arith.addi %mul3A_2, %add3A_178 : i32
    %dma_start3A_180 = arith.constant 0 : i32
    %dma_start3A_181 = tpu.memref_slice %arg5[%add3A_179, %dma_start3A_180] : memref<819200x16xf32, #tpu.memory_space<hbm>> -> memref<800x16xf32, #tpu.memory_space<hbm>>
    %dma_start3A_182 = arith.constant 0 : i32
    %dma_start3A_183 = tpu.memref_slice %arg5[%add3A_179, %dma_start3A_182] : memref<819200x16xf32, #tpu.memory_space<hbm>> -> memref<800x16xf32, #tpu.memory_space<hbm>>
    tpu.enqueue_dma source(%arg10 : memref<800x16xf32, #tpu.memory_space<vmem>>) target(%dma_start3A_183 : memref<800x16xf32, #tpu.memory_space<hbm>>) target_semaphore(%arg16 : memref<!tpu.dma_semaphore, #tpu.memory_space<semaphore_mem>>)
    %add3A_184 = arith.constant 4000 : i32
    %add3A_185 = arith.addi %mul3A_2, %add3A_184 : i32
    %dma_wait3A_186 = arith.constant 0 : i32
    %dma_wait3A_187 = tpu.memref_slice %arg5[%add3A_185, %dma_wait3A_186] : memref<819200x16xf32, #tpu.memory_space<hbm>> -> memref<800x16xf32, #tpu.memory_space<hbm>>
    %dma_wait3A_188 = arith.constant 0 : i32
    %dma_wait3A_189 = tpu.memref_slice %arg5[%add3A_185, %dma_wait3A_188] : memref<819200x16xf32, #tpu.memory_space<hbm>> -> memref<800x16xf32, #tpu.memory_space<hbm>>
    tpu.wait_dma2 semaphore(%arg16 : memref<!tpu.dma_semaphore, #tpu.memory_space<semaphore_mem>>) src(%arg10 : memref<800x16xf32, #tpu.memory_space<vmem>>) dst(%dma_wait3A_189 : memref<800x16xf32, #tpu.memory_space<hbm>>)
    %scan3A_190 = arith.constant 0 : i32
    %scan3A_191 = arith.constant 0 : i32
    %scan3A_192 = arith.constant 800 : i32
    %scan3A_193 = arith.addi %scan3A_191, %scan3A_192 : i32
    %scan3A_194 = arith.constant 8 : i32
    scf.for %scan3A_896 = %scan3A_191 to %scan3A_193 step %scan3A_194  : i32 {
      %get3A = arith.index_cast %scan3A_896 : i32 to index
      %get3A_897 = arith.constant 0 : index
      %get3A_898 = tpu.vector_load %arg7[%get3A, %get3A_897] {strides = array<i32>} : memref<800x16xf32, #tpu.memory_space<vmem>>, vector<1x16xf32>,
      %get3A_899 = vector.shape_cast %get3A_898 : vector<1x16xf32> to vector<16xf32>
      %swap3A = arith.index_cast %scan3A_896 : i32 to index
      %swap3A_900 = arith.constant 0 : index
      %swap3A_901 = tpu.vector_load %arg10[%swap3A, %swap3A_900] {strides = array<i32>} : memref<800x16xf32, #tpu.memory_space<vmem>>, vector<1x16xf32>,
      %swap3A_902 = vector.shape_cast %swap3A_901 : vector<1x16xf32> to vector<16xf32>
      %swap3A_903 = vector.shape_cast %get3A_899 : vector<16xf32> to vector<1x16xf32>
      tpu.vector_store %arg10[%swap3A, %swap3A_900], %swap3A_903 {strides = array<i32>} : memref<800x16xf32, #tpu.memory_space<vmem>>, vector<1x16xf32>,
      %scan3A_904 = arith.constant 1 : i32
      %scan3A_905 = arith.addi %scan3A_896, %scan3A_904 : i32
      %get3A_906 = arith.index_cast %scan3A_905 : i32 to index
      %get3A_907 = arith.constant 0 : index
      %get3A_908 = tpu.vector_load %arg7[%get3A_906, %get3A_907] {strides = array<i32>} : memref<800x16xf32, #tpu.memory_space<vmem>>, vector<1x16xf32>,
      %get3A_909 = vector.shape_cast %get3A_908 : vector<1x16xf32> to vector<16xf32>
      %swap3A_910 = arith.index_cast %scan3A_905 : i32 to index
      %swap3A_911 = arith.constant 0 : index
      %swap3A_912 = tpu.vector_load %arg10[%swap3A_910, %swap3A_911] {strides = array<i32>} : memref<800x16xf32, #tpu.memory_space<vmem>>, vector<1x16xf32>,
      %swap3A_913 = vector.shape_cast %swap3A_912 : vector<1x16xf32> to vector<16xf32>
      %swap3A_914 = vector.shape_cast %get3A_909 : vector<16xf32> to vector<1x16xf32>
      tpu.vector_store %arg10[%swap3A_910, %swap3A_911], %swap3A_914 {strides = array<i32>} : memref<800x16xf32, #tpu.memory_space<vmem>>, vector<1x16xf32>,
      %scan3A_915 = arith.constant 2 : i32
      %scan3A_916 = arith.addi %scan3A_896, %scan3A_915 : i32
      %get3A_917 = arith.index_cast %scan3A_916 : i32 to index
      %get3A_918 = arith.constant 0 : index
      %get3A_919 = tpu.vector_load %arg7[%get3A_917, %get3A_918] {strides = array<i32>} : memref<800x16xf32, #tpu.memory_space<vmem>>, vector<1x16xf32>,
      %get3A_920 = vector.shape_cast %get3A_919 : vector<1x16xf32> to vector<16xf32>
      %swap3A_921 = arith.index_cast %scan3A_916 : i32 to index
      %swap3A_922 = arith.constant 0 : index
      %swap3A_923 = tpu.vector_load %arg10[%swap3A_921, %swap3A_922] {strides = array<i32>} : memref<800x16xf32, #tpu.memory_space<vmem>>, vector<1x16xf32>,
      %swap3A_924 = vector.shape_cast %swap3A_923 : vector<1x16xf32> to vector<16xf32>
      %swap3A_925 = vector.shape_cast %get3A_920 : vector<16xf32> to vector<1x16xf32>
      tpu.vector_store %arg10[%swap3A_921, %swap3A_922], %swap3A_925 {strides = array<i32>} : memref<800x16xf32, #tpu.memory_space<vmem>>, vector<1x16xf32>,
      %scan3A_926 = arith.constant 3 : i32
      %scan3A_927 = arith.addi %scan3A_896, %scan3A_926 : i32
      %get3A_928 = arith.index_cast %scan3A_927 : i32 to index
      %get3A_929 = arith.constant 0 : index
      %get3A_930 = tpu.vector_load %arg7[%get3A_928, %get3A_929] {strides = array<i32>} : memref<800x16xf32, #tpu.memory_space<vmem>>, vector<1x16xf32>,
      %get3A_931 = vector.shape_cast %get3A_930 : vector<1x16xf32> to vector<16xf32>
      %swap3A_932 = arith.index_cast %scan3A_927 : i32 to index
      %swap3A_933 = arith.constant 0 : index
      %swap3A_934 = tpu.vector_load %arg10[%swap3A_932, %swap3A_933] {strides = array<i32>} : memref<800x16xf32, #tpu.memory_space<vmem>>, vector<1x16xf32>,
      %swap3A_935 = vector.shape_cast %swap3A_934 : vector<1x16xf32> to vector<16xf32>
      %swap3A_936 = vector.shape_cast %get3A_931 : vector<16xf32> to vector<1x16xf32>
      tpu.vector_store %arg10[%swap3A_932, %swap3A_933], %swap3A_936 {strides = array<i32>} : memref<800x16xf32, #tpu.memory_space<vmem>>, vector<1x16xf32>,
      %scan3A_937 = arith.constant 4 : i32
      %scan3A_938 = arith.addi %scan3A_896, %scan3A_937 : i32
      %get3A_939 = arith.index_cast %scan3A_938 : i32 to index
      %get3A_940 = arith.constant 0 : index
      %get3A_941 = tpu.vector_load %arg7[%get3A_939, %get3A_940] {strides = array<i32>} : memref<800x16xf32, #tpu.memory_space<vmem>>, vector<1x16xf32>,
      %get3A_942 = vector.shape_cast %get3A_941 : vector<1x16xf32> to vector<16xf32>
      %swap3A_943 = arith.index_cast %scan3A_938 : i32 to index
      %swap3A_944 = arith.constant 0 : index
      %swap3A_945 = tpu.vector_load %arg10[%swap3A_943, %swap3A_944] {strides = array<i32>} : memref<800x16xf32, #tpu.memory_space<vmem>>, vector<1x16xf32>,
      %swap3A_946 = vector.shape_cast %swap3A_945 : vector<1x16xf32> to vector<16xf32>
      %swap3A_947 = vector.shape_cast %get3A_942 : vector<16xf32> to vector<1x16xf32>
      tpu.vector_store %arg10[%swap3A_943, %swap3A_944], %swap3A_947 {strides = array<i32>} : memref<800x16xf32, #tpu.memory_space<vmem>>, vector<1x16xf32>,
      %scan3A_948 = arith.constant 5 : i32
      %scan3A_949 = arith.addi %scan3A_896, %scan3A_948 : i32
      %get3A_950 = arith.index_cast %scan3A_949 : i32 to index
      %get3A_951 = arith.constant 0 : index
      %get3A_952 = tpu.vector_load %arg7[%get3A_950, %get3A_951] {strides = array<i32>} : memref<800x16xf32, #tpu.memory_space<vmem>>, vector<1x16xf32>,
      %get3A_953 = vector.shape_cast %get3A_952 : vector<1x16xf32> to vector<16xf32>
      %swap3A_954 = arith.index_cast %scan3A_949 : i32 to index
      %swap3A_955 = arith.constant 0 : index
      %swap3A_956 = tpu.vector_load %arg10[%swap3A_954, %swap3A_955] {strides = array<i32>} : memref<800x16xf32, #tpu.memory_space<vmem>>, vector<1x16xf32>,
      %swap3A_957 = vector.shape_cast %swap3A_956 : vector<1x16xf32> to vector<16xf32>
      %swap3A_958 = vector.shape_cast %get3A_953 : vector<16xf32> to vector<1x16xf32>
      tpu.vector_store %arg10[%swap3A_954, %swap3A_955], %swap3A_958 {strides = array<i32>} : memref<800x16xf32, #tpu.memory_space<vmem>>, vector<1x16xf32>,
      %scan3A_959 = arith.constant 6 : i32
      %scan3A_960 = arith.addi %scan3A_896, %scan3A_959 : i32
      %get3A_961 = arith.index_cast %scan3A_960 : i32 to index
      %get3A_962 = arith.constant 0 : index
      %get3A_963 = tpu.vector_load %arg7[%get3A_961, %get3A_962] {strides = array<i32>} : memref<800x16xf32, #tpu.memory_space<vmem>>, vector<1x16xf32>,
      %get3A_964 = vector.shape_cast %get3A_963 : vector<1x16xf32> to vector<16xf32>
      %swap3A_965 = arith.index_cast %scan3A_960 : i32 to index
      %swap3A_966 = arith.constant 0 : index
      %swap3A_967 = tpu.vector_load %arg10[%swap3A_965, %swap3A_966] {strides = array<i32>} : memref<800x16xf32, #tpu.memory_space<vmem>>, vector<1x16xf32>,
      %swap3A_968 = vector.shape_cast %swap3A_967 : vector<1x16xf32> to vector<16xf32>
      %swap3A_969 = vector.shape_cast %get3A_964 : vector<16xf32> to vector<1x16xf32>
      tpu.vector_store %arg10[%swap3A_965, %swap3A_966], %swap3A_969 {strides = array<i32>} : memref<800x16xf32, #tpu.memory_space<vmem>>, vector<1x16xf32>,
      %scan3A_970 = arith.constant 7 : i32
      %scan3A_971 = arith.addi %scan3A_896, %scan3A_970 : i32
      %get3A_972 = arith.index_cast %scan3A_971 : i32 to index
      %get3A_973 = arith.constant 0 : index
      %get3A_974 = tpu.vector_load %arg7[%get3A_972, %get3A_973] {strides = array<i32>} : memref<800x16xf32, #tpu.memory_space<vmem>>, vector<1x16xf32>,
      %get3A_975 = vector.shape_cast %get3A_974 : vector<1x16xf32> to vector<16xf32>
      %swap3A_976 = arith.index_cast %scan3A_971 : i32 to index
      %swap3A_977 = arith.constant 0 : index
      %swap3A_978 = tpu.vector_load %arg10[%swap3A_976, %swap3A_977] {strides = array<i32>} : memref<800x16xf32, #tpu.memory_space<vmem>>, vector<1x16xf32>,
      %swap3A_979 = vector.shape_cast %swap3A_978 : vector<1x16xf32> to vector<16xf32>
      %swap3A_980 = vector.shape_cast %get3A_975 : vector<16xf32> to vector<1x16xf32>
      tpu.vector_store %arg10[%swap3A_976, %swap3A_977], %swap3A_980 {strides = array<i32>} : memref<800x16xf32, #tpu.memory_space<vmem>>, vector<1x16xf32>,
    }
    %scan3A_195 = arith.constant 800 : i32
    %dma_start3A_196 = arith.constant 6400 : i32
    %dma_start3A_197 = tpu.memref_slice %arg6[%dma_start3A_196] : memref<25600xi32, #tpu.memory_space<vmem>> -> memref<800xi32, #tpu.memory_space<vmem>>
    %dma_start3A_198 = arith.constant 0 : i32
    %dma_start3A_199 = arith.constant 0 : i32
    %dma_start3A_200 = tpu.memref_slice %arg3[%dma_start3A_198, %dma_start3A_199] : memref<100000x16xf32, #tpu.memory_space<hbm>> -> memref<100000x16xf32, #tpu.memory_space<hbm>>
    tpu.enqueue_indirect_dma source(%dma_start3A_200 : memref<100000x16xf32, #tpu.memory_space<hbm>>) target(%arg10 : memref<800x16xf32, #tpu.memory_space<vmem>>) offsets(%dma_start3A_197 : memref<800xi32, #tpu.memory_space<vmem>>) semaphore(%arg13 : memref<!tpu.dma_semaphore, #tpu.memory_space<semaphore_mem>>) {add = true}
    %dma_wait3A_201 = arith.constant 4800 : i32
    %dma_wait3A_202 = tpu.memref_slice %arg6[%dma_wait3A_201] : memref<25600xi32, #tpu.memory_space<vmem>> -> memref<800xi32, #tpu.memory_space<vmem>>
    %dma_wait3A_203 = arith.constant 0 : i32
    %dma_wait3A_204 = arith.constant 0 : i32
    %dma_wait3A_205 = tpu.memref_slice %arg3[%dma_wait3A_203, %dma_wait3A_204] : memref<100000x16xf32, #tpu.memory_space<hbm>> -> memref<100000x16xf32, #tpu.memory_space<hbm>>
    tpu.wait_indirect_dma semaphore(%arg11 : memref<!tpu.dma_semaphore, #tpu.memory_space<semaphore_mem>>) src(%dma_wait3A_205 : memref<100000x16xf32, #tpu.memory_space<hbm>>) dst(%arg8 : memref<800x16xf32, #tpu.memory_space<vmem>>)
    %add3A_206 = arith.constant 4800 : i32
    %add3A_207 = arith.addi %mul3A_2, %add3A_206 : i32
    %dma_start3A_208 = arith.constant 0 : i32
    %dma_start3A_209 = tpu.memref_slice %arg5[%add3A_207, %dma_start3A_208] : memref<819200x16xf32, #tpu.memory_space<hbm>> -> memref<800x16xf32, #tpu.memory_space<hbm>>
    %dma_start3A_210 = arith.constant 0 : i32
    %dma_start3A_211 = tpu.memref_slice %arg5[%add3A_207, %dma_start3A_210] : memref<819200x16xf32, #tpu.memory_space<hbm>> -> memref<800x16xf32, #tpu.memory_space<hbm>>
    tpu.enqueue_dma source(%arg8 : memref<800x16xf32, #tpu.memory_space<vmem>>) target(%dma_start3A_211 : memref<800x16xf32, #tpu.memory_space<hbm>>) target_semaphore(%arg14 : memref<!tpu.dma_semaphore, #tpu.memory_space<semaphore_mem>>)
    %add3A_212 = arith.constant 4800 : i32
    %add3A_213 = arith.addi %mul3A_2, %add3A_212 : i32
    %dma_wait3A_214 = arith.constant 0 : i32
    %dma_wait3A_215 = tpu.memref_slice %arg5[%add3A_213, %dma_wait3A_214] : memref<819200x16xf32, #tpu.memory_space<hbm>> -> memref<800x16xf32, #tpu.memory_space<hbm>>
    %dma_wait3A_216 = arith.constant 0 : i32
    %dma_wait3A_217 = tpu.memref_slice %arg5[%add3A_213, %dma_wait3A_216] : memref<819200x16xf32, #tpu.memory_space<hbm>> -> memref<800x16xf32, #tpu.memory_space<hbm>>
    tpu.wait_dma2 semaphore(%arg14 : memref<!tpu.dma_semaphore, #tpu.memory_space<semaphore_mem>>) src(%arg8 : memref<800x16xf32, #tpu.memory_space<vmem>>) dst(%dma_wait3A_217 : memref<800x16xf32, #tpu.memory_space<hbm>>)
    %scan3A_218 = arith.constant 0 : i32
    %scan3A_219 = arith.constant 0 : i32
    %scan3A_220 = arith.constant 800 : i32
    %scan3A_221 = arith.addi %scan3A_219, %scan3A_220 : i32
    %scan3A_222 = arith.constant 8 : i32
    scf.for %scan3A_896 = %scan3A_219 to %scan3A_221 step %scan3A_222  : i32 {
      %get3A = arith.index_cast %scan3A_896 : i32 to index
      %get3A_897 = arith.constant 0 : index
      %get3A_898 = tpu.vector_load %arg7[%get3A, %get3A_897] {strides = array<i32>} : memref<800x16xf32, #tpu.memory_space<vmem>>, vector<1x16xf32>,
      %get3A_899 = vector.shape_cast %get3A_898 : vector<1x16xf32> to vector<16xf32>
      %swap3A = arith.index_cast %scan3A_896 : i32 to index
      %swap3A_900 = arith.constant 0 : index
      %swap3A_901 = tpu.vector_load %arg8[%swap3A, %swap3A_900] {strides = array<i32>} : memref<800x16xf32, #tpu.memory_space<vmem>>, vector<1x16xf32>,
      %swap3A_902 = vector.shape_cast %swap3A_901 : vector<1x16xf32> to vector<16xf32>
      %swap3A_903 = vector.shape_cast %get3A_899 : vector<16xf32> to vector<1x16xf32>
      tpu.vector_store %arg8[%swap3A, %swap3A_900], %swap3A_903 {strides = array<i32>} : memref<800x16xf32, #tpu.memory_space<vmem>>, vector<1x16xf32>,
      %scan3A_904 = arith.constant 1 : i32
      %scan3A_905 = arith.addi %scan3A_896, %scan3A_904 : i32
      %get3A_906 = arith.index_cast %scan3A_905 : i32 to index
      %get3A_907 = arith.constant 0 : index
      %get3A_908 = tpu.vector_load %arg7[%get3A_906, %get3A_907] {strides = array<i32>} : memref<800x16xf32, #tpu.memory_space<vmem>>, vector<1x16xf32>,
      %get3A_909 = vector.shape_cast %get3A_908 : vector<1x16xf32> to vector<16xf32>
      %swap3A_910 = arith.index_cast %scan3A_905 : i32 to index
      %swap3A_911 = arith.constant 0 : index
      %swap3A_912 = tpu.vector_load %arg8[%swap3A_910, %swap3A_911] {strides = array<i32>} : memref<800x16xf32, #tpu.memory_space<vmem>>, vector<1x16xf32>,
      %swap3A_913 = vector.shape_cast %swap3A_912 : vector<1x16xf32> to vector<16xf32>
      %swap3A_914 = vector.shape_cast %get3A_909 : vector<16xf32> to vector<1x16xf32>
      tpu.vector_store %arg8[%swap3A_910, %swap3A_911], %swap3A_914 {strides = array<i32>} : memref<800x16xf32, #tpu.memory_space<vmem>>, vector<1x16xf32>,
      %scan3A_915 = arith.constant 2 : i32
      %scan3A_916 = arith.addi %scan3A_896, %scan3A_915 : i32
      %get3A_917 = arith.index_cast %scan3A_916 : i32 to index
      %get3A_918 = arith.constant 0 : index
      %get3A_919 = tpu.vector_load %arg7[%get3A_917, %get3A_918] {strides = array<i32>} : memref<800x16xf32, #tpu.memory_space<vmem>>, vector<1x16xf32>,
      %get3A_920 = vector.shape_cast %get3A_919 : vector<1x16xf32> to vector<16xf32>
      %swap3A_921 = arith.index_cast %scan3A_916 : i32 to index
      %swap3A_922 = arith.constant 0 : index
      %swap3A_923 = tpu.vector_load %arg8[%swap3A_921, %swap3A_922] {strides = array<i32>} : memref<800x16xf32, #tpu.memory_space<vmem>>, vector<1x16xf32>,
      %swap3A_924 = vector.shape_cast %swap3A_923 : vector<1x16xf32> to vector<16xf32>
      %swap3A_925 = vector.shape_cast %get3A_920 : vector<16xf32> to vector<1x16xf32>
      tpu.vector_store %arg8[%swap3A_921, %swap3A_922], %swap3A_925 {strides = array<i32>} : memref<800x16xf32, #tpu.memory_space<vmem>>, vector<1x16xf32>,
      %scan3A_926 = arith.constant 3 : i32
      %scan3A_927 = arith.addi %scan3A_896, %scan3A_926 : i32
      %get3A_928 = arith.index_cast %scan3A_927 : i32 to index
      %get3A_929 = arith.constant 0 : index
      %get3A_930 = tpu.vector_load %arg7[%get3A_928, %get3A_929] {strides = array<i32>} : memref<800x16xf32, #tpu.memory_space<vmem>>, vector<1x16xf32>,
      %get3A_931 = vector.shape_cast %get3A_930 : vector<1x16xf32> to vector<16xf32>
      %swap3A_932 = arith.index_cast %scan3A_927 : i32 to index
      %swap3A_933 = arith.constant 0 : index
      %swap3A_934 = tpu.vector_load %arg8[%swap3A_932, %swap3A_933] {strides = array<i32>} : memref<800x16xf32, #tpu.memory_space<vmem>>, vector<1x16xf32>,
      %swap3A_935 = vector.shape_cast %swap3A_934 : vector<1x16xf32> to vector<16xf32>
      %swap3A_936 = vector.shape_cast %get3A_931 : vector<16xf32> to vector<1x16xf32>
      tpu.vector_store %arg8[%swap3A_932, %swap3A_933], %swap3A_936 {strides = array<i32>} : memref<800x16xf32, #tpu.memory_space<vmem>>, vector<1x16xf32>,
      %scan3A_937 = arith.constant 4 : i32
      %scan3A_938 = arith.addi %scan3A_896, %scan3A_937 : i32
      %get3A_939 = arith.index_cast %scan3A_938 : i32 to index
      %get3A_940 = arith.constant 0 : index
      %get3A_941 = tpu.vector_load %arg7[%get3A_939, %get3A_940] {strides = array<i32>} : memref<800x16xf32, #tpu.memory_space<vmem>>, vector<1x16xf32>,
      %get3A_942 = vector.shape_cast %get3A_941 : vector<1x16xf32> to vector<16xf32>
      %swap3A_943 = arith.index_cast %scan3A_938 : i32 to index
      %swap3A_944 = arith.constant 0 : index
      %swap3A_945 = tpu.vector_load %arg8[%swap3A_943, %swap3A_944] {strides = array<i32>} : memref<800x16xf32, #tpu.memory_space<vmem>>, vector<1x16xf32>,
      %swap3A_946 = vector.shape_cast %swap3A_945 : vector<1x16xf32> to vector<16xf32>
      %swap3A_947 = vector.shape_cast %get3A_942 : vector<16xf32> to vector<1x16xf32>
      tpu.vector_store %arg8[%swap3A_943, %swap3A_944], %swap3A_947 {strides = array<i32>} : memref<800x16xf32, #tpu.memory_space<vmem>>, vector<1x16xf32>,
      %scan3A_948 = arith.constant 5 : i32
      %scan3A_949 = arith.addi %scan3A_896, %scan3A_948 : i32
      %get3A_950 = arith.index_cast %scan3A_949 : i32 to index
      %get3A_951 = arith.constant 0 : index
      %get3A_952 = tpu.vector_load %arg7[%get3A_950, %get3A_951] {strides = array<i32>} : memref<800x16xf32, #tpu.memory_space<vmem>>, vector<1x16xf32>,
      %get3A_953 = vector.shape_cast %get3A_952 : vector<1x16xf32> to vector<16xf32>
      %swap3A_954 = arith.index_cast %scan3A_949 : i32 to index
      %swap3A_955 = arith.constant 0 : index
      %swap3A_956 = tpu.vector_load %arg8[%swap3A_954, %swap3A_955] {strides = array<i32>} : memref<800x16xf32, #tpu.memory_space<vmem>>, vector<1x16xf32>,
      %swap3A_957 = vector.shape_cast %swap3A_956 : vector<1x16xf32> to vector<16xf32>
      %swap3A_958 = vector.shape_cast %get3A_953 : vector<16xf32> to vector<1x16xf32>
      tpu.vector_store %arg8[%swap3A_954, %swap3A_955], %swap3A_958 {strides = array<i32>} : memref<800x16xf32, #tpu.memory_space<vmem>>, vector<1x16xf32>,
      %scan3A_959 = arith.constant 6 : i32
      %scan3A_960 = arith.addi %scan3A_896, %scan3A_959 : i32
      %get3A_961 = arith.index_cast %scan3A_960 : i32 to index
      %get3A_962 = arith.constant 0 : index
      %get3A_963 = tpu.vector_load %arg7[%get3A_961, %get3A_962] {strides = array<i32>} : memref<800x16xf32, #tpu.memory_space<vmem>>, vector<1x16xf32>,
      %get3A_964 = vector.shape_cast %get3A_963 : vector<1x16xf32> to vector<16xf32>
      %swap3A_965 = arith.index_cast %scan3A_960 : i32 to index
      %swap3A_966 = arith.constant 0 : index
      %swap3A_967 = tpu.vector_load %arg8[%swap3A_965, %swap3A_966] {strides = array<i32>} : memref<800x16xf32, #tpu.memory_space<vmem>>, vector<1x16xf32>,
      %swap3A_968 = vector.shape_cast %swap3A_967 : vector<1x16xf32> to vector<16xf32>
      %swap3A_969 = vector.shape_cast %get3A_964 : vector<16xf32> to vector<1x16xf32>
      tpu.vector_store %arg8[%swap3A_965, %swap3A_966], %swap3A_969 {strides = array<i32>} : memref<800x16xf32, #tpu.memory_space<vmem>>, vector<1x16xf32>,
      %scan3A_970 = arith.constant 7 : i32
      %scan3A_971 = arith.addi %scan3A_896, %scan3A_970 : i32
      %get3A_972 = arith.index_cast %scan3A_971 : i32 to index
      %get3A_973 = arith.constant 0 : index
      %get3A_974 = tpu.vector_load %arg7[%get3A_972, %get3A_973] {strides = array<i32>} : memref<800x16xf32, #tpu.memory_space<vmem>>, vector<1x16xf32>,
      %get3A_975 = vector.shape_cast %get3A_974 : vector<1x16xf32> to vector<16xf32>
      %swap3A_976 = arith.index_cast %scan3A_971 : i32 to index
      %swap3A_977 = arith.constant 0 : index
      %swap3A_978 = tpu.vector_load %arg8[%swap3A_976, %swap3A_977] {strides = array<i32>} : memref<800x16xf32, #tpu.memory_space<vmem>>, vector<1x16xf32>,
      %swap3A_979 = vector.shape_cast %swap3A_978 : vector<1x16xf32> to vector<16xf32>
      %swap3A_980 = vector.shape_cast %get3A_975 : vector<16xf32> to vector<1x16xf32>
      tpu.vector_store %arg8[%swap3A_976, %swap3A_977], %swap3A_980 {strides = array<i32>} : memref<800x16xf32, #tpu.memory_space<vmem>>, vector<1x16xf32>,
    }
    %scan3A_223 = arith.constant 800 : i32
    %dma_start3A_224 = arith.constant 7200 : i32
    %dma_start3A_225 = tpu.memref_slice %arg6[%dma_start3A_224] : memref<25600xi32, #tpu.memory_space<vmem>> -> memref<800xi32, #tpu.memory_space<vmem>>
    %dma_start3A_226 = arith.constant 0 : i32
    %dma_start3A_227 = arith.constant 0 : i32
    %dma_start3A_228 = tpu.memref_slice %arg3[%dma_start3A_226, %dma_start3A_227] : memref<100000x16xf32, #tpu.memory_space<hbm>> -> memref<100000x16xf32, #tpu.memory_space<hbm>>
    tpu.enqueue_indirect_dma source(%dma_start3A_228 : memref<100000x16xf32, #tpu.memory_space<hbm>>) target(%arg8 : memref<800x16xf32, #tpu.memory_space<vmem>>) offsets(%dma_start3A_225 : memref<800xi32, #tpu.memory_space<vmem>>) semaphore(%arg11 : memref<!tpu.dma_semaphore, #tpu.memory_space<semaphore_mem>>) {add = true}
    %dma_wait3A_229 = arith.constant 5600 : i32
    %dma_wait3A_230 = tpu.memref_slice %arg6[%dma_wait3A_229] : memref<25600xi32, #tpu.memory_space<vmem>> -> memref<800xi32, #tpu.memory_space<vmem>>
    %dma_wait3A_231 = arith.constant 0 : i32
    %dma_wait3A_232 = arith.constant 0 : i32
    %dma_wait3A_233 = tpu.memref_slice %arg3[%dma_wait3A_231, %dma_wait3A_232] : memref<100000x16xf32, #tpu.memory_space<hbm>> -> memref<100000x16xf32, #tpu.memory_space<hbm>>
    tpu.wait_indirect_dma semaphore(%arg12 : memref<!tpu.dma_semaphore, #tpu.memory_space<semaphore_mem>>) src(%dma_wait3A_233 : memref<100000x16xf32, #tpu.memory_space<hbm>>) dst(%arg9 : memref<800x16xf32, #tpu.memory_space<vmem>>)
    %add3A_234 = arith.constant 5600 : i32
    %add3A_235 = arith.addi %mul3A_2, %add3A_234 : i32
    %dma_start3A_236 = arith.constant 0 : i32
    %dma_start3A_237 = tpu.memref_slice %arg5[%add3A_235, %dma_start3A_236] : memref<819200x16xf32, #tpu.memory_space<hbm>> -> memref<800x16xf32, #tpu.memory_space<hbm>>
    %dma_start3A_238 = arith.constant 0 : i32
    %dma_start3A_239 = tpu.memref_slice %arg5[%add3A_235, %dma_start3A_238] : memref<819200x16xf32, #tpu.memory_space<hbm>> -> memref<800x16xf32, #tpu.memory_space<hbm>>
    tpu.enqueue_dma source(%arg9 : memref<800x16xf32, #tpu.memory_space<vmem>>) target(%dma_start3A_239 : memref<800x16xf32, #tpu.memory_space<hbm>>) target_semaphore(%arg15 : memref<!tpu.dma_semaphore, #tpu.memory_space<semaphore_mem>>)
    %add3A_240 = arith.constant 5600 : i32
    %add3A_241 = arith.addi %mul3A_2, %add3A_240 : i32
    %dma_wait3A_242 = arith.constant 0 : i32
    %dma_wait3A_243 = tpu.memref_slice %arg5[%add3A_241, %dma_wait3A_242] : memref<819200x16xf32, #tpu.memory_space<hbm>> -> memref<800x16xf32, #tpu.memory_space<hbm>>
    %dma_wait3A_244 = arith.constant 0 : i32
    %dma_wait3A_245 = tpu.memref_slice %arg5[%add3A_241, %dma_wait3A_244] : memref<819200x16xf32, #tpu.memory_space<hbm>> -> memref<800x16xf32, #tpu.memory_space<hbm>>
    tpu.wait_dma2 semaphore(%arg15 : memref<!tpu.dma_semaphore, #tpu.memory_space<semaphore_mem>>) src(%arg9 : memref<800x16xf32, #tpu.memory_space<vmem>>) dst(%dma_wait3A_245 : memref<800x16xf32, #tpu.memory_space<hbm>>)
    %scan3A_246 = arith.constant 0 : i32
    %scan3A_247 = arith.constant 0 : i32
    %scan3A_248 = arith.constant 800 : i32
    %scan3A_249 = arith.addi %scan3A_247, %scan3A_248 : i32
    %scan3A_250 = arith.constant 8 : i32
    scf.for %scan3A_896 = %scan3A_247 to %scan3A_249 step %scan3A_250  : i32 {
      %get3A = arith.index_cast %scan3A_896 : i32 to index
      %get3A_897 = arith.constant 0 : index
      %get3A_898 = tpu.vector_load %arg7[%get3A, %get3A_897] {strides = array<i32>} : memref<800x16xf32, #tpu.memory_space<vmem>>, vector<1x16xf32>,
      %get3A_899 = vector.shape_cast %get3A_898 : vector<1x16xf32> to vector<16xf32>
      %swap3A = arith.index_cast %scan3A_896 : i32 to index
      %swap3A_900 = arith.constant 0 : index
      %swap3A_901 = tpu.vector_load %arg9[%swap3A, %swap3A_900] {strides = array<i32>} : memref<800x16xf32, #tpu.memory_space<vmem>>, vector<1x16xf32>,
      %swap3A_902 = vector.shape_cast %swap3A_901 : vector<1x16xf32> to vector<16xf32>
      %swap3A_903 = vector.shape_cast %get3A_899 : vector<16xf32> to vector<1x16xf32>
      tpu.vector_store %arg9[%swap3A, %swap3A_900], %swap3A_903 {strides = array<i32>} : memref<800x16xf32, #tpu.memory_space<vmem>>, vector<1x16xf32>,
      %scan3A_904 = arith.constant 1 : i32
      %scan3A_905 = arith.addi %scan3A_896, %scan3A_904 : i32
      %get3A_906 = arith.index_cast %scan3A_905 : i32 to index
      %get3A_907 = arith.constant 0 : index
      %get3A_908 = tpu.vector_load %arg7[%get3A_906, %get3A_907] {strides = array<i32>} : memref<800x16xf32, #tpu.memory_space<vmem>>, vector<1x16xf32>,
      %get3A_909 = vector.shape_cast %get3A_908 : vector<1x16xf32> to vector<16xf32>
      %swap3A_910 = arith.index_cast %scan3A_905 : i32 to index
      %swap3A_911 = arith.constant 0 : index
      %swap3A_912 = tpu.vector_load %arg9[%swap3A_910, %swap3A_911] {strides = array<i32>} : memref<800x16xf32, #tpu.memory_space<vmem>>, vector<1x16xf32>,
      %swap3A_913 = vector.shape_cast %swap3A_912 : vector<1x16xf32> to vector<16xf32>
      %swap3A_914 = vector.shape_cast %get3A_909 : vector<16xf32> to vector<1x16xf32>
      tpu.vector_store %arg9[%swap3A_910, %swap3A_911], %swap3A_914 {strides = array<i32>} : memref<800x16xf32, #tpu.memory_space<vmem>>, vector<1x16xf32>,
      %scan3A_915 = arith.constant 2 : i32
      %scan3A_916 = arith.addi %scan3A_896, %scan3A_915 : i32
      %get3A_917 = arith.index_cast %scan3A_916 : i32 to index
      %get3A_918 = arith.constant 0 : index
      %get3A_919 = tpu.vector_load %arg7[%get3A_917, %get3A_918] {strides = array<i32>} : memref<800x16xf32, #tpu.memory_space<vmem>>, vector<1x16xf32>,
      %get3A_920 = vector.shape_cast %get3A_919 : vector<1x16xf32> to vector<16xf32>
      %swap3A_921 = arith.index_cast %scan3A_916 : i32 to index
      %swap3A_922 = arith.constant 0 : index
      %swap3A_923 = tpu.vector_load %arg9[%swap3A_921, %swap3A_922] {strides = array<i32>} : memref<800x16xf32, #tpu.memory_space<vmem>>, vector<1x16xf32>,
      %swap3A_924 = vector.shape_cast %swap3A_923 : vector<1x16xf32> to vector<16xf32>
      %swap3A_925 = vector.shape_cast %get3A_920 : vector<16xf32> to vector<1x16xf32>
      tpu.vector_store %arg9[%swap3A_921, %swap3A_922], %swap3A_925 {strides = array<i32>} : memref<800x16xf32, #tpu.memory_space<vmem>>, vector<1x16xf32>,
      %scan3A_926 = arith.constant 3 : i32
      %scan3A_927 = arith.addi %scan3A_896, %scan3A_926 : i32
      %get3A_928 = arith.index_cast %scan3A_927 : i32 to index
      %get3A_929 = arith.constant 0 : index
      %get3A_930 = tpu.vector_load %arg7[%get3A_928, %get3A_929] {strides = array<i32>} : memref<800x16xf32, #tpu.memory_space<vmem>>, vector<1x16xf32>,
      %get3A_931 = vector.shape_cast %get3A_930 : vector<1x16xf32> to vector<16xf32>
      %swap3A_932 = arith.index_cast %scan3A_927 : i32 to index
      %swap3A_933 = arith.constant 0 : index
      %swap3A_934 = tpu.vector_load %arg9[%swap3A_932, %swap3A_933] {strides = array<i32>} : memref<800x16xf32, #tpu.memory_space<vmem>>, vector<1x16xf32>,
      %swap3A_935 = vector.shape_cast %swap3A_934 : vector<1x16xf32> to vector<16xf32>
      %swap3A_936 = vector.shape_cast %get3A_931 : vector<16xf32> to vector<1x16xf32>
      tpu.vector_store %arg9[%swap3A_932, %swap3A_933], %swap3A_936 {strides = array<i32>} : memref<800x16xf32, #tpu.memory_space<vmem>>, vector<1x16xf32>,
      %scan3A_937 = arith.constant 4 : i32
      %scan3A_938 = arith.addi %scan3A_896, %scan3A_937 : i32
      %get3A_939 = arith.index_cast %scan3A_938 : i32 to index
      %get3A_940 = arith.constant 0 : index
      %get3A_941 = tpu.vector_load %arg7[%get3A_939, %get3A_940] {strides = array<i32>} : memref<800x16xf32, #tpu.memory_space<vmem>>, vector<1x16xf32>,
      %get3A_942 = vector.shape_cast %get3A_941 : vector<1x16xf32> to vector<16xf32>
      %swap3A_943 = arith.index_cast %scan3A_938 : i32 to index
      %swap3A_944 = arith.constant 0 : index
      %swap3A_945 = tpu.vector_load %arg9[%swap3A_943, %swap3A_944] {strides = array<i32>} : memref<800x16xf32, #tpu.memory_space<vmem>>, vector<1x16xf32>,
      %swap3A_946 = vector.shape_cast %swap3A_945 : vector<1x16xf32> to vector<16xf32>
      %swap3A_947 = vector.shape_cast %get3A_942 : vector<16xf32> to vector<1x16xf32>
      tpu.vector_store %arg9[%swap3A_943, %swap3A_944], %swap3A_947 {strides = array<i32>} : memref<800x16xf32, #tpu.memory_space<vmem>>, vector<1x16xf32>,
      %scan3A_948 = arith.constant 5 : i32
      %scan3A_949 = arith.addi %scan3A_896, %scan3A_948 : i32
      %get3A_950 = arith.index_cast %scan3A_949 : i32 to index
      %get3A_951 = arith.constant 0 : index
      %get3A_952 = tpu.vector_load %arg7[%get3A_950, %get3A_951] {strides = array<i32>} : memref<800x16xf32, #tpu.memory_space<vmem>>, vector<1x16xf32>,
      %get3A_953 = vector.shape_cast %get3A_952 : vector<1x16xf32> to vector<16xf32>
      %swap3A_954 = arith.index_cast %scan3A_949 : i32 to index
      %swap3A_955 = arith.constant 0 : index
      %swap3A_956 = tpu.vector_load %arg9[%swap3A_954, %swap3A_955] {strides = array<i32>} : memref<800x16xf32, #tpu.memory_space<vmem>>, vector<1x16xf32>,
      %swap3A_957 = vector.shape_cast %swap3A_956 : vector<1x16xf32> to vector<16xf32>
      %swap3A_958 = vector.shape_cast %get3A_953 : vector<16xf32> to vector<1x16xf32>
      tpu.vector_store %arg9[%swap3A_954, %swap3A_955], %swap3A_958 {strides = array<i32>} : memref<800x16xf32, #tpu.memory_space<vmem>>, vector<1x16xf32>,
      %scan3A_959 = arith.constant 6 : i32
      %scan3A_960 = arith.addi %scan3A_896, %scan3A_959 : i32
      %get3A_961 = arith.index_cast %scan3A_960 : i32 to index
      %get3A_962 = arith.constant 0 : index
      %get3A_963 = tpu.vector_load %arg7[%get3A_961, %get3A_962] {strides = array<i32>} : memref<800x16xf32, #tpu.memory_space<vmem>>, vector<1x16xf32>,
      %get3A_964 = vector.shape_cast %get3A_963 : vector<1x16xf32> to vector<16xf32>
      %swap3A_965 = arith.index_cast %scan3A_960 : i32 to index
      %swap3A_966 = arith.constant 0 : index
      %swap3A_967 = tpu.vector_load %arg9[%swap3A_965, %swap3A_966] {strides = array<i32>} : memref<800x16xf32, #tpu.memory_space<vmem>>, vector<1x16xf32>,
      %swap3A_968 = vector.shape_cast %swap3A_967 : vector<1x16xf32> to vector<16xf32>
      %swap3A_969 = vector.shape_cast %get3A_964 : vector<16xf32> to vector<1x16xf32>
      tpu.vector_store %arg9[%swap3A_965, %swap3A_966], %swap3A_969 {strides = array<i32>} : memref<800x16xf32, #tpu.memory_space<vmem>>, vector<1x16xf32>,
      %scan3A_970 = arith.constant 7 : i32
      %scan3A_971 = arith.addi %scan3A_896, %scan3A_970 : i32
      %get3A_972 = arith.index_cast %scan3A_971 : i32 to index
      %get3A_973 = arith.constant 0 : index
      %get3A_974 = tpu.vector_load %arg7[%get3A_972, %get3A_973] {strides = array<i32>} : memref<800x16xf32, #tpu.memory_space<vmem>>, vector<1x16xf32>,
      %get3A_975 = vector.shape_cast %get3A_974 : vector<1x16xf32> to vector<16xf32>
      %swap3A_976 = arith.index_cast %scan3A_971 : i32 to index
      %swap3A_977 = arith.constant 0 : index
      %swap3A_978 = tpu.vector_load %arg9[%swap3A_976, %swap3A_977] {strides = array<i32>} : memref<800x16xf32, #tpu.memory_space<vmem>>, vector<1x16xf32>,
      %swap3A_979 = vector.shape_cast %swap3A_978 : vector<1x16xf32> to vector<16xf32>
      %swap3A_980 = vector.shape_cast %get3A_975 : vector<16xf32> to vector<1x16xf32>
      tpu.vector_store %arg9[%swap3A_976, %swap3A_977], %swap3A_980 {strides = array<i32>} : memref<800x16xf32, #tpu.memory_space<vmem>>, vector<1x16xf32>,
    }
    %scan3A_251 = arith.constant 800 : i32
    %dma_start3A_252 = arith.constant 8000 : i32
    %dma_start3A_253 = tpu.memref_slice %arg6[%dma_start3A_252] : memref<25600xi32, #tpu.memory_space<vmem>> -> memref<800xi32, #tpu.memory_space<vmem>>
    %dma_start3A_254 = arith.constant 0 : i32
    %dma_start3A_255 = arith.constant 0 : i32
    %dma_start3A_256 = tpu.memref_slice %arg3[%dma_start3A_254, %dma_start3A_255] : memref<100000x16xf32, #tpu.memory_space<hbm>> -> memref<100000x16xf32, #tpu.memory_space<hbm>>
    tpu.enqueue_indirect_dma source(%dma_start3A_256 : memref<100000x16xf32, #tpu.memory_space<hbm>>) target(%arg9 : memref<800x16xf32, #tpu.memory_space<vmem>>) offsets(%dma_start3A_253 : memref<800xi32, #tpu.memory_space<vmem>>) semaphore(%arg12 : memref<!tpu.dma_semaphore, #tpu.memory_space<semaphore_mem>>) {add = true}
    %dma_wait3A_257 = arith.constant 6400 : i32
    %dma_wait3A_258 = tpu.memref_slice %arg6[%dma_wait3A_257] : memref<25600xi32, #tpu.memory_space<vmem>> -> memref<800xi32, #tpu.memory_space<vmem>>
    %dma_wait3A_259 = arith.constant 0 : i32
    %dma_wait3A_260 = arith.constant 0 : i32
    %dma_wait3A_261 = tpu.memref_slice %arg3[%dma_wait3A_259, %dma_wait3A_260] : memref<100000x16xf32, #tpu.memory_space<hbm>> -> memref<100000x16xf32, #tpu.memory_space<hbm>>
    tpu.wait_indirect_dma semaphore(%arg13 : memref<!tpu.dma_semaphore, #tpu.memory_space<semaphore_mem>>) src(%dma_wait3A_261 : memref<100000x16xf32, #tpu.memory_space<hbm>>) dst(%arg10 : memref<800x16xf32, #tpu.memory_space<vmem>>)
    %add3A_262 = arith.constant 6400 : i32
    %add3A_263 = arith.addi %mul3A_2, %add3A_262 : i32
    %dma_start3A_264 = arith.constant 0 : i32
    %dma_start3A_265 = tpu.memref_slice %arg5[%add3A_263, %dma_start3A_264] : memref<819200x16xf32, #tpu.memory_space<hbm>> -> memref<800x16xf32, #tpu.memory_space<hbm>>
    %dma_start3A_266 = arith.constant 0 : i32
    %dma_start3A_267 = tpu.memref_slice %arg5[%add3A_263, %dma_start3A_266] : memref<819200x16xf32, #tpu.memory_space<hbm>> -> memref<800x16xf32, #tpu.memory_space<hbm>>
    tpu.enqueue_dma source(%arg10 : memref<800x16xf32, #tpu.memory_space<vmem>>) target(%dma_start3A_267 : memref<800x16xf32, #tpu.memory_space<hbm>>) target_semaphore(%arg16 : memref<!tpu.dma_semaphore, #tpu.memory_space<semaphore_mem>>)
    %add3A_268 = arith.constant 6400 : i32
    %add3A_269 = arith.addi %mul3A_2, %add3A_268 : i32
    %dma_wait3A_270 = arith.constant 0 : i32
    %dma_wait3A_271 = tpu.memref_slice %arg5[%add3A_269, %dma_wait3A_270] : memref<819200x16xf32, #tpu.memory_space<hbm>> -> memref<800x16xf32, #tpu.memory_space<hbm>>
    %dma_wait3A_272 = arith.constant 0 : i32
    %dma_wait3A_273 = tpu.memref_slice %arg5[%add3A_269, %dma_wait3A_272] : memref<819200x16xf32, #tpu.memory_space<hbm>> -> memref<800x16xf32, #tpu.memory_space<hbm>>
    tpu.wait_dma2 semaphore(%arg16 : memref<!tpu.dma_semaphore, #tpu.memory_space<semaphore_mem>>) src(%arg10 : memref<800x16xf32, #tpu.memory_space<vmem>>) dst(%dma_wait3A_273 : memref<800x16xf32, #tpu.memory_space<hbm>>)
    %scan3A_274 = arith.constant 0 : i32
    %scan3A_275 = arith.constant 0 : i32
    %scan3A_276 = arith.constant 800 : i32
    %scan3A_277 = arith.addi %scan3A_275, %scan3A_276 : i32
    %scan3A_278 = arith.constant 8 : i32
    scf.for %scan3A_896 = %scan3A_275 to %scan3A_277 step %scan3A_278  : i32 {
      %get3A = arith.index_cast %scan3A_896 : i32 to index
      %get3A_897 = arith.constant 0 : index
      %get3A_898 = tpu.vector_load %arg7[%get3A, %get3A_897] {strides = array<i32>} : memref<800x16xf32, #tpu.memory_space<vmem>>, vector<1x16xf32>,
      %get3A_899 = vector.shape_cast %get3A_898 : vector<1x16xf32> to vector<16xf32>
      %swap3A = arith.index_cast %scan3A_896 : i32 to index
      %swap3A_900 = arith.constant 0 : index
      %swap3A_901 = tpu.vector_load %arg10[%swap3A, %swap3A_900] {strides = array<i32>} : memref<800x16xf32, #tpu.memory_space<vmem>>, vector<1x16xf32>,
      %swap3A_902 = vector.shape_cast %swap3A_901 : vector<1x16xf32> to vector<16xf32>
      %swap3A_903 = vector.shape_cast %get3A_899 : vector<16xf32> to vector<1x16xf32>
      tpu.vector_store %arg10[%swap3A, %swap3A_900], %swap3A_903 {strides = array<i32>} : memref<800x16xf32, #tpu.memory_space<vmem>>, vector<1x16xf32>,
      %scan3A_904 = arith.constant 1 : i32
      %scan3A_905 = arith.addi %scan3A_896, %scan3A_904 : i32
      %get3A_906 = arith.index_cast %scan3A_905 : i32 to index
      %get3A_907 = arith.constant 0 : index
      %get3A_908 = tpu.vector_load %arg7[%get3A_906, %get3A_907] {strides = array<i32>} : memref<800x16xf32, #tpu.memory_space<vmem>>, vector<1x16xf32>,
      %get3A_909 = vector.shape_cast %get3A_908 : vector<1x16xf32> to vector<16xf32>
      %swap3A_910 = arith.index_cast %scan3A_905 : i32 to index
      %swap3A_911 = arith.constant 0 : index
      %swap3A_912 = tpu.vector_load %arg10[%swap3A_910, %swap3A_911] {strides = array<i32>} : memref<800x16xf32, #tpu.memory_space<vmem>>, vector<1x16xf32>,
      %swap3A_913 = vector.shape_cast %swap3A_912 : vector<1x16xf32> to vector<16xf32>
      %swap3A_914 = vector.shape_cast %get3A_909 : vector<16xf32> to vector<1x16xf32>
      tpu.vector_store %arg10[%swap3A_910, %swap3A_911], %swap3A_914 {strides = array<i32>} : memref<800x16xf32, #tpu.memory_space<vmem>>, vector<1x16xf32>,
      %scan3A_915 = arith.constant 2 : i32
      %scan3A_916 = arith.addi %scan3A_896, %scan3A_915 : i32
      %get3A_917 = arith.index_cast %scan3A_916 : i32 to index
      %get3A_918 = arith.constant 0 : index
      %get3A_919 = tpu.vector_load %arg7[%get3A_917, %get3A_918] {strides = array<i32>} : memref<800x16xf32, #tpu.memory_space<vmem>>, vector<1x16xf32>,
      %get3A_920 = vector.shape_cast %get3A_919 : vector<1x16xf32> to vector<16xf32>
      %swap3A_921 = arith.index_cast %scan3A_916 : i32 to index
      %swap3A_922 = arith.constant 0 : index
      %swap3A_923 = tpu.vector_load %arg10[%swap3A_921, %swap3A_922] {strides = array<i32>} : memref<800x16xf32, #tpu.memory_space<vmem>>, vector<1x16xf32>,
      %swap3A_924 = vector.shape_cast %swap3A_923 : vector<1x16xf32> to vector<16xf32>
      %swap3A_925 = vector.shape_cast %get3A_920 : vector<16xf32> to vector<1x16xf32>
      tpu.vector_store %arg10[%swap3A_921, %swap3A_922], %swap3A_925 {strides = array<i32>} : memref<800x16xf32, #tpu.memory_space<vmem>>, vector<1x16xf32>,
      %scan3A_926 = arith.constant 3 : i32
      %scan3A_927 = arith.addi %scan3A_896, %scan3A_926 : i32
      %get3A_928 = arith.index_cast %scan3A_927 : i32 to index
      %get3A_929 = arith.constant 0 : index
      %get3A_930 = tpu.vector_load %arg7[%get3A_928, %get3A_929] {strides = array<i32>} : memref<800x16xf32, #tpu.memory_space<vmem>>, vector<1x16xf32>,
      %get3A_931 = vector.shape_cast %get3A_930 : vector<1x16xf32> to vector<16xf32>
      %swap3A_932 = arith.index_cast %scan3A_927 : i32 to index
      %swap3A_933 = arith.constant 0 : index
      %swap3A_934 = tpu.vector_load %arg10[%swap3A_932, %swap3A_933] {strides = array<i32>} : memref<800x16xf32, #tpu.memory_space<vmem>>, vector<1x16xf32>,
      %swap3A_935 = vector.shape_cast %swap3A_934 : vector<1x16xf32> to vector<16xf32>
      %swap3A_936 = vector.shape_cast %get3A_931 : vector<16xf32> to vector<1x16xf32>
      tpu.vector_store %arg10[%swap3A_932, %swap3A_933], %swap3A_936 {strides = array<i32>} : memref<800x16xf32, #tpu.memory_space<vmem>>, vector<1x16xf32>,
      %scan3A_937 = arith.constant 4 : i32
      %scan3A_938 = arith.addi %scan3A_896, %scan3A_937 : i32
      %get3A_939 = arith.index_cast %scan3A_938 : i32 to index
      %get3A_940 = arith.constant 0 : index
      %get3A_941 = tpu.vector_load %arg7[%get3A_939, %get3A_940] {strides = array<i32>} : memref<800x16xf32, #tpu.memory_space<vmem>>, vector<1x16xf32>,
      %get3A_942 = vector.shape_cast %get3A_941 : vector<1x16xf32> to vector<16xf32>
      %swap3A_943 = arith.index_cast %scan3A_938 : i32 to index
      %swap3A_944 = arith.constant 0 : index
      %swap3A_945 = tpu.vector_load %arg10[%swap3A_943, %swap3A_944] {strides = array<i32>} : memref<800x16xf32, #tpu.memory_space<vmem>>, vector<1x16xf32>,
      %swap3A_946 = vector.shape_cast %swap3A_945 : vector<1x16xf32> to vector<16xf32>
      %swap3A_947 = vector.shape_cast %get3A_942 : vector<16xf32> to vector<1x16xf32>
      tpu.vector_store %arg10[%swap3A_943, %swap3A_944], %swap3A_947 {strides = array<i32>} : memref<800x16xf32, #tpu.memory_space<vmem>>, vector<1x16xf32>,
      %scan3A_948 = arith.constant 5 : i32
      %scan3A_949 = arith.addi %scan3A_896, %scan3A_948 : i32
      %get3A_950 = arith.index_cast %scan3A_949 : i32 to index
      %get3A_951 = arith.constant 0 : index
      %get3A_952 = tpu.vector_load %arg7[%get3A_950, %get3A_951] {strides = array<i32>} : memref<800x16xf32, #tpu.memory_space<vmem>>, vector<1x16xf32>,
      %get3A_953 = vector.shape_cast %get3A_952 : vector<1x16xf32> to vector<16xf32>
      %swap3A_954 = arith.index_cast %scan3A_949 : i32 to index
      %swap3A_955 = arith.constant 0 : index
      %swap3A_956 = tpu.vector_load %arg10[%swap3A_954, %swap3A_955] {strides = array<i32>} : memref<800x16xf32, #tpu.memory_space<vmem>>, vector<1x16xf32>,
      %swap3A_957 = vector.shape_cast %swap3A_956 : vector<1x16xf32> to vector<16xf32>
      %swap3A_958 = vector.shape_cast %get3A_953 : vector<16xf32> to vector<1x16xf32>
      tpu.vector_store %arg10[%swap3A_954, %swap3A_955], %swap3A_958 {strides = array<i32>} : memref<800x16xf32, #tpu.memory_space<vmem>>, vector<1x16xf32>,
      %scan3A_959 = arith.constant 6 : i32
      %scan3A_960 = arith.addi %scan3A_896, %scan3A_959 : i32
      %get3A_961 = arith.index_cast %scan3A_960 : i32 to index
      %get3A_962 = arith.constant 0 : index
      %get3A_963 = tpu.vector_load %arg7[%get3A_961, %get3A_962] {strides = array<i32>} : memref<800x16xf32, #tpu.memory_space<vmem>>, vector<1x16xf32>,
      %get3A_964 = vector.shape_cast %get3A_963 : vector<1x16xf32> to vector<16xf32>
      %swap3A_965 = arith.index_cast %scan3A_960 : i32 to index
      %swap3A_966 = arith.constant 0 : index
      %swap3A_967 = tpu.vector_load %arg10[%swap3A_965, %swap3A_966] {strides = array<i32>} : memref<800x16xf32, #tpu.memory_space<vmem>>, vector<1x16xf32>,
      %swap3A_968 = vector.shape_cast %swap3A_967 : vector<1x16xf32> to vector<16xf32>
      %swap3A_969 = vector.shape_cast %get3A_964 : vector<16xf32> to vector<1x16xf32>
      tpu.vector_store %arg10[%swap3A_965, %swap3A_966], %swap3A_969 {strides = array<i32>} : memref<800x16xf32, #tpu.memory_space<vmem>>, vector<1x16xf32>,
      %scan3A_970 = arith.constant 7 : i32
      %scan3A_971 = arith.addi %scan3A_896, %scan3A_970 : i32
      %get3A_972 = arith.index_cast %scan3A_971 : i32 to index
      %get3A_973 = arith.constant 0 : index
      %get3A_974 = tpu.vector_load %arg7[%get3A_972, %get3A_973] {strides = array<i32>} : memref<800x16xf32, #tpu.memory_space<vmem>>, vector<1x16xf32>,
      %get3A_975 = vector.shape_cast %get3A_974 : vector<1x16xf32> to vector<16xf32>
      %swap3A_976 = arith.index_cast %scan3A_971 : i32 to index
      %swap3A_977 = arith.constant 0 : index
      %swap3A_978 = tpu.vector_load %arg10[%swap3A_976, %swap3A_977] {strides = array<i32>} : memref<800x16xf32, #tpu.memory_space<vmem>>, vector<1x16xf32>,
      %swap3A_979 = vector.shape_cast %swap3A_978 : vector<1x16xf32> to vector<16xf32>
      %swap3A_980 = vector.shape_cast %get3A_975 : vector<16xf32> to vector<1x16xf32>
      tpu.vector_store %arg10[%swap3A_976, %swap3A_977], %swap3A_980 {strides = array<i32>} : memref<800x16xf32, #tpu.memory_space<vmem>>, vector<1x16xf32>,
    }
    %scan3A_279 = arith.constant 800 : i32
    %dma_start3A_280 = arith.constant 8800 : i32
    %dma_start3A_281 = tpu.memref_slice %arg6[%dma_start3A_280] : memref<25600xi32, #tpu.memory_space<vmem>> -> memref<800xi32, #tpu.memory_space<vmem>>
    %dma_start3A_282 = arith.constant 0 : i32
    %dma_start3A_283 = arith.constant 0 : i32
    %dma_start3A_284 = tpu.memref_slice %arg3[%dma_start3A_282, %dma_start3A_283] : memref<100000x16xf32, #tpu.memory_space<hbm>> -> memref<100000x16xf32, #tpu.memory_space<hbm>>
    tpu.enqueue_indirect_dma source(%dma_start3A_284 : memref<100000x16xf32, #tpu.memory_space<hbm>>) target(%arg10 : memref<800x16xf32, #tpu.memory_space<vmem>>) offsets(%dma_start3A_281 : memref<800xi32, #tpu.memory_space<vmem>>) semaphore(%arg13 : memref<!tpu.dma_semaphore, #tpu.memory_space<semaphore_mem>>) {add = true}
    %dma_wait3A_285 = arith.constant 7200 : i32
    %dma_wait3A_286 = tpu.memref_slice %arg6[%dma_wait3A_285] : memref<25600xi32, #tpu.memory_space<vmem>> -> memref<800xi32, #tpu.memory_space<vmem>>
    %dma_wait3A_287 = arith.constant 0 : i32
    %dma_wait3A_288 = arith.constant 0 : i32
    %dma_wait3A_289 = tpu.memref_slice %arg3[%dma_wait3A_287, %dma_wait3A_288] : memref<100000x16xf32, #tpu.memory_space<hbm>> -> memref<100000x16xf32, #tpu.memory_space<hbm>>
    tpu.wait_indirect_dma semaphore(%arg11 : memref<!tpu.dma_semaphore, #tpu.memory_space<semaphore_mem>>) src(%dma_wait3A_289 : memref<100000x16xf32, #tpu.memory_space<hbm>>) dst(%arg8 : memref<800x16xf32, #tpu.memory_space<vmem>>)
    %add3A_290 = arith.constant 7200 : i32
    %add3A_291 = arith.addi %mul3A_2, %add3A_290 : i32
    %dma_start3A_292 = arith.constant 0 : i32
    %dma_start3A_293 = tpu.memref_slice %arg5[%add3A_291, %dma_start3A_292] : memref<819200x16xf32, #tpu.memory_space<hbm>> -> memref<800x16xf32, #tpu.memory_space<hbm>>
    %dma_start3A_294 = arith.constant 0 : i32
    %dma_start3A_295 = tpu.memref_slice %arg5[%add3A_291, %dma_start3A_294] : memref<819200x16xf32, #tpu.memory_space<hbm>> -> memref<800x16xf32, #tpu.memory_space<hbm>>
    tpu.enqueue_dma source(%arg8 : memref<800x16xf32, #tpu.memory_space<vmem>>) target(%dma_start3A_295 : memref<800x16xf32, #tpu.memory_space<hbm>>) target_semaphore(%arg14 : memref<!tpu.dma_semaphore, #tpu.memory_space<semaphore_mem>>)
    %add3A_296 = arith.constant 7200 : i32
    %add3A_297 = arith.addi %mul3A_2, %add3A_296 : i32
    %dma_wait3A_298 = arith.constant 0 : i32
    %dma_wait3A_299 = tpu.memref_slice %arg5[%add3A_297, %dma_wait3A_298] : memref<819200x16xf32, #tpu.memory_space<hbm>> -> memref<800x16xf32, #tpu.memory_space<hbm>>
    %dma_wait3A_300 = arith.constant 0 : i32
    %dma_wait3A_301 = tpu.memref_slice %arg5[%add3A_297, %dma_wait3A_300] : memref<819200x16xf32, #tpu.memory_space<hbm>> -> memref<800x16xf32, #tpu.memory_space<hbm>>
    tpu.wait_dma2 semaphore(%arg14 : memref<!tpu.dma_semaphore, #tpu.memory_space<semaphore_mem>>) src(%arg8 : memref<800x16xf32, #tpu.memory_space<vmem>>) dst(%dma_wait3A_301 : memref<800x16xf32, #tpu.memory_space<hbm>>)
    %scan3A_302 = arith.constant 0 : i32
    %scan3A_303 = arith.constant 0 : i32
    %scan3A_304 = arith.constant 800 : i32
    %scan3A_305 = arith.addi %scan3A_303, %scan3A_304 : i32
    %scan3A_306 = arith.constant 8 : i32
    scf.for %scan3A_896 = %scan3A_303 to %scan3A_305 step %scan3A_306  : i32 {
      %get3A = arith.index_cast %scan3A_896 : i32 to index
      %get3A_897 = arith.constant 0 : index
      %get3A_898 = tpu.vector_load %arg7[%get3A, %get3A_897] {strides = array<i32>} : memref<800x16xf32, #tpu.memory_space<vmem>>, vector<1x16xf32>,
      %get3A_899 = vector.shape_cast %get3A_898 : vector<1x16xf32> to vector<16xf32>
      %swap3A = arith.index_cast %scan3A_896 : i32 to index
      %swap3A_900 = arith.constant 0 : index
      %swap3A_901 = tpu.vector_load %arg8[%swap3A, %swap3A_900] {strides = array<i32>} : memref<800x16xf32, #tpu.memory_space<vmem>>, vector<1x16xf32>,
      %swap3A_902 = vector.shape_cast %swap3A_901 : vector<1x16xf32> to vector<16xf32>
      %swap3A_903 = vector.shape_cast %get3A_899 : vector<16xf32> to vector<1x16xf32>
      tpu.vector_store %arg8[%swap3A, %swap3A_900], %swap3A_903 {strides = array<i32>} : memref<800x16xf32, #tpu.memory_space<vmem>>, vector<1x16xf32>,
      %scan3A_904 = arith.constant 1 : i32
      %scan3A_905 = arith.addi %scan3A_896, %scan3A_904 : i32
      %get3A_906 = arith.index_cast %scan3A_905 : i32 to index
      %get3A_907 = arith.constant 0 : index
      %get3A_908 = tpu.vector_load %arg7[%get3A_906, %get3A_907] {strides = array<i32>} : memref<800x16xf32, #tpu.memory_space<vmem>>, vector<1x16xf32>,
      %get3A_909 = vector.shape_cast %get3A_908 : vector<1x16xf32> to vector<16xf32>
      %swap3A_910 = arith.index_cast %scan3A_905 : i32 to index
      %swap3A_911 = arith.constant 0 : index
      %swap3A_912 = tpu.vector_load %arg8[%swap3A_910, %swap3A_911] {strides = array<i32>} : memref<800x16xf32, #tpu.memory_space<vmem>>, vector<1x16xf32>,
      %swap3A_913 = vector.shape_cast %swap3A_912 : vector<1x16xf32> to vector<16xf32>
      %swap3A_914 = vector.shape_cast %get3A_909 : vector<16xf32> to vector<1x16xf32>
      tpu.vector_store %arg8[%swap3A_910, %swap3A_911], %swap3A_914 {strides = array<i32>} : memref<800x16xf32, #tpu.memory_space<vmem>>, vector<1x16xf32>,
      %scan3A_915 = arith.constant 2 : i32
      %scan3A_916 = arith.addi %scan3A_896, %scan3A_915 : i32
      %get3A_917 = arith.index_cast %scan3A_916 : i32 to index
      %get3A_918 = arith.constant 0 : index
      %get3A_919 = tpu.vector_load %arg7[%get3A_917, %get3A_918] {strides = array<i32>} : memref<800x16xf32, #tpu.memory_space<vmem>>, vector<1x16xf32>,
      %get3A_920 = vector.shape_cast %get3A_919 : vector<1x16xf32> to vector<16xf32>
      %swap3A_921 = arith.index_cast %scan3A_916 : i32 to index
      %swap3A_922 = arith.constant 0 : index
      %swap3A_923 = tpu.vector_load %arg8[%swap3A_921, %swap3A_922] {strides = array<i32>} : memref<800x16xf32, #tpu.memory_space<vmem>>, vector<1x16xf32>,
      %swap3A_924 = vector.shape_cast %swap3A_923 : vector<1x16xf32> to vector<16xf32>
      %swap3A_925 = vector.shape_cast %get3A_920 : vector<16xf32> to vector<1x16xf32>
      tpu.vector_store %arg8[%swap3A_921, %swap3A_922], %swap3A_925 {strides = array<i32>} : memref<800x16xf32, #tpu.memory_space<vmem>>, vector<1x16xf32>,
      %scan3A_926 = arith.constant 3 : i32
      %scan3A_927 = arith.addi %scan3A_896, %scan3A_926 : i32
      %get3A_928 = arith.index_cast %scan3A_927 : i32 to index
      %get3A_929 = arith.constant 0 : index
      %get3A_930 = tpu.vector_load %arg7[%get3A_928, %get3A_929] {strides = array<i32>} : memref<800x16xf32, #tpu.memory_space<vmem>>, vector<1x16xf32>,
      %get3A_931 = vector.shape_cast %get3A_930 : vector<1x16xf32> to vector<16xf32>
      %swap3A_932 = arith.index_cast %scan3A_927 : i32 to index
      %swap3A_933 = arith.constant 0 : index
      %swap3A_934 = tpu.vector_load %arg8[%swap3A_932, %swap3A_933] {strides = array<i32>} : memref<800x16xf32, #tpu.memory_space<vmem>>, vector<1x16xf32>,
      %swap3A_935 = vector.shape_cast %swap3A_934 : vector<1x16xf32> to vector<16xf32>
      %swap3A_936 = vector.shape_cast %get3A_931 : vector<16xf32> to vector<1x16xf32>
      tpu.vector_store %arg8[%swap3A_932, %swap3A_933], %swap3A_936 {strides = array<i32>} : memref<800x16xf32, #tpu.memory_space<vmem>>, vector<1x16xf32>,
      %scan3A_937 = arith.constant 4 : i32
      %scan3A_938 = arith.addi %scan3A_896, %scan3A_937 : i32
      %get3A_939 = arith.index_cast %scan3A_938 : i32 to index
      %get3A_940 = arith.constant 0 : index
      %get3A_941 = tpu.vector_load %arg7[%get3A_939, %get3A_940] {strides = array<i32>} : memref<800x16xf32, #tpu.memory_space<vmem>>, vector<1x16xf32>,
      %get3A_942 = vector.shape_cast %get3A_941 : vector<1x16xf32> to vector<16xf32>
      %swap3A_943 = arith.index_cast %scan3A_938 : i32 to index
      %swap3A_944 = arith.constant 0 : index
      %swap3A_945 = tpu.vector_load %arg8[%swap3A_943, %swap3A_944] {strides = array<i32>} : memref<800x16xf32, #tpu.memory_space<vmem>>, vector<1x16xf32>,
      %swap3A_946 = vector.shape_cast %swap3A_945 : vector<1x16xf32> to vector<16xf32>
      %swap3A_947 = vector.shape_cast %get3A_942 : vector<16xf32> to vector<1x16xf32>
      tpu.vector_store %arg8[%swap3A_943, %swap3A_944], %swap3A_947 {strides = array<i32>} : memref<800x16xf32, #tpu.memory_space<vmem>>, vector<1x16xf32>,
      %scan3A_948 = arith.constant 5 : i32
      %scan3A_949 = arith.addi %scan3A_896, %scan3A_948 : i32
      %get3A_950 = arith.index_cast %scan3A_949 : i32 to index
      %get3A_951 = arith.constant 0 : index
      %get3A_952 = tpu.vector_load %arg7[%get3A_950, %get3A_951] {strides = array<i32>} : memref<800x16xf32, #tpu.memory_space<vmem>>, vector<1x16xf32>,
      %get3A_953 = vector.shape_cast %get3A_952 : vector<1x16xf32> to vector<16xf32>
      %swap3A_954 = arith.index_cast %scan3A_949 : i32 to index
      %swap3A_955 = arith.constant 0 : index
      %swap3A_956 = tpu.vector_load %arg8[%swap3A_954, %swap3A_955] {strides = array<i32>} : memref<800x16xf32, #tpu.memory_space<vmem>>, vector<1x16xf32>,
      %swap3A_957 = vector.shape_cast %swap3A_956 : vector<1x16xf32> to vector<16xf32>
      %swap3A_958 = vector.shape_cast %get3A_953 : vector<16xf32> to vector<1x16xf32>
      tpu.vector_store %arg8[%swap3A_954, %swap3A_955], %swap3A_958 {strides = array<i32>} : memref<800x16xf32, #tpu.memory_space<vmem>>, vector<1x16xf32>,
      %scan3A_959 = arith.constant 6 : i32
      %scan3A_960 = arith.addi %scan3A_896, %scan3A_959 : i32
      %get3A_961 = arith.index_cast %scan3A_960 : i32 to index
      %get3A_962 = arith.constant 0 : index
      %get3A_963 = tpu.vector_load %arg7[%get3A_961, %get3A_962] {strides = array<i32>} : memref<800x16xf32, #tpu.memory_space<vmem>>, vector<1x16xf32>,
      %get3A_964 = vector.shape_cast %get3A_963 : vector<1x16xf32> to vector<16xf32>
      %swap3A_965 = arith.index_cast %scan3A_960 : i32 to index
      %swap3A_966 = arith.constant 0 : index
      %swap3A_967 = tpu.vector_load %arg8[%swap3A_965, %swap3A_966] {strides = array<i32>} : memref<800x16xf32, #tpu.memory_space<vmem>>, vector<1x16xf32>,
      %swap3A_968 = vector.shape_cast %swap3A_967 : vector<1x16xf32> to vector<16xf32>
      %swap3A_969 = vector.shape_cast %get3A_964 : vector<16xf32> to vector<1x16xf32>
      tpu.vector_store %arg8[%swap3A_965, %swap3A_966], %swap3A_969 {strides = array<i32>} : memref<800x16xf32, #tpu.memory_space<vmem>>, vector<1x16xf32>,
      %scan3A_970 = arith.constant 7 : i32
      %scan3A_971 = arith.addi %scan3A_896, %scan3A_970 : i32
      %get3A_972 = arith.index_cast %scan3A_971 : i32 to index
      %get3A_973 = arith.constant 0 : index
      %get3A_974 = tpu.vector_load %arg7[%get3A_972, %get3A_973] {strides = array<i32>} : memref<800x16xf32, #tpu.memory_space<vmem>>, vector<1x16xf32>,
      %get3A_975 = vector.shape_cast %get3A_974 : vector<1x16xf32> to vector<16xf32>
      %swap3A_976 = arith.index_cast %scan3A_971 : i32 to index
      %swap3A_977 = arith.constant 0 : index
      %swap3A_978 = tpu.vector_load %arg8[%swap3A_976, %swap3A_977] {strides = array<i32>} : memref<800x16xf32, #tpu.memory_space<vmem>>, vector<1x16xf32>,
      %swap3A_979 = vector.shape_cast %swap3A_978 : vector<1x16xf32> to vector<16xf32>
      %swap3A_980 = vector.shape_cast %get3A_975 : vector<16xf32> to vector<1x16xf32>
      tpu.vector_store %arg8[%swap3A_976, %swap3A_977], %swap3A_980 {strides = array<i32>} : memref<800x16xf32, #tpu.memory_space<vmem>>, vector<1x16xf32>,
    }
    %scan3A_307 = arith.constant 800 : i32
    %dma_start3A_308 = arith.constant 9600 : i32
    %dma_start3A_309 = tpu.memref_slice %arg6[%dma_start3A_308] : memref<25600xi32, #tpu.memory_space<vmem>> -> memref<800xi32, #tpu.memory_space<vmem>>
    %dma_start3A_310 = arith.constant 0 : i32
    %dma_start3A_311 = arith.constant 0 : i32
    %dma_start3A_312 = tpu.memref_slice %arg3[%dma_start3A_310, %dma_start3A_311] : memref<100000x16xf32, #tpu.memory_space<hbm>> -> memref<100000x16xf32, #tpu.memory_space<hbm>>
    tpu.enqueue_indirect_dma source(%dma_start3A_312 : memref<100000x16xf32, #tpu.memory_space<hbm>>) target(%arg8 : memref<800x16xf32, #tpu.memory_space<vmem>>) offsets(%dma_start3A_309 : memref<800xi32, #tpu.memory_space<vmem>>) semaphore(%arg11 : memref<!tpu.dma_semaphore, #tpu.memory_space<semaphore_mem>>) {add = true}
    %dma_wait3A_313 = arith.constant 8000 : i32
    %dma_wait3A_314 = tpu.memref_slice %arg6[%dma_wait3A_313] : memref<25600xi32, #tpu.memory_space<vmem>> -> memref<800xi32, #tpu.memory_space<vmem>>
    %dma_wait3A_315 = arith.constant 0 : i32
    %dma_wait3A_316 = arith.constant 0 : i32
    %dma_wait3A_317 = tpu.memref_slice %arg3[%dma_wait3A_315, %dma_wait3A_316] : memref<100000x16xf32, #tpu.memory_space<hbm>> -> memref<100000x16xf32, #tpu.memory_space<hbm>>
    tpu.wait_indirect_dma semaphore(%arg12 : memref<!tpu.dma_semaphore, #tpu.memory_space<semaphore_mem>>) src(%dma_wait3A_317 : memref<100000x16xf32, #tpu.memory_space<hbm>>) dst(%arg9 : memref<800x16xf32, #tpu.memory_space<vmem>>)
    %add3A_318 = arith.constant 8000 : i32
    %add3A_319 = arith.addi %mul3A_2, %add3A_318 : i32
    %dma_start3A_320 = arith.constant 0 : i32
    %dma_start3A_321 = tpu.memref_slice %arg5[%add3A_319, %dma_start3A_320] : memref<819200x16xf32, #tpu.memory_space<hbm>> -> memref<800x16xf32, #tpu.memory_space<hbm>>
    %dma_start3A_322 = arith.constant 0 : i32
    %dma_start3A_323 = tpu.memref_slice %arg5[%add3A_319, %dma_start3A_322] : memref<819200x16xf32, #tpu.memory_space<hbm>> -> memref<800x16xf32, #tpu.memory_space<hbm>>
    tpu.enqueue_dma source(%arg9 : memref<800x16xf32, #tpu.memory_space<vmem>>) target(%dma_start3A_323 : memref<800x16xf32, #tpu.memory_space<hbm>>) target_semaphore(%arg15 : memref<!tpu.dma_semaphore, #tpu.memory_space<semaphore_mem>>)
    %add3A_324 = arith.constant 8000 : i32
    %add3A_325 = arith.addi %mul3A_2, %add3A_324 : i32
    %dma_wait3A_326 = arith.constant 0 : i32
    %dma_wait3A_327 = tpu.memref_slice %arg5[%add3A_325, %dma_wait3A_326] : memref<819200x16xf32, #tpu.memory_space<hbm>> -> memref<800x16xf32, #tpu.memory_space<hbm>>
    %dma_wait3A_328 = arith.constant 0 : i32
    %dma_wait3A_329 = tpu.memref_slice %arg5[%add3A_325, %dma_wait3A_328] : memref<819200x16xf32, #tpu.memory_space<hbm>> -> memref<800x16xf32, #tpu.memory_space<hbm>>
    tpu.wait_dma2 semaphore(%arg15 : memref<!tpu.dma_semaphore, #tpu.memory_space<semaphore_mem>>) src(%arg9 : memref<800x16xf32, #tpu.memory_space<vmem>>) dst(%dma_wait3A_329 : memref<800x16xf32, #tpu.memory_space<hbm>>)
    %scan3A_330 = arith.constant 0 : i32
    %scan3A_331 = arith.constant 0 : i32
    %scan3A_332 = arith.constant 800 : i32
    %scan3A_333 = arith.addi %scan3A_331, %scan3A_332 : i32
    %scan3A_334 = arith.constant 8 : i32
    scf.for %scan3A_896 = %scan3A_331 to %scan3A_333 step %scan3A_334  : i32 {
      %get3A = arith.index_cast %scan3A_896 : i32 to index
      %get3A_897 = arith.constant 0 : index
      %get3A_898 = tpu.vector_load %arg7[%get3A, %get3A_897] {strides = array<i32>} : memref<800x16xf32, #tpu.memory_space<vmem>>, vector<1x16xf32>,
      %get3A_899 = vector.shape_cast %get3A_898 : vector<1x16xf32> to vector<16xf32>
      %swap3A = arith.index_cast %scan3A_896 : i32 to index
      %swap3A_900 = arith.constant 0 : index
      %swap3A_901 = tpu.vector_load %arg9[%swap3A, %swap3A_900] {strides = array<i32>} : memref<800x16xf32, #tpu.memory_space<vmem>>, vector<1x16xf32>,
      %swap3A_902 = vector.shape_cast %swap3A_901 : vector<1x16xf32> to vector<16xf32>
      %swap3A_903 = vector.shape_cast %get3A_899 : vector<16xf32> to vector<1x16xf32>
      tpu.vector_store %arg9[%swap3A, %swap3A_900], %swap3A_903 {strides = array<i32>} : memref<800x16xf32, #tpu.memory_space<vmem>>, vector<1x16xf32>,
      %scan3A_904 = arith.constant 1 : i32
      %scan3A_905 = arith.addi %scan3A_896, %scan3A_904 : i32
      %get3A_906 = arith.index_cast %scan3A_905 : i32 to index
      %get3A_907 = arith.constant 0 : index
      %get3A_908 = tpu.vector_load %arg7[%get3A_906, %get3A_907] {strides = array<i32>} : memref<800x16xf32, #tpu.memory_space<vmem>>, vector<1x16xf32>,
      %get3A_909 = vector.shape_cast %get3A_908 : vector<1x16xf32> to vector<16xf32>
      %swap3A_910 = arith.index_cast %scan3A_905 : i32 to index
      %swap3A_911 = arith.constant 0 : index
      %swap3A_912 = tpu.vector_load %arg9[%swap3A_910, %swap3A_911] {strides = array<i32>} : memref<800x16xf32, #tpu.memory_space<vmem>>, vector<1x16xf32>,
      %swap3A_913 = vector.shape_cast %swap3A_912 : vector<1x16xf32> to vector<16xf32>
      %swap3A_914 = vector.shape_cast %get3A_909 : vector<16xf32> to vector<1x16xf32>
      tpu.vector_store %arg9[%swap3A_910, %swap3A_911], %swap3A_914 {strides = array<i32>} : memref<800x16xf32, #tpu.memory_space<vmem>>, vector<1x16xf32>,
      %scan3A_915 = arith.constant 2 : i32
      %scan3A_916 = arith.addi %scan3A_896, %scan3A_915 : i32
      %get3A_917 = arith.index_cast %scan3A_916 : i32 to index
      %get3A_918 = arith.constant 0 : index
      %get3A_919 = tpu.vector_load %arg7[%get3A_917, %get3A_918] {strides = array<i32>} : memref<800x16xf32, #tpu.memory_space<vmem>>, vector<1x16xf32>,
      %get3A_920 = vector.shape_cast %get3A_919 : vector<1x16xf32> to vector<16xf32>
      %swap3A_921 = arith.index_cast %scan3A_916 : i32 to index
      %swap3A_922 = arith.constant 0 : index
      %swap3A_923 = tpu.vector_load %arg9[%swap3A_921, %swap3A_922] {strides = array<i32>} : memref<800x16xf32, #tpu.memory_space<vmem>>, vector<1x16xf32>,
      %swap3A_924 = vector.shape_cast %swap3A_923 : vector<1x16xf32> to vector<16xf32>
      %swap3A_925 = vector.shape_cast %get3A_920 : vector<16xf32> to vector<1x16xf32>
      tpu.vector_store %arg9[%swap3A_921, %swap3A_922], %swap3A_925 {strides = array<i32>} : memref<800x16xf32, #tpu.memory_space<vmem>>, vector<1x16xf32>,
      %scan3A_926 = arith.constant 3 : i32
      %scan3A_927 = arith.addi %scan3A_896, %scan3A_926 : i32
      %get3A_928 = arith.index_cast %scan3A_927 : i32 to index
      %get3A_929 = arith.constant 0 : index
      %get3A_930 = tpu.vector_load %arg7[%get3A_928, %get3A_929] {strides = array<i32>} : memref<800x16xf32, #tpu.memory_space<vmem>>, vector<1x16xf32>,
      %get3A_931 = vector.shape_cast %get3A_930 : vector<1x16xf32> to vector<16xf32>
      %swap3A_932 = arith.index_cast %scan3A_927 : i32 to index
      %swap3A_933 = arith.constant 0 : index
      %swap3A_934 = tpu.vector_load %arg9[%swap3A_932, %swap3A_933] {strides = array<i32>} : memref<800x16xf32, #tpu.memory_space<vmem>>, vector<1x16xf32>,
      %swap3A_935 = vector.shape_cast %swap3A_934 : vector<1x16xf32> to vector<16xf32>
      %swap3A_936 = vector.shape_cast %get3A_931 : vector<16xf32> to vector<1x16xf32>
      tpu.vector_store %arg9[%swap3A_932, %swap3A_933], %swap3A_936 {strides = array<i32>} : memref<800x16xf32, #tpu.memory_space<vmem>>, vector<1x16xf32>,
      %scan3A_937 = arith.constant 4 : i32
      %scan3A_938 = arith.addi %scan3A_896, %scan3A_937 : i32
      %get3A_939 = arith.index_cast %scan3A_938 : i32 to index
      %get3A_940 = arith.constant 0 : index
      %get3A_941 = tpu.vector_load %arg7[%get3A_939, %get3A_940] {strides = array<i32>} : memref<800x16xf32, #tpu.memory_space<vmem>>, vector<1x16xf32>,
      %get3A_942 = vector.shape_cast %get3A_941 : vector<1x16xf32> to vector<16xf32>
      %swap3A_943 = arith.index_cast %scan3A_938 : i32 to index
      %swap3A_944 = arith.constant 0 : index
      %swap3A_945 = tpu.vector_load %arg9[%swap3A_943, %swap3A_944] {strides = array<i32>} : memref<800x16xf32, #tpu.memory_space<vmem>>, vector<1x16xf32>,
      %swap3A_946 = vector.shape_cast %swap3A_945 : vector<1x16xf32> to vector<16xf32>
      %swap3A_947 = vector.shape_cast %get3A_942 : vector<16xf32> to vector<1x16xf32>
      tpu.vector_store %arg9[%swap3A_943, %swap3A_944], %swap3A_947 {strides = array<i32>} : memref<800x16xf32, #tpu.memory_space<vmem>>, vector<1x16xf32>,
      %scan3A_948 = arith.constant 5 : i32
      %scan3A_949 = arith.addi %scan3A_896, %scan3A_948 : i32
      %get3A_950 = arith.index_cast %scan3A_949 : i32 to index
      %get3A_951 = arith.constant 0 : index
      %get3A_952 = tpu.vector_load %arg7[%get3A_950, %get3A_951] {strides = array<i32>} : memref<800x16xf32, #tpu.memory_space<vmem>>, vector<1x16xf32>,
      %get3A_953 = vector.shape_cast %get3A_952 : vector<1x16xf32> to vector<16xf32>
      %swap3A_954 = arith.index_cast %scan3A_949 : i32 to index
      %swap3A_955 = arith.constant 0 : index
      %swap3A_956 = tpu.vector_load %arg9[%swap3A_954, %swap3A_955] {strides = array<i32>} : memref<800x16xf32, #tpu.memory_space<vmem>>, vector<1x16xf32>,
      %swap3A_957 = vector.shape_cast %swap3A_956 : vector<1x16xf32> to vector<16xf32>
      %swap3A_958 = vector.shape_cast %get3A_953 : vector<16xf32> to vector<1x16xf32>
      tpu.vector_store %arg9[%swap3A_954, %swap3A_955], %swap3A_958 {strides = array<i32>} : memref<800x16xf32, #tpu.memory_space<vmem>>, vector<1x16xf32>,
      %scan3A_959 = arith.constant 6 : i32
      %scan3A_960 = arith.addi %scan3A_896, %scan3A_959 : i32
      %get3A_961 = arith.index_cast %scan3A_960 : i32 to index
      %get3A_962 = arith.constant 0 : index
      %get3A_963 = tpu.vector_load %arg7[%get3A_961, %get3A_962] {strides = array<i32>} : memref<800x16xf32, #tpu.memory_space<vmem>>, vector<1x16xf32>,
      %get3A_964 = vector.shape_cast %get3A_963 : vector<1x16xf32> to vector<16xf32>
      %swap3A_965 = arith.index_cast %scan3A_960 : i32 to index
      %swap3A_966 = arith.constant 0 : index
      %swap3A_967 = tpu.vector_load %arg9[%swap3A_965, %swap3A_966] {strides = array<i32>} : memref<800x16xf32, #tpu.memory_space<vmem>>, vector<1x16xf32>,
      %swap3A_968 = vector.shape_cast %swap3A_967 : vector<1x16xf32> to vector<16xf32>
      %swap3A_969 = vector.shape_cast %get3A_964 : vector<16xf32> to vector<1x16xf32>
      tpu.vector_store %arg9[%swap3A_965, %swap3A_966], %swap3A_969 {strides = array<i32>} : memref<800x16xf32, #tpu.memory_space<vmem>>, vector<1x16xf32>,
      %scan3A_970 = arith.constant 7 : i32
      %scan3A_971 = arith.addi %scan3A_896, %scan3A_970 : i32
      %get3A_972 = arith.index_cast %scan3A_971 : i32 to index
      %get3A_973 = arith.constant 0 : index
      %get3A_974 = tpu.vector_load %arg7[%get3A_972, %get3A_973] {strides = array<i32>} : memref<800x16xf32, #tpu.memory_space<vmem>>, vector<1x16xf32>,
      %get3A_975 = vector.shape_cast %get3A_974 : vector<1x16xf32> to vector<16xf32>
      %swap3A_976 = arith.index_cast %scan3A_971 : i32 to index
      %swap3A_977 = arith.constant 0 : index
      %swap3A_978 = tpu.vector_load %arg9[%swap3A_976, %swap3A_977] {strides = array<i32>} : memref<800x16xf32, #tpu.memory_space<vmem>>, vector<1x16xf32>,
      %swap3A_979 = vector.shape_cast %swap3A_978 : vector<1x16xf32> to vector<16xf32>
      %swap3A_980 = vector.shape_cast %get3A_975 : vector<16xf32> to vector<1x16xf32>
      tpu.vector_store %arg9[%swap3A_976, %swap3A_977], %swap3A_980 {strides = array<i32>} : memref<800x16xf32, #tpu.memory_space<vmem>>, vector<1x16xf32>,
    }
    %scan3A_335 = arith.constant 800 : i32
    %dma_start3A_336 = arith.constant 10400 : i32
    %dma_start3A_337 = tpu.memref_slice %arg6[%dma_start3A_336] : memref<25600xi32, #tpu.memory_space<vmem>> -> memref<800xi32, #tpu.memory_space<vmem>>
    %dma_start3A_338 = arith.constant 0 : i32
    %dma_start3A_339 = arith.constant 0 : i32
    %dma_start3A_340 = tpu.memref_slice %arg3[%dma_start3A_338, %dma_start3A_339] : memref<100000x16xf32, #tpu.memory_space<hbm>> -> memref<100000x16xf32, #tpu.memory_space<hbm>>
    tpu.enqueue_indirect_dma source(%dma_start3A_340 : memref<100000x16xf32, #tpu.memory_space<hbm>>) target(%arg9 : memref<800x16xf32, #tpu.memory_space<vmem>>) offsets(%dma_start3A_337 : memref<800xi32, #tpu.memory_space<vmem>>) semaphore(%arg12 : memref<!tpu.dma_semaphore, #tpu.memory_space<semaphore_mem>>) {add = true}
    %dma_wait3A_341 = arith.constant 8800 : i32
    %dma_wait3A_342 = tpu.memref_slice %arg6[%dma_wait3A_341] : memref<25600xi32, #tpu.memory_space<vmem>> -> memref<800xi32, #tpu.memory_space<vmem>>
    %dma_wait3A_343 = arith.constant 0 : i32
    %dma_wait3A_344 = arith.constant 0 : i32
    %dma_wait3A_345 = tpu.memref_slice %arg3[%dma_wait3A_343, %dma_wait3A_344] : memref<100000x16xf32, #tpu.memory_space<hbm>> -> memref<100000x16xf32, #tpu.memory_space<hbm>>
    tpu.wait_indirect_dma semaphore(%arg13 : memref<!tpu.dma_semaphore, #tpu.memory_space<semaphore_mem>>) src(%dma_wait3A_345 : memref<100000x16xf32, #tpu.memory_space<hbm>>) dst(%arg10 : memref<800x16xf32, #tpu.memory_space<vmem>>)
    %add3A_346 = arith.constant 8800 : i32
    %add3A_347 = arith.addi %mul3A_2, %add3A_346 : i32
    %dma_start3A_348 = arith.constant 0 : i32
    %dma_start3A_349 = tpu.memref_slice %arg5[%add3A_347, %dma_start3A_348] : memref<819200x16xf32, #tpu.memory_space<hbm>> -> memref<800x16xf32, #tpu.memory_space<hbm>>
    %dma_start3A_350 = arith.constant 0 : i32
    %dma_start3A_351 = tpu.memref_slice %arg5[%add3A_347, %dma_start3A_350] : memref<819200x16xf32, #tpu.memory_space<hbm>> -> memref<800x16xf32, #tpu.memory_space<hbm>>
    tpu.enqueue_dma source(%arg10 : memref<800x16xf32, #tpu.memory_space<vmem>>) target(%dma_start3A_351 : memref<800x16xf32, #tpu.memory_space<hbm>>) target_semaphore(%arg16 : memref<!tpu.dma_semaphore, #tpu.memory_space<semaphore_mem>>)
    %add3A_352 = arith.constant 8800 : i32
    %add3A_353 = arith.addi %mul3A_2, %add3A_352 : i32
    %dma_wait3A_354 = arith.constant 0 : i32
    %dma_wait3A_355 = tpu.memref_slice %arg5[%add3A_353, %dma_wait3A_354] : memref<819200x16xf32, #tpu.memory_space<hbm>> -> memref<800x16xf32, #tpu.memory_space<hbm>>
    %dma_wait3A_356 = arith.constant 0 : i32
    %dma_wait3A_357 = tpu.memref_slice %arg5[%add3A_353, %dma_wait3A_356] : memref<819200x16xf32, #tpu.memory_space<hbm>> -> memref<800x16xf32, #tpu.memory_space<hbm>>
    tpu.wait_dma2 semaphore(%arg16 : memref<!tpu.dma_semaphore, #tpu.memory_space<semaphore_mem>>) src(%arg10 : memref<800x16xf32, #tpu.memory_space<vmem>>) dst(%dma_wait3A_357 : memref<800x16xf32, #tpu.memory_space<hbm>>)
    %scan3A_358 = arith.constant 0 : i32
    %scan3A_359 = arith.constant 0 : i32
    %scan3A_360 = arith.constant 800 : i32
    %scan3A_361 = arith.addi %scan3A_359, %scan3A_360 : i32
    %scan3A_362 = arith.constant 8 : i32
    scf.for %scan3A_896 = %scan3A_359 to %scan3A_361 step %scan3A_362  : i32 {
      %get3A = arith.index_cast %scan3A_896 : i32 to index
      %get3A_897 = arith.constant 0 : index
      %get3A_898 = tpu.vector_load %arg7[%get3A, %get3A_897] {strides = array<i32>} : memref<800x16xf32, #tpu.memory_space<vmem>>, vector<1x16xf32>,
      %get3A_899 = vector.shape_cast %get3A_898 : vector<1x16xf32> to vector<16xf32>
      %swap3A = arith.index_cast %scan3A_896 : i32 to index
      %swap3A_900 = arith.constant 0 : index
      %swap3A_901 = tpu.vector_load %arg10[%swap3A, %swap3A_900] {strides = array<i32>} : memref<800x16xf32, #tpu.memory_space<vmem>>, vector<1x16xf32>,
      %swap3A_902 = vector.shape_cast %swap3A_901 : vector<1x16xf32> to vector<16xf32>
      %swap3A_903 = vector.shape_cast %get3A_899 : vector<16xf32> to vector<1x16xf32>
      tpu.vector_store %arg10[%swap3A, %swap3A_900], %swap3A_903 {strides = array<i32>} : memref<800x16xf32, #tpu.memory_space<vmem>>, vector<1x16xf32>,
      %scan3A_904 = arith.constant 1 : i32
      %scan3A_905 = arith.addi %scan3A_896, %scan3A_904 : i32
      %get3A_906 = arith.index_cast %scan3A_905 : i32 to index
      %get3A_907 = arith.constant 0 : index
      %get3A_908 = tpu.vector_load %arg7[%get3A_906, %get3A_907] {strides = array<i32>} : memref<800x16xf32, #tpu.memory_space<vmem>>, vector<1x16xf32>,
      %get3A_909 = vector.shape_cast %get3A_908 : vector<1x16xf32> to vector<16xf32>
      %swap3A_910 = arith.index_cast %scan3A_905 : i32 to index
      %swap3A_911 = arith.constant 0 : index
      %swap3A_912 = tpu.vector_load %arg10[%swap3A_910, %swap3A_911] {strides = array<i32>} : memref<800x16xf32, #tpu.memory_space<vmem>>, vector<1x16xf32>,
      %swap3A_913 = vector.shape_cast %swap3A_912 : vector<1x16xf32> to vector<16xf32>
      %swap3A_914 = vector.shape_cast %get3A_909 : vector<16xf32> to vector<1x16xf32>
      tpu.vector_store %arg10[%swap3A_910, %swap3A_911], %swap3A_914 {strides = array<i32>} : memref<800x16xf32, #tpu.memory_space<vmem>>, vector<1x16xf32>,
      %scan3A_915 = arith.constant 2 : i32
      %scan3A_916 = arith.addi %scan3A_896, %scan3A_915 : i32
      %get3A_917 = arith.index_cast %scan3A_916 : i32 to index
      %get3A_918 = arith.constant 0 : index
      %get3A_919 = tpu.vector_load %arg7[%get3A_917, %get3A_918] {strides = array<i32>} : memref<800x16xf32, #tpu.memory_space<vmem>>, vector<1x16xf32>,
      %get3A_920 = vector.shape_cast %get3A_919 : vector<1x16xf32> to vector<16xf32>
      %swap3A_921 = arith.index_cast %scan3A_916 : i32 to index
      %swap3A_922 = arith.constant 0 : index
      %swap3A_923 = tpu.vector_load %arg10[%swap3A_921, %swap3A_922] {strides = array<i32>} : memref<800x16xf32, #tpu.memory_space<vmem>>, vector<1x16xf32>,
      %swap3A_924 = vector.shape_cast %swap3A_923 : vector<1x16xf32> to vector<16xf32>
      %swap3A_925 = vector.shape_cast %get3A_920 : vector<16xf32> to vector<1x16xf32>
      tpu.vector_store %arg10[%swap3A_921, %swap3A_922], %swap3A_925 {strides = array<i32>} : memref<800x16xf32, #tpu.memory_space<vmem>>, vector<1x16xf32>,
      %scan3A_926 = arith.constant 3 : i32
      %scan3A_927 = arith.addi %scan3A_896, %scan3A_926 : i32
      %get3A_928 = arith.index_cast %scan3A_927 : i32 to index
      %get3A_929 = arith.constant 0 : index
      %get3A_930 = tpu.vector_load %arg7[%get3A_928, %get3A_929] {strides = array<i32>} : memref<800x16xf32, #tpu.memory_space<vmem>>, vector<1x16xf32>,
      %get3A_931 = vector.shape_cast %get3A_930 : vector<1x16xf32> to vector<16xf32>
      %swap3A_932 = arith.index_cast %scan3A_927 : i32 to index
      %swap3A_933 = arith.constant 0 : index
      %swap3A_934 = tpu.vector_load %arg10[%swap3A_932, %swap3A_933] {strides = array<i32>} : memref<800x16xf32, #tpu.memory_space<vmem>>, vector<1x16xf32>,
      %swap3A_935 = vector.shape_cast %swap3A_934 : vector<1x16xf32> to vector<16xf32>
      %swap3A_936 = vector.shape_cast %get3A_931 : vector<16xf32> to vector<1x16xf32>
      tpu.vector_store %arg10[%swap3A_932, %swap3A_933], %swap3A_936 {strides = array<i32>} : memref<800x16xf32, #tpu.memory_space<vmem>>, vector<1x16xf32>,
      %scan3A_937 = arith.constant 4 : i32
      %scan3A_938 = arith.addi %scan3A_896, %scan3A_937 : i32
      %get3A_939 = arith.index_cast %scan3A_938 : i32 to index
      %get3A_940 = arith.constant 0 : index
      %get3A_941 = tpu.vector_load %arg7[%get3A_939, %get3A_940] {strides = array<i32>} : memref<800x16xf32, #tpu.memory_space<vmem>>, vector<1x16xf32>,
      %get3A_942 = vector.shape_cast %get3A_941 : vector<1x16xf32> to vector<16xf32>
      %swap3A_943 = arith.index_cast %scan3A_938 : i32 to index
      %swap3A_944 = arith.constant 0 : index
      %swap3A_945 = tpu.vector_load %arg10[%swap3A_943, %swap3A_944] {strides = array<i32>} : memref<800x16xf32, #tpu.memory_space<vmem>>, vector<1x16xf32>,
      %swap3A_946 = vector.shape_cast %swap3A_945 : vector<1x16xf32> to vector<16xf32>
      %swap3A_947 = vector.shape_cast %get3A_942 : vector<16xf32> to vector<1x16xf32>
      tpu.vector_store %arg10[%swap3A_943, %swap3A_944], %swap3A_947 {strides = array<i32>} : memref<800x16xf32, #tpu.memory_space<vmem>>, vector<1x16xf32>,
      %scan3A_948 = arith.constant 5 : i32
      %scan3A_949 = arith.addi %scan3A_896, %scan3A_948 : i32
      %get3A_950 = arith.index_cast %scan3A_949 : i32 to index
      %get3A_951 = arith.constant 0 : index
      %get3A_952 = tpu.vector_load %arg7[%get3A_950, %get3A_951] {strides = array<i32>} : memref<800x16xf32, #tpu.memory_space<vmem>>, vector<1x16xf32>,
      %get3A_953 = vector.shape_cast %get3A_952 : vector<1x16xf32> to vector<16xf32>
      %swap3A_954 = arith.index_cast %scan3A_949 : i32 to index
      %swap3A_955 = arith.constant 0 : index
      %swap3A_956 = tpu.vector_load %arg10[%swap3A_954, %swap3A_955] {strides = array<i32>} : memref<800x16xf32, #tpu.memory_space<vmem>>, vector<1x16xf32>,
      %swap3A_957 = vector.shape_cast %swap3A_956 : vector<1x16xf32> to vector<16xf32>
      %swap3A_958 = vector.shape_cast %get3A_953 : vector<16xf32> to vector<1x16xf32>
      tpu.vector_store %arg10[%swap3A_954, %swap3A_955], %swap3A_958 {strides = array<i32>} : memref<800x16xf32, #tpu.memory_space<vmem>>, vector<1x16xf32>,
      %scan3A_959 = arith.constant 6 : i32
      %scan3A_960 = arith.addi %scan3A_896, %scan3A_959 : i32
      %get3A_961 = arith.index_cast %scan3A_960 : i32 to index
      %get3A_962 = arith.constant 0 : index
      %get3A_963 = tpu.vector_load %arg7[%get3A_961, %get3A_962] {strides = array<i32>} : memref<800x16xf32, #tpu.memory_space<vmem>>, vector<1x16xf32>,
      %get3A_964 = vector.shape_cast %get3A_963 : vector<1x16xf32> to vector<16xf32>
      %swap3A_965 = arith.index_cast %scan3A_960 : i32 to index
      %swap3A_966 = arith.constant 0 : index
      %swap3A_967 = tpu.vector_load %arg10[%swap3A_965, %swap3A_966] {strides = array<i32>} : memref<800x16xf32, #tpu.memory_space<vmem>>, vector<1x16xf32>,
      %swap3A_968 = vector.shape_cast %swap3A_967 : vector<1x16xf32> to vector<16xf32>
      %swap3A_969 = vector.shape_cast %get3A_964 : vector<16xf32> to vector<1x16xf32>
      tpu.vector_store %arg10[%swap3A_965, %swap3A_966], %swap3A_969 {strides = array<i32>} : memref<800x16xf32, #tpu.memory_space<vmem>>, vector<1x16xf32>,
      %scan3A_970 = arith.constant 7 : i32
      %scan3A_971 = arith.addi %scan3A_896, %scan3A_970 : i32
      %get3A_972 = arith.index_cast %scan3A_971 : i32 to index
      %get3A_973 = arith.constant 0 : index
      %get3A_974 = tpu.vector_load %arg7[%get3A_972, %get3A_973] {strides = array<i32>} : memref<800x16xf32, #tpu.memory_space<vmem>>, vector<1x16xf32>,
      %get3A_975 = vector.shape_cast %get3A_974 : vector<1x16xf32> to vector<16xf32>
      %swap3A_976 = arith.index_cast %scan3A_971 : i32 to index
      %swap3A_977 = arith.constant 0 : index
      %swap3A_978 = tpu.vector_load %arg10[%swap3A_976, %swap3A_977] {strides = array<i32>} : memref<800x16xf32, #tpu.memory_space<vmem>>, vector<1x16xf32>,
      %swap3A_979 = vector.shape_cast %swap3A_978 : vector<1x16xf32> to vector<16xf32>
      %swap3A_980 = vector.shape_cast %get3A_975 : vector<16xf32> to vector<1x16xf32>
      tpu.vector_store %arg10[%swap3A_976, %swap3A_977], %swap3A_980 {strides = array<i32>} : memref<800x16xf32, #tpu.memory_space<vmem>>, vector<1x16xf32>,
    }
    %scan3A_363 = arith.constant 800 : i32
    %dma_start3A_364 = arith.constant 11200 : i32
    %dma_start3A_365 = tpu.memref_slice %arg6[%dma_start3A_364] : memref<25600xi32, #tpu.memory_space<vmem>> -> memref<800xi32, #tpu.memory_space<vmem>>
    %dma_start3A_366 = arith.constant 0 : i32
    %dma_start3A_367 = arith.constant 0 : i32
    %dma_start3A_368 = tpu.memref_slice %arg3[%dma_start3A_366, %dma_start3A_367] : memref<100000x16xf32, #tpu.memory_space<hbm>> -> memref<100000x16xf32, #tpu.memory_space<hbm>>
    tpu.enqueue_indirect_dma source(%dma_start3A_368 : memref<100000x16xf32, #tpu.memory_space<hbm>>) target(%arg10 : memref<800x16xf32, #tpu.memory_space<vmem>>) offsets(%dma_start3A_365 : memref<800xi32, #tpu.memory_space<vmem>>) semaphore(%arg13 : memref<!tpu.dma_semaphore, #tpu.memory_space<semaphore_mem>>) {add = true}
    %dma_wait3A_369 = arith.constant 9600 : i32
    %dma_wait3A_370 = tpu.memref_slice %arg6[%dma_wait3A_369] : memref<25600xi32, #tpu.memory_space<vmem>> -> memref<800xi32, #tpu.memory_space<vmem>>
    %dma_wait3A_371 = arith.constant 0 : i32
    %dma_wait3A_372 = arith.constant 0 : i32
    %dma_wait3A_373 = tpu.memref_slice %arg3[%dma_wait3A_371, %dma_wait3A_372] : memref<100000x16xf32, #tpu.memory_space<hbm>> -> memref<100000x16xf32, #tpu.memory_space<hbm>>
    tpu.wait_indirect_dma semaphore(%arg11 : memref<!tpu.dma_semaphore, #tpu.memory_space<semaphore_mem>>) src(%dma_wait3A_373 : memref<100000x16xf32, #tpu.memory_space<hbm>>) dst(%arg8 : memref<800x16xf32, #tpu.memory_space<vmem>>)
    %add3A_374 = arith.constant 9600 : i32
    %add3A_375 = arith.addi %mul3A_2, %add3A_374 : i32
    %dma_start3A_376 = arith.constant 0 : i32
    %dma_start3A_377 = tpu.memref_slice %arg5[%add3A_375, %dma_start3A_376] : memref<819200x16xf32, #tpu.memory_space<hbm>> -> memref<800x16xf32, #tpu.memory_space<hbm>>
    %dma_start3A_378 = arith.constant 0 : i32
    %dma_start3A_379 = tpu.memref_slice %arg5[%add3A_375, %dma_start3A_378] : memref<819200x16xf32, #tpu.memory_space<hbm>> -> memref<800x16xf32, #tpu.memory_space<hbm>>
    tpu.enqueue_dma source(%arg8 : memref<800x16xf32, #tpu.memory_space<vmem>>) target(%dma_start3A_379 : memref<800x16xf32, #tpu.memory_space<hbm>>) target_semaphore(%arg14 : memref<!tpu.dma_semaphore, #tpu.memory_space<semaphore_mem>>)
    %add3A_380 = arith.constant 9600 : i32
    %add3A_381 = arith.addi %mul3A_2, %add3A_380 : i32
    %dma_wait3A_382 = arith.constant 0 : i32
    %dma_wait3A_383 = tpu.memref_slice %arg5[%add3A_381, %dma_wait3A_382] : memref<819200x16xf32, #tpu.memory_space<hbm>> -> memref<800x16xf32, #tpu.memory_space<hbm>>
    %dma_wait3A_384 = arith.constant 0 : i32
    %dma_wait3A_385 = tpu.memref_slice %arg5[%add3A_381, %dma_wait3A_384] : memref<819200x16xf32, #tpu.memory_space<hbm>> -> memref<800x16xf32, #tpu.memory_space<hbm>>
    tpu.wait_dma2 semaphore(%arg14 : memref<!tpu.dma_semaphore, #tpu.memory_space<semaphore_mem>>) src(%arg8 : memref<800x16xf32, #tpu.memory_space<vmem>>) dst(%dma_wait3A_385 : memref<800x16xf32, #tpu.memory_space<hbm>>)
    %scan3A_386 = arith.constant 0 : i32
    %scan3A_387 = arith.constant 0 : i32
    %scan3A_388 = arith.constant 800 : i32
    %scan3A_389 = arith.addi %scan3A_387, %scan3A_388 : i32
    %scan3A_390 = arith.constant 8 : i32
    scf.for %scan3A_896 = %scan3A_387 to %scan3A_389 step %scan3A_390  : i32 {
      %get3A = arith.index_cast %scan3A_896 : i32 to index
      %get3A_897 = arith.constant 0 : index
      %get3A_898 = tpu.vector_load %arg7[%get3A, %get3A_897] {strides = array<i32>} : memref<800x16xf32, #tpu.memory_space<vmem>>, vector<1x16xf32>,
      %get3A_899 = vector.shape_cast %get3A_898 : vector<1x16xf32> to vector<16xf32>
      %swap3A = arith.index_cast %scan3A_896 : i32 to index
      %swap3A_900 = arith.constant 0 : index
      %swap3A_901 = tpu.vector_load %arg8[%swap3A, %swap3A_900] {strides = array<i32>} : memref<800x16xf32, #tpu.memory_space<vmem>>, vector<1x16xf32>,
      %swap3A_902 = vector.shape_cast %swap3A_901 : vector<1x16xf32> to vector<16xf32>
      %swap3A_903 = vector.shape_cast %get3A_899 : vector<16xf32> to vector<1x16xf32>
      tpu.vector_store %arg8[%swap3A, %swap3A_900], %swap3A_903 {strides = array<i32>} : memref<800x16xf32, #tpu.memory_space<vmem>>, vector<1x16xf32>,
      %scan3A_904 = arith.constant 1 : i32
      %scan3A_905 = arith.addi %scan3A_896, %scan3A_904 : i32
      %get3A_906 = arith.index_cast %scan3A_905 : i32 to index
      %get3A_907 = arith.constant 0 : index
      %get3A_908 = tpu.vector_load %arg7[%get3A_906, %get3A_907] {strides = array<i32>} : memref<800x16xf32, #tpu.memory_space<vmem>>, vector<1x16xf32>,
      %get3A_909 = vector.shape_cast %get3A_908 : vector<1x16xf32> to vector<16xf32>
      %swap3A_910 = arith.index_cast %scan3A_905 : i32 to index
      %swap3A_911 = arith.constant 0 : index
      %swap3A_912 = tpu.vector_load %arg8[%swap3A_910, %swap3A_911] {strides = array<i32>} : memref<800x16xf32, #tpu.memory_space<vmem>>, vector<1x16xf32>,
      %swap3A_913 = vector.shape_cast %swap3A_912 : vector<1x16xf32> to vector<16xf32>
      %swap3A_914 = vector.shape_cast %get3A_909 : vector<16xf32> to vector<1x16xf32>
      tpu.vector_store %arg8[%swap3A_910, %swap3A_911], %swap3A_914 {strides = array<i32>} : memref<800x16xf32, #tpu.memory_space<vmem>>, vector<1x16xf32>,
      %scan3A_915 = arith.constant 2 : i32
      %scan3A_916 = arith.addi %scan3A_896, %scan3A_915 : i32
      %get3A_917 = arith.index_cast %scan3A_916 : i32 to index
      %get3A_918 = arith.constant 0 : index
      %get3A_919 = tpu.vector_load %arg7[%get3A_917, %get3A_918] {strides = array<i32>} : memref<800x16xf32, #tpu.memory_space<vmem>>, vector<1x16xf32>,
      %get3A_920 = vector.shape_cast %get3A_919 : vector<1x16xf32> to vector<16xf32>
      %swap3A_921 = arith.index_cast %scan3A_916 : i32 to index
      %swap3A_922 = arith.constant 0 : index
      %swap3A_923 = tpu.vector_load %arg8[%swap3A_921, %swap3A_922] {strides = array<i32>} : memref<800x16xf32, #tpu.memory_space<vmem>>, vector<1x16xf32>,
      %swap3A_924 = vector.shape_cast %swap3A_923 : vector<1x16xf32> to vector<16xf32>
      %swap3A_925 = vector.shape_cast %get3A_920 : vector<16xf32> to vector<1x16xf32>
      tpu.vector_store %arg8[%swap3A_921, %swap3A_922], %swap3A_925 {strides = array<i32>} : memref<800x16xf32, #tpu.memory_space<vmem>>, vector<1x16xf32>,
      %scan3A_926 = arith.constant 3 : i32
      %scan3A_927 = arith.addi %scan3A_896, %scan3A_926 : i32
      %get3A_928 = arith.index_cast %scan3A_927 : i32 to index
      %get3A_929 = arith.constant 0 : index
      %get3A_930 = tpu.vector_load %arg7[%get3A_928, %get3A_929] {strides = array<i32>} : memref<800x16xf32, #tpu.memory_space<vmem>>, vector<1x16xf32>,
      %get3A_931 = vector.shape_cast %get3A_930 : vector<1x16xf32> to vector<16xf32>
      %swap3A_932 = arith.index_cast %scan3A_927 : i32 to index
      %swap3A_933 = arith.constant 0 : index
      %swap3A_934 = tpu.vector_load %arg8[%swap3A_932, %swap3A_933] {strides = array<i32>} : memref<800x16xf32, #tpu.memory_space<vmem>>, vector<1x16xf32>,
      %swap3A_935 = vector.shape_cast %swap3A_934 : vector<1x16xf32> to vector<16xf32>
      %swap3A_936 = vector.shape_cast %get3A_931 : vector<16xf32> to vector<1x16xf32>
      tpu.vector_store %arg8[%swap3A_932, %swap3A_933], %swap3A_936 {strides = array<i32>} : memref<800x16xf32, #tpu.memory_space<vmem>>, vector<1x16xf32>,
      %scan3A_937 = arith.constant 4 : i32
      %scan3A_938 = arith.addi %scan3A_896, %scan3A_937 : i32
      %get3A_939 = arith.index_cast %scan3A_938 : i32 to index
      %get3A_940 = arith.constant 0 : index
      %get3A_941 = tpu.vector_load %arg7[%get3A_939, %get3A_940] {strides = array<i32>} : memref<800x16xf32, #tpu.memory_space<vmem>>, vector<1x16xf32>,
      %get3A_942 = vector.shape_cast %get3A_941 : vector<1x16xf32> to vector<16xf32>
      %swap3A_943 = arith.index_cast %scan3A_938 : i32 to index
      %swap3A_944 = arith.constant 0 : index
      %swap3A_945 = tpu.vector_load %arg8[%swap3A_943, %swap3A_944] {strides = array<i32>} : memref<800x16xf32, #tpu.memory_space<vmem>>, vector<1x16xf32>,
      %swap3A_946 = vector.shape_cast %swap3A_945 : vector<1x16xf32> to vector<16xf32>
      %swap3A_947 = vector.shape_cast %get3A_942 : vector<16xf32> to vector<1x16xf32>
      tpu.vector_store %arg8[%swap3A_943, %swap3A_944], %swap3A_947 {strides = array<i32>} : memref<800x16xf32, #tpu.memory_space<vmem>>, vector<1x16xf32>,
      %scan3A_948 = arith.constant 5 : i32
      %scan3A_949 = arith.addi %scan3A_896, %scan3A_948 : i32
      %get3A_950 = arith.index_cast %scan3A_949 : i32 to index
      %get3A_951 = arith.constant 0 : index
      %get3A_952 = tpu.vector_load %arg7[%get3A_950, %get3A_951] {strides = array<i32>} : memref<800x16xf32, #tpu.memory_space<vmem>>, vector<1x16xf32>,
      %get3A_953 = vector.shape_cast %get3A_952 : vector<1x16xf32> to vector<16xf32>
      %swap3A_954 = arith.index_cast %scan3A_949 : i32 to index
      %swap3A_955 = arith.constant 0 : index
      %swap3A_956 = tpu.vector_load %arg8[%swap3A_954, %swap3A_955] {strides = array<i32>} : memref<800x16xf32, #tpu.memory_space<vmem>>, vector<1x16xf32>,
      %swap3A_957 = vector.shape_cast %swap3A_956 : vector<1x16xf32> to vector<16xf32>
      %swap3A_958 = vector.shape_cast %get3A_953 : vector<16xf32> to vector<1x16xf32>
      tpu.vector_store %arg8[%swap3A_954, %swap3A_955], %swap3A_958 {strides = array<i32>} : memref<800x16xf32, #tpu.memory_space<vmem>>, vector<1x16xf32>,
      %scan3A_959 = arith.constant 6 : i32
      %scan3A_960 = arith.addi %scan3A_896, %scan3A_959 : i32
      %get3A_961 = arith.index_cast %scan3A_960 : i32 to index
      %get3A_962 = arith.constant 0 : index
      %get3A_963 = tpu.vector_load %arg7[%get3A_961, %get3A_962] {strides = array<i32>} : memref<800x16xf32, #tpu.memory_space<vmem>>, vector<1x16xf32>,
      %get3A_964 = vector.shape_cast %get3A_963 : vector<1x16xf32> to vector<16xf32>
      %swap3A_965 = arith.index_cast %scan3A_960 : i32 to index
      %swap3A_966 = arith.constant 0 : index
      %swap3A_967 = tpu.vector_load %arg8[%swap3A_965, %swap3A_966] {strides = array<i32>} : memref<800x16xf32, #tpu.memory_space<vmem>>, vector<1x16xf32>,
      %swap3A_968 = vector.shape_cast %swap3A_967 : vector<1x16xf32> to vector<16xf32>
      %swap3A_969 = vector.shape_cast %get3A_964 : vector<16xf32> to vector<1x16xf32>
      tpu.vector_store %arg8[%swap3A_965, %swap3A_966], %swap3A_969 {strides = array<i32>} : memref<800x16xf32, #tpu.memory_space<vmem>>, vector<1x16xf32>,
      %scan3A_970 = arith.constant 7 : i32
      %scan3A_971 = arith.addi %scan3A_896, %scan3A_970 : i32
      %get3A_972 = arith.index_cast %scan3A_971 : i32 to index
      %get3A_973 = arith.constant 0 : index
      %get3A_974 = tpu.vector_load %arg7[%get3A_972, %get3A_973] {strides = array<i32>} : memref<800x16xf32, #tpu.memory_space<vmem>>, vector<1x16xf32>,
      %get3A_975 = vector.shape_cast %get3A_974 : vector<1x16xf32> to vector<16xf32>
      %swap3A_976 = arith.index_cast %scan3A_971 : i32 to index
      %swap3A_977 = arith.constant 0 : index
      %swap3A_978 = tpu.vector_load %arg8[%swap3A_976, %swap3A_977] {strides = array<i32>} : memref<800x16xf32, #tpu.memory_space<vmem>>, vector<1x16xf32>,
      %swap3A_979 = vector.shape_cast %swap3A_978 : vector<1x16xf32> to vector<16xf32>
      %swap3A_980 = vector.shape_cast %get3A_975 : vector<16xf32> to vector<1x16xf32>
      tpu.vector_store %arg8[%swap3A_976, %swap3A_977], %swap3A_980 {strides = array<i32>} : memref<800x16xf32, #tpu.memory_space<vmem>>, vector<1x16xf32>,
    }
    %scan3A_391 = arith.constant 800 : i32
    %dma_start3A_392 = arith.constant 12000 : i32
    %dma_start3A_393 = tpu.memref_slice %arg6[%dma_start3A_392] : memref<25600xi32, #tpu.memory_space<vmem>> -> memref<800xi32, #tpu.memory_space<vmem>>
    %dma_start3A_394 = arith.constant 0 : i32
    %dma_start3A_395 = arith.constant 0 : i32
    %dma_start3A_396 = tpu.memref_slice %arg3[%dma_start3A_394, %dma_start3A_395] : memref<100000x16xf32, #tpu.memory_space<hbm>> -> memref<100000x16xf32, #tpu.memory_space<hbm>>
    tpu.enqueue_indirect_dma source(%dma_start3A_396 : memref<100000x16xf32, #tpu.memory_space<hbm>>) target(%arg8 : memref<800x16xf32, #tpu.memory_space<vmem>>) offsets(%dma_start3A_393 : memref<800xi32, #tpu.memory_space<vmem>>) semaphore(%arg11 : memref<!tpu.dma_semaphore, #tpu.memory_space<semaphore_mem>>) {add = true}
    %dma_wait3A_397 = arith.constant 10400 : i32
    %dma_wait3A_398 = tpu.memref_slice %arg6[%dma_wait3A_397] : memref<25600xi32, #tpu.memory_space<vmem>> -> memref<800xi32, #tpu.memory_space<vmem>>
    %dma_wait3A_399 = arith.constant 0 : i32
    %dma_wait3A_400 = arith.constant 0 : i32
    %dma_wait3A_401 = tpu.memref_slice %arg3[%dma_wait3A_399, %dma_wait3A_400] : memref<100000x16xf32, #tpu.memory_space<hbm>> -> memref<100000x16xf32, #tpu.memory_space<hbm>>
    tpu.wait_indirect_dma semaphore(%arg12 : memref<!tpu.dma_semaphore, #tpu.memory_space<semaphore_mem>>) src(%dma_wait3A_401 : memref<100000x16xf32, #tpu.memory_space<hbm>>) dst(%arg9 : memref<800x16xf32, #tpu.memory_space<vmem>>)
    %add3A_402 = arith.constant 10400 : i32
    %add3A_403 = arith.addi %mul3A_2, %add3A_402 : i32
    %dma_start3A_404 = arith.constant 0 : i32
    %dma_start3A_405 = tpu.memref_slice %arg5[%add3A_403, %dma_start3A_404] : memref<819200x16xf32, #tpu.memory_space<hbm>> -> memref<800x16xf32, #tpu.memory_space<hbm>>
    %dma_start3A_406 = arith.constant 0 : i32
    %dma_start3A_407 = tpu.memref_slice %arg5[%add3A_403, %dma_start3A_406] : memref<819200x16xf32, #tpu.memory_space<hbm>> -> memref<800x16xf32, #tpu.memory_space<hbm>>
    tpu.enqueue_dma source(%arg9 : memref<800x16xf32, #tpu.memory_space<vmem>>) target(%dma_start3A_407 : memref<800x16xf32, #tpu.memory_space<hbm>>) target_semaphore(%arg15 : memref<!tpu.dma_semaphore, #tpu.memory_space<semaphore_mem>>)
    %add3A_408 = arith.constant 10400 : i32
    %add3A_409 = arith.addi %mul3A_2, %add3A_408 : i32
    %dma_wait3A_410 = arith.constant 0 : i32
    %dma_wait3A_411 = tpu.memref_slice %arg5[%add3A_409, %dma_wait3A_410] : memref<819200x16xf32, #tpu.memory_space<hbm>> -> memref<800x16xf32, #tpu.memory_space<hbm>>
    %dma_wait3A_412 = arith.constant 0 : i32
    %dma_wait3A_413 = tpu.memref_slice %arg5[%add3A_409, %dma_wait3A_412] : memref<819200x16xf32, #tpu.memory_space<hbm>> -> memref<800x16xf32, #tpu.memory_space<hbm>>
    tpu.wait_dma2 semaphore(%arg15 : memref<!tpu.dma_semaphore, #tpu.memory_space<semaphore_mem>>) src(%arg9 : memref<800x16xf32, #tpu.memory_space<vmem>>) dst(%dma_wait3A_413 : memref<800x16xf32, #tpu.memory_space<hbm>>)
    %scan3A_414 = arith.constant 0 : i32
    %scan3A_415 = arith.constant 0 : i32
    %scan3A_416 = arith.constant 800 : i32
    %scan3A_417 = arith.addi %scan3A_415, %scan3A_416 : i32
    %scan3A_418 = arith.constant 8 : i32
    scf.for %scan3A_896 = %scan3A_415 to %scan3A_417 step %scan3A_418  : i32 {
      %get3A = arith.index_cast %scan3A_896 : i32 to index
      %get3A_897 = arith.constant 0 : index
      %get3A_898 = tpu.vector_load %arg7[%get3A, %get3A_897] {strides = array<i32>} : memref<800x16xf32, #tpu.memory_space<vmem>>, vector<1x16xf32>,
      %get3A_899 = vector.shape_cast %get3A_898 : vector<1x16xf32> to vector<16xf32>
      %swap3A = arith.index_cast %scan3A_896 : i32 to index
      %swap3A_900 = arith.constant 0 : index
      %swap3A_901 = tpu.vector_load %arg9[%swap3A, %swap3A_900] {strides = array<i32>} : memref<800x16xf32, #tpu.memory_space<vmem>>, vector<1x16xf32>,
      %swap3A_902 = vector.shape_cast %swap3A_901 : vector<1x16xf32> to vector<16xf32>
      %swap3A_903 = vector.shape_cast %get3A_899 : vector<16xf32> to vector<1x16xf32>
      tpu.vector_store %arg9[%swap3A, %swap3A_900], %swap3A_903 {strides = array<i32>} : memref<800x16xf32, #tpu.memory_space<vmem>>, vector<1x16xf32>,
      %scan3A_904 = arith.constant 1 : i32
      %scan3A_905 = arith.addi %scan3A_896, %scan3A_904 : i32
      %get3A_906 = arith.index_cast %scan3A_905 : i32 to index
      %get3A_907 = arith.constant 0 : index
      %get3A_908 = tpu.vector_load %arg7[%get3A_906, %get3A_907] {strides = array<i32>} : memref<800x16xf32, #tpu.memory_space<vmem>>, vector<1x16xf32>,
      %get3A_909 = vector.shape_cast %get3A_908 : vector<1x16xf32> to vector<16xf32>
      %swap3A_910 = arith.index_cast %scan3A_905 : i32 to index
      %swap3A_911 = arith.constant 0 : index
      %swap3A_912 = tpu.vector_load %arg9[%swap3A_910, %swap3A_911] {strides = array<i32>} : memref<800x16xf32, #tpu.memory_space<vmem>>, vector<1x16xf32>,
      %swap3A_913 = vector.shape_cast %swap3A_912 : vector<1x16xf32> to vector<16xf32>
      %swap3A_914 = vector.shape_cast %get3A_909 : vector<16xf32> to vector<1x16xf32>
      tpu.vector_store %arg9[%swap3A_910, %swap3A_911], %swap3A_914 {strides = array<i32>} : memref<800x16xf32, #tpu.memory_space<vmem>>, vector<1x16xf32>,
      %scan3A_915 = arith.constant 2 : i32
      %scan3A_916 = arith.addi %scan3A_896, %scan3A_915 : i32
      %get3A_917 = arith.index_cast %scan3A_916 : i32 to index
      %get3A_918 = arith.constant 0 : index
      %get3A_919 = tpu.vector_load %arg7[%get3A_917, %get3A_918] {strides = array<i32>} : memref<800x16xf32, #tpu.memory_space<vmem>>, vector<1x16xf32>,
      %get3A_920 = vector.shape_cast %get3A_919 : vector<1x16xf32> to vector<16xf32>
      %swap3A_921 = arith.index_cast %scan3A_916 : i32 to index
      %swap3A_922 = arith.constant 0 : index
      %swap3A_923 = tpu.vector_load %arg9[%swap3A_921, %swap3A_922] {strides = array<i32>} : memref<800x16xf32, #tpu.memory_space<vmem>>, vector<1x16xf32>,
      %swap3A_924 = vector.shape_cast %swap3A_923 : vector<1x16xf32> to vector<16xf32>
      %swap3A_925 = vector.shape_cast %get3A_920 : vector<16xf32> to vector<1x16xf32>
      tpu.vector_store %arg9[%swap3A_921, %swap3A_922], %swap3A_925 {strides = array<i32>} : memref<800x16xf32, #tpu.memory_space<vmem>>, vector<1x16xf32>,
      %scan3A_926 = arith.constant 3 : i32
      %scan3A_927 = arith.addi %scan3A_896, %scan3A_926 : i32
      %get3A_928 = arith.index_cast %scan3A_927 : i32 to index
      %get3A_929 = arith.constant 0 : index
      %get3A_930 = tpu.vector_load %arg7[%get3A_928, %get3A_929] {strides = array<i32>} : memref<800x16xf32, #tpu.memory_space<vmem>>, vector<1x16xf32>,
      %get3A_931 = vector.shape_cast %get3A_930 : vector<1x16xf32> to vector<16xf32>
      %swap3A_932 = arith.index_cast %scan3A_927 : i32 to index
      %swap3A_933 = arith.constant 0 : index
      %swap3A_934 = tpu.vector_load %arg9[%swap3A_932, %swap3A_933] {strides = array<i32>} : memref<800x16xf32, #tpu.memory_space<vmem>>, vector<1x16xf32>,
      %swap3A_935 = vector.shape_cast %swap3A_934 : vector<1x16xf32> to vector<16xf32>
      %swap3A_936 = vector.shape_cast %get3A_931 : vector<16xf32> to vector<1x16xf32>
      tpu.vector_store %arg9[%swap3A_932, %swap3A_933], %swap3A_936 {strides = array<i32>} : memref<800x16xf32, #tpu.memory_space<vmem>>, vector<1x16xf32>,
      %scan3A_937 = arith.constant 4 : i32
      %scan3A_938 = arith.addi %scan3A_896, %scan3A_937 : i32
      %get3A_939 = arith.index_cast %scan3A_938 : i32 to index
      %get3A_940 = arith.constant 0 : index
      %get3A_941 = tpu.vector_load %arg7[%get3A_939, %get3A_940] {strides = array<i32>} : memref<800x16xf32, #tpu.memory_space<vmem>>, vector<1x16xf32>,
      %get3A_942 = vector.shape_cast %get3A_941 : vector<1x16xf32> to vector<16xf32>
      %swap3A_943 = arith.index_cast %scan3A_938 : i32 to index
      %swap3A_944 = arith.constant 0 : index
      %swap3A_945 = tpu.vector_load %arg9[%swap3A_943, %swap3A_944] {strides = array<i32>} : memref<800x16xf32, #tpu.memory_space<vmem>>, vector<1x16xf32>,
      %swap3A_946 = vector.shape_cast %swap3A_945 : vector<1x16xf32> to vector<16xf32>
      %swap3A_947 = vector.shape_cast %get3A_942 : vector<16xf32> to vector<1x16xf32>
      tpu.vector_store %arg9[%swap3A_943, %swap3A_944], %swap3A_947 {strides = array<i32>} : memref<800x16xf32, #tpu.memory_space<vmem>>, vector<1x16xf32>,
      %scan3A_948 = arith.constant 5 : i32
      %scan3A_949 = arith.addi %scan3A_896, %scan3A_948 : i32
      %get3A_950 = arith.index_cast %scan3A_949 : i32 to index
      %get3A_951 = arith.constant 0 : index
      %get3A_952 = tpu.vector_load %arg7[%get3A_950, %get3A_951] {strides = array<i32>} : memref<800x16xf32, #tpu.memory_space<vmem>>, vector<1x16xf32>,
      %get3A_953 = vector.shape_cast %get3A_952 : vector<1x16xf32> to vector<16xf32>
      %swap3A_954 = arith.index_cast %scan3A_949 : i32 to index
      %swap3A_955 = arith.constant 0 : index
      %swap3A_956 = tpu.vector_load %arg9[%swap3A_954, %swap3A_955] {strides = array<i32>} : memref<800x16xf32, #tpu.memory_space<vmem>>, vector<1x16xf32>,
      %swap3A_957 = vector.shape_cast %swap3A_956 : vector<1x16xf32> to vector<16xf32>
      %swap3A_958 = vector.shape_cast %get3A_953 : vector<16xf32> to vector<1x16xf32>
      tpu.vector_store %arg9[%swap3A_954, %swap3A_955], %swap3A_958 {strides = array<i32>} : memref<800x16xf32, #tpu.memory_space<vmem>>, vector<1x16xf32>,
      %scan3A_959 = arith.constant 6 : i32
      %scan3A_960 = arith.addi %scan3A_896, %scan3A_959 : i32
      %get3A_961 = arith.index_cast %scan3A_960 : i32 to index
      %get3A_962 = arith.constant 0 : index
      %get3A_963 = tpu.vector_load %arg7[%get3A_961, %get3A_962] {strides = array<i32>} : memref<800x16xf32, #tpu.memory_space<vmem>>, vector<1x16xf32>,
      %get3A_964 = vector.shape_cast %get3A_963 : vector<1x16xf32> to vector<16xf32>
      %swap3A_965 = arith.index_cast %scan3A_960 : i32 to index
      %swap3A_966 = arith.constant 0 : index
      %swap3A_967 = tpu.vector_load %arg9[%swap3A_965, %swap3A_966] {strides = array<i32>} : memref<800x16xf32, #tpu.memory_space<vmem>>, vector<1x16xf32>,
      %swap3A_968 = vector.shape_cast %swap3A_967 : vector<1x16xf32> to vector<16xf32>
      %swap3A_969 = vector.shape_cast %get3A_964 : vector<16xf32> to vector<1x16xf32>
      tpu.vector_store %arg9[%swap3A_965, %swap3A_966], %swap3A_969 {strides = array<i32>} : memref<800x16xf32, #tpu.memory_space<vmem>>, vector<1x16xf32>,
      %scan3A_970 = arith.constant 7 : i32
      %scan3A_971 = arith.addi %scan3A_896, %scan3A_970 : i32
      %get3A_972 = arith.index_cast %scan3A_971 : i32 to index
      %get3A_973 = arith.constant 0 : index
      %get3A_974 = tpu.vector_load %arg7[%get3A_972, %get3A_973] {strides = array<i32>} : memref<800x16xf32, #tpu.memory_space<vmem>>, vector<1x16xf32>,
      %get3A_975 = vector.shape_cast %get3A_974 : vector<1x16xf32> to vector<16xf32>
      %swap3A_976 = arith.index_cast %scan3A_971 : i32 to index
      %swap3A_977 = arith.constant 0 : index
      %swap3A_978 = tpu.vector_load %arg9[%swap3A_976, %swap3A_977] {strides = array<i32>} : memref<800x16xf32, #tpu.memory_space<vmem>>, vector<1x16xf32>,
      %swap3A_979 = vector.shape_cast %swap3A_978 : vector<1x16xf32> to vector<16xf32>
      %swap3A_980 = vector.shape_cast %get3A_975 : vector<16xf32> to vector<1x16xf32>
      tpu.vector_store %arg9[%swap3A_976, %swap3A_977], %swap3A_980 {strides = array<i32>} : memref<800x16xf32, #tpu.memory_space<vmem>>, vector<1x16xf32>,
    }
    %scan3A_419 = arith.constant 800 : i32
    %dma_start3A_420 = arith.constant 12800 : i32
    %dma_start3A_421 = tpu.memref_slice %arg6[%dma_start3A_420] : memref<25600xi32, #tpu.memory_space<vmem>> -> memref<800xi32, #tpu.memory_space<vmem>>
    %dma_start3A_422 = arith.constant 0 : i32
    %dma_start3A_423 = arith.constant 0 : i32
    %dma_start3A_424 = tpu.memref_slice %arg3[%dma_start3A_422, %dma_start3A_423] : memref<100000x16xf32, #tpu.memory_space<hbm>> -> memref<100000x16xf32, #tpu.memory_space<hbm>>
    tpu.enqueue_indirect_dma source(%dma_start3A_424 : memref<100000x16xf32, #tpu.memory_space<hbm>>) target(%arg9 : memref<800x16xf32, #tpu.memory_space<vmem>>) offsets(%dma_start3A_421 : memref<800xi32, #tpu.memory_space<vmem>>) semaphore(%arg12 : memref<!tpu.dma_semaphore, #tpu.memory_space<semaphore_mem>>) {add = true}
    %dma_wait3A_425 = arith.constant 11200 : i32
    %dma_wait3A_426 = tpu.memref_slice %arg6[%dma_wait3A_425] : memref<25600xi32, #tpu.memory_space<vmem>> -> memref<800xi32, #tpu.memory_space<vmem>>
    %dma_wait3A_427 = arith.constant 0 : i32
    %dma_wait3A_428 = arith.constant 0 : i32
    %dma_wait3A_429 = tpu.memref_slice %arg3[%dma_wait3A_427, %dma_wait3A_428] : memref<100000x16xf32, #tpu.memory_space<hbm>> -> memref<100000x16xf32, #tpu.memory_space<hbm>>
    tpu.wait_indirect_dma semaphore(%arg13 : memref<!tpu.dma_semaphore, #tpu.memory_space<semaphore_mem>>) src(%dma_wait3A_429 : memref<100000x16xf32, #tpu.memory_space<hbm>>) dst(%arg10 : memref<800x16xf32, #tpu.memory_space<vmem>>)
    %add3A_430 = arith.constant 11200 : i32
    %add3A_431 = arith.addi %mul3A_2, %add3A_430 : i32
    %dma_start3A_432 = arith.constant 0 : i32
    %dma_start3A_433 = tpu.memref_slice %arg5[%add3A_431, %dma_start3A_432] : memref<819200x16xf32, #tpu.memory_space<hbm>> -> memref<800x16xf32, #tpu.memory_space<hbm>>
    %dma_start3A_434 = arith.constant 0 : i32
    %dma_start3A_435 = tpu.memref_slice %arg5[%add3A_431, %dma_start3A_434] : memref<819200x16xf32, #tpu.memory_space<hbm>> -> memref<800x16xf32, #tpu.memory_space<hbm>>
    tpu.enqueue_dma source(%arg10 : memref<800x16xf32, #tpu.memory_space<vmem>>) target(%dma_start3A_435 : memref<800x16xf32, #tpu.memory_space<hbm>>) target_semaphore(%arg16 : memref<!tpu.dma_semaphore, #tpu.memory_space<semaphore_mem>>)
    %add3A_436 = arith.constant 11200 : i32
    %add3A_437 = arith.addi %mul3A_2, %add3A_436 : i32
    %dma_wait3A_438 = arith.constant 0 : i32
    %dma_wait3A_439 = tpu.memref_slice %arg5[%add3A_437, %dma_wait3A_438] : memref<819200x16xf32, #tpu.memory_space<hbm>> -> memref<800x16xf32, #tpu.memory_space<hbm>>
    %dma_wait3A_440 = arith.constant 0 : i32
    %dma_wait3A_441 = tpu.memref_slice %arg5[%add3A_437, %dma_wait3A_440] : memref<819200x16xf32, #tpu.memory_space<hbm>> -> memref<800x16xf32, #tpu.memory_space<hbm>>
    tpu.wait_dma2 semaphore(%arg16 : memref<!tpu.dma_semaphore, #tpu.memory_space<semaphore_mem>>) src(%arg10 : memref<800x16xf32, #tpu.memory_space<vmem>>) dst(%dma_wait3A_441 : memref<800x16xf32, #tpu.memory_space<hbm>>)
    %scan3A_442 = arith.constant 0 : i32
    %scan3A_443 = arith.constant 0 : i32
    %scan3A_444 = arith.constant 800 : i32
    %scan3A_445 = arith.addi %scan3A_443, %scan3A_444 : i32
    %scan3A_446 = arith.constant 8 : i32
    scf.for %scan3A_896 = %scan3A_443 to %scan3A_445 step %scan3A_446  : i32 {
      %get3A = arith.index_cast %scan3A_896 : i32 to index
      %get3A_897 = arith.constant 0 : index
      %get3A_898 = tpu.vector_load %arg7[%get3A, %get3A_897] {strides = array<i32>} : memref<800x16xf32, #tpu.memory_space<vmem>>, vector<1x16xf32>,
      %get3A_899 = vector.shape_cast %get3A_898 : vector<1x16xf32> to vector<16xf32>
      %swap3A = arith.index_cast %scan3A_896 : i32 to index
      %swap3A_900 = arith.constant 0 : index
      %swap3A_901 = tpu.vector_load %arg10[%swap3A, %swap3A_900] {strides = array<i32>} : memref<800x16xf32, #tpu.memory_space<vmem>>, vector<1x16xf32>,
      %swap3A_902 = vector.shape_cast %swap3A_901 : vector<1x16xf32> to vector<16xf32>
      %swap3A_903 = vector.shape_cast %get3A_899 : vector<16xf32> to vector<1x16xf32>
      tpu.vector_store %arg10[%swap3A, %swap3A_900], %swap3A_903 {strides = array<i32>} : memref<800x16xf32, #tpu.memory_space<vmem>>, vector<1x16xf32>,
      %scan3A_904 = arith.constant 1 : i32
      %scan3A_905 = arith.addi %scan3A_896, %scan3A_904 : i32
      %get3A_906 = arith.index_cast %scan3A_905 : i32 to index
      %get3A_907 = arith.constant 0 : index
      %get3A_908 = tpu.vector_load %arg7[%get3A_906, %get3A_907] {strides = array<i32>} : memref<800x16xf32, #tpu.memory_space<vmem>>, vector<1x16xf32>,
      %get3A_909 = vector.shape_cast %get3A_908 : vector<1x16xf32> to vector<16xf32>
      %swap3A_910 = arith.index_cast %scan3A_905 : i32 to index
      %swap3A_911 = arith.constant 0 : index
      %swap3A_912 = tpu.vector_load %arg10[%swap3A_910, %swap3A_911] {strides = array<i32>} : memref<800x16xf32, #tpu.memory_space<vmem>>, vector<1x16xf32>,
      %swap3A_913 = vector.shape_cast %swap3A_912 : vector<1x16xf32> to vector<16xf32>
      %swap3A_914 = vector.shape_cast %get3A_909 : vector<16xf32> to vector<1x16xf32>
      tpu.vector_store %arg10[%swap3A_910, %swap3A_911], %swap3A_914 {strides = array<i32>} : memref<800x16xf32, #tpu.memory_space<vmem>>, vector<1x16xf32>,
      %scan3A_915 = arith.constant 2 : i32
      %scan3A_916 = arith.addi %scan3A_896, %scan3A_915 : i32
      %get3A_917 = arith.index_cast %scan3A_916 : i32 to index
      %get3A_918 = arith.constant 0 : index
      %get3A_919 = tpu.vector_load %arg7[%get3A_917, %get3A_918] {strides = array<i32>} : memref<800x16xf32, #tpu.memory_space<vmem>>, vector<1x16xf32>,
      %get3A_920 = vector.shape_cast %get3A_919 : vector<1x16xf32> to vector<16xf32>
      %swap3A_921 = arith.index_cast %scan3A_916 : i32 to index
      %swap3A_922 = arith.constant 0 : index
      %swap3A_923 = tpu.vector_load %arg10[%swap3A_921, %swap3A_922] {strides = array<i32>} : memref<800x16xf32, #tpu.memory_space<vmem>>, vector<1x16xf32>,
      %swap3A_924 = vector.shape_cast %swap3A_923 : vector<1x16xf32> to vector<16xf32>
      %swap3A_925 = vector.shape_cast %get3A_920 : vector<16xf32> to vector<1x16xf32>
      tpu.vector_store %arg10[%swap3A_921, %swap3A_922], %swap3A_925 {strides = array<i32>} : memref<800x16xf32, #tpu.memory_space<vmem>>, vector<1x16xf32>,
      %scan3A_926 = arith.constant 3 : i32
      %scan3A_927 = arith.addi %scan3A_896, %scan3A_926 : i32
      %get3A_928 = arith.index_cast %scan3A_927 : i32 to index
      %get3A_929 = arith.constant 0 : index
      %get3A_930 = tpu.vector_load %arg7[%get3A_928, %get3A_929] {strides = array<i32>} : memref<800x16xf32, #tpu.memory_space<vmem>>, vector<1x16xf32>,
      %get3A_931 = vector.shape_cast %get3A_930 : vector<1x16xf32> to vector<16xf32>
      %swap3A_932 = arith.index_cast %scan3A_927 : i32 to index
      %swap3A_933 = arith.constant 0 : index
      %swap3A_934 = tpu.vector_load %arg10[%swap3A_932, %swap3A_933] {strides = array<i32>} : memref<800x16xf32, #tpu.memory_space<vmem>>, vector<1x16xf32>,
      %swap3A_935 = vector.shape_cast %swap3A_934 : vector<1x16xf32> to vector<16xf32>
      %swap3A_936 = vector.shape_cast %get3A_931 : vector<16xf32> to vector<1x16xf32>
      tpu.vector_store %arg10[%swap3A_932, %swap3A_933], %swap3A_936 {strides = array<i32>} : memref<800x16xf32, #tpu.memory_space<vmem>>, vector<1x16xf32>,
      %scan3A_937 = arith.constant 4 : i32
      %scan3A_938 = arith.addi %scan3A_896, %scan3A_937 : i32
      %get3A_939 = arith.index_cast %scan3A_938 : i32 to index
      %get3A_940 = arith.constant 0 : index
      %get3A_941 = tpu.vector_load %arg7[%get3A_939, %get3A_940] {strides = array<i32>} : memref<800x16xf32, #tpu.memory_space<vmem>>, vector<1x16xf32>,
      %get3A_942 = vector.shape_cast %get3A_941 : vector<1x16xf32> to vector<16xf32>
      %swap3A_943 = arith.index_cast %scan3A_938 : i32 to index
      %swap3A_944 = arith.constant 0 : index
      %swap3A_945 = tpu.vector_load %arg10[%swap3A_943, %swap3A_944] {strides = array<i32>} : memref<800x16xf32, #tpu.memory_space<vmem>>, vector<1x16xf32>,
      %swap3A_946 = vector.shape_cast %swap3A_945 : vector<1x16xf32> to vector<16xf32>
      %swap3A_947 = vector.shape_cast %get3A_942 : vector<16xf32> to vector<1x16xf32>
      tpu.vector_store %arg10[%swap3A_943, %swap3A_944], %swap3A_947 {strides = array<i32>} : memref<800x16xf32, #tpu.memory_space<vmem>>, vector<1x16xf32>,
      %scan3A_948 = arith.constant 5 : i32
      %scan3A_949 = arith.addi %scan3A_896, %scan3A_948 : i32
      %get3A_950 = arith.index_cast %scan3A_949 : i32 to index
      %get3A_951 = arith.constant 0 : index
      %get3A_952 = tpu.vector_load %arg7[%get3A_950, %get3A_951] {strides = array<i32>} : memref<800x16xf32, #tpu.memory_space<vmem>>, vector<1x16xf32>,
      %get3A_953 = vector.shape_cast %get3A_952 : vector<1x16xf32> to vector<16xf32>
      %swap3A_954 = arith.index_cast %scan3A_949 : i32 to index
      %swap3A_955 = arith.constant 0 : index
      %swap3A_956 = tpu.vector_load %arg10[%swap3A_954, %swap3A_955] {strides = array<i32>} : memref<800x16xf32, #tpu.memory_space<vmem>>, vector<1x16xf32>,
      %swap3A_957 = vector.shape_cast %swap3A_956 : vector<1x16xf32> to vector<16xf32>
      %swap3A_958 = vector.shape_cast %get3A_953 : vector<16xf32> to vector<1x16xf32>
      tpu.vector_store %arg10[%swap3A_954, %swap3A_955], %swap3A_958 {strides = array<i32>} : memref<800x16xf32, #tpu.memory_space<vmem>>, vector<1x16xf32>,
      %scan3A_959 = arith.constant 6 : i32
      %scan3A_960 = arith.addi %scan3A_896, %scan3A_959 : i32
      %get3A_961 = arith.index_cast %scan3A_960 : i32 to index
      %get3A_962 = arith.constant 0 : index
      %get3A_963 = tpu.vector_load %arg7[%get3A_961, %get3A_962] {strides = array<i32>} : memref<800x16xf32, #tpu.memory_space<vmem>>, vector<1x16xf32>,
      %get3A_964 = vector.shape_cast %get3A_963 : vector<1x16xf32> to vector<16xf32>
      %swap3A_965 = arith.index_cast %scan3A_960 : i32 to index
      %swap3A_966 = arith.constant 0 : index
      %swap3A_967 = tpu.vector_load %arg10[%swap3A_965, %swap3A_966] {strides = array<i32>} : memref<800x16xf32, #tpu.memory_space<vmem>>, vector<1x16xf32>,
      %swap3A_968 = vector.shape_cast %swap3A_967 : vector<1x16xf32> to vector<16xf32>
      %swap3A_969 = vector.shape_cast %get3A_964 : vector<16xf32> to vector<1x16xf32>
      tpu.vector_store %arg10[%swap3A_965, %swap3A_966], %swap3A_969 {strides = array<i32>} : memref<800x16xf32, #tpu.memory_space<vmem>>, vector<1x16xf32>,
      %scan3A_970 = arith.constant 7 : i32
      %scan3A_971 = arith.addi %scan3A_896, %scan3A_970 : i32
      %get3A_972 = arith.index_cast %scan3A_971 : i32 to index
      %get3A_973 = arith.constant 0 : index
      %get3A_974 = tpu.vector_load %arg7[%get3A_972, %get3A_973] {strides = array<i32>} : memref<800x16xf32, #tpu.memory_space<vmem>>, vector<1x16xf32>,
      %get3A_975 = vector.shape_cast %get3A_974 : vector<1x16xf32> to vector<16xf32>
      %swap3A_976 = arith.index_cast %scan3A_971 : i32 to index
      %swap3A_977 = arith.constant 0 : index
      %swap3A_978 = tpu.vector_load %arg10[%swap3A_976, %swap3A_977] {strides = array<i32>} : memref<800x16xf32, #tpu.memory_space<vmem>>, vector<1x16xf32>,
      %swap3A_979 = vector.shape_cast %swap3A_978 : vector<1x16xf32> to vector<16xf32>
      %swap3A_980 = vector.shape_cast %get3A_975 : vector<16xf32> to vector<1x16xf32>
      tpu.vector_store %arg10[%swap3A_976, %swap3A_977], %swap3A_980 {strides = array<i32>} : memref<800x16xf32, #tpu.memory_space<vmem>>, vector<1x16xf32>,
    }
    %scan3A_447 = arith.constant 800 : i32
    %dma_start3A_448 = arith.constant 13600 : i32
    %dma_start3A_449 = tpu.memref_slice %arg6[%dma_start3A_448] : memref<25600xi32, #tpu.memory_space<vmem>> -> memref<800xi32, #tpu.memory_space<vmem>>
    %dma_start3A_450 = arith.constant 0 : i32
    %dma_start3A_451 = arith.constant 0 : i32
    %dma_start3A_452 = tpu.memref_slice %arg3[%dma_start3A_450, %dma_start3A_451] : memref<100000x16xf32, #tpu.memory_space<hbm>> -> memref<100000x16xf32, #tpu.memory_space<hbm>>
    tpu.enqueue_indirect_dma source(%dma_start3A_452 : memref<100000x16xf32, #tpu.memory_space<hbm>>) target(%arg10 : memref<800x16xf32, #tpu.memory_space<vmem>>) offsets(%dma_start3A_449 : memref<800xi32, #tpu.memory_space<vmem>>) semaphore(%arg13 : memref<!tpu.dma_semaphore, #tpu.memory_space<semaphore_mem>>) {add = true}
    %dma_wait3A_453 = arith.constant 12000 : i32
    %dma_wait3A_454 = tpu.memref_slice %arg6[%dma_wait3A_453] : memref<25600xi32, #tpu.memory_space<vmem>> -> memref<800xi32, #tpu.memory_space<vmem>>
    %dma_wait3A_455 = arith.constant 0 : i32
    %dma_wait3A_456 = arith.constant 0 : i32
    %dma_wait3A_457 = tpu.memref_slice %arg3[%dma_wait3A_455, %dma_wait3A_456] : memref<100000x16xf32, #tpu.memory_space<hbm>> -> memref<100000x16xf32, #tpu.memory_space<hbm>>
    tpu.wait_indirect_dma semaphore(%arg11 : memref<!tpu.dma_semaphore, #tpu.memory_space<semaphore_mem>>) src(%dma_wait3A_457 : memref<100000x16xf32, #tpu.memory_space<hbm>>) dst(%arg8 : memref<800x16xf32, #tpu.memory_space<vmem>>)
    %add3A_458 = arith.constant 12000 : i32
    %add3A_459 = arith.addi %mul3A_2, %add3A_458 : i32
    %dma_start3A_460 = arith.constant 0 : i32
    %dma_start3A_461 = tpu.memref_slice %arg5[%add3A_459, %dma_start3A_460] : memref<819200x16xf32, #tpu.memory_space<hbm>> -> memref<800x16xf32, #tpu.memory_space<hbm>>
    %dma_start3A_462 = arith.constant 0 : i32
    %dma_start3A_463 = tpu.memref_slice %arg5[%add3A_459, %dma_start3A_462] : memref<819200x16xf32, #tpu.memory_space<hbm>> -> memref<800x16xf32, #tpu.memory_space<hbm>>
    tpu.enqueue_dma source(%arg8 : memref<800x16xf32, #tpu.memory_space<vmem>>) target(%dma_start3A_463 : memref<800x16xf32, #tpu.memory_space<hbm>>) target_semaphore(%arg14 : memref<!tpu.dma_semaphore, #tpu.memory_space<semaphore_mem>>)
    %add3A_464 = arith.constant 12000 : i32
    %add3A_465 = arith.addi %mul3A_2, %add3A_464 : i32
    %dma_wait3A_466 = arith.constant 0 : i32
    %dma_wait3A_467 = tpu.memref_slice %arg5[%add3A_465, %dma_wait3A_466] : memref<819200x16xf32, #tpu.memory_space<hbm>> -> memref<800x16xf32, #tpu.memory_space<hbm>>
    %dma_wait3A_468 = arith.constant 0 : i32
    %dma_wait3A_469 = tpu.memref_slice %arg5[%add3A_465, %dma_wait3A_468] : memref<819200x16xf32, #tpu.memory_space<hbm>> -> memref<800x16xf32, #tpu.memory_space<hbm>>
    tpu.wait_dma2 semaphore(%arg14 : memref<!tpu.dma_semaphore, #tpu.memory_space<semaphore_mem>>) src(%arg8 : memref<800x16xf32, #tpu.memory_space<vmem>>) dst(%dma_wait3A_469 : memref<800x16xf32, #tpu.memory_space<hbm>>)
    %scan3A_470 = arith.constant 0 : i32
    %scan3A_471 = arith.constant 0 : i32
    %scan3A_472 = arith.constant 800 : i32
    %scan3A_473 = arith.addi %scan3A_471, %scan3A_472 : i32
    %scan3A_474 = arith.constant 8 : i32
    scf.for %scan3A_896 = %scan3A_471 to %scan3A_473 step %scan3A_474  : i32 {
      %get3A = arith.index_cast %scan3A_896 : i32 to index
      %get3A_897 = arith.constant 0 : index
      %get3A_898 = tpu.vector_load %arg7[%get3A, %get3A_897] {strides = array<i32>} : memref<800x16xf32, #tpu.memory_space<vmem>>, vector<1x16xf32>,
      %get3A_899 = vector.shape_cast %get3A_898 : vector<1x16xf32> to vector<16xf32>
      %swap3A = arith.index_cast %scan3A_896 : i32 to index
      %swap3A_900 = arith.constant 0 : index
      %swap3A_901 = tpu.vector_load %arg8[%swap3A, %swap3A_900] {strides = array<i32>} : memref<800x16xf32, #tpu.memory_space<vmem>>, vector<1x16xf32>,
      %swap3A_902 = vector.shape_cast %swap3A_901 : vector<1x16xf32> to vector<16xf32>
      %swap3A_903 = vector.shape_cast %get3A_899 : vector<16xf32> to vector<1x16xf32>
      tpu.vector_store %arg8[%swap3A, %swap3A_900], %swap3A_903 {strides = array<i32>} : memref<800x16xf32, #tpu.memory_space<vmem>>, vector<1x16xf32>,
      %scan3A_904 = arith.constant 1 : i32
      %scan3A_905 = arith.addi %scan3A_896, %scan3A_904 : i32
      %get3A_906 = arith.index_cast %scan3A_905 : i32 to index
      %get3A_907 = arith.constant 0 : index
      %get3A_908 = tpu.vector_load %arg7[%get3A_906, %get3A_907] {strides = array<i32>} : memref<800x16xf32, #tpu.memory_space<vmem>>, vector<1x16xf32>,
      %get3A_909 = vector.shape_cast %get3A_908 : vector<1x16xf32> to vector<16xf32>
      %swap3A_910 = arith.index_cast %scan3A_905 : i32 to index
      %swap3A_911 = arith.constant 0 : index
      %swap3A_912 = tpu.vector_load %arg8[%swap3A_910, %swap3A_911] {strides = array<i32>} : memref<800x16xf32, #tpu.memory_space<vmem>>, vector<1x16xf32>,
      %swap3A_913 = vector.shape_cast %swap3A_912 : vector<1x16xf32> to vector<16xf32>
      %swap3A_914 = vector.shape_cast %get3A_909 : vector<16xf32> to vector<1x16xf32>
      tpu.vector_store %arg8[%swap3A_910, %swap3A_911], %swap3A_914 {strides = array<i32>} : memref<800x16xf32, #tpu.memory_space<vmem>>, vector<1x16xf32>,
      %scan3A_915 = arith.constant 2 : i32
      %scan3A_916 = arith.addi %scan3A_896, %scan3A_915 : i32
      %get3A_917 = arith.index_cast %scan3A_916 : i32 to index
      %get3A_918 = arith.constant 0 : index
      %get3A_919 = tpu.vector_load %arg7[%get3A_917, %get3A_918] {strides = array<i32>} : memref<800x16xf32, #tpu.memory_space<vmem>>, vector<1x16xf32>,
      %get3A_920 = vector.shape_cast %get3A_919 : vector<1x16xf32> to vector<16xf32>
      %swap3A_921 = arith.index_cast %scan3A_916 : i32 to index
      %swap3A_922 = arith.constant 0 : index
      %swap3A_923 = tpu.vector_load %arg8[%swap3A_921, %swap3A_922] {strides = array<i32>} : memref<800x16xf32, #tpu.memory_space<vmem>>, vector<1x16xf32>,
      %swap3A_924 = vector.shape_cast %swap3A_923 : vector<1x16xf32> to vector<16xf32>
      %swap3A_925 = vector.shape_cast %get3A_920 : vector<16xf32> to vector<1x16xf32>
      tpu.vector_store %arg8[%swap3A_921, %swap3A_922], %swap3A_925 {strides = array<i32>} : memref<800x16xf32, #tpu.memory_space<vmem>>, vector<1x16xf32>,
      %scan3A_926 = arith.constant 3 : i32
      %scan3A_927 = arith.addi %scan3A_896, %scan3A_926 : i32
      %get3A_928 = arith.index_cast %scan3A_927 : i32 to index
      %get3A_929 = arith.constant 0 : index
      %get3A_930 = tpu.vector_load %arg7[%get3A_928, %get3A_929] {strides = array<i32>} : memref<800x16xf32, #tpu.memory_space<vmem>>, vector<1x16xf32>,
      %get3A_931 = vector.shape_cast %get3A_930 : vector<1x16xf32> to vector<16xf32>
      %swap3A_932 = arith.index_cast %scan3A_927 : i32 to index
      %swap3A_933 = arith.constant 0 : index
      %swap3A_934 = tpu.vector_load %arg8[%swap3A_932, %swap3A_933] {strides = array<i32>} : memref<800x16xf32, #tpu.memory_space<vmem>>, vector<1x16xf32>,
      %swap3A_935 = vector.shape_cast %swap3A_934 : vector<1x16xf32> to vector<16xf32>
      %swap3A_936 = vector.shape_cast %get3A_931 : vector<16xf32> to vector<1x16xf32>
      tpu.vector_store %arg8[%swap3A_932, %swap3A_933], %swap3A_936 {strides = array<i32>} : memref<800x16xf32, #tpu.memory_space<vmem>>, vector<1x16xf32>,
      %scan3A_937 = arith.constant 4 : i32
      %scan3A_938 = arith.addi %scan3A_896, %scan3A_937 : i32
      %get3A_939 = arith.index_cast %scan3A_938 : i32 to index
      %get3A_940 = arith.constant 0 : index
      %get3A_941 = tpu.vector_load %arg7[%get3A_939, %get3A_940] {strides = array<i32>} : memref<800x16xf32, #tpu.memory_space<vmem>>, vector<1x16xf32>,
      %get3A_942 = vector.shape_cast %get3A_941 : vector<1x16xf32> to vector<16xf32>
      %swap3A_943 = arith.index_cast %scan3A_938 : i32 to index
      %swap3A_944 = arith.constant 0 : index
      %swap3A_945 = tpu.vector_load %arg8[%swap3A_943, %swap3A_944] {strides = array<i32>} : memref<800x16xf32, #tpu.memory_space<vmem>>, vector<1x16xf32>,
      %swap3A_946 = vector.shape_cast %swap3A_945 : vector<1x16xf32> to vector<16xf32>
      %swap3A_947 = vector.shape_cast %get3A_942 : vector<16xf32> to vector<1x16xf32>
      tpu.vector_store %arg8[%swap3A_943, %swap3A_944], %swap3A_947 {strides = array<i32>} : memref<800x16xf32, #tpu.memory_space<vmem>>, vector<1x16xf32>,
      %scan3A_948 = arith.constant 5 : i32
      %scan3A_949 = arith.addi %scan3A_896, %scan3A_948 : i32
      %get3A_950 = arith.index_cast %scan3A_949 : i32 to index
      %get3A_951 = arith.constant 0 : index
      %get3A_952 = tpu.vector_load %arg7[%get3A_950, %get3A_951] {strides = array<i32>} : memref<800x16xf32, #tpu.memory_space<vmem>>, vector<1x16xf32>,
      %get3A_953 = vector.shape_cast %get3A_952 : vector<1x16xf32> to vector<16xf32>
      %swap3A_954 = arith.index_cast %scan3A_949 : i32 to index
      %swap3A_955 = arith.constant 0 : index
      %swap3A_956 = tpu.vector_load %arg8[%swap3A_954, %swap3A_955] {strides = array<i32>} : memref<800x16xf32, #tpu.memory_space<vmem>>, vector<1x16xf32>,
      %swap3A_957 = vector.shape_cast %swap3A_956 : vector<1x16xf32> to vector<16xf32>
      %swap3A_958 = vector.shape_cast %get3A_953 : vector<16xf32> to vector<1x16xf32>
      tpu.vector_store %arg8[%swap3A_954, %swap3A_955], %swap3A_958 {strides = array<i32>} : memref<800x16xf32, #tpu.memory_space<vmem>>, vector<1x16xf32>,
      %scan3A_959 = arith.constant 6 : i32
      %scan3A_960 = arith.addi %scan3A_896, %scan3A_959 : i32
      %get3A_961 = arith.index_cast %scan3A_960 : i32 to index
      %get3A_962 = arith.constant 0 : index
      %get3A_963 = tpu.vector_load %arg7[%get3A_961, %get3A_962] {strides = array<i32>} : memref<800x16xf32, #tpu.memory_space<vmem>>, vector<1x16xf32>,
      %get3A_964 = vector.shape_cast %get3A_963 : vector<1x16xf32> to vector<16xf32>
      %swap3A_965 = arith.index_cast %scan3A_960 : i32 to index
      %swap3A_966 = arith.constant 0 : index
      %swap3A_967 = tpu.vector_load %arg8[%swap3A_965, %swap3A_966] {strides = array<i32>} : memref<800x16xf32, #tpu.memory_space<vmem>>, vector<1x16xf32>,
      %swap3A_968 = vector.shape_cast %swap3A_967 : vector<1x16xf32> to vector<16xf32>
      %swap3A_969 = vector.shape_cast %get3A_964 : vector<16xf32> to vector<1x16xf32>
      tpu.vector_store %arg8[%swap3A_965, %swap3A_966], %swap3A_969 {strides = array<i32>} : memref<800x16xf32, #tpu.memory_space<vmem>>, vector<1x16xf32>,
      %scan3A_970 = arith.constant 7 : i32
      %scan3A_971 = arith.addi %scan3A_896, %scan3A_970 : i32
      %get3A_972 = arith.index_cast %scan3A_971 : i32 to index
      %get3A_973 = arith.constant 0 : index
      %get3A_974 = tpu.vector_load %arg7[%get3A_972, %get3A_973] {strides = array<i32>} : memref<800x16xf32, #tpu.memory_space<vmem>>, vector<1x16xf32>,
      %get3A_975 = vector.shape_cast %get3A_974 : vector<1x16xf32> to vector<16xf32>
      %swap3A_976 = arith.index_cast %scan3A_971 : i32 to index
      %swap3A_977 = arith.constant 0 : index
      %swap3A_978 = tpu.vector_load %arg8[%swap3A_976, %swap3A_977] {strides = array<i32>} : memref<800x16xf32, #tpu.memory_space<vmem>>, vector<1x16xf32>,
      %swap3A_979 = vector.shape_cast %swap3A_978 : vector<1x16xf32> to vector<16xf32>
      %swap3A_980 = vector.shape_cast %get3A_975 : vector<16xf32> to vector<1x16xf32>
      tpu.vector_store %arg8[%swap3A_976, %swap3A_977], %swap3A_980 {strides = array<i32>} : memref<800x16xf32, #tpu.memory_space<vmem>>, vector<1x16xf32>,
    }
    %scan3A_475 = arith.constant 800 : i32
    %dma_start3A_476 = arith.constant 14400 : i32
    %dma_start3A_477 = tpu.memref_slice %arg6[%dma_start3A_476] : memref<25600xi32, #tpu.memory_space<vmem>> -> memref<800xi32, #tpu.memory_space<vmem>>
    %dma_start3A_478 = arith.constant 0 : i32
    %dma_start3A_479 = arith.constant 0 : i32
    %dma_start3A_480 = tpu.memref_slice %arg3[%dma_start3A_478, %dma_start3A_479] : memref<100000x16xf32, #tpu.memory_space<hbm>> -> memref<100000x16xf32, #tpu.memory_space<hbm>>
    tpu.enqueue_indirect_dma source(%dma_start3A_480 : memref<100000x16xf32, #tpu.memory_space<hbm>>) target(%arg8 : memref<800x16xf32, #tpu.memory_space<vmem>>) offsets(%dma_start3A_477 : memref<800xi32, #tpu.memory_space<vmem>>) semaphore(%arg11 : memref<!tpu.dma_semaphore, #tpu.memory_space<semaphore_mem>>) {add = true}
    %dma_wait3A_481 = arith.constant 12800 : i32
    %dma_wait3A_482 = tpu.memref_slice %arg6[%dma_wait3A_481] : memref<25600xi32, #tpu.memory_space<vmem>> -> memref<800xi32, #tpu.memory_space<vmem>>
    %dma_wait3A_483 = arith.constant 0 : i32
    %dma_wait3A_484 = arith.constant 0 : i32
    %dma_wait3A_485 = tpu.memref_slice %arg3[%dma_wait3A_483, %dma_wait3A_484] : memref<100000x16xf32, #tpu.memory_space<hbm>> -> memref<100000x16xf32, #tpu.memory_space<hbm>>
    tpu.wait_indirect_dma semaphore(%arg12 : memref<!tpu.dma_semaphore, #tpu.memory_space<semaphore_mem>>) src(%dma_wait3A_485 : memref<100000x16xf32, #tpu.memory_space<hbm>>) dst(%arg9 : memref<800x16xf32, #tpu.memory_space<vmem>>)
    %add3A_486 = arith.constant 12800 : i32
    %add3A_487 = arith.addi %mul3A_2, %add3A_486 : i32
    %dma_start3A_488 = arith.constant 0 : i32
    %dma_start3A_489 = tpu.memref_slice %arg5[%add3A_487, %dma_start3A_488] : memref<819200x16xf32, #tpu.memory_space<hbm>> -> memref<800x16xf32, #tpu.memory_space<hbm>>
    %dma_start3A_490 = arith.constant 0 : i32
    %dma_start3A_491 = tpu.memref_slice %arg5[%add3A_487, %dma_start3A_490] : memref<819200x16xf32, #tpu.memory_space<hbm>> -> memref<800x16xf32, #tpu.memory_space<hbm>>
    tpu.enqueue_dma source(%arg9 : memref<800x16xf32, #tpu.memory_space<vmem>>) target(%dma_start3A_491 : memref<800x16xf32, #tpu.memory_space<hbm>>) target_semaphore(%arg15 : memref<!tpu.dma_semaphore, #tpu.memory_space<semaphore_mem>>)
    %add3A_492 = arith.constant 12800 : i32
    %add3A_493 = arith.addi %mul3A_2, %add3A_492 : i32
    %dma_wait3A_494 = arith.constant 0 : i32
    %dma_wait3A_495 = tpu.memref_slice %arg5[%add3A_493, %dma_wait3A_494] : memref<819200x16xf32, #tpu.memory_space<hbm>> -> memref<800x16xf32, #tpu.memory_space<hbm>>
    %dma_wait3A_496 = arith.constant 0 : i32
    %dma_wait3A_497 = tpu.memref_slice %arg5[%add3A_493, %dma_wait3A_496] : memref<819200x16xf32, #tpu.memory_space<hbm>> -> memref<800x16xf32, #tpu.memory_space<hbm>>
    tpu.wait_dma2 semaphore(%arg15 : memref<!tpu.dma_semaphore, #tpu.memory_space<semaphore_mem>>) src(%arg9 : memref<800x16xf32, #tpu.memory_space<vmem>>) dst(%dma_wait3A_497 : memref<800x16xf32, #tpu.memory_space<hbm>>)
    %scan3A_498 = arith.constant 0 : i32
    %scan3A_499 = arith.constant 0 : i32
    %scan3A_500 = arith.constant 800 : i32
    %scan3A_501 = arith.addi %scan3A_499, %scan3A_500 : i32
    %scan3A_502 = arith.constant 8 : i32
    scf.for %scan3A_896 = %scan3A_499 to %scan3A_501 step %scan3A_502  : i32 {
      %get3A = arith.index_cast %scan3A_896 : i32 to index
      %get3A_897 = arith.constant 0 : index
      %get3A_898 = tpu.vector_load %arg7[%get3A, %get3A_897] {strides = array<i32>} : memref<800x16xf32, #tpu.memory_space<vmem>>, vector<1x16xf32>,
      %get3A_899 = vector.shape_cast %get3A_898 : vector<1x16xf32> to vector<16xf32>
      %swap3A = arith.index_cast %scan3A_896 : i32 to index
      %swap3A_900 = arith.constant 0 : index
      %swap3A_901 = tpu.vector_load %arg9[%swap3A, %swap3A_900] {strides = array<i32>} : memref<800x16xf32, #tpu.memory_space<vmem>>, vector<1x16xf32>,
      %swap3A_902 = vector.shape_cast %swap3A_901 : vector<1x16xf32> to vector<16xf32>
      %swap3A_903 = vector.shape_cast %get3A_899 : vector<16xf32> to vector<1x16xf32>
      tpu.vector_store %arg9[%swap3A, %swap3A_900], %swap3A_903 {strides = array<i32>} : memref<800x16xf32, #tpu.memory_space<vmem>>, vector<1x16xf32>,
      %scan3A_904 = arith.constant 1 : i32
      %scan3A_905 = arith.addi %scan3A_896, %scan3A_904 : i32
      %get3A_906 = arith.index_cast %scan3A_905 : i32 to index
      %get3A_907 = arith.constant 0 : index
      %get3A_908 = tpu.vector_load %arg7[%get3A_906, %get3A_907] {strides = array<i32>} : memref<800x16xf32, #tpu.memory_space<vmem>>, vector<1x16xf32>,
      %get3A_909 = vector.shape_cast %get3A_908 : vector<1x16xf32> to vector<16xf32>
      %swap3A_910 = arith.index_cast %scan3A_905 : i32 to index
      %swap3A_911 = arith.constant 0 : index
      %swap3A_912 = tpu.vector_load %arg9[%swap3A_910, %swap3A_911] {strides = array<i32>} : memref<800x16xf32, #tpu.memory_space<vmem>>, vector<1x16xf32>,
      %swap3A_913 = vector.shape_cast %swap3A_912 : vector<1x16xf32> to vector<16xf32>
      %swap3A_914 = vector.shape_cast %get3A_909 : vector<16xf32> to vector<1x16xf32>
      tpu.vector_store %arg9[%swap3A_910, %swap3A_911], %swap3A_914 {strides = array<i32>} : memref<800x16xf32, #tpu.memory_space<vmem>>, vector<1x16xf32>,
      %scan3A_915 = arith.constant 2 : i32
      %scan3A_916 = arith.addi %scan3A_896, %scan3A_915 : i32
      %get3A_917 = arith.index_cast %scan3A_916 : i32 to index
      %get3A_918 = arith.constant 0 : index
      %get3A_919 = tpu.vector_load %arg7[%get3A_917, %get3A_918] {strides = array<i32>} : memref<800x16xf32, #tpu.memory_space<vmem>>, vector<1x16xf32>,
      %get3A_920 = vector.shape_cast %get3A_919 : vector<1x16xf32> to vector<16xf32>
      %swap3A_921 = arith.index_cast %scan3A_916 : i32 to index
      %swap3A_922 = arith.constant 0 : index
      %swap3A_923 = tpu.vector_load %arg9[%swap3A_921, %swap3A_922] {strides = array<i32>} : memref<800x16xf32, #tpu.memory_space<vmem>>, vector<1x16xf32>,
      %swap3A_924 = vector.shape_cast %swap3A_923 : vector<1x16xf32> to vector<16xf32>
      %swap3A_925 = vector.shape_cast %get3A_920 : vector<16xf32> to vector<1x16xf32>
      tpu.vector_store %arg9[%swap3A_921, %swap3A_922], %swap3A_925 {strides = array<i32>} : memref<800x16xf32, #tpu.memory_space<vmem>>, vector<1x16xf32>,
      %scan3A_926 = arith.constant 3 : i32
      %scan3A_927 = arith.addi %scan3A_896, %scan3A_926 : i32
      %get3A_928 = arith.index_cast %scan3A_927 : i32 to index
      %get3A_929 = arith.constant 0 : index
      %get3A_930 = tpu.vector_load %arg7[%get3A_928, %get3A_929] {strides = array<i32>} : memref<800x16xf32, #tpu.memory_space<vmem>>, vector<1x16xf32>,
      %get3A_931 = vector.shape_cast %get3A_930 : vector<1x16xf32> to vector<16xf32>
      %swap3A_932 = arith.index_cast %scan3A_927 : i32 to index
      %swap3A_933 = arith.constant 0 : index
      %swap3A_934 = tpu.vector_load %arg9[%swap3A_932, %swap3A_933] {strides = array<i32>} : memref<800x16xf32, #tpu.memory_space<vmem>>, vector<1x16xf32>,
      %swap3A_935 = vector.shape_cast %swap3A_934 : vector<1x16xf32> to vector<16xf32>
      %swap3A_936 = vector.shape_cast %get3A_931 : vector<16xf32> to vector<1x16xf32>
      tpu.vector_store %arg9[%swap3A_932, %swap3A_933], %swap3A_936 {strides = array<i32>} : memref<800x16xf32, #tpu.memory_space<vmem>>, vector<1x16xf32>,
      %scan3A_937 = arith.constant 4 : i32
      %scan3A_938 = arith.addi %scan3A_896, %scan3A_937 : i32
      %get3A_939 = arith.index_cast %scan3A_938 : i32 to index
      %get3A_940 = arith.constant 0 : index
      %get3A_941 = tpu.vector_load %arg7[%get3A_939, %get3A_940] {strides = array<i32>} : memref<800x16xf32, #tpu.memory_space<vmem>>, vector<1x16xf32>,
      %get3A_942 = vector.shape_cast %get3A_941 : vector<1x16xf32> to vector<16xf32>
      %swap3A_943 = arith.index_cast %scan3A_938 : i32 to index
      %swap3A_944 = arith.constant 0 : index
      %swap3A_945 = tpu.vector_load %arg9[%swap3A_943, %swap3A_944] {strides = array<i32>} : memref<800x16xf32, #tpu.memory_space<vmem>>, vector<1x16xf32>,
      %swap3A_946 = vector.shape_cast %swap3A_945 : vector<1x16xf32> to vector<16xf32>
      %swap3A_947 = vector.shape_cast %get3A_942 : vector<16xf32> to vector<1x16xf32>
      tpu.vector_store %arg9[%swap3A_943, %swap3A_944], %swap3A_947 {strides = array<i32>} : memref<800x16xf32, #tpu.memory_space<vmem>>, vector<1x16xf32>,
      %scan3A_948 = arith.constant 5 : i32
      %scan3A_949 = arith.addi %scan3A_896, %scan3A_948 : i32
      %get3A_950 = arith.index_cast %scan3A_949 : i32 to index
      %get3A_951 = arith.constant 0 : index
      %get3A_952 = tpu.vector_load %arg7[%get3A_950, %get3A_951] {strides = array<i32>} : memref<800x16xf32, #tpu.memory_space<vmem>>, vector<1x16xf32>,
      %get3A_953 = vector.shape_cast %get3A_952 : vector<1x16xf32> to vector<16xf32>
      %swap3A_954 = arith.index_cast %scan3A_949 : i32 to index
      %swap3A_955 = arith.constant 0 : index
      %swap3A_956 = tpu.vector_load %arg9[%swap3A_954, %swap3A_955] {strides = array<i32>} : memref<800x16xf32, #tpu.memory_space<vmem>>, vector<1x16xf32>,
      %swap3A_957 = vector.shape_cast %swap3A_956 : vector<1x16xf32> to vector<16xf32>
      %swap3A_958 = vector.shape_cast %get3A_953 : vector<16xf32> to vector<1x16xf32>
      tpu.vector_store %arg9[%swap3A_954, %swap3A_955], %swap3A_958 {strides = array<i32>} : memref<800x16xf32, #tpu.memory_space<vmem>>, vector<1x16xf32>,
      %scan3A_959 = arith.constant 6 : i32
      %scan3A_960 = arith.addi %scan3A_896, %scan3A_959 : i32
      %get3A_961 = arith.index_cast %scan3A_960 : i32 to index
      %get3A_962 = arith.constant 0 : index
      %get3A_963 = tpu.vector_load %arg7[%get3A_961, %get3A_962] {strides = array<i32>} : memref<800x16xf32, #tpu.memory_space<vmem>>, vector<1x16xf32>,
      %get3A_964 = vector.shape_cast %get3A_963 : vector<1x16xf32> to vector<16xf32>
      %swap3A_965 = arith.index_cast %scan3A_960 : i32 to index
      %swap3A_966 = arith.constant 0 : index
      %swap3A_967 = tpu.vector_load %arg9[%swap3A_965, %swap3A_966] {strides = array<i32>} : memref<800x16xf32, #tpu.memory_space<vmem>>, vector<1x16xf32>,
      %swap3A_968 = vector.shape_cast %swap3A_967 : vector<1x16xf32> to vector<16xf32>
      %swap3A_969 = vector.shape_cast %get3A_964 : vector<16xf32> to vector<1x16xf32>
      tpu.vector_store %arg9[%swap3A_965, %swap3A_966], %swap3A_969 {strides = array<i32>} : memref<800x16xf32, #tpu.memory_space<vmem>>, vector<1x16xf32>,
      %scan3A_970 = arith.constant 7 : i32
      %scan3A_971 = arith.addi %scan3A_896, %scan3A_970 : i32
      %get3A_972 = arith.index_cast %scan3A_971 : i32 to index
      %get3A_973 = arith.constant 0 : index
      %get3A_974 = tpu.vector_load %arg7[%get3A_972, %get3A_973] {strides = array<i32>} : memref<800x16xf32, #tpu.memory_space<vmem>>, vector<1x16xf32>,
      %get3A_975 = vector.shape_cast %get3A_974 : vector<1x16xf32> to vector<16xf32>
      %swap3A_976 = arith.index_cast %scan3A_971 : i32 to index
      %swap3A_977 = arith.constant 0 : index
      %swap3A_978 = tpu.vector_load %arg9[%swap3A_976, %swap3A_977] {strides = array<i32>} : memref<800x16xf32, #tpu.memory_space<vmem>>, vector<1x16xf32>,
      %swap3A_979 = vector.shape_cast %swap3A_978 : vector<1x16xf32> to vector<16xf32>
      %swap3A_980 = vector.shape_cast %get3A_975 : vector<16xf32> to vector<1x16xf32>
      tpu.vector_store %arg9[%swap3A_976, %swap3A_977], %swap3A_980 {strides = array<i32>} : memref<800x16xf32, #tpu.memory_space<vmem>>, vector<1x16xf32>,
    }
    %scan3A_503 = arith.constant 800 : i32
    %dma_start3A_504 = arith.constant 15200 : i32
    %dma_start3A_505 = tpu.memref_slice %arg6[%dma_start3A_504] : memref<25600xi32, #tpu.memory_space<vmem>> -> memref<800xi32, #tpu.memory_space<vmem>>
    %dma_start3A_506 = arith.constant 0 : i32
    %dma_start3A_507 = arith.constant 0 : i32
    %dma_start3A_508 = tpu.memref_slice %arg3[%dma_start3A_506, %dma_start3A_507] : memref<100000x16xf32, #tpu.memory_space<hbm>> -> memref<100000x16xf32, #tpu.memory_space<hbm>>
    tpu.enqueue_indirect_dma source(%dma_start3A_508 : memref<100000x16xf32, #tpu.memory_space<hbm>>) target(%arg9 : memref<800x16xf32, #tpu.memory_space<vmem>>) offsets(%dma_start3A_505 : memref<800xi32, #tpu.memory_space<vmem>>) semaphore(%arg12 : memref<!tpu.dma_semaphore, #tpu.memory_space<semaphore_mem>>) {add = true}
    %dma_wait3A_509 = arith.constant 13600 : i32
    %dma_wait3A_510 = tpu.memref_slice %arg6[%dma_wait3A_509] : memref<25600xi32, #tpu.memory_space<vmem>> -> memref<800xi32, #tpu.memory_space<vmem>>
    %dma_wait3A_511 = arith.constant 0 : i32
    %dma_wait3A_512 = arith.constant 0 : i32
    %dma_wait3A_513 = tpu.memref_slice %arg3[%dma_wait3A_511, %dma_wait3A_512] : memref<100000x16xf32, #tpu.memory_space<hbm>> -> memref<100000x16xf32, #tpu.memory_space<hbm>>
    tpu.wait_indirect_dma semaphore(%arg13 : memref<!tpu.dma_semaphore, #tpu.memory_space<semaphore_mem>>) src(%dma_wait3A_513 : memref<100000x16xf32, #tpu.memory_space<hbm>>) dst(%arg10 : memref<800x16xf32, #tpu.memory_space<vmem>>)
    %add3A_514 = arith.constant 13600 : i32
    %add3A_515 = arith.addi %mul3A_2, %add3A_514 : i32
    %dma_start3A_516 = arith.constant 0 : i32
    %dma_start3A_517 = tpu.memref_slice %arg5[%add3A_515, %dma_start3A_516] : memref<819200x16xf32, #tpu.memory_space<hbm>> -> memref<800x16xf32, #tpu.memory_space<hbm>>
    %dma_start3A_518 = arith.constant 0 : i32
    %dma_start3A_519 = tpu.memref_slice %arg5[%add3A_515, %dma_start3A_518] : memref<819200x16xf32, #tpu.memory_space<hbm>> -> memref<800x16xf32, #tpu.memory_space<hbm>>
    tpu.enqueue_dma source(%arg10 : memref<800x16xf32, #tpu.memory_space<vmem>>) target(%dma_start3A_519 : memref<800x16xf32, #tpu.memory_space<hbm>>) target_semaphore(%arg16 : memref<!tpu.dma_semaphore, #tpu.memory_space<semaphore_mem>>)
    %add3A_520 = arith.constant 13600 : i32
    %add3A_521 = arith.addi %mul3A_2, %add3A_520 : i32
    %dma_wait3A_522 = arith.constant 0 : i32
    %dma_wait3A_523 = tpu.memref_slice %arg5[%add3A_521, %dma_wait3A_522] : memref<819200x16xf32, #tpu.memory_space<hbm>> -> memref<800x16xf32, #tpu.memory_space<hbm>>
    %dma_wait3A_524 = arith.constant 0 : i32
    %dma_wait3A_525 = tpu.memref_slice %arg5[%add3A_521, %dma_wait3A_524] : memref<819200x16xf32, #tpu.memory_space<hbm>> -> memref<800x16xf32, #tpu.memory_space<hbm>>
    tpu.wait_dma2 semaphore(%arg16 : memref<!tpu.dma_semaphore, #tpu.memory_space<semaphore_mem>>) src(%arg10 : memref<800x16xf32, #tpu.memory_space<vmem>>) dst(%dma_wait3A_525 : memref<800x16xf32, #tpu.memory_space<hbm>>)
    %scan3A_526 = arith.constant 0 : i32
    %scan3A_527 = arith.constant 0 : i32
    %scan3A_528 = arith.constant 800 : i32
    %scan3A_529 = arith.addi %scan3A_527, %scan3A_528 : i32
    %scan3A_530 = arith.constant 8 : i32
    scf.for %scan3A_896 = %scan3A_527 to %scan3A_529 step %scan3A_530  : i32 {
      %get3A = arith.index_cast %scan3A_896 : i32 to index
      %get3A_897 = arith.constant 0 : index
      %get3A_898 = tpu.vector_load %arg7[%get3A, %get3A_897] {strides = array<i32>} : memref<800x16xf32, #tpu.memory_space<vmem>>, vector<1x16xf32>,
      %get3A_899 = vector.shape_cast %get3A_898 : vector<1x16xf32> to vector<16xf32>
      %swap3A = arith.index_cast %scan3A_896 : i32 to index
      %swap3A_900 = arith.constant 0 : index
      %swap3A_901 = tpu.vector_load %arg10[%swap3A, %swap3A_900] {strides = array<i32>} : memref<800x16xf32, #tpu.memory_space<vmem>>, vector<1x16xf32>,
      %swap3A_902 = vector.shape_cast %swap3A_901 : vector<1x16xf32> to vector<16xf32>
      %swap3A_903 = vector.shape_cast %get3A_899 : vector<16xf32> to vector<1x16xf32>
      tpu.vector_store %arg10[%swap3A, %swap3A_900], %swap3A_903 {strides = array<i32>} : memref<800x16xf32, #tpu.memory_space<vmem>>, vector<1x16xf32>,
      %scan3A_904 = arith.constant 1 : i32
      %scan3A_905 = arith.addi %scan3A_896, %scan3A_904 : i32
      %get3A_906 = arith.index_cast %scan3A_905 : i32 to index
      %get3A_907 = arith.constant 0 : index
      %get3A_908 = tpu.vector_load %arg7[%get3A_906, %get3A_907] {strides = array<i32>} : memref<800x16xf32, #tpu.memory_space<vmem>>, vector<1x16xf32>,
      %get3A_909 = vector.shape_cast %get3A_908 : vector<1x16xf32> to vector<16xf32>
      %swap3A_910 = arith.index_cast %scan3A_905 : i32 to index
      %swap3A_911 = arith.constant 0 : index
      %swap3A_912 = tpu.vector_load %arg10[%swap3A_910, %swap3A_911] {strides = array<i32>} : memref<800x16xf32, #tpu.memory_space<vmem>>, vector<1x16xf32>,
      %swap3A_913 = vector.shape_cast %swap3A_912 : vector<1x16xf32> to vector<16xf32>
      %swap3A_914 = vector.shape_cast %get3A_909 : vector<16xf32> to vector<1x16xf32>
      tpu.vector_store %arg10[%swap3A_910, %swap3A_911], %swap3A_914 {strides = array<i32>} : memref<800x16xf32, #tpu.memory_space<vmem>>, vector<1x16xf32>,
      %scan3A_915 = arith.constant 2 : i32
      %scan3A_916 = arith.addi %scan3A_896, %scan3A_915 : i32
      %get3A_917 = arith.index_cast %scan3A_916 : i32 to index
      %get3A_918 = arith.constant 0 : index
      %get3A_919 = tpu.vector_load %arg7[%get3A_917, %get3A_918] {strides = array<i32>} : memref<800x16xf32, #tpu.memory_space<vmem>>, vector<1x16xf32>,
      %get3A_920 = vector.shape_cast %get3A_919 : vector<1x16xf32> to vector<16xf32>
      %swap3A_921 = arith.index_cast %scan3A_916 : i32 to index
      %swap3A_922 = arith.constant 0 : index
      %swap3A_923 = tpu.vector_load %arg10[%swap3A_921, %swap3A_922] {strides = array<i32>} : memref<800x16xf32, #tpu.memory_space<vmem>>, vector<1x16xf32>,
      %swap3A_924 = vector.shape_cast %swap3A_923 : vector<1x16xf32> to vector<16xf32>
      %swap3A_925 = vector.shape_cast %get3A_920 : vector<16xf32> to vector<1x16xf32>
      tpu.vector_store %arg10[%swap3A_921, %swap3A_922], %swap3A_925 {strides = array<i32>} : memref<800x16xf32, #tpu.memory_space<vmem>>, vector<1x16xf32>,
      %scan3A_926 = arith.constant 3 : i32
      %scan3A_927 = arith.addi %scan3A_896, %scan3A_926 : i32
      %get3A_928 = arith.index_cast %scan3A_927 : i32 to index
      %get3A_929 = arith.constant 0 : index
      %get3A_930 = tpu.vector_load %arg7[%get3A_928, %get3A_929] {strides = array<i32>} : memref<800x16xf32, #tpu.memory_space<vmem>>, vector<1x16xf32>,
      %get3A_931 = vector.shape_cast %get3A_930 : vector<1x16xf32> to vector<16xf32>
      %swap3A_932 = arith.index_cast %scan3A_927 : i32 to index
      %swap3A_933 = arith.constant 0 : index
      %swap3A_934 = tpu.vector_load %arg10[%swap3A_932, %swap3A_933] {strides = array<i32>} : memref<800x16xf32, #tpu.memory_space<vmem>>, vector<1x16xf32>,
      %swap3A_935 = vector.shape_cast %swap3A_934 : vector<1x16xf32> to vector<16xf32>
      %swap3A_936 = vector.shape_cast %get3A_931 : vector<16xf32> to vector<1x16xf32>
      tpu.vector_store %arg10[%swap3A_932, %swap3A_933], %swap3A_936 {strides = array<i32>} : memref<800x16xf32, #tpu.memory_space<vmem>>, vector<1x16xf32>,
      %scan3A_937 = arith.constant 4 : i32
      %scan3A_938 = arith.addi %scan3A_896, %scan3A_937 : i32
      %get3A_939 = arith.index_cast %scan3A_938 : i32 to index
      %get3A_940 = arith.constant 0 : index
      %get3A_941 = tpu.vector_load %arg7[%get3A_939, %get3A_940] {strides = array<i32>} : memref<800x16xf32, #tpu.memory_space<vmem>>, vector<1x16xf32>,
      %get3A_942 = vector.shape_cast %get3A_941 : vector<1x16xf32> to vector<16xf32>
      %swap3A_943 = arith.index_cast %scan3A_938 : i32 to index
      %swap3A_944 = arith.constant 0 : index
      %swap3A_945 = tpu.vector_load %arg10[%swap3A_943, %swap3A_944] {strides = array<i32>} : memref<800x16xf32, #tpu.memory_space<vmem>>, vector<1x16xf32>,
      %swap3A_946 = vector.shape_cast %swap3A_945 : vector<1x16xf32> to vector<16xf32>
      %swap3A_947 = vector.shape_cast %get3A_942 : vector<16xf32> to vector<1x16xf32>
      tpu.vector_store %arg10[%swap3A_943, %swap3A_944], %swap3A_947 {strides = array<i32>} : memref<800x16xf32, #tpu.memory_space<vmem>>, vector<1x16xf32>,
      %scan3A_948 = arith.constant 5 : i32
      %scan3A_949 = arith.addi %scan3A_896, %scan3A_948 : i32
      %get3A_950 = arith.index_cast %scan3A_949 : i32 to index
      %get3A_951 = arith.constant 0 : index
      %get3A_952 = tpu.vector_load %arg7[%get3A_950, %get3A_951] {strides = array<i32>} : memref<800x16xf32, #tpu.memory_space<vmem>>, vector<1x16xf32>,
      %get3A_953 = vector.shape_cast %get3A_952 : vector<1x16xf32> to vector<16xf32>
      %swap3A_954 = arith.index_cast %scan3A_949 : i32 to index
      %swap3A_955 = arith.constant 0 : index
      %swap3A_956 = tpu.vector_load %arg10[%swap3A_954, %swap3A_955] {strides = array<i32>} : memref<800x16xf32, #tpu.memory_space<vmem>>, vector<1x16xf32>,
      %swap3A_957 = vector.shape_cast %swap3A_956 : vector<1x16xf32> to vector<16xf32>
      %swap3A_958 = vector.shape_cast %get3A_953 : vector<16xf32> to vector<1x16xf32>
      tpu.vector_store %arg10[%swap3A_954, %swap3A_955], %swap3A_958 {strides = array<i32>} : memref<800x16xf32, #tpu.memory_space<vmem>>, vector<1x16xf32>,
      %scan3A_959 = arith.constant 6 : i32
      %scan3A_960 = arith.addi %scan3A_896, %scan3A_959 : i32
      %get3A_961 = arith.index_cast %scan3A_960 : i32 to index
      %get3A_962 = arith.constant 0 : index
      %get3A_963 = tpu.vector_load %arg7[%get3A_961, %get3A_962] {strides = array<i32>} : memref<800x16xf32, #tpu.memory_space<vmem>>, vector<1x16xf32>,
      %get3A_964 = vector.shape_cast %get3A_963 : vector<1x16xf32> to vector<16xf32>
      %swap3A_965 = arith.index_cast %scan3A_960 : i32 to index
      %swap3A_966 = arith.constant 0 : index
      %swap3A_967 = tpu.vector_load %arg10[%swap3A_965, %swap3A_966] {strides = array<i32>} : memref<800x16xf32, #tpu.memory_space<vmem>>, vector<1x16xf32>,
      %swap3A_968 = vector.shape_cast %swap3A_967 : vector<1x16xf32> to vector<16xf32>
      %swap3A_969 = vector.shape_cast %get3A_964 : vector<16xf32> to vector<1x16xf32>
      tpu.vector_store %arg10[%swap3A_965, %swap3A_966], %swap3A_969 {strides = array<i32>} : memref<800x16xf32, #tpu.memory_space<vmem>>, vector<1x16xf32>,
      %scan3A_970 = arith.constant 7 : i32
      %scan3A_971 = arith.addi %scan3A_896, %scan3A_970 : i32
      %get3A_972 = arith.index_cast %scan3A_971 : i32 to index
      %get3A_973 = arith.constant 0 : index
      %get3A_974 = tpu.vector_load %arg7[%get3A_972, %get3A_973] {strides = array<i32>} : memref<800x16xf32, #tpu.memory_space<vmem>>, vector<1x16xf32>,
      %get3A_975 = vector.shape_cast %get3A_974 : vector<1x16xf32> to vector<16xf32>
      %swap3A_976 = arith.index_cast %scan3A_971 : i32 to index
      %swap3A_977 = arith.constant 0 : index
      %swap3A_978 = tpu.vector_load %arg10[%swap3A_976, %swap3A_977] {strides = array<i32>} : memref<800x16xf32, #tpu.memory_space<vmem>>, vector<1x16xf32>,
      %swap3A_979 = vector.shape_cast %swap3A_978 : vector<1x16xf32> to vector<16xf32>
      %swap3A_980 = vector.shape_cast %get3A_975 : vector<16xf32> to vector<1x16xf32>
      tpu.vector_store %arg10[%swap3A_976, %swap3A_977], %swap3A_980 {strides = array<i32>} : memref<800x16xf32, #tpu.memory_space<vmem>>, vector<1x16xf32>,
    }
    %scan3A_531 = arith.constant 800 : i32
    %dma_start3A_532 = arith.constant 16000 : i32
    %dma_start3A_533 = tpu.memref_slice %arg6[%dma_start3A_532] : memref<25600xi32, #tpu.memory_space<vmem>> -> memref<800xi32, #tpu.memory_space<vmem>>
    %dma_start3A_534 = arith.constant 0 : i32
    %dma_start3A_535 = arith.constant 0 : i32
    %dma_start3A_536 = tpu.memref_slice %arg3[%dma_start3A_534, %dma_start3A_535] : memref<100000x16xf32, #tpu.memory_space<hbm>> -> memref<100000x16xf32, #tpu.memory_space<hbm>>
    tpu.enqueue_indirect_dma source(%dma_start3A_536 : memref<100000x16xf32, #tpu.memory_space<hbm>>) target(%arg10 : memref<800x16xf32, #tpu.memory_space<vmem>>) offsets(%dma_start3A_533 : memref<800xi32, #tpu.memory_space<vmem>>) semaphore(%arg13 : memref<!tpu.dma_semaphore, #tpu.memory_space<semaphore_mem>>) {add = true}
    %dma_wait3A_537 = arith.constant 14400 : i32
    %dma_wait3A_538 = tpu.memref_slice %arg6[%dma_wait3A_537] : memref<25600xi32, #tpu.memory_space<vmem>> -> memref<800xi32, #tpu.memory_space<vmem>>
    %dma_wait3A_539 = arith.constant 0 : i32
    %dma_wait3A_540 = arith.constant 0 : i32
    %dma_wait3A_541 = tpu.memref_slice %arg3[%dma_wait3A_539, %dma_wait3A_540] : memref<100000x16xf32, #tpu.memory_space<hbm>> -> memref<100000x16xf32, #tpu.memory_space<hbm>>
    tpu.wait_indirect_dma semaphore(%arg11 : memref<!tpu.dma_semaphore, #tpu.memory_space<semaphore_mem>>) src(%dma_wait3A_541 : memref<100000x16xf32, #tpu.memory_space<hbm>>) dst(%arg8 : memref<800x16xf32, #tpu.memory_space<vmem>>)
    %add3A_542 = arith.constant 14400 : i32
    %add3A_543 = arith.addi %mul3A_2, %add3A_542 : i32
    %dma_start3A_544 = arith.constant 0 : i32
    %dma_start3A_545 = tpu.memref_slice %arg5[%add3A_543, %dma_start3A_544] : memref<819200x16xf32, #tpu.memory_space<hbm>> -> memref<800x16xf32, #tpu.memory_space<hbm>>
    %dma_start3A_546 = arith.constant 0 : i32
    %dma_start3A_547 = tpu.memref_slice %arg5[%add3A_543, %dma_start3A_546] : memref<819200x16xf32, #tpu.memory_space<hbm>> -> memref<800x16xf32, #tpu.memory_space<hbm>>
    tpu.enqueue_dma source(%arg8 : memref<800x16xf32, #tpu.memory_space<vmem>>) target(%dma_start3A_547 : memref<800x16xf32, #tpu.memory_space<hbm>>) target_semaphore(%arg14 : memref<!tpu.dma_semaphore, #tpu.memory_space<semaphore_mem>>)
    %add3A_548 = arith.constant 14400 : i32
    %add3A_549 = arith.addi %mul3A_2, %add3A_548 : i32
    %dma_wait3A_550 = arith.constant 0 : i32
    %dma_wait3A_551 = tpu.memref_slice %arg5[%add3A_549, %dma_wait3A_550] : memref<819200x16xf32, #tpu.memory_space<hbm>> -> memref<800x16xf32, #tpu.memory_space<hbm>>
    %dma_wait3A_552 = arith.constant 0 : i32
    %dma_wait3A_553 = tpu.memref_slice %arg5[%add3A_549, %dma_wait3A_552] : memref<819200x16xf32, #tpu.memory_space<hbm>> -> memref<800x16xf32, #tpu.memory_space<hbm>>
    tpu.wait_dma2 semaphore(%arg14 : memref<!tpu.dma_semaphore, #tpu.memory_space<semaphore_mem>>) src(%arg8 : memref<800x16xf32, #tpu.memory_space<vmem>>) dst(%dma_wait3A_553 : memref<800x16xf32, #tpu.memory_space<hbm>>)
    %scan3A_554 = arith.constant 0 : i32
    %scan3A_555 = arith.constant 0 : i32
    %scan3A_556 = arith.constant 800 : i32
    %scan3A_557 = arith.addi %scan3A_555, %scan3A_556 : i32
    %scan3A_558 = arith.constant 8 : i32
    scf.for %scan3A_896 = %scan3A_555 to %scan3A_557 step %scan3A_558  : i32 {
      %get3A = arith.index_cast %scan3A_896 : i32 to index
      %get3A_897 = arith.constant 0 : index
      %get3A_898 = tpu.vector_load %arg7[%get3A, %get3A_897] {strides = array<i32>} : memref<800x16xf32, #tpu.memory_space<vmem>>, vector<1x16xf32>,
      %get3A_899 = vector.shape_cast %get3A_898 : vector<1x16xf32> to vector<16xf32>
      %swap3A = arith.index_cast %scan3A_896 : i32 to index
      %swap3A_900 = arith.constant 0 : index
      %swap3A_901 = tpu.vector_load %arg8[%swap3A, %swap3A_900] {strides = array<i32>} : memref<800x16xf32, #tpu.memory_space<vmem>>, vector<1x16xf32>,
      %swap3A_902 = vector.shape_cast %swap3A_901 : vector<1x16xf32> to vector<16xf32>
      %swap3A_903 = vector.shape_cast %get3A_899 : vector<16xf32> to vector<1x16xf32>
      tpu.vector_store %arg8[%swap3A, %swap3A_900], %swap3A_903 {strides = array<i32>} : memref<800x16xf32, #tpu.memory_space<vmem>>, vector<1x16xf32>,
      %scan3A_904 = arith.constant 1 : i32
      %scan3A_905 = arith.addi %scan3A_896, %scan3A_904 : i32
      %get3A_906 = arith.index_cast %scan3A_905 : i32 to index
      %get3A_907 = arith.constant 0 : index
      %get3A_908 = tpu.vector_load %arg7[%get3A_906, %get3A_907] {strides = array<i32>} : memref<800x16xf32, #tpu.memory_space<vmem>>, vector<1x16xf32>,
      %get3A_909 = vector.shape_cast %get3A_908 : vector<1x16xf32> to vector<16xf32>
      %swap3A_910 = arith.index_cast %scan3A_905 : i32 to index
      %swap3A_911 = arith.constant 0 : index
      %swap3A_912 = tpu.vector_load %arg8[%swap3A_910, %swap3A_911] {strides = array<i32>} : memref<800x16xf32, #tpu.memory_space<vmem>>, vector<1x16xf32>,
      %swap3A_913 = vector.shape_cast %swap3A_912 : vector<1x16xf32> to vector<16xf32>
      %swap3A_914 = vector.shape_cast %get3A_909 : vector<16xf32> to vector<1x16xf32>
      tpu.vector_store %arg8[%swap3A_910, %swap3A_911], %swap3A_914 {strides = array<i32>} : memref<800x16xf32, #tpu.memory_space<vmem>>, vector<1x16xf32>,
      %scan3A_915 = arith.constant 2 : i32
      %scan3A_916 = arith.addi %scan3A_896, %scan3A_915 : i32
      %get3A_917 = arith.index_cast %scan3A_916 : i32 to index
      %get3A_918 = arith.constant 0 : index
      %get3A_919 = tpu.vector_load %arg7[%get3A_917, %get3A_918] {strides = array<i32>} : memref<800x16xf32, #tpu.memory_space<vmem>>, vector<1x16xf32>,
      %get3A_920 = vector.shape_cast %get3A_919 : vector<1x16xf32> to vector<16xf32>
      %swap3A_921 = arith.index_cast %scan3A_916 : i32 to index
      %swap3A_922 = arith.constant 0 : index
      %swap3A_923 = tpu.vector_load %arg8[%swap3A_921, %swap3A_922] {strides = array<i32>} : memref<800x16xf32, #tpu.memory_space<vmem>>, vector<1x16xf32>,
      %swap3A_924 = vector.shape_cast %swap3A_923 : vector<1x16xf32> to vector<16xf32>
      %swap3A_925 = vector.shape_cast %get3A_920 : vector<16xf32> to vector<1x16xf32>
      tpu.vector_store %arg8[%swap3A_921, %swap3A_922], %swap3A_925 {strides = array<i32>} : memref<800x16xf32, #tpu.memory_space<vmem>>, vector<1x16xf32>,
      %scan3A_926 = arith.constant 3 : i32
      %scan3A_927 = arith.addi %scan3A_896, %scan3A_926 : i32
      %get3A_928 = arith.index_cast %scan3A_927 : i32 to index
      %get3A_929 = arith.constant 0 : index
      %get3A_930 = tpu.vector_load %arg7[%get3A_928, %get3A_929] {strides = array<i32>} : memref<800x16xf32, #tpu.memory_space<vmem>>, vector<1x16xf32>,
      %get3A_931 = vector.shape_cast %get3A_930 : vector<1x16xf32> to vector<16xf32>
      %swap3A_932 = arith.index_cast %scan3A_927 : i32 to index
      %swap3A_933 = arith.constant 0 : index
      %swap3A_934 = tpu.vector_load %arg8[%swap3A_932, %swap3A_933] {strides = array<i32>} : memref<800x16xf32, #tpu.memory_space<vmem>>, vector<1x16xf32>,
      %swap3A_935 = vector.shape_cast %swap3A_934 : vector<1x16xf32> to vector<16xf32>
      %swap3A_936 = vector.shape_cast %get3A_931 : vector<16xf32> to vector<1x16xf32>
      tpu.vector_store %arg8[%swap3A_932, %swap3A_933], %swap3A_936 {strides = array<i32>} : memref<800x16xf32, #tpu.memory_space<vmem>>, vector<1x16xf32>,
      %scan3A_937 = arith.constant 4 : i32
      %scan3A_938 = arith.addi %scan3A_896, %scan3A_937 : i32
      %get3A_939 = arith.index_cast %scan3A_938 : i32 to index
      %get3A_940 = arith.constant 0 : index
      %get3A_941 = tpu.vector_load %arg7[%get3A_939, %get3A_940] {strides = array<i32>} : memref<800x16xf32, #tpu.memory_space<vmem>>, vector<1x16xf32>,
      %get3A_942 = vector.shape_cast %get3A_941 : vector<1x16xf32> to vector<16xf32>
      %swap3A_943 = arith.index_cast %scan3A_938 : i32 to index
      %swap3A_944 = arith.constant 0 : index
      %swap3A_945 = tpu.vector_load %arg8[%swap3A_943, %swap3A_944] {strides = array<i32>} : memref<800x16xf32, #tpu.memory_space<vmem>>, vector<1x16xf32>,
      %swap3A_946 = vector.shape_cast %swap3A_945 : vector<1x16xf32> to vector<16xf32>
      %swap3A_947 = vector.shape_cast %get3A_942 : vector<16xf32> to vector<1x16xf32>
      tpu.vector_store %arg8[%swap3A_943, %swap3A_944], %swap3A_947 {strides = array<i32>} : memref<800x16xf32, #tpu.memory_space<vmem>>, vector<1x16xf32>,
      %scan3A_948 = arith.constant 5 : i32
      %scan3A_949 = arith.addi %scan3A_896, %scan3A_948 : i32
      %get3A_950 = arith.index_cast %scan3A_949 : i32 to index
      %get3A_951 = arith.constant 0 : index
      %get3A_952 = tpu.vector_load %arg7[%get3A_950, %get3A_951] {strides = array<i32>} : memref<800x16xf32, #tpu.memory_space<vmem>>, vector<1x16xf32>,
      %get3A_953 = vector.shape_cast %get3A_952 : vector<1x16xf32> to vector<16xf32>
      %swap3A_954 = arith.index_cast %scan3A_949 : i32 to index
      %swap3A_955 = arith.constant 0 : index
      %swap3A_956 = tpu.vector_load %arg8[%swap3A_954, %swap3A_955] {strides = array<i32>} : memref<800x16xf32, #tpu.memory_space<vmem>>, vector<1x16xf32>,
      %swap3A_957 = vector.shape_cast %swap3A_956 : vector<1x16xf32> to vector<16xf32>
      %swap3A_958 = vector.shape_cast %get3A_953 : vector<16xf32> to vector<1x16xf32>
      tpu.vector_store %arg8[%swap3A_954, %swap3A_955], %swap3A_958 {strides = array<i32>} : memref<800x16xf32, #tpu.memory_space<vmem>>, vector<1x16xf32>,
      %scan3A_959 = arith.constant 6 : i32
      %scan3A_960 = arith.addi %scan3A_896, %scan3A_959 : i32
      %get3A_961 = arith.index_cast %scan3A_960 : i32 to index
      %get3A_962 = arith.constant 0 : index
      %get3A_963 = tpu.vector_load %arg7[%get3A_961, %get3A_962] {strides = array<i32>} : memref<800x16xf32, #tpu.memory_space<vmem>>, vector<1x16xf32>,
      %get3A_964 = vector.shape_cast %get3A_963 : vector<1x16xf32> to vector<16xf32>
      %swap3A_965 = arith.index_cast %scan3A_960 : i32 to index
      %swap3A_966 = arith.constant 0 : index
      %swap3A_967 = tpu.vector_load %arg8[%swap3A_965, %swap3A_966] {strides = array<i32>} : memref<800x16xf32, #tpu.memory_space<vmem>>, vector<1x16xf32>,
      %swap3A_968 = vector.shape_cast %swap3A_967 : vector<1x16xf32> to vector<16xf32>
      %swap3A_969 = vector.shape_cast %get3A_964 : vector<16xf32> to vector<1x16xf32>
      tpu.vector_store %arg8[%swap3A_965, %swap3A_966], %swap3A_969 {strides = array<i32>} : memref<800x16xf32, #tpu.memory_space<vmem>>, vector<1x16xf32>,
      %scan3A_970 = arith.constant 7 : i32
      %scan3A_971 = arith.addi %scan3A_896, %scan3A_970 : i32
      %get3A_972 = arith.index_cast %scan3A_971 : i32 to index
      %get3A_973 = arith.constant 0 : index
      %get3A_974 = tpu.vector_load %arg7[%get3A_972, %get3A_973] {strides = array<i32>} : memref<800x16xf32, #tpu.memory_space<vmem>>, vector<1x16xf32>,
      %get3A_975 = vector.shape_cast %get3A_974 : vector<1x16xf32> to vector<16xf32>
      %swap3A_976 = arith.index_cast %scan3A_971 : i32 to index
      %swap3A_977 = arith.constant 0 : index
      %swap3A_978 = tpu.vector_load %arg8[%swap3A_976, %swap3A_977] {strides = array<i32>} : memref<800x16xf32, #tpu.memory_space<vmem>>, vector<1x16xf32>,
      %swap3A_979 = vector.shape_cast %swap3A_978 : vector<1x16xf32> to vector<16xf32>
      %swap3A_980 = vector.shape_cast %get3A_975 : vector<16xf32> to vector<1x16xf32>
      tpu.vector_store %arg8[%swap3A_976, %swap3A_977], %swap3A_980 {strides = array<i32>} : memref<800x16xf32, #tpu.memory_space<vmem>>, vector<1x16xf32>,
    }
    %scan3A_559 = arith.constant 800 : i32
    %dma_start3A_560 = arith.constant 16800 : i32
    %dma_start3A_561 = tpu.memref_slice %arg6[%dma_start3A_560] : memref<25600xi32, #tpu.memory_space<vmem>> -> memref<800xi32, #tpu.memory_space<vmem>>
    %dma_start3A_562 = arith.constant 0 : i32
    %dma_start3A_563 = arith.constant 0 : i32
    %dma_start3A_564 = tpu.memref_slice %arg3[%dma_start3A_562, %dma_start3A_563] : memref<100000x16xf32, #tpu.memory_space<hbm>> -> memref<100000x16xf32, #tpu.memory_space<hbm>>
    tpu.enqueue_indirect_dma source(%dma_start3A_564 : memref<100000x16xf32, #tpu.memory_space<hbm>>) target(%arg8 : memref<800x16xf32, #tpu.memory_space<vmem>>) offsets(%dma_start3A_561 : memref<800xi32, #tpu.memory_space<vmem>>) semaphore(%arg11 : memref<!tpu.dma_semaphore, #tpu.memory_space<semaphore_mem>>) {add = true}
    %dma_wait3A_565 = arith.constant 15200 : i32
    %dma_wait3A_566 = tpu.memref_slice %arg6[%dma_wait3A_565] : memref<25600xi32, #tpu.memory_space<vmem>> -> memref<800xi32, #tpu.memory_space<vmem>>
    %dma_wait3A_567 = arith.constant 0 : i32
    %dma_wait3A_568 = arith.constant 0 : i32
    %dma_wait3A_569 = tpu.memref_slice %arg3[%dma_wait3A_567, %dma_wait3A_568] : memref<100000x16xf32, #tpu.memory_space<hbm>> -> memref<100000x16xf32, #tpu.memory_space<hbm>>
    tpu.wait_indirect_dma semaphore(%arg12 : memref<!tpu.dma_semaphore, #tpu.memory_space<semaphore_mem>>) src(%dma_wait3A_569 : memref<100000x16xf32, #tpu.memory_space<hbm>>) dst(%arg9 : memref<800x16xf32, #tpu.memory_space<vmem>>)
    %add3A_570 = arith.constant 15200 : i32
    %add3A_571 = arith.addi %mul3A_2, %add3A_570 : i32
    %dma_start3A_572 = arith.constant 0 : i32
    %dma_start3A_573 = tpu.memref_slice %arg5[%add3A_571, %dma_start3A_572] : memref<819200x16xf32, #tpu.memory_space<hbm>> -> memref<800x16xf32, #tpu.memory_space<hbm>>
    %dma_start3A_574 = arith.constant 0 : i32
    %dma_start3A_575 = tpu.memref_slice %arg5[%add3A_571, %dma_start3A_574] : memref<819200x16xf32, #tpu.memory_space<hbm>> -> memref<800x16xf32, #tpu.memory_space<hbm>>
    tpu.enqueue_dma source(%arg9 : memref<800x16xf32, #tpu.memory_space<vmem>>) target(%dma_start3A_575 : memref<800x16xf32, #tpu.memory_space<hbm>>) target_semaphore(%arg15 : memref<!tpu.dma_semaphore, #tpu.memory_space<semaphore_mem>>)
    %add3A_576 = arith.constant 15200 : i32
    %add3A_577 = arith.addi %mul3A_2, %add3A_576 : i32
    %dma_wait3A_578 = arith.constant 0 : i32
    %dma_wait3A_579 = tpu.memref_slice %arg5[%add3A_577, %dma_wait3A_578] : memref<819200x16xf32, #tpu.memory_space<hbm>> -> memref<800x16xf32, #tpu.memory_space<hbm>>
    %dma_wait3A_580 = arith.constant 0 : i32
    %dma_wait3A_581 = tpu.memref_slice %arg5[%add3A_577, %dma_wait3A_580] : memref<819200x16xf32, #tpu.memory_space<hbm>> -> memref<800x16xf32, #tpu.memory_space<hbm>>
    tpu.wait_dma2 semaphore(%arg15 : memref<!tpu.dma_semaphore, #tpu.memory_space<semaphore_mem>>) src(%arg9 : memref<800x16xf32, #tpu.memory_space<vmem>>) dst(%dma_wait3A_581 : memref<800x16xf32, #tpu.memory_space<hbm>>)
    %scan3A_582 = arith.constant 0 : i32
    %scan3A_583 = arith.constant 0 : i32
    %scan3A_584 = arith.constant 800 : i32
    %scan3A_585 = arith.addi %scan3A_583, %scan3A_584 : i32
    %scan3A_586 = arith.constant 8 : i32
    scf.for %scan3A_896 = %scan3A_583 to %scan3A_585 step %scan3A_586  : i32 {
      %get3A = arith.index_cast %scan3A_896 : i32 to index
      %get3A_897 = arith.constant 0 : index
      %get3A_898 = tpu.vector_load %arg7[%get3A, %get3A_897] {strides = array<i32>} : memref<800x16xf32, #tpu.memory_space<vmem>>, vector<1x16xf32>,
      %get3A_899 = vector.shape_cast %get3A_898 : vector<1x16xf32> to vector<16xf32>
      %swap3A = arith.index_cast %scan3A_896 : i32 to index
      %swap3A_900 = arith.constant 0 : index
      %swap3A_901 = tpu.vector_load %arg9[%swap3A, %swap3A_900] {strides = array<i32>} : memref<800x16xf32, #tpu.memory_space<vmem>>, vector<1x16xf32>,
      %swap3A_902 = vector.shape_cast %swap3A_901 : vector<1x16xf32> to vector<16xf32>
      %swap3A_903 = vector.shape_cast %get3A_899 : vector<16xf32> to vector<1x16xf32>
      tpu.vector_store %arg9[%swap3A, %swap3A_900], %swap3A_903 {strides = array<i32>} : memref<800x16xf32, #tpu.memory_space<vmem>>, vector<1x16xf32>,
      %scan3A_904 = arith.constant 1 : i32
      %scan3A_905 = arith.addi %scan3A_896, %scan3A_904 : i32
      %get3A_906 = arith.index_cast %scan3A_905 : i32 to index
      %get3A_907 = arith.constant 0 : index
      %get3A_908 = tpu.vector_load %arg7[%get3A_906, %get3A_907] {strides = array<i32>} : memref<800x16xf32, #tpu.memory_space<vmem>>, vector<1x16xf32>,
      %get3A_909 = vector.shape_cast %get3A_908 : vector<1x16xf32> to vector<16xf32>
      %swap3A_910 = arith.index_cast %scan3A_905 : i32 to index
      %swap3A_911 = arith.constant 0 : index
      %swap3A_912 = tpu.vector_load %arg9[%swap3A_910, %swap3A_911] {strides = array<i32>} : memref<800x16xf32, #tpu.memory_space<vmem>>, vector<1x16xf32>,
      %swap3A_913 = vector.shape_cast %swap3A_912 : vector<1x16xf32> to vector<16xf32>
      %swap3A_914 = vector.shape_cast %get3A_909 : vector<16xf32> to vector<1x16xf32>
      tpu.vector_store %arg9[%swap3A_910, %swap3A_911], %swap3A_914 {strides = array<i32>} : memref<800x16xf32, #tpu.memory_space<vmem>>, vector<1x16xf32>,
      %scan3A_915 = arith.constant 2 : i32
      %scan3A_916 = arith.addi %scan3A_896, %scan3A_915 : i32
      %get3A_917 = arith.index_cast %scan3A_916 : i32 to index
      %get3A_918 = arith.constant 0 : index
      %get3A_919 = tpu.vector_load %arg7[%get3A_917, %get3A_918] {strides = array<i32>} : memref<800x16xf32, #tpu.memory_space<vmem>>, vector<1x16xf32>,
      %get3A_920 = vector.shape_cast %get3A_919 : vector<1x16xf32> to vector<16xf32>
      %swap3A_921 = arith.index_cast %scan3A_916 : i32 to index
      %swap3A_922 = arith.constant 0 : index
      %swap3A_923 = tpu.vector_load %arg9[%swap3A_921, %swap3A_922] {strides = array<i32>} : memref<800x16xf32, #tpu.memory_space<vmem>>, vector<1x16xf32>,
      %swap3A_924 = vector.shape_cast %swap3A_923 : vector<1x16xf32> to vector<16xf32>
      %swap3A_925 = vector.shape_cast %get3A_920 : vector<16xf32> to vector<1x16xf32>
      tpu.vector_store %arg9[%swap3A_921, %swap3A_922], %swap3A_925 {strides = array<i32>} : memref<800x16xf32, #tpu.memory_space<vmem>>, vector<1x16xf32>,
      %scan3A_926 = arith.constant 3 : i32
      %scan3A_927 = arith.addi %scan3A_896, %scan3A_926 : i32
      %get3A_928 = arith.index_cast %scan3A_927 : i32 to index
      %get3A_929 = arith.constant 0 : index
      %get3A_930 = tpu.vector_load %arg7[%get3A_928, %get3A_929] {strides = array<i32>} : memref<800x16xf32, #tpu.memory_space<vmem>>, vector<1x16xf32>,
      %get3A_931 = vector.shape_cast %get3A_930 : vector<1x16xf32> to vector<16xf32>
      %swap3A_932 = arith.index_cast %scan3A_927 : i32 to index
      %swap3A_933 = arith.constant 0 : index
      %swap3A_934 = tpu.vector_load %arg9[%swap3A_932, %swap3A_933] {strides = array<i32>} : memref<800x16xf32, #tpu.memory_space<vmem>>, vector<1x16xf32>,
      %swap3A_935 = vector.shape_cast %swap3A_934 : vector<1x16xf32> to vector<16xf32>
      %swap3A_936 = vector.shape_cast %get3A_931 : vector<16xf32> to vector<1x16xf32>
      tpu.vector_store %arg9[%swap3A_932, %swap3A_933], %swap3A_936 {strides = array<i32>} : memref<800x16xf32, #tpu.memory_space<vmem>>, vector<1x16xf32>,
      %scan3A_937 = arith.constant 4 : i32
      %scan3A_938 = arith.addi %scan3A_896, %scan3A_937 : i32
      %get3A_939 = arith.index_cast %scan3A_938 : i32 to index
      %get3A_940 = arith.constant 0 : index
      %get3A_941 = tpu.vector_load %arg7[%get3A_939, %get3A_940] {strides = array<i32>} : memref<800x16xf32, #tpu.memory_space<vmem>>, vector<1x16xf32>,
      %get3A_942 = vector.shape_cast %get3A_941 : vector<1x16xf32> to vector<16xf32>
      %swap3A_943 = arith.index_cast %scan3A_938 : i32 to index
      %swap3A_944 = arith.constant 0 : index
      %swap3A_945 = tpu.vector_load %arg9[%swap3A_943, %swap3A_944] {strides = array<i32>} : memref<800x16xf32, #tpu.memory_space<vmem>>, vector<1x16xf32>,
      %swap3A_946 = vector.shape_cast %swap3A_945 : vector<1x16xf32> to vector<16xf32>
      %swap3A_947 = vector.shape_cast %get3A_942 : vector<16xf32> to vector<1x16xf32>
      tpu.vector_store %arg9[%swap3A_943, %swap3A_944], %swap3A_947 {strides = array<i32>} : memref<800x16xf32, #tpu.memory_space<vmem>>, vector<1x16xf32>,
      %scan3A_948 = arith.constant 5 : i32
      %scan3A_949 = arith.addi %scan3A_896, %scan3A_948 : i32
      %get3A_950 = arith.index_cast %scan3A_949 : i32 to index
      %get3A_951 = arith.constant 0 : index
      %get3A_952 = tpu.vector_load %arg7[%get3A_950, %get3A_951] {strides = array<i32>} : memref<800x16xf32, #tpu.memory_space<vmem>>, vector<1x16xf32>,
      %get3A_953 = vector.shape_cast %get3A_952 : vector<1x16xf32> to vector<16xf32>
      %swap3A_954 = arith.index_cast %scan3A_949 : i32 to index
      %swap3A_955 = arith.constant 0 : index
      %swap3A_956 = tpu.vector_load %arg9[%swap3A_954, %swap3A_955] {strides = array<i32>} : memref<800x16xf32, #tpu.memory_space<vmem>>, vector<1x16xf32>,
      %swap3A_957 = vector.shape_cast %swap3A_956 : vector<1x16xf32> to vector<16xf32>
      %swap3A_958 = vector.shape_cast %get3A_953 : vector<16xf32> to vector<1x16xf32>
      tpu.vector_store %arg9[%swap3A_954, %swap3A_955], %swap3A_958 {strides = array<i32>} : memref<800x16xf32, #tpu.memory_space<vmem>>, vector<1x16xf32>,
      %scan3A_959 = arith.constant 6 : i32
      %scan3A_960 = arith.addi %scan3A_896, %scan3A_959 : i32
      %get3A_961 = arith.index_cast %scan3A_960 : i32 to index
      %get3A_962 = arith.constant 0 : index
      %get3A_963 = tpu.vector_load %arg7[%get3A_961, %get3A_962] {strides = array<i32>} : memref<800x16xf32, #tpu.memory_space<vmem>>, vector<1x16xf32>,
      %get3A_964 = vector.shape_cast %get3A_963 : vector<1x16xf32> to vector<16xf32>
      %swap3A_965 = arith.index_cast %scan3A_960 : i32 to index
      %swap3A_966 = arith.constant 0 : index
      %swap3A_967 = tpu.vector_load %arg9[%swap3A_965, %swap3A_966] {strides = array<i32>} : memref<800x16xf32, #tpu.memory_space<vmem>>, vector<1x16xf32>,
      %swap3A_968 = vector.shape_cast %swap3A_967 : vector<1x16xf32> to vector<16xf32>
      %swap3A_969 = vector.shape_cast %get3A_964 : vector<16xf32> to vector<1x16xf32>
      tpu.vector_store %arg9[%swap3A_965, %swap3A_966], %swap3A_969 {strides = array<i32>} : memref<800x16xf32, #tpu.memory_space<vmem>>, vector<1x16xf32>,
      %scan3A_970 = arith.constant 7 : i32
      %scan3A_971 = arith.addi %scan3A_896, %scan3A_970 : i32
      %get3A_972 = arith.index_cast %scan3A_971 : i32 to index
      %get3A_973 = arith.constant 0 : index
      %get3A_974 = tpu.vector_load %arg7[%get3A_972, %get3A_973] {strides = array<i32>} : memref<800x16xf32, #tpu.memory_space<vmem>>, vector<1x16xf32>,
      %get3A_975 = vector.shape_cast %get3A_974 : vector<1x16xf32> to vector<16xf32>
      %swap3A_976 = arith.index_cast %scan3A_971 : i32 to index
      %swap3A_977 = arith.constant 0 : index
      %swap3A_978 = tpu.vector_load %arg9[%swap3A_976, %swap3A_977] {strides = array<i32>} : memref<800x16xf32, #tpu.memory_space<vmem>>, vector<1x16xf32>,
      %swap3A_979 = vector.shape_cast %swap3A_978 : vector<1x16xf32> to vector<16xf32>
      %swap3A_980 = vector.shape_cast %get3A_975 : vector<16xf32> to vector<1x16xf32>
      tpu.vector_store %arg9[%swap3A_976, %swap3A_977], %swap3A_980 {strides = array<i32>} : memref<800x16xf32, #tpu.memory_space<vmem>>, vector<1x16xf32>,
    }
    %scan3A_587 = arith.constant 800 : i32
    %dma_start3A_588 = arith.constant 17600 : i32
    %dma_start3A_589 = tpu.memref_slice %arg6[%dma_start3A_588] : memref<25600xi32, #tpu.memory_space<vmem>> -> memref<800xi32, #tpu.memory_space<vmem>>
    %dma_start3A_590 = arith.constant 0 : i32
    %dma_start3A_591 = arith.constant 0 : i32
    %dma_start3A_592 = tpu.memref_slice %arg3[%dma_start3A_590, %dma_start3A_591] : memref<100000x16xf32, #tpu.memory_space<hbm>> -> memref<100000x16xf32, #tpu.memory_space<hbm>>
    tpu.enqueue_indirect_dma source(%dma_start3A_592 : memref<100000x16xf32, #tpu.memory_space<hbm>>) target(%arg9 : memref<800x16xf32, #tpu.memory_space<vmem>>) offsets(%dma_start3A_589 : memref<800xi32, #tpu.memory_space<vmem>>) semaphore(%arg12 : memref<!tpu.dma_semaphore, #tpu.memory_space<semaphore_mem>>) {add = true}
    %dma_wait3A_593 = arith.constant 16000 : i32
    %dma_wait3A_594 = tpu.memref_slice %arg6[%dma_wait3A_593] : memref<25600xi32, #tpu.memory_space<vmem>> -> memref<800xi32, #tpu.memory_space<vmem>>
    %dma_wait3A_595 = arith.constant 0 : i32
    %dma_wait3A_596 = arith.constant 0 : i32
    %dma_wait3A_597 = tpu.memref_slice %arg3[%dma_wait3A_595, %dma_wait3A_596] : memref<100000x16xf32, #tpu.memory_space<hbm>> -> memref<100000x16xf32, #tpu.memory_space<hbm>>
    tpu.wait_indirect_dma semaphore(%arg13 : memref<!tpu.dma_semaphore, #tpu.memory_space<semaphore_mem>>) src(%dma_wait3A_597 : memref<100000x16xf32, #tpu.memory_space<hbm>>) dst(%arg10 : memref<800x16xf32, #tpu.memory_space<vmem>>)
    %add3A_598 = arith.constant 16000 : i32
    %add3A_599 = arith.addi %mul3A_2, %add3A_598 : i32
    %dma_start3A_600 = arith.constant 0 : i32
    %dma_start3A_601 = tpu.memref_slice %arg5[%add3A_599, %dma_start3A_600] : memref<819200x16xf32, #tpu.memory_space<hbm>> -> memref<800x16xf32, #tpu.memory_space<hbm>>
    %dma_start3A_602 = arith.constant 0 : i32
    %dma_start3A_603 = tpu.memref_slice %arg5[%add3A_599, %dma_start3A_602] : memref<819200x16xf32, #tpu.memory_space<hbm>> -> memref<800x16xf32, #tpu.memory_space<hbm>>
    tpu.enqueue_dma source(%arg10 : memref<800x16xf32, #tpu.memory_space<vmem>>) target(%dma_start3A_603 : memref<800x16xf32, #tpu.memory_space<hbm>>) target_semaphore(%arg16 : memref<!tpu.dma_semaphore, #tpu.memory_space<semaphore_mem>>)
    %add3A_604 = arith.constant 16000 : i32
    %add3A_605 = arith.addi %mul3A_2, %add3A_604 : i32
    %dma_wait3A_606 = arith.constant 0 : i32
    %dma_wait3A_607 = tpu.memref_slice %arg5[%add3A_605, %dma_wait3A_606] : memref<819200x16xf32, #tpu.memory_space<hbm>> -> memref<800x16xf32, #tpu.memory_space<hbm>>
    %dma_wait3A_608 = arith.constant 0 : i32
    %dma_wait3A_609 = tpu.memref_slice %arg5[%add3A_605, %dma_wait3A_608] : memref<819200x16xf32, #tpu.memory_space<hbm>> -> memref<800x16xf32, #tpu.memory_space<hbm>>
    tpu.wait_dma2 semaphore(%arg16 : memref<!tpu.dma_semaphore, #tpu.memory_space<semaphore_mem>>) src(%arg10 : memref<800x16xf32, #tpu.memory_space<vmem>>) dst(%dma_wait3A_609 : memref<800x16xf32, #tpu.memory_space<hbm>>)
    %scan3A_610 = arith.constant 0 : i32
    %scan3A_611 = arith.constant 0 : i32
    %scan3A_612 = arith.constant 800 : i32
    %scan3A_613 = arith.addi %scan3A_611, %scan3A_612 : i32
    %scan3A_614 = arith.constant 8 : i32
    scf.for %scan3A_896 = %scan3A_611 to %scan3A_613 step %scan3A_614  : i32 {
      %get3A = arith.index_cast %scan3A_896 : i32 to index
      %get3A_897 = arith.constant 0 : index
      %get3A_898 = tpu.vector_load %arg7[%get3A, %get3A_897] {strides = array<i32>} : memref<800x16xf32, #tpu.memory_space<vmem>>, vector<1x16xf32>,
      %get3A_899 = vector.shape_cast %get3A_898 : vector<1x16xf32> to vector<16xf32>
      %swap3A = arith.index_cast %scan3A_896 : i32 to index
      %swap3A_900 = arith.constant 0 : index
      %swap3A_901 = tpu.vector_load %arg10[%swap3A, %swap3A_900] {strides = array<i32>} : memref<800x16xf32, #tpu.memory_space<vmem>>, vector<1x16xf32>,
      %swap3A_902 = vector.shape_cast %swap3A_901 : vector<1x16xf32> to vector<16xf32>
      %swap3A_903 = vector.shape_cast %get3A_899 : vector<16xf32> to vector<1x16xf32>
      tpu.vector_store %arg10[%swap3A, %swap3A_900], %swap3A_903 {strides = array<i32>} : memref<800x16xf32, #tpu.memory_space<vmem>>, vector<1x16xf32>,
      %scan3A_904 = arith.constant 1 : i32
      %scan3A_905 = arith.addi %scan3A_896, %scan3A_904 : i32
      %get3A_906 = arith.index_cast %scan3A_905 : i32 to index
      %get3A_907 = arith.constant 0 : index
      %get3A_908 = tpu.vector_load %arg7[%get3A_906, %get3A_907] {strides = array<i32>} : memref<800x16xf32, #tpu.memory_space<vmem>>, vector<1x16xf32>,
      %get3A_909 = vector.shape_cast %get3A_908 : vector<1x16xf32> to vector<16xf32>
      %swap3A_910 = arith.index_cast %scan3A_905 : i32 to index
      %swap3A_911 = arith.constant 0 : index
      %swap3A_912 = tpu.vector_load %arg10[%swap3A_910, %swap3A_911] {strides = array<i32>} : memref<800x16xf32, #tpu.memory_space<vmem>>, vector<1x16xf32>,
      %swap3A_913 = vector.shape_cast %swap3A_912 : vector<1x16xf32> to vector<16xf32>
      %swap3A_914 = vector.shape_cast %get3A_909 : vector<16xf32> to vector<1x16xf32>
      tpu.vector_store %arg10[%swap3A_910, %swap3A_911], %swap3A_914 {strides = array<i32>} : memref<800x16xf32, #tpu.memory_space<vmem>>, vector<1x16xf32>,
      %scan3A_915 = arith.constant 2 : i32
      %scan3A_916 = arith.addi %scan3A_896, %scan3A_915 : i32
      %get3A_917 = arith.index_cast %scan3A_916 : i32 to index
      %get3A_918 = arith.constant 0 : index
      %get3A_919 = tpu.vector_load %arg7[%get3A_917, %get3A_918] {strides = array<i32>} : memref<800x16xf32, #tpu.memory_space<vmem>>, vector<1x16xf32>,
      %get3A_920 = vector.shape_cast %get3A_919 : vector<1x16xf32> to vector<16xf32>
      %swap3A_921 = arith.index_cast %scan3A_916 : i32 to index
      %swap3A_922 = arith.constant 0 : index
      %swap3A_923 = tpu.vector_load %arg10[%swap3A_921, %swap3A_922] {strides = array<i32>} : memref<800x16xf32, #tpu.memory_space<vmem>>, vector<1x16xf32>,
      %swap3A_924 = vector.shape_cast %swap3A_923 : vector<1x16xf32> to vector<16xf32>
      %swap3A_925 = vector.shape_cast %get3A_920 : vector<16xf32> to vector<1x16xf32>
      tpu.vector_store %arg10[%swap3A_921, %swap3A_922], %swap3A_925 {strides = array<i32>} : memref<800x16xf32, #tpu.memory_space<vmem>>, vector<1x16xf32>,
      %scan3A_926 = arith.constant 3 : i32
      %scan3A_927 = arith.addi %scan3A_896, %scan3A_926 : i32
      %get3A_928 = arith.index_cast %scan3A_927 : i32 to index
      %get3A_929 = arith.constant 0 : index
      %get3A_930 = tpu.vector_load %arg7[%get3A_928, %get3A_929] {strides = array<i32>} : memref<800x16xf32, #tpu.memory_space<vmem>>, vector<1x16xf32>,
      %get3A_931 = vector.shape_cast %get3A_930 : vector<1x16xf32> to vector<16xf32>
      %swap3A_932 = arith.index_cast %scan3A_927 : i32 to index
      %swap3A_933 = arith.constant 0 : index
      %swap3A_934 = tpu.vector_load %arg10[%swap3A_932, %swap3A_933] {strides = array<i32>} : memref<800x16xf32, #tpu.memory_space<vmem>>, vector<1x16xf32>,
      %swap3A_935 = vector.shape_cast %swap3A_934 : vector<1x16xf32> to vector<16xf32>
      %swap3A_936 = vector.shape_cast %get3A_931 : vector<16xf32> to vector<1x16xf32>
      tpu.vector_store %arg10[%swap3A_932, %swap3A_933], %swap3A_936 {strides = array<i32>} : memref<800x16xf32, #tpu.memory_space<vmem>>, vector<1x16xf32>,
      %scan3A_937 = arith.constant 4 : i32
      %scan3A_938 = arith.addi %scan3A_896, %scan3A_937 : i32
      %get3A_939 = arith.index_cast %scan3A_938 : i32 to index
      %get3A_940 = arith.constant 0 : index
      %get3A_941 = tpu.vector_load %arg7[%get3A_939, %get3A_940] {strides = array<i32>} : memref<800x16xf32, #tpu.memory_space<vmem>>, vector<1x16xf32>,
      %get3A_942 = vector.shape_cast %get3A_941 : vector<1x16xf32> to vector<16xf32>
      %swap3A_943 = arith.index_cast %scan3A_938 : i32 to index
      %swap3A_944 = arith.constant 0 : index
      %swap3A_945 = tpu.vector_load %arg10[%swap3A_943, %swap3A_944] {strides = array<i32>} : memref<800x16xf32, #tpu.memory_space<vmem>>, vector<1x16xf32>,
      %swap3A_946 = vector.shape_cast %swap3A_945 : vector<1x16xf32> to vector<16xf32>
      %swap3A_947 = vector.shape_cast %get3A_942 : vector<16xf32> to vector<1x16xf32>
      tpu.vector_store %arg10[%swap3A_943, %swap3A_944], %swap3A_947 {strides = array<i32>} : memref<800x16xf32, #tpu.memory_space<vmem>>, vector<1x16xf32>,
      %scan3A_948 = arith.constant 5 : i32
      %scan3A_949 = arith.addi %scan3A_896, %scan3A_948 : i32
      %get3A_950 = arith.index_cast %scan3A_949 : i32 to index
      %get3A_951 = arith.constant 0 : index
      %get3A_952 = tpu.vector_load %arg7[%get3A_950, %get3A_951] {strides = array<i32>} : memref<800x16xf32, #tpu.memory_space<vmem>>, vector<1x16xf32>,
      %get3A_953 = vector.shape_cast %get3A_952 : vector<1x16xf32> to vector<16xf32>
      %swap3A_954 = arith.index_cast %scan3A_949 : i32 to index
      %swap3A_955 = arith.constant 0 : index
      %swap3A_956 = tpu.vector_load %arg10[%swap3A_954, %swap3A_955] {strides = array<i32>} : memref<800x16xf32, #tpu.memory_space<vmem>>, vector<1x16xf32>,
      %swap3A_957 = vector.shape_cast %swap3A_956 : vector<1x16xf32> to vector<16xf32>
      %swap3A_958 = vector.shape_cast %get3A_953 : vector<16xf32> to vector<1x16xf32>
      tpu.vector_store %arg10[%swap3A_954, %swap3A_955], %swap3A_958 {strides = array<i32>} : memref<800x16xf32, #tpu.memory_space<vmem>>, vector<1x16xf32>,
      %scan3A_959 = arith.constant 6 : i32
      %scan3A_960 = arith.addi %scan3A_896, %scan3A_959 : i32
      %get3A_961 = arith.index_cast %scan3A_960 : i32 to index
      %get3A_962 = arith.constant 0 : index
      %get3A_963 = tpu.vector_load %arg7[%get3A_961, %get3A_962] {strides = array<i32>} : memref<800x16xf32, #tpu.memory_space<vmem>>, vector<1x16xf32>,
      %get3A_964 = vector.shape_cast %get3A_963 : vector<1x16xf32> to vector<16xf32>
      %swap3A_965 = arith.index_cast %scan3A_960 : i32 to index
      %swap3A_966 = arith.constant 0 : index
      %swap3A_967 = tpu.vector_load %arg10[%swap3A_965, %swap3A_966] {strides = array<i32>} : memref<800x16xf32, #tpu.memory_space<vmem>>, vector<1x16xf32>,
      %swap3A_968 = vector.shape_cast %swap3A_967 : vector<1x16xf32> to vector<16xf32>
      %swap3A_969 = vector.shape_cast %get3A_964 : vector<16xf32> to vector<1x16xf32>
      tpu.vector_store %arg10[%swap3A_965, %swap3A_966], %swap3A_969 {strides = array<i32>} : memref<800x16xf32, #tpu.memory_space<vmem>>, vector<1x16xf32>,
      %scan3A_970 = arith.constant 7 : i32
      %scan3A_971 = arith.addi %scan3A_896, %scan3A_970 : i32
      %get3A_972 = arith.index_cast %scan3A_971 : i32 to index
      %get3A_973 = arith.constant 0 : index
      %get3A_974 = tpu.vector_load %arg7[%get3A_972, %get3A_973] {strides = array<i32>} : memref<800x16xf32, #tpu.memory_space<vmem>>, vector<1x16xf32>,
      %get3A_975 = vector.shape_cast %get3A_974 : vector<1x16xf32> to vector<16xf32>
      %swap3A_976 = arith.index_cast %scan3A_971 : i32 to index
      %swap3A_977 = arith.constant 0 : index
      %swap3A_978 = tpu.vector_load %arg10[%swap3A_976, %swap3A_977] {strides = array<i32>} : memref<800x16xf32, #tpu.memory_space<vmem>>, vector<1x16xf32>,
      %swap3A_979 = vector.shape_cast %swap3A_978 : vector<1x16xf32> to vector<16xf32>
      %swap3A_980 = vector.shape_cast %get3A_975 : vector<16xf32> to vector<1x16xf32>
      tpu.vector_store %arg10[%swap3A_976, %swap3A_977], %swap3A_980 {strides = array<i32>} : memref<800x16xf32, #tpu.memory_space<vmem>>, vector<1x16xf32>,
    }
    %scan3A_615 = arith.constant 800 : i32
    %dma_start3A_616 = arith.constant 18400 : i32
    %dma_start3A_617 = tpu.memref_slice %arg6[%dma_start3A_616] : memref<25600xi32, #tpu.memory_space<vmem>> -> memref<800xi32, #tpu.memory_space<vmem>>
    %dma_start3A_618 = arith.constant 0 : i32
    %dma_start3A_619 = arith.constant 0 : i32
    %dma_start3A_620 = tpu.memref_slice %arg3[%dma_start3A_618, %dma_start3A_619] : memref<100000x16xf32, #tpu.memory_space<hbm>> -> memref<100000x16xf32, #tpu.memory_space<hbm>>
    tpu.enqueue_indirect_dma source(%dma_start3A_620 : memref<100000x16xf32, #tpu.memory_space<hbm>>) target(%arg10 : memref<800x16xf32, #tpu.memory_space<vmem>>) offsets(%dma_start3A_617 : memref<800xi32, #tpu.memory_space<vmem>>) semaphore(%arg13 : memref<!tpu.dma_semaphore, #tpu.memory_space<semaphore_mem>>) {add = true}
    %dma_wait3A_621 = arith.constant 16800 : i32
    %dma_wait3A_622 = tpu.memref_slice %arg6[%dma_wait3A_621] : memref<25600xi32, #tpu.memory_space<vmem>> -> memref<800xi32, #tpu.memory_space<vmem>>
    %dma_wait3A_623 = arith.constant 0 : i32
    %dma_wait3A_624 = arith.constant 0 : i32
    %dma_wait3A_625 = tpu.memref_slice %arg3[%dma_wait3A_623, %dma_wait3A_624] : memref<100000x16xf32, #tpu.memory_space<hbm>> -> memref<100000x16xf32, #tpu.memory_space<hbm>>
    tpu.wait_indirect_dma semaphore(%arg11 : memref<!tpu.dma_semaphore, #tpu.memory_space<semaphore_mem>>) src(%dma_wait3A_625 : memref<100000x16xf32, #tpu.memory_space<hbm>>) dst(%arg8 : memref<800x16xf32, #tpu.memory_space<vmem>>)
    %add3A_626 = arith.constant 16800 : i32
    %add3A_627 = arith.addi %mul3A_2, %add3A_626 : i32
    %dma_start3A_628 = arith.constant 0 : i32
    %dma_start3A_629 = tpu.memref_slice %arg5[%add3A_627, %dma_start3A_628] : memref<819200x16xf32, #tpu.memory_space<hbm>> -> memref<800x16xf32, #tpu.memory_space<hbm>>
    %dma_start3A_630 = arith.constant 0 : i32
    %dma_start3A_631 = tpu.memref_slice %arg5[%add3A_627, %dma_start3A_630] : memref<819200x16xf32, #tpu.memory_space<hbm>> -> memref<800x16xf32, #tpu.memory_space<hbm>>
    tpu.enqueue_dma source(%arg8 : memref<800x16xf32, #tpu.memory_space<vmem>>) target(%dma_start3A_631 : memref<800x16xf32, #tpu.memory_space<hbm>>) target_semaphore(%arg14 : memref<!tpu.dma_semaphore, #tpu.memory_space<semaphore_mem>>)
    %add3A_632 = arith.constant 16800 : i32
    %add3A_633 = arith.addi %mul3A_2, %add3A_632 : i32
    %dma_wait3A_634 = arith.constant 0 : i32
    %dma_wait3A_635 = tpu.memref_slice %arg5[%add3A_633, %dma_wait3A_634] : memref<819200x16xf32, #tpu.memory_space<hbm>> -> memref<800x16xf32, #tpu.memory_space<hbm>>
    %dma_wait3A_636 = arith.constant 0 : i32
    %dma_wait3A_637 = tpu.memref_slice %arg5[%add3A_633, %dma_wait3A_636] : memref<819200x16xf32, #tpu.memory_space<hbm>> -> memref<800x16xf32, #tpu.memory_space<hbm>>
    tpu.wait_dma2 semaphore(%arg14 : memref<!tpu.dma_semaphore, #tpu.memory_space<semaphore_mem>>) src(%arg8 : memref<800x16xf32, #tpu.memory_space<vmem>>) dst(%dma_wait3A_637 : memref<800x16xf32, #tpu.memory_space<hbm>>)
    %scan3A_638 = arith.constant 0 : i32
    %scan3A_639 = arith.constant 0 : i32
    %scan3A_640 = arith.constant 800 : i32
    %scan3A_641 = arith.addi %scan3A_639, %scan3A_640 : i32
    %scan3A_642 = arith.constant 8 : i32
    scf.for %scan3A_896 = %scan3A_639 to %scan3A_641 step %scan3A_642  : i32 {
      %get3A = arith.index_cast %scan3A_896 : i32 to index
      %get3A_897 = arith.constant 0 : index
      %get3A_898 = tpu.vector_load %arg7[%get3A, %get3A_897] {strides = array<i32>} : memref<800x16xf32, #tpu.memory_space<vmem>>, vector<1x16xf32>,
      %get3A_899 = vector.shape_cast %get3A_898 : vector<1x16xf32> to vector<16xf32>
      %swap3A = arith.index_cast %scan3A_896 : i32 to index
      %swap3A_900 = arith.constant 0 : index
      %swap3A_901 = tpu.vector_load %arg8[%swap3A, %swap3A_900] {strides = array<i32>} : memref<800x16xf32, #tpu.memory_space<vmem>>, vector<1x16xf32>,
      %swap3A_902 = vector.shape_cast %swap3A_901 : vector<1x16xf32> to vector<16xf32>
      %swap3A_903 = vector.shape_cast %get3A_899 : vector<16xf32> to vector<1x16xf32>
      tpu.vector_store %arg8[%swap3A, %swap3A_900], %swap3A_903 {strides = array<i32>} : memref<800x16xf32, #tpu.memory_space<vmem>>, vector<1x16xf32>,
      %scan3A_904 = arith.constant 1 : i32
      %scan3A_905 = arith.addi %scan3A_896, %scan3A_904 : i32
      %get3A_906 = arith.index_cast %scan3A_905 : i32 to index
      %get3A_907 = arith.constant 0 : index
      %get3A_908 = tpu.vector_load %arg7[%get3A_906, %get3A_907] {strides = array<i32>} : memref<800x16xf32, #tpu.memory_space<vmem>>, vector<1x16xf32>,
      %get3A_909 = vector.shape_cast %get3A_908 : vector<1x16xf32> to vector<16xf32>
      %swap3A_910 = arith.index_cast %scan3A_905 : i32 to index
      %swap3A_911 = arith.constant 0 : index
      %swap3A_912 = tpu.vector_load %arg8[%swap3A_910, %swap3A_911] {strides = array<i32>} : memref<800x16xf32, #tpu.memory_space<vmem>>, vector<1x16xf32>,
      %swap3A_913 = vector.shape_cast %swap3A_912 : vector<1x16xf32> to vector<16xf32>
      %swap3A_914 = vector.shape_cast %get3A_909 : vector<16xf32> to vector<1x16xf32>
      tpu.vector_store %arg8[%swap3A_910, %swap3A_911], %swap3A_914 {strides = array<i32>} : memref<800x16xf32, #tpu.memory_space<vmem>>, vector<1x16xf32>,
      %scan3A_915 = arith.constant 2 : i32
      %scan3A_916 = arith.addi %scan3A_896, %scan3A_915 : i32
      %get3A_917 = arith.index_cast %scan3A_916 : i32 to index
      %get3A_918 = arith.constant 0 : index
      %get3A_919 = tpu.vector_load %arg7[%get3A_917, %get3A_918] {strides = array<i32>} : memref<800x16xf32, #tpu.memory_space<vmem>>, vector<1x16xf32>,
      %get3A_920 = vector.shape_cast %get3A_919 : vector<1x16xf32> to vector<16xf32>
      %swap3A_921 = arith.index_cast %scan3A_916 : i32 to index
      %swap3A_922 = arith.constant 0 : index
      %swap3A_923 = tpu.vector_load %arg8[%swap3A_921, %swap3A_922] {strides = array<i32>} : memref<800x16xf32, #tpu.memory_space<vmem>>, vector<1x16xf32>,
      %swap3A_924 = vector.shape_cast %swap3A_923 : vector<1x16xf32> to vector<16xf32>
      %swap3A_925 = vector.shape_cast %get3A_920 : vector<16xf32> to vector<1x16xf32>
      tpu.vector_store %arg8[%swap3A_921, %swap3A_922], %swap3A_925 {strides = array<i32>} : memref<800x16xf32, #tpu.memory_space<vmem>>, vector<1x16xf32>,
      %scan3A_926 = arith.constant 3 : i32
      %scan3A_927 = arith.addi %scan3A_896, %scan3A_926 : i32
      %get3A_928 = arith.index_cast %scan3A_927 : i32 to index
      %get3A_929 = arith.constant 0 : index
      %get3A_930 = tpu.vector_load %arg7[%get3A_928, %get3A_929] {strides = array<i32>} : memref<800x16xf32, #tpu.memory_space<vmem>>, vector<1x16xf32>,
      %get3A_931 = vector.shape_cast %get3A_930 : vector<1x16xf32> to vector<16xf32>
      %swap3A_932 = arith.index_cast %scan3A_927 : i32 to index
      %swap3A_933 = arith.constant 0 : index
      %swap3A_934 = tpu.vector_load %arg8[%swap3A_932, %swap3A_933] {strides = array<i32>} : memref<800x16xf32, #tpu.memory_space<vmem>>, vector<1x16xf32>,
      %swap3A_935 = vector.shape_cast %swap3A_934 : vector<1x16xf32> to vector<16xf32>
      %swap3A_936 = vector.shape_cast %get3A_931 : vector<16xf32> to vector<1x16xf32>
      tpu.vector_store %arg8[%swap3A_932, %swap3A_933], %swap3A_936 {strides = array<i32>} : memref<800x16xf32, #tpu.memory_space<vmem>>, vector<1x16xf32>,
      %scan3A_937 = arith.constant 4 : i32
      %scan3A_938 = arith.addi %scan3A_896, %scan3A_937 : i32
      %get3A_939 = arith.index_cast %scan3A_938 : i32 to index
      %get3A_940 = arith.constant 0 : index
      %get3A_941 = tpu.vector_load %arg7[%get3A_939, %get3A_940] {strides = array<i32>} : memref<800x16xf32, #tpu.memory_space<vmem>>, vector<1x16xf32>,
      %get3A_942 = vector.shape_cast %get3A_941 : vector<1x16xf32> to vector<16xf32>
      %swap3A_943 = arith.index_cast %scan3A_938 : i32 to index
      %swap3A_944 = arith.constant 0 : index
      %swap3A_945 = tpu.vector_load %arg8[%swap3A_943, %swap3A_944] {strides = array<i32>} : memref<800x16xf32, #tpu.memory_space<vmem>>, vector<1x16xf32>,
      %swap3A_946 = vector.shape_cast %swap3A_945 : vector<1x16xf32> to vector<16xf32>
      %swap3A_947 = vector.shape_cast %get3A_942 : vector<16xf32> to vector<1x16xf32>
      tpu.vector_store %arg8[%swap3A_943, %swap3A_944], %swap3A_947 {strides = array<i32>} : memref<800x16xf32, #tpu.memory_space<vmem>>, vector<1x16xf32>,
      %scan3A_948 = arith.constant 5 : i32
      %scan3A_949 = arith.addi %scan3A_896, %scan3A_948 : i32
      %get3A_950 = arith.index_cast %scan3A_949 : i32 to index
      %get3A_951 = arith.constant 0 : index
      %get3A_952 = tpu.vector_load %arg7[%get3A_950, %get3A_951] {strides = array<i32>} : memref<800x16xf32, #tpu.memory_space<vmem>>, vector<1x16xf32>,
      %get3A_953 = vector.shape_cast %get3A_952 : vector<1x16xf32> to vector<16xf32>
      %swap3A_954 = arith.index_cast %scan3A_949 : i32 to index
      %swap3A_955 = arith.constant 0 : index
      %swap3A_956 = tpu.vector_load %arg8[%swap3A_954, %swap3A_955] {strides = array<i32>} : memref<800x16xf32, #tpu.memory_space<vmem>>, vector<1x16xf32>,
      %swap3A_957 = vector.shape_cast %swap3A_956 : vector<1x16xf32> to vector<16xf32>
      %swap3A_958 = vector.shape_cast %get3A_953 : vector<16xf32> to vector<1x16xf32>
      tpu.vector_store %arg8[%swap3A_954, %swap3A_955], %swap3A_958 {strides = array<i32>} : memref<800x16xf32, #tpu.memory_space<vmem>>, vector<1x16xf32>,
      %scan3A_959 = arith.constant 6 : i32
      %scan3A_960 = arith.addi %scan3A_896, %scan3A_959 : i32
      %get3A_961 = arith.index_cast %scan3A_960 : i32 to index
      %get3A_962 = arith.constant 0 : index
      %get3A_963 = tpu.vector_load %arg7[%get3A_961, %get3A_962] {strides = array<i32>} : memref<800x16xf32, #tpu.memory_space<vmem>>, vector<1x16xf32>,
      %get3A_964 = vector.shape_cast %get3A_963 : vector<1x16xf32> to vector<16xf32>
      %swap3A_965 = arith.index_cast %scan3A_960 : i32 to index
      %swap3A_966 = arith.constant 0 : index
      %swap3A_967 = tpu.vector_load %arg8[%swap3A_965, %swap3A_966] {strides = array<i32>} : memref<800x16xf32, #tpu.memory_space<vmem>>, vector<1x16xf32>,
      %swap3A_968 = vector.shape_cast %swap3A_967 : vector<1x16xf32> to vector<16xf32>
      %swap3A_969 = vector.shape_cast %get3A_964 : vector<16xf32> to vector<1x16xf32>
      tpu.vector_store %arg8[%swap3A_965, %swap3A_966], %swap3A_969 {strides = array<i32>} : memref<800x16xf32, #tpu.memory_space<vmem>>, vector<1x16xf32>,
      %scan3A_970 = arith.constant 7 : i32
      %scan3A_971 = arith.addi %scan3A_896, %scan3A_970 : i32
      %get3A_972 = arith.index_cast %scan3A_971 : i32 to index
      %get3A_973 = arith.constant 0 : index
      %get3A_974 = tpu.vector_load %arg7[%get3A_972, %get3A_973] {strides = array<i32>} : memref<800x16xf32, #tpu.memory_space<vmem>>, vector<1x16xf32>,
      %get3A_975 = vector.shape_cast %get3A_974 : vector<1x16xf32> to vector<16xf32>
      %swap3A_976 = arith.index_cast %scan3A_971 : i32 to index
      %swap3A_977 = arith.constant 0 : index
      %swap3A_978 = tpu.vector_load %arg8[%swap3A_976, %swap3A_977] {strides = array<i32>} : memref<800x16xf32, #tpu.memory_space<vmem>>, vector<1x16xf32>,
      %swap3A_979 = vector.shape_cast %swap3A_978 : vector<1x16xf32> to vector<16xf32>
      %swap3A_980 = vector.shape_cast %get3A_975 : vector<16xf32> to vector<1x16xf32>
      tpu.vector_store %arg8[%swap3A_976, %swap3A_977], %swap3A_980 {strides = array<i32>} : memref<800x16xf32, #tpu.memory_space<vmem>>, vector<1x16xf32>,
    }
    %scan3A_643 = arith.constant 800 : i32
    %dma_start3A_644 = arith.constant 19200 : i32
    %dma_start3A_645 = tpu.memref_slice %arg6[%dma_start3A_644] : memref<25600xi32, #tpu.memory_space<vmem>> -> memref<800xi32, #tpu.memory_space<vmem>>
    %dma_start3A_646 = arith.constant 0 : i32
    %dma_start3A_647 = arith.constant 0 : i32
    %dma_start3A_648 = tpu.memref_slice %arg3[%dma_start3A_646, %dma_start3A_647] : memref<100000x16xf32, #tpu.memory_space<hbm>> -> memref<100000x16xf32, #tpu.memory_space<hbm>>
    tpu.enqueue_indirect_dma source(%dma_start3A_648 : memref<100000x16xf32, #tpu.memory_space<hbm>>) target(%arg8 : memref<800x16xf32, #tpu.memory_space<vmem>>) offsets(%dma_start3A_645 : memref<800xi32, #tpu.memory_space<vmem>>) semaphore(%arg11 : memref<!tpu.dma_semaphore, #tpu.memory_space<semaphore_mem>>) {add = true}
    %dma_wait3A_649 = arith.constant 17600 : i32
    %dma_wait3A_650 = tpu.memref_slice %arg6[%dma_wait3A_649] : memref<25600xi32, #tpu.memory_space<vmem>> -> memref<800xi32, #tpu.memory_space<vmem>>
    %dma_wait3A_651 = arith.constant 0 : i32
    %dma_wait3A_652 = arith.constant 0 : i32
    %dma_wait3A_653 = tpu.memref_slice %arg3[%dma_wait3A_651, %dma_wait3A_652] : memref<100000x16xf32, #tpu.memory_space<hbm>> -> memref<100000x16xf32, #tpu.memory_space<hbm>>
    tpu.wait_indirect_dma semaphore(%arg12 : memref<!tpu.dma_semaphore, #tpu.memory_space<semaphore_mem>>) src(%dma_wait3A_653 : memref<100000x16xf32, #tpu.memory_space<hbm>>) dst(%arg9 : memref<800x16xf32, #tpu.memory_space<vmem>>)
    %add3A_654 = arith.constant 17600 : i32
    %add3A_655 = arith.addi %mul3A_2, %add3A_654 : i32
    %dma_start3A_656 = arith.constant 0 : i32
    %dma_start3A_657 = tpu.memref_slice %arg5[%add3A_655, %dma_start3A_656] : memref<819200x16xf32, #tpu.memory_space<hbm>> -> memref<800x16xf32, #tpu.memory_space<hbm>>
    %dma_start3A_658 = arith.constant 0 : i32
    %dma_start3A_659 = tpu.memref_slice %arg5[%add3A_655, %dma_start3A_658] : memref<819200x16xf32, #tpu.memory_space<hbm>> -> memref<800x16xf32, #tpu.memory_space<hbm>>
    tpu.enqueue_dma source(%arg9 : memref<800x16xf32, #tpu.memory_space<vmem>>) target(%dma_start3A_659 : memref<800x16xf32, #tpu.memory_space<hbm>>) target_semaphore(%arg15 : memref<!tpu.dma_semaphore, #tpu.memory_space<semaphore_mem>>)
    %add3A_660 = arith.constant 17600 : i32
    %add3A_661 = arith.addi %mul3A_2, %add3A_660 : i32
    %dma_wait3A_662 = arith.constant 0 : i32
    %dma_wait3A_663 = tpu.memref_slice %arg5[%add3A_661, %dma_wait3A_662] : memref<819200x16xf32, #tpu.memory_space<hbm>> -> memref<800x16xf32, #tpu.memory_space<hbm>>
    %dma_wait3A_664 = arith.constant 0 : i32
    %dma_wait3A_665 = tpu.memref_slice %arg5[%add3A_661, %dma_wait3A_664] : memref<819200x16xf32, #tpu.memory_space<hbm>> -> memref<800x16xf32, #tpu.memory_space<hbm>>
    tpu.wait_dma2 semaphore(%arg15 : memref<!tpu.dma_semaphore, #tpu.memory_space<semaphore_mem>>) src(%arg9 : memref<800x16xf32, #tpu.memory_space<vmem>>) dst(%dma_wait3A_665 : memref<800x16xf32, #tpu.memory_space<hbm>>)
    %scan3A_666 = arith.constant 0 : i32
    %scan3A_667 = arith.constant 0 : i32
    %scan3A_668 = arith.constant 800 : i32
    %scan3A_669 = arith.addi %scan3A_667, %scan3A_668 : i32
    %scan3A_670 = arith.constant 8 : i32
    scf.for %scan3A_896 = %scan3A_667 to %scan3A_669 step %scan3A_670  : i32 {
      %get3A = arith.index_cast %scan3A_896 : i32 to index
      %get3A_897 = arith.constant 0 : index
      %get3A_898 = tpu.vector_load %arg7[%get3A, %get3A_897] {strides = array<i32>} : memref<800x16xf32, #tpu.memory_space<vmem>>, vector<1x16xf32>,
      %get3A_899 = vector.shape_cast %get3A_898 : vector<1x16xf32> to vector<16xf32>
      %swap3A = arith.index_cast %scan3A_896 : i32 to index
      %swap3A_900 = arith.constant 0 : index
      %swap3A_901 = tpu.vector_load %arg9[%swap3A, %swap3A_900] {strides = array<i32>} : memref<800x16xf32, #tpu.memory_space<vmem>>, vector<1x16xf32>,
      %swap3A_902 = vector.shape_cast %swap3A_901 : vector<1x16xf32> to vector<16xf32>
      %swap3A_903 = vector.shape_cast %get3A_899 : vector<16xf32> to vector<1x16xf32>
      tpu.vector_store %arg9[%swap3A, %swap3A_900], %swap3A_903 {strides = array<i32>} : memref<800x16xf32, #tpu.memory_space<vmem>>, vector<1x16xf32>,
      %scan3A_904 = arith.constant 1 : i32
      %scan3A_905 = arith.addi %scan3A_896, %scan3A_904 : i32
      %get3A_906 = arith.index_cast %scan3A_905 : i32 to index
      %get3A_907 = arith.constant 0 : index
      %get3A_908 = tpu.vector_load %arg7[%get3A_906, %get3A_907] {strides = array<i32>} : memref<800x16xf32, #tpu.memory_space<vmem>>, vector<1x16xf32>,
      %get3A_909 = vector.shape_cast %get3A_908 : vector<1x16xf32> to vector<16xf32>
      %swap3A_910 = arith.index_cast %scan3A_905 : i32 to index
      %swap3A_911 = arith.constant 0 : index
      %swap3A_912 = tpu.vector_load %arg9[%swap3A_910, %swap3A_911] {strides = array<i32>} : memref<800x16xf32, #tpu.memory_space<vmem>>, vector<1x16xf32>,
      %swap3A_913 = vector.shape_cast %swap3A_912 : vector<1x16xf32> to vector<16xf32>
      %swap3A_914 = vector.shape_cast %get3A_909 : vector<16xf32> to vector<1x16xf32>
      tpu.vector_store %arg9[%swap3A_910, %swap3A_911], %swap3A_914 {strides = array<i32>} : memref<800x16xf32, #tpu.memory_space<vmem>>, vector<1x16xf32>,
      %scan3A_915 = arith.constant 2 : i32
      %scan3A_916 = arith.addi %scan3A_896, %scan3A_915 : i32
      %get3A_917 = arith.index_cast %scan3A_916 : i32 to index
      %get3A_918 = arith.constant 0 : index
      %get3A_919 = tpu.vector_load %arg7[%get3A_917, %get3A_918] {strides = array<i32>} : memref<800x16xf32, #tpu.memory_space<vmem>>, vector<1x16xf32>,
      %get3A_920 = vector.shape_cast %get3A_919 : vector<1x16xf32> to vector<16xf32>
      %swap3A_921 = arith.index_cast %scan3A_916 : i32 to index
      %swap3A_922 = arith.constant 0 : index
      %swap3A_923 = tpu.vector_load %arg9[%swap3A_921, %swap3A_922] {strides = array<i32>} : memref<800x16xf32, #tpu.memory_space<vmem>>, vector<1x16xf32>,
      %swap3A_924 = vector.shape_cast %swap3A_923 : vector<1x16xf32> to vector<16xf32>
      %swap3A_925 = vector.shape_cast %get3A_920 : vector<16xf32> to vector<1x16xf32>
      tpu.vector_store %arg9[%swap3A_921, %swap3A_922], %swap3A_925 {strides = array<i32>} : memref<800x16xf32, #tpu.memory_space<vmem>>, vector<1x16xf32>,
      %scan3A_926 = arith.constant 3 : i32
      %scan3A_927 = arith.addi %scan3A_896, %scan3A_926 : i32
      %get3A_928 = arith.index_cast %scan3A_927 : i32 to index
      %get3A_929 = arith.constant 0 : index
      %get3A_930 = tpu.vector_load %arg7[%get3A_928, %get3A_929] {strides = array<i32>} : memref<800x16xf32, #tpu.memory_space<vmem>>, vector<1x16xf32>,
      %get3A_931 = vector.shape_cast %get3A_930 : vector<1x16xf32> to vector<16xf32>
      %swap3A_932 = arith.index_cast %scan3A_927 : i32 to index
      %swap3A_933 = arith.constant 0 : index
      %swap3A_934 = tpu.vector_load %arg9[%swap3A_932, %swap3A_933] {strides = array<i32>} : memref<800x16xf32, #tpu.memory_space<vmem>>, vector<1x16xf32>,
      %swap3A_935 = vector.shape_cast %swap3A_934 : vector<1x16xf32> to vector<16xf32>
      %swap3A_936 = vector.shape_cast %get3A_931 : vector<16xf32> to vector<1x16xf32>
      tpu.vector_store %arg9[%swap3A_932, %swap3A_933], %swap3A_936 {strides = array<i32>} : memref<800x16xf32, #tpu.memory_space<vmem>>, vector<1x16xf32>,
      %scan3A_937 = arith.constant 4 : i32
      %scan3A_938 = arith.addi %scan3A_896, %scan3A_937 : i32
      %get3A_939 = arith.index_cast %scan3A_938 : i32 to index
      %get3A_940 = arith.constant 0 : index
      %get3A_941 = tpu.vector_load %arg7[%get3A_939, %get3A_940] {strides = array<i32>} : memref<800x16xf32, #tpu.memory_space<vmem>>, vector<1x16xf32>,
      %get3A_942 = vector.shape_cast %get3A_941 : vector<1x16xf32> to vector<16xf32>
      %swap3A_943 = arith.index_cast %scan3A_938 : i32 to index
      %swap3A_944 = arith.constant 0 : index
      %swap3A_945 = tpu.vector_load %arg9[%swap3A_943, %swap3A_944] {strides = array<i32>} : memref<800x16xf32, #tpu.memory_space<vmem>>, vector<1x16xf32>,
      %swap3A_946 = vector.shape_cast %swap3A_945 : vector<1x16xf32> to vector<16xf32>
      %swap3A_947 = vector.shape_cast %get3A_942 : vector<16xf32> to vector<1x16xf32>
      tpu.vector_store %arg9[%swap3A_943, %swap3A_944], %swap3A_947 {strides = array<i32>} : memref<800x16xf32, #tpu.memory_space<vmem>>, vector<1x16xf32>,
      %scan3A_948 = arith.constant 5 : i32
      %scan3A_949 = arith.addi %scan3A_896, %scan3A_948 : i32
      %get3A_950 = arith.index_cast %scan3A_949 : i32 to index
      %get3A_951 = arith.constant 0 : index
      %get3A_952 = tpu.vector_load %arg7[%get3A_950, %get3A_951] {strides = array<i32>} : memref<800x16xf32, #tpu.memory_space<vmem>>, vector<1x16xf32>,
      %get3A_953 = vector.shape_cast %get3A_952 : vector<1x16xf32> to vector<16xf32>
      %swap3A_954 = arith.index_cast %scan3A_949 : i32 to index
      %swap3A_955 = arith.constant 0 : index
      %swap3A_956 = tpu.vector_load %arg9[%swap3A_954, %swap3A_955] {strides = array<i32>} : memref<800x16xf32, #tpu.memory_space<vmem>>, vector<1x16xf32>,
      %swap3A_957 = vector.shape_cast %swap3A_956 : vector<1x16xf32> to vector<16xf32>
      %swap3A_958 = vector.shape_cast %get3A_953 : vector<16xf32> to vector<1x16xf32>
      tpu.vector_store %arg9[%swap3A_954, %swap3A_955], %swap3A_958 {strides = array<i32>} : memref<800x16xf32, #tpu.memory_space<vmem>>, vector<1x16xf32>,
      %scan3A_959 = arith.constant 6 : i32
      %scan3A_960 = arith.addi %scan3A_896, %scan3A_959 : i32
      %get3A_961 = arith.index_cast %scan3A_960 : i32 to index
      %get3A_962 = arith.constant 0 : index
      %get3A_963 = tpu.vector_load %arg7[%get3A_961, %get3A_962] {strides = array<i32>} : memref<800x16xf32, #tpu.memory_space<vmem>>, vector<1x16xf32>,
      %get3A_964 = vector.shape_cast %get3A_963 : vector<1x16xf32> to vector<16xf32>
      %swap3A_965 = arith.index_cast %scan3A_960 : i32 to index
      %swap3A_966 = arith.constant 0 : index
      %swap3A_967 = tpu.vector_load %arg9[%swap3A_965, %swap3A_966] {strides = array<i32>} : memref<800x16xf32, #tpu.memory_space<vmem>>, vector<1x16xf32>,
      %swap3A_968 = vector.shape_cast %swap3A_967 : vector<1x16xf32> to vector<16xf32>
      %swap3A_969 = vector.shape_cast %get3A_964 : vector<16xf32> to vector<1x16xf32>
      tpu.vector_store %arg9[%swap3A_965, %swap3A_966], %swap3A_969 {strides = array<i32>} : memref<800x16xf32, #tpu.memory_space<vmem>>, vector<1x16xf32>,
      %scan3A_970 = arith.constant 7 : i32
      %scan3A_971 = arith.addi %scan3A_896, %scan3A_970 : i32
      %get3A_972 = arith.index_cast %scan3A_971 : i32 to index
      %get3A_973 = arith.constant 0 : index
      %get3A_974 = tpu.vector_load %arg7[%get3A_972, %get3A_973] {strides = array<i32>} : memref<800x16xf32, #tpu.memory_space<vmem>>, vector<1x16xf32>,
      %get3A_975 = vector.shape_cast %get3A_974 : vector<1x16xf32> to vector<16xf32>
      %swap3A_976 = arith.index_cast %scan3A_971 : i32 to index
      %swap3A_977 = arith.constant 0 : index
      %swap3A_978 = tpu.vector_load %arg9[%swap3A_976, %swap3A_977] {strides = array<i32>} : memref<800x16xf32, #tpu.memory_space<vmem>>, vector<1x16xf32>,
      %swap3A_979 = vector.shape_cast %swap3A_978 : vector<1x16xf32> to vector<16xf32>
      %swap3A_980 = vector.shape_cast %get3A_975 : vector<16xf32> to vector<1x16xf32>
      tpu.vector_store %arg9[%swap3A_976, %swap3A_977], %swap3A_980 {strides = array<i32>} : memref<800x16xf32, #tpu.memory_space<vmem>>, vector<1x16xf32>,
    }
    %scan3A_671 = arith.constant 800 : i32
    %dma_start3A_672 = arith.constant 20000 : i32
    %dma_start3A_673 = tpu.memref_slice %arg6[%dma_start3A_672] : memref<25600xi32, #tpu.memory_space<vmem>> -> memref<800xi32, #tpu.memory_space<vmem>>
    %dma_start3A_674 = arith.constant 0 : i32
    %dma_start3A_675 = arith.constant 0 : i32
    %dma_start3A_676 = tpu.memref_slice %arg3[%dma_start3A_674, %dma_start3A_675] : memref<100000x16xf32, #tpu.memory_space<hbm>> -> memref<100000x16xf32, #tpu.memory_space<hbm>>
    tpu.enqueue_indirect_dma source(%dma_start3A_676 : memref<100000x16xf32, #tpu.memory_space<hbm>>) target(%arg9 : memref<800x16xf32, #tpu.memory_space<vmem>>) offsets(%dma_start3A_673 : memref<800xi32, #tpu.memory_space<vmem>>) semaphore(%arg12 : memref<!tpu.dma_semaphore, #tpu.memory_space<semaphore_mem>>) {add = true}
    %dma_wait3A_677 = arith.constant 18400 : i32
    %dma_wait3A_678 = tpu.memref_slice %arg6[%dma_wait3A_677] : memref<25600xi32, #tpu.memory_space<vmem>> -> memref<800xi32, #tpu.memory_space<vmem>>
    %dma_wait3A_679 = arith.constant 0 : i32
    %dma_wait3A_680 = arith.constant 0 : i32
    %dma_wait3A_681 = tpu.memref_slice %arg3[%dma_wait3A_679, %dma_wait3A_680] : memref<100000x16xf32, #tpu.memory_space<hbm>> -> memref<100000x16xf32, #tpu.memory_space<hbm>>
    tpu.wait_indirect_dma semaphore(%arg13 : memref<!tpu.dma_semaphore, #tpu.memory_space<semaphore_mem>>) src(%dma_wait3A_681 : memref<100000x16xf32, #tpu.memory_space<hbm>>) dst(%arg10 : memref<800x16xf32, #tpu.memory_space<vmem>>)
    %add3A_682 = arith.constant 18400 : i32
    %add3A_683 = arith.addi %mul3A_2, %add3A_682 : i32
    %dma_start3A_684 = arith.constant 0 : i32
    %dma_start3A_685 = tpu.memref_slice %arg5[%add3A_683, %dma_start3A_684] : memref<819200x16xf32, #tpu.memory_space<hbm>> -> memref<800x16xf32, #tpu.memory_space<hbm>>
    %dma_start3A_686 = arith.constant 0 : i32
    %dma_start3A_687 = tpu.memref_slice %arg5[%add3A_683, %dma_start3A_686] : memref<819200x16xf32, #tpu.memory_space<hbm>> -> memref<800x16xf32, #tpu.memory_space<hbm>>
    tpu.enqueue_dma source(%arg10 : memref<800x16xf32, #tpu.memory_space<vmem>>) target(%dma_start3A_687 : memref<800x16xf32, #tpu.memory_space<hbm>>) target_semaphore(%arg16 : memref<!tpu.dma_semaphore, #tpu.memory_space<semaphore_mem>>)
    %add3A_688 = arith.constant 18400 : i32
    %add3A_689 = arith.addi %mul3A_2, %add3A_688 : i32
    %dma_wait3A_690 = arith.constant 0 : i32
    %dma_wait3A_691 = tpu.memref_slice %arg5[%add3A_689, %dma_wait3A_690] : memref<819200x16xf32, #tpu.memory_space<hbm>> -> memref<800x16xf32, #tpu.memory_space<hbm>>
    %dma_wait3A_692 = arith.constant 0 : i32
    %dma_wait3A_693 = tpu.memref_slice %arg5[%add3A_689, %dma_wait3A_692] : memref<819200x16xf32, #tpu.memory_space<hbm>> -> memref<800x16xf32, #tpu.memory_space<hbm>>
    tpu.wait_dma2 semaphore(%arg16 : memref<!tpu.dma_semaphore, #tpu.memory_space<semaphore_mem>>) src(%arg10 : memref<800x16xf32, #tpu.memory_space<vmem>>) dst(%dma_wait3A_693 : memref<800x16xf32, #tpu.memory_space<hbm>>)
    %scan3A_694 = arith.constant 0 : i32
    %scan3A_695 = arith.constant 0 : i32
    %scan3A_696 = arith.constant 800 : i32
    %scan3A_697 = arith.addi %scan3A_695, %scan3A_696 : i32
    %scan3A_698 = arith.constant 8 : i32
    scf.for %scan3A_896 = %scan3A_695 to %scan3A_697 step %scan3A_698  : i32 {
      %get3A = arith.index_cast %scan3A_896 : i32 to index
      %get3A_897 = arith.constant 0 : index
      %get3A_898 = tpu.vector_load %arg7[%get3A, %get3A_897] {strides = array<i32>} : memref<800x16xf32, #tpu.memory_space<vmem>>, vector<1x16xf32>,
      %get3A_899 = vector.shape_cast %get3A_898 : vector<1x16xf32> to vector<16xf32>
      %swap3A = arith.index_cast %scan3A_896 : i32 to index
      %swap3A_900 = arith.constant 0 : index
      %swap3A_901 = tpu.vector_load %arg10[%swap3A, %swap3A_900] {strides = array<i32>} : memref<800x16xf32, #tpu.memory_space<vmem>>, vector<1x16xf32>,
      %swap3A_902 = vector.shape_cast %swap3A_901 : vector<1x16xf32> to vector<16xf32>
      %swap3A_903 = vector.shape_cast %get3A_899 : vector<16xf32> to vector<1x16xf32>
      tpu.vector_store %arg10[%swap3A, %swap3A_900], %swap3A_903 {strides = array<i32>} : memref<800x16xf32, #tpu.memory_space<vmem>>, vector<1x16xf32>,
      %scan3A_904 = arith.constant 1 : i32
      %scan3A_905 = arith.addi %scan3A_896, %scan3A_904 : i32
      %get3A_906 = arith.index_cast %scan3A_905 : i32 to index
      %get3A_907 = arith.constant 0 : index
      %get3A_908 = tpu.vector_load %arg7[%get3A_906, %get3A_907] {strides = array<i32>} : memref<800x16xf32, #tpu.memory_space<vmem>>, vector<1x16xf32>,
      %get3A_909 = vector.shape_cast %get3A_908 : vector<1x16xf32> to vector<16xf32>
      %swap3A_910 = arith.index_cast %scan3A_905 : i32 to index
      %swap3A_911 = arith.constant 0 : index
      %swap3A_912 = tpu.vector_load %arg10[%swap3A_910, %swap3A_911] {strides = array<i32>} : memref<800x16xf32, #tpu.memory_space<vmem>>, vector<1x16xf32>,
      %swap3A_913 = vector.shape_cast %swap3A_912 : vector<1x16xf32> to vector<16xf32>
      %swap3A_914 = vector.shape_cast %get3A_909 : vector<16xf32> to vector<1x16xf32>
      tpu.vector_store %arg10[%swap3A_910, %swap3A_911], %swap3A_914 {strides = array<i32>} : memref<800x16xf32, #tpu.memory_space<vmem>>, vector<1x16xf32>,
      %scan3A_915 = arith.constant 2 : i32
      %scan3A_916 = arith.addi %scan3A_896, %scan3A_915 : i32
      %get3A_917 = arith.index_cast %scan3A_916 : i32 to index
      %get3A_918 = arith.constant 0 : index
      %get3A_919 = tpu.vector_load %arg7[%get3A_917, %get3A_918] {strides = array<i32>} : memref<800x16xf32, #tpu.memory_space<vmem>>, vector<1x16xf32>,
      %get3A_920 = vector.shape_cast %get3A_919 : vector<1x16xf32> to vector<16xf32>
      %swap3A_921 = arith.index_cast %scan3A_916 : i32 to index
      %swap3A_922 = arith.constant 0 : index
      %swap3A_923 = tpu.vector_load %arg10[%swap3A_921, %swap3A_922] {strides = array<i32>} : memref<800x16xf32, #tpu.memory_space<vmem>>, vector<1x16xf32>,
      %swap3A_924 = vector.shape_cast %swap3A_923 : vector<1x16xf32> to vector<16xf32>
      %swap3A_925 = vector.shape_cast %get3A_920 : vector<16xf32> to vector<1x16xf32>
      tpu.vector_store %arg10[%swap3A_921, %swap3A_922], %swap3A_925 {strides = array<i32>} : memref<800x16xf32, #tpu.memory_space<vmem>>, vector<1x16xf32>,
      %scan3A_926 = arith.constant 3 : i32
      %scan3A_927 = arith.addi %scan3A_896, %scan3A_926 : i32
      %get3A_928 = arith.index_cast %scan3A_927 : i32 to index
      %get3A_929 = arith.constant 0 : index
      %get3A_930 = tpu.vector_load %arg7[%get3A_928, %get3A_929] {strides = array<i32>} : memref<800x16xf32, #tpu.memory_space<vmem>>, vector<1x16xf32>,
      %get3A_931 = vector.shape_cast %get3A_930 : vector<1x16xf32> to vector<16xf32>
      %swap3A_932 = arith.index_cast %scan3A_927 : i32 to index
      %swap3A_933 = arith.constant 0 : index
      %swap3A_934 = tpu.vector_load %arg10[%swap3A_932, %swap3A_933] {strides = array<i32>} : memref<800x16xf32, #tpu.memory_space<vmem>>, vector<1x16xf32>,
      %swap3A_935 = vector.shape_cast %swap3A_934 : vector<1x16xf32> to vector<16xf32>
      %swap3A_936 = vector.shape_cast %get3A_931 : vector<16xf32> to vector<1x16xf32>
      tpu.vector_store %arg10[%swap3A_932, %swap3A_933], %swap3A_936 {strides = array<i32>} : memref<800x16xf32, #tpu.memory_space<vmem>>, vector<1x16xf32>,
      %scan3A_937 = arith.constant 4 : i32
      %scan3A_938 = arith.addi %scan3A_896, %scan3A_937 : i32
      %get3A_939 = arith.index_cast %scan3A_938 : i32 to index
      %get3A_940 = arith.constant 0 : index
      %get3A_941 = tpu.vector_load %arg7[%get3A_939, %get3A_940] {strides = array<i32>} : memref<800x16xf32, #tpu.memory_space<vmem>>, vector<1x16xf32>,
      %get3A_942 = vector.shape_cast %get3A_941 : vector<1x16xf32> to vector<16xf32>
      %swap3A_943 = arith.index_cast %scan3A_938 : i32 to index
      %swap3A_944 = arith.constant 0 : index
      %swap3A_945 = tpu.vector_load %arg10[%swap3A_943, %swap3A_944] {strides = array<i32>} : memref<800x16xf32, #tpu.memory_space<vmem>>, vector<1x16xf32>,
      %swap3A_946 = vector.shape_cast %swap3A_945 : vector<1x16xf32> to vector<16xf32>
      %swap3A_947 = vector.shape_cast %get3A_942 : vector<16xf32> to vector<1x16xf32>
      tpu.vector_store %arg10[%swap3A_943, %swap3A_944], %swap3A_947 {strides = array<i32>} : memref<800x16xf32, #tpu.memory_space<vmem>>, vector<1x16xf32>,
      %scan3A_948 = arith.constant 5 : i32
      %scan3A_949 = arith.addi %scan3A_896, %scan3A_948 : i32
      %get3A_950 = arith.index_cast %scan3A_949 : i32 to index
      %get3A_951 = arith.constant 0 : index
      %get3A_952 = tpu.vector_load %arg7[%get3A_950, %get3A_951] {strides = array<i32>} : memref<800x16xf32, #tpu.memory_space<vmem>>, vector<1x16xf32>,
      %get3A_953 = vector.shape_cast %get3A_952 : vector<1x16xf32> to vector<16xf32>
      %swap3A_954 = arith.index_cast %scan3A_949 : i32 to index
      %swap3A_955 = arith.constant 0 : index
      %swap3A_956 = tpu.vector_load %arg10[%swap3A_954, %swap3A_955] {strides = array<i32>} : memref<800x16xf32, #tpu.memory_space<vmem>>, vector<1x16xf32>,
      %swap3A_957 = vector.shape_cast %swap3A_956 : vector<1x16xf32> to vector<16xf32>
      %swap3A_958 = vector.shape_cast %get3A_953 : vector<16xf32> to vector<1x16xf32>
      tpu.vector_store %arg10[%swap3A_954, %swap3A_955], %swap3A_958 {strides = array<i32>} : memref<800x16xf32, #tpu.memory_space<vmem>>, vector<1x16xf32>,
      %scan3A_959 = arith.constant 6 : i32
      %scan3A_960 = arith.addi %scan3A_896, %scan3A_959 : i32
      %get3A_961 = arith.index_cast %scan3A_960 : i32 to index
      %get3A_962 = arith.constant 0 : index
      %get3A_963 = tpu.vector_load %arg7[%get3A_961, %get3A_962] {strides = array<i32>} : memref<800x16xf32, #tpu.memory_space<vmem>>, vector<1x16xf32>,
      %get3A_964 = vector.shape_cast %get3A_963 : vector<1x16xf32> to vector<16xf32>
      %swap3A_965 = arith.index_cast %scan3A_960 : i32 to index
      %swap3A_966 = arith.constant 0 : index
      %swap3A_967 = tpu.vector_load %arg10[%swap3A_965, %swap3A_966] {strides = array<i32>} : memref<800x16xf32, #tpu.memory_space<vmem>>, vector<1x16xf32>,
      %swap3A_968 = vector.shape_cast %swap3A_967 : vector<1x16xf32> to vector<16xf32>
      %swap3A_969 = vector.shape_cast %get3A_964 : vector<16xf32> to vector<1x16xf32>
      tpu.vector_store %arg10[%swap3A_965, %swap3A_966], %swap3A_969 {strides = array<i32>} : memref<800x16xf32, #tpu.memory_space<vmem>>, vector<1x16xf32>,
      %scan3A_970 = arith.constant 7 : i32
      %scan3A_971 = arith.addi %scan3A_896, %scan3A_970 : i32
      %get3A_972 = arith.index_cast %scan3A_971 : i32 to index
      %get3A_973 = arith.constant 0 : index
      %get3A_974 = tpu.vector_load %arg7[%get3A_972, %get3A_973] {strides = array<i32>} : memref<800x16xf32, #tpu.memory_space<vmem>>, vector<1x16xf32>,
      %get3A_975 = vector.shape_cast %get3A_974 : vector<1x16xf32> to vector<16xf32>
      %swap3A_976 = arith.index_cast %scan3A_971 : i32 to index
      %swap3A_977 = arith.constant 0 : index
      %swap3A_978 = tpu.vector_load %arg10[%swap3A_976, %swap3A_977] {strides = array<i32>} : memref<800x16xf32, #tpu.memory_space<vmem>>, vector<1x16xf32>,
      %swap3A_979 = vector.shape_cast %swap3A_978 : vector<1x16xf32> to vector<16xf32>
      %swap3A_980 = vector.shape_cast %get3A_975 : vector<16xf32> to vector<1x16xf32>
      tpu.vector_store %arg10[%swap3A_976, %swap3A_977], %swap3A_980 {strides = array<i32>} : memref<800x16xf32, #tpu.memory_space<vmem>>, vector<1x16xf32>,
    }
    %scan3A_699 = arith.constant 800 : i32
    %dma_start3A_700 = arith.constant 20800 : i32
    %dma_start3A_701 = tpu.memref_slice %arg6[%dma_start3A_700] : memref<25600xi32, #tpu.memory_space<vmem>> -> memref<800xi32, #tpu.memory_space<vmem>>
    %dma_start3A_702 = arith.constant 0 : i32
    %dma_start3A_703 = arith.constant 0 : i32
    %dma_start3A_704 = tpu.memref_slice %arg3[%dma_start3A_702, %dma_start3A_703] : memref<100000x16xf32, #tpu.memory_space<hbm>> -> memref<100000x16xf32, #tpu.memory_space<hbm>>
    tpu.enqueue_indirect_dma source(%dma_start3A_704 : memref<100000x16xf32, #tpu.memory_space<hbm>>) target(%arg10 : memref<800x16xf32, #tpu.memory_space<vmem>>) offsets(%dma_start3A_701 : memref<800xi32, #tpu.memory_space<vmem>>) semaphore(%arg13 : memref<!tpu.dma_semaphore, #tpu.memory_space<semaphore_mem>>) {add = true}
    %dma_wait3A_705 = arith.constant 19200 : i32
    %dma_wait3A_706 = tpu.memref_slice %arg6[%dma_wait3A_705] : memref<25600xi32, #tpu.memory_space<vmem>> -> memref<800xi32, #tpu.memory_space<vmem>>
    %dma_wait3A_707 = arith.constant 0 : i32
    %dma_wait3A_708 = arith.constant 0 : i32
    %dma_wait3A_709 = tpu.memref_slice %arg3[%dma_wait3A_707, %dma_wait3A_708] : memref<100000x16xf32, #tpu.memory_space<hbm>> -> memref<100000x16xf32, #tpu.memory_space<hbm>>
    tpu.wait_indirect_dma semaphore(%arg11 : memref<!tpu.dma_semaphore, #tpu.memory_space<semaphore_mem>>) src(%dma_wait3A_709 : memref<100000x16xf32, #tpu.memory_space<hbm>>) dst(%arg8 : memref<800x16xf32, #tpu.memory_space<vmem>>)
    %add3A_710 = arith.constant 19200 : i32
    %add3A_711 = arith.addi %mul3A_2, %add3A_710 : i32
    %dma_start3A_712 = arith.constant 0 : i32
    %dma_start3A_713 = tpu.memref_slice %arg5[%add3A_711, %dma_start3A_712] : memref<819200x16xf32, #tpu.memory_space<hbm>> -> memref<800x16xf32, #tpu.memory_space<hbm>>
    %dma_start3A_714 = arith.constant 0 : i32
    %dma_start3A_715 = tpu.memref_slice %arg5[%add3A_711, %dma_start3A_714] : memref<819200x16xf32, #tpu.memory_space<hbm>> -> memref<800x16xf32, #tpu.memory_space<hbm>>
    tpu.enqueue_dma source(%arg8 : memref<800x16xf32, #tpu.memory_space<vmem>>) target(%dma_start3A_715 : memref<800x16xf32, #tpu.memory_space<hbm>>) target_semaphore(%arg14 : memref<!tpu.dma_semaphore, #tpu.memory_space<semaphore_mem>>)
    %add3A_716 = arith.constant 19200 : i32
    %add3A_717 = arith.addi %mul3A_2, %add3A_716 : i32
    %dma_wait3A_718 = arith.constant 0 : i32
    %dma_wait3A_719 = tpu.memref_slice %arg5[%add3A_717, %dma_wait3A_718] : memref<819200x16xf32, #tpu.memory_space<hbm>> -> memref<800x16xf32, #tpu.memory_space<hbm>>
    %dma_wait3A_720 = arith.constant 0 : i32
    %dma_wait3A_721 = tpu.memref_slice %arg5[%add3A_717, %dma_wait3A_720] : memref<819200x16xf32, #tpu.memory_space<hbm>> -> memref<800x16xf32, #tpu.memory_space<hbm>>
    tpu.wait_dma2 semaphore(%arg14 : memref<!tpu.dma_semaphore, #tpu.memory_space<semaphore_mem>>) src(%arg8 : memref<800x16xf32, #tpu.memory_space<vmem>>) dst(%dma_wait3A_721 : memref<800x16xf32, #tpu.memory_space<hbm>>)
    %scan3A_722 = arith.constant 0 : i32
    %scan3A_723 = arith.constant 0 : i32
    %scan3A_724 = arith.constant 800 : i32
    %scan3A_725 = arith.addi %scan3A_723, %scan3A_724 : i32
    %scan3A_726 = arith.constant 8 : i32
    scf.for %scan3A_896 = %scan3A_723 to %scan3A_725 step %scan3A_726  : i32 {
      %get3A = arith.index_cast %scan3A_896 : i32 to index
      %get3A_897 = arith.constant 0 : index
      %get3A_898 = tpu.vector_load %arg7[%get3A, %get3A_897] {strides = array<i32>} : memref<800x16xf32, #tpu.memory_space<vmem>>, vector<1x16xf32>,
      %get3A_899 = vector.shape_cast %get3A_898 : vector<1x16xf32> to vector<16xf32>
      %swap3A = arith.index_cast %scan3A_896 : i32 to index
      %swap3A_900 = arith.constant 0 : index
      %swap3A_901 = tpu.vector_load %arg8[%swap3A, %swap3A_900] {strides = array<i32>} : memref<800x16xf32, #tpu.memory_space<vmem>>, vector<1x16xf32>,
      %swap3A_902 = vector.shape_cast %swap3A_901 : vector<1x16xf32> to vector<16xf32>
      %swap3A_903 = vector.shape_cast %get3A_899 : vector<16xf32> to vector<1x16xf32>
      tpu.vector_store %arg8[%swap3A, %swap3A_900], %swap3A_903 {strides = array<i32>} : memref<800x16xf32, #tpu.memory_space<vmem>>, vector<1x16xf32>,
      %scan3A_904 = arith.constant 1 : i32
      %scan3A_905 = arith.addi %scan3A_896, %scan3A_904 : i32
      %get3A_906 = arith.index_cast %scan3A_905 : i32 to index
      %get3A_907 = arith.constant 0 : index
      %get3A_908 = tpu.vector_load %arg7[%get3A_906, %get3A_907] {strides = array<i32>} : memref<800x16xf32, #tpu.memory_space<vmem>>, vector<1x16xf32>,
      %get3A_909 = vector.shape_cast %get3A_908 : vector<1x16xf32> to vector<16xf32>
      %swap3A_910 = arith.index_cast %scan3A_905 : i32 to index
      %swap3A_911 = arith.constant 0 : index
      %swap3A_912 = tpu.vector_load %arg8[%swap3A_910, %swap3A_911] {strides = array<i32>} : memref<800x16xf32, #tpu.memory_space<vmem>>, vector<1x16xf32>,
      %swap3A_913 = vector.shape_cast %swap3A_912 : vector<1x16xf32> to vector<16xf32>
      %swap3A_914 = vector.shape_cast %get3A_909 : vector<16xf32> to vector<1x16xf32>
      tpu.vector_store %arg8[%swap3A_910, %swap3A_911], %swap3A_914 {strides = array<i32>} : memref<800x16xf32, #tpu.memory_space<vmem>>, vector<1x16xf32>,
      %scan3A_915 = arith.constant 2 : i32
      %scan3A_916 = arith.addi %scan3A_896, %scan3A_915 : i32
      %get3A_917 = arith.index_cast %scan3A_916 : i32 to index
      %get3A_918 = arith.constant 0 : index
      %get3A_919 = tpu.vector_load %arg7[%get3A_917, %get3A_918] {strides = array<i32>} : memref<800x16xf32, #tpu.memory_space<vmem>>, vector<1x16xf32>,
      %get3A_920 = vector.shape_cast %get3A_919 : vector<1x16xf32> to vector<16xf32>
      %swap3A_921 = arith.index_cast %scan3A_916 : i32 to index
      %swap3A_922 = arith.constant 0 : index
      %swap3A_923 = tpu.vector_load %arg8[%swap3A_921, %swap3A_922] {strides = array<i32>} : memref<800x16xf32, #tpu.memory_space<vmem>>, vector<1x16xf32>,
      %swap3A_924 = vector.shape_cast %swap3A_923 : vector<1x16xf32> to vector<16xf32>
      %swap3A_925 = vector.shape_cast %get3A_920 : vector<16xf32> to vector<1x16xf32>
      tpu.vector_store %arg8[%swap3A_921, %swap3A_922], %swap3A_925 {strides = array<i32>} : memref<800x16xf32, #tpu.memory_space<vmem>>, vector<1x16xf32>,
      %scan3A_926 = arith.constant 3 : i32
      %scan3A_927 = arith.addi %scan3A_896, %scan3A_926 : i32
      %get3A_928 = arith.index_cast %scan3A_927 : i32 to index
      %get3A_929 = arith.constant 0 : index
      %get3A_930 = tpu.vector_load %arg7[%get3A_928, %get3A_929] {strides = array<i32>} : memref<800x16xf32, #tpu.memory_space<vmem>>, vector<1x16xf32>,
      %get3A_931 = vector.shape_cast %get3A_930 : vector<1x16xf32> to vector<16xf32>
      %swap3A_932 = arith.index_cast %scan3A_927 : i32 to index
      %swap3A_933 = arith.constant 0 : index
      %swap3A_934 = tpu.vector_load %arg8[%swap3A_932, %swap3A_933] {strides = array<i32>} : memref<800x16xf32, #tpu.memory_space<vmem>>, vector<1x16xf32>,
      %swap3A_935 = vector.shape_cast %swap3A_934 : vector<1x16xf32> to vector<16xf32>
      %swap3A_936 = vector.shape_cast %get3A_931 : vector<16xf32> to vector<1x16xf32>
      tpu.vector_store %arg8[%swap3A_932, %swap3A_933], %swap3A_936 {strides = array<i32>} : memref<800x16xf32, #tpu.memory_space<vmem>>, vector<1x16xf32>,
      %scan3A_937 = arith.constant 4 : i32
      %scan3A_938 = arith.addi %scan3A_896, %scan3A_937 : i32
      %get3A_939 = arith.index_cast %scan3A_938 : i32 to index
      %get3A_940 = arith.constant 0 : index
      %get3A_941 = tpu.vector_load %arg7[%get3A_939, %get3A_940] {strides = array<i32>} : memref<800x16xf32, #tpu.memory_space<vmem>>, vector<1x16xf32>,
      %get3A_942 = vector.shape_cast %get3A_941 : vector<1x16xf32> to vector<16xf32>
      %swap3A_943 = arith.index_cast %scan3A_938 : i32 to index
      %swap3A_944 = arith.constant 0 : index
      %swap3A_945 = tpu.vector_load %arg8[%swap3A_943, %swap3A_944] {strides = array<i32>} : memref<800x16xf32, #tpu.memory_space<vmem>>, vector<1x16xf32>,
      %swap3A_946 = vector.shape_cast %swap3A_945 : vector<1x16xf32> to vector<16xf32>
      %swap3A_947 = vector.shape_cast %get3A_942 : vector<16xf32> to vector<1x16xf32>
      tpu.vector_store %arg8[%swap3A_943, %swap3A_944], %swap3A_947 {strides = array<i32>} : memref<800x16xf32, #tpu.memory_space<vmem>>, vector<1x16xf32>,
      %scan3A_948 = arith.constant 5 : i32
      %scan3A_949 = arith.addi %scan3A_896, %scan3A_948 : i32
      %get3A_950 = arith.index_cast %scan3A_949 : i32 to index
      %get3A_951 = arith.constant 0 : index
      %get3A_952 = tpu.vector_load %arg7[%get3A_950, %get3A_951] {strides = array<i32>} : memref<800x16xf32, #tpu.memory_space<vmem>>, vector<1x16xf32>,
      %get3A_953 = vector.shape_cast %get3A_952 : vector<1x16xf32> to vector<16xf32>
      %swap3A_954 = arith.index_cast %scan3A_949 : i32 to index
      %swap3A_955 = arith.constant 0 : index
      %swap3A_956 = tpu.vector_load %arg8[%swap3A_954, %swap3A_955] {strides = array<i32>} : memref<800x16xf32, #tpu.memory_space<vmem>>, vector<1x16xf32>,
      %swap3A_957 = vector.shape_cast %swap3A_956 : vector<1x16xf32> to vector<16xf32>
      %swap3A_958 = vector.shape_cast %get3A_953 : vector<16xf32> to vector<1x16xf32>
      tpu.vector_store %arg8[%swap3A_954, %swap3A_955], %swap3A_958 {strides = array<i32>} : memref<800x16xf32, #tpu.memory_space<vmem>>, vector<1x16xf32>,
      %scan3A_959 = arith.constant 6 : i32
      %scan3A_960 = arith.addi %scan3A_896, %scan3A_959 : i32
      %get3A_961 = arith.index_cast %scan3A_960 : i32 to index
      %get3A_962 = arith.constant 0 : index
      %get3A_963 = tpu.vector_load %arg7[%get3A_961, %get3A_962] {strides = array<i32>} : memref<800x16xf32, #tpu.memory_space<vmem>>, vector<1x16xf32>,
      %get3A_964 = vector.shape_cast %get3A_963 : vector<1x16xf32> to vector<16xf32>
      %swap3A_965 = arith.index_cast %scan3A_960 : i32 to index
      %swap3A_966 = arith.constant 0 : index
      %swap3A_967 = tpu.vector_load %arg8[%swap3A_965, %swap3A_966] {strides = array<i32>} : memref<800x16xf32, #tpu.memory_space<vmem>>, vector<1x16xf32>,
      %swap3A_968 = vector.shape_cast %swap3A_967 : vector<1x16xf32> to vector<16xf32>
      %swap3A_969 = vector.shape_cast %get3A_964 : vector<16xf32> to vector<1x16xf32>
      tpu.vector_store %arg8[%swap3A_965, %swap3A_966], %swap3A_969 {strides = array<i32>} : memref<800x16xf32, #tpu.memory_space<vmem>>, vector<1x16xf32>,
      %scan3A_970 = arith.constant 7 : i32
      %scan3A_971 = arith.addi %scan3A_896, %scan3A_970 : i32
      %get3A_972 = arith.index_cast %scan3A_971 : i32 to index
      %get3A_973 = arith.constant 0 : index
      %get3A_974 = tpu.vector_load %arg7[%get3A_972, %get3A_973] {strides = array<i32>} : memref<800x16xf32, #tpu.memory_space<vmem>>, vector<1x16xf32>,
      %get3A_975 = vector.shape_cast %get3A_974 : vector<1x16xf32> to vector<16xf32>
      %swap3A_976 = arith.index_cast %scan3A_971 : i32 to index
      %swap3A_977 = arith.constant 0 : index
      %swap3A_978 = tpu.vector_load %arg8[%swap3A_976, %swap3A_977] {strides = array<i32>} : memref<800x16xf32, #tpu.memory_space<vmem>>, vector<1x16xf32>,
      %swap3A_979 = vector.shape_cast %swap3A_978 : vector<1x16xf32> to vector<16xf32>
      %swap3A_980 = vector.shape_cast %get3A_975 : vector<16xf32> to vector<1x16xf32>
      tpu.vector_store %arg8[%swap3A_976, %swap3A_977], %swap3A_980 {strides = array<i32>} : memref<800x16xf32, #tpu.memory_space<vmem>>, vector<1x16xf32>,
    }
    %scan3A_727 = arith.constant 800 : i32
    %dma_start3A_728 = arith.constant 21600 : i32
    %dma_start3A_729 = tpu.memref_slice %arg6[%dma_start3A_728] : memref<25600xi32, #tpu.memory_space<vmem>> -> memref<800xi32, #tpu.memory_space<vmem>>
    %dma_start3A_730 = arith.constant 0 : i32
    %dma_start3A_731 = arith.constant 0 : i32
    %dma_start3A_732 = tpu.memref_slice %arg3[%dma_start3A_730, %dma_start3A_731] : memref<100000x16xf32, #tpu.memory_space<hbm>> -> memref<100000x16xf32, #tpu.memory_space<hbm>>
    tpu.enqueue_indirect_dma source(%dma_start3A_732 : memref<100000x16xf32, #tpu.memory_space<hbm>>) target(%arg8 : memref<800x16xf32, #tpu.memory_space<vmem>>) offsets(%dma_start3A_729 : memref<800xi32, #tpu.memory_space<vmem>>) semaphore(%arg11 : memref<!tpu.dma_semaphore, #tpu.memory_space<semaphore_mem>>) {add = true}
    %dma_wait3A_733 = arith.constant 20000 : i32
    %dma_wait3A_734 = tpu.memref_slice %arg6[%dma_wait3A_733] : memref<25600xi32, #tpu.memory_space<vmem>> -> memref<800xi32, #tpu.memory_space<vmem>>
    %dma_wait3A_735 = arith.constant 0 : i32
    %dma_wait3A_736 = arith.constant 0 : i32
    %dma_wait3A_737 = tpu.memref_slice %arg3[%dma_wait3A_735, %dma_wait3A_736] : memref<100000x16xf32, #tpu.memory_space<hbm>> -> memref<100000x16xf32, #tpu.memory_space<hbm>>
    tpu.wait_indirect_dma semaphore(%arg12 : memref<!tpu.dma_semaphore, #tpu.memory_space<semaphore_mem>>) src(%dma_wait3A_737 : memref<100000x16xf32, #tpu.memory_space<hbm>>) dst(%arg9 : memref<800x16xf32, #tpu.memory_space<vmem>>)
    %add3A_738 = arith.constant 20000 : i32
    %add3A_739 = arith.addi %mul3A_2, %add3A_738 : i32
    %dma_start3A_740 = arith.constant 0 : i32
    %dma_start3A_741 = tpu.memref_slice %arg5[%add3A_739, %dma_start3A_740] : memref<819200x16xf32, #tpu.memory_space<hbm>> -> memref<800x16xf32, #tpu.memory_space<hbm>>
    %dma_start3A_742 = arith.constant 0 : i32
    %dma_start3A_743 = tpu.memref_slice %arg5[%add3A_739, %dma_start3A_742] : memref<819200x16xf32, #tpu.memory_space<hbm>> -> memref<800x16xf32, #tpu.memory_space<hbm>>
    tpu.enqueue_dma source(%arg9 : memref<800x16xf32, #tpu.memory_space<vmem>>) target(%dma_start3A_743 : memref<800x16xf32, #tpu.memory_space<hbm>>) target_semaphore(%arg15 : memref<!tpu.dma_semaphore, #tpu.memory_space<semaphore_mem>>)
    %add3A_744 = arith.constant 20000 : i32
    %add3A_745 = arith.addi %mul3A_2, %add3A_744 : i32
    %dma_wait3A_746 = arith.constant 0 : i32
    %dma_wait3A_747 = tpu.memref_slice %arg5[%add3A_745, %dma_wait3A_746] : memref<819200x16xf32, #tpu.memory_space<hbm>> -> memref<800x16xf32, #tpu.memory_space<hbm>>
    %dma_wait3A_748 = arith.constant 0 : i32
    %dma_wait3A_749 = tpu.memref_slice %arg5[%add3A_745, %dma_wait3A_748] : memref<819200x16xf32, #tpu.memory_space<hbm>> -> memref<800x16xf32, #tpu.memory_space<hbm>>
    tpu.wait_dma2 semaphore(%arg15 : memref<!tpu.dma_semaphore, #tpu.memory_space<semaphore_mem>>) src(%arg9 : memref<800x16xf32, #tpu.memory_space<vmem>>) dst(%dma_wait3A_749 : memref<800x16xf32, #tpu.memory_space<hbm>>)
    %scan3A_750 = arith.constant 0 : i32
    %scan3A_751 = arith.constant 0 : i32
    %scan3A_752 = arith.constant 800 : i32
    %scan3A_753 = arith.addi %scan3A_751, %scan3A_752 : i32
    %scan3A_754 = arith.constant 8 : i32
    scf.for %scan3A_896 = %scan3A_751 to %scan3A_753 step %scan3A_754  : i32 {
      %get3A = arith.index_cast %scan3A_896 : i32 to index
      %get3A_897 = arith.constant 0 : index
      %get3A_898 = tpu.vector_load %arg7[%get3A, %get3A_897] {strides = array<i32>} : memref<800x16xf32, #tpu.memory_space<vmem>>, vector<1x16xf32>,
      %get3A_899 = vector.shape_cast %get3A_898 : vector<1x16xf32> to vector<16xf32>
      %swap3A = arith.index_cast %scan3A_896 : i32 to index
      %swap3A_900 = arith.constant 0 : index
      %swap3A_901 = tpu.vector_load %arg9[%swap3A, %swap3A_900] {strides = array<i32>} : memref<800x16xf32, #tpu.memory_space<vmem>>, vector<1x16xf32>,
      %swap3A_902 = vector.shape_cast %swap3A_901 : vector<1x16xf32> to vector<16xf32>
      %swap3A_903 = vector.shape_cast %get3A_899 : vector<16xf32> to vector<1x16xf32>
      tpu.vector_store %arg9[%swap3A, %swap3A_900], %swap3A_903 {strides = array<i32>} : memref<800x16xf32, #tpu.memory_space<vmem>>, vector<1x16xf32>,
      %scan3A_904 = arith.constant 1 : i32
      %scan3A_905 = arith.addi %scan3A_896, %scan3A_904 : i32
      %get3A_906 = arith.index_cast %scan3A_905 : i32 to index
      %get3A_907 = arith.constant 0 : index
      %get3A_908 = tpu.vector_load %arg7[%get3A_906, %get3A_907] {strides = array<i32>} : memref<800x16xf32, #tpu.memory_space<vmem>>, vector<1x16xf32>,
      %get3A_909 = vector.shape_cast %get3A_908 : vector<1x16xf32> to vector<16xf32>
      %swap3A_910 = arith.index_cast %scan3A_905 : i32 to index
      %swap3A_911 = arith.constant 0 : index
      %swap3A_912 = tpu.vector_load %arg9[%swap3A_910, %swap3A_911] {strides = array<i32>} : memref<800x16xf32, #tpu.memory_space<vmem>>, vector<1x16xf32>,
      %swap3A_913 = vector.shape_cast %swap3A_912 : vector<1x16xf32> to vector<16xf32>
      %swap3A_914 = vector.shape_cast %get3A_909 : vector<16xf32> to vector<1x16xf32>
      tpu.vector_store %arg9[%swap3A_910, %swap3A_911], %swap3A_914 {strides = array<i32>} : memref<800x16xf32, #tpu.memory_space<vmem>>, vector<1x16xf32>,
      %scan3A_915 = arith.constant 2 : i32
      %scan3A_916 = arith.addi %scan3A_896, %scan3A_915 : i32
      %get3A_917 = arith.index_cast %scan3A_916 : i32 to index
      %get3A_918 = arith.constant 0 : index
      %get3A_919 = tpu.vector_load %arg7[%get3A_917, %get3A_918] {strides = array<i32>} : memref<800x16xf32, #tpu.memory_space<vmem>>, vector<1x16xf32>,
      %get3A_920 = vector.shape_cast %get3A_919 : vector<1x16xf32> to vector<16xf32>
      %swap3A_921 = arith.index_cast %scan3A_916 : i32 to index
      %swap3A_922 = arith.constant 0 : index
      %swap3A_923 = tpu.vector_load %arg9[%swap3A_921, %swap3A_922] {strides = array<i32>} : memref<800x16xf32, #tpu.memory_space<vmem>>, vector<1x16xf32>,
      %swap3A_924 = vector.shape_cast %swap3A_923 : vector<1x16xf32> to vector<16xf32>
      %swap3A_925 = vector.shape_cast %get3A_920 : vector<16xf32> to vector<1x16xf32>
      tpu.vector_store %arg9[%swap3A_921, %swap3A_922], %swap3A_925 {strides = array<i32>} : memref<800x16xf32, #tpu.memory_space<vmem>>, vector<1x16xf32>,
      %scan3A_926 = arith.constant 3 : i32
      %scan3A_927 = arith.addi %scan3A_896, %scan3A_926 : i32
      %get3A_928 = arith.index_cast %scan3A_927 : i32 to index
      %get3A_929 = arith.constant 0 : index
      %get3A_930 = tpu.vector_load %arg7[%get3A_928, %get3A_929] {strides = array<i32>} : memref<800x16xf32, #tpu.memory_space<vmem>>, vector<1x16xf32>,
      %get3A_931 = vector.shape_cast %get3A_930 : vector<1x16xf32> to vector<16xf32>
      %swap3A_932 = arith.index_cast %scan3A_927 : i32 to index
      %swap3A_933 = arith.constant 0 : index
      %swap3A_934 = tpu.vector_load %arg9[%swap3A_932, %swap3A_933] {strides = array<i32>} : memref<800x16xf32, #tpu.memory_space<vmem>>, vector<1x16xf32>,
      %swap3A_935 = vector.shape_cast %swap3A_934 : vector<1x16xf32> to vector<16xf32>
      %swap3A_936 = vector.shape_cast %get3A_931 : vector<16xf32> to vector<1x16xf32>
      tpu.vector_store %arg9[%swap3A_932, %swap3A_933], %swap3A_936 {strides = array<i32>} : memref<800x16xf32, #tpu.memory_space<vmem>>, vector<1x16xf32>,
      %scan3A_937 = arith.constant 4 : i32
      %scan3A_938 = arith.addi %scan3A_896, %scan3A_937 : i32
      %get3A_939 = arith.index_cast %scan3A_938 : i32 to index
      %get3A_940 = arith.constant 0 : index
      %get3A_941 = tpu.vector_load %arg7[%get3A_939, %get3A_940] {strides = array<i32>} : memref<800x16xf32, #tpu.memory_space<vmem>>, vector<1x16xf32>,
      %get3A_942 = vector.shape_cast %get3A_941 : vector<1x16xf32> to vector<16xf32>
      %swap3A_943 = arith.index_cast %scan3A_938 : i32 to index
      %swap3A_944 = arith.constant 0 : index
      %swap3A_945 = tpu.vector_load %arg9[%swap3A_943, %swap3A_944] {strides = array<i32>} : memref<800x16xf32, #tpu.memory_space<vmem>>, vector<1x16xf32>,
      %swap3A_946 = vector.shape_cast %swap3A_945 : vector<1x16xf32> to vector<16xf32>
      %swap3A_947 = vector.shape_cast %get3A_942 : vector<16xf32> to vector<1x16xf32>
      tpu.vector_store %arg9[%swap3A_943, %swap3A_944], %swap3A_947 {strides = array<i32>} : memref<800x16xf32, #tpu.memory_space<vmem>>, vector<1x16xf32>,
      %scan3A_948 = arith.constant 5 : i32
      %scan3A_949 = arith.addi %scan3A_896, %scan3A_948 : i32
      %get3A_950 = arith.index_cast %scan3A_949 : i32 to index
      %get3A_951 = arith.constant 0 : index
      %get3A_952 = tpu.vector_load %arg7[%get3A_950, %get3A_951] {strides = array<i32>} : memref<800x16xf32, #tpu.memory_space<vmem>>, vector<1x16xf32>,
      %get3A_953 = vector.shape_cast %get3A_952 : vector<1x16xf32> to vector<16xf32>
      %swap3A_954 = arith.index_cast %scan3A_949 : i32 to index
      %swap3A_955 = arith.constant 0 : index
      %swap3A_956 = tpu.vector_load %arg9[%swap3A_954, %swap3A_955] {strides = array<i32>} : memref<800x16xf32, #tpu.memory_space<vmem>>, vector<1x16xf32>,
      %swap3A_957 = vector.shape_cast %swap3A_956 : vector<1x16xf32> to vector<16xf32>
      %swap3A_958 = vector.shape_cast %get3A_953 : vector<16xf32> to vector<1x16xf32>
      tpu.vector_store %arg9[%swap3A_954, %swap3A_955], %swap3A_958 {strides = array<i32>} : memref<800x16xf32, #tpu.memory_space<vmem>>, vector<1x16xf32>,
      %scan3A_959 = arith.constant 6 : i32
      %scan3A_960 = arith.addi %scan3A_896, %scan3A_959 : i32
      %get3A_961 = arith.index_cast %scan3A_960 : i32 to index
      %get3A_962 = arith.constant 0 : index
      %get3A_963 = tpu.vector_load %arg7[%get3A_961, %get3A_962] {strides = array<i32>} : memref<800x16xf32, #tpu.memory_space<vmem>>, vector<1x16xf32>,
      %get3A_964 = vector.shape_cast %get3A_963 : vector<1x16xf32> to vector<16xf32>
      %swap3A_965 = arith.index_cast %scan3A_960 : i32 to index
      %swap3A_966 = arith.constant 0 : index
      %swap3A_967 = tpu.vector_load %arg9[%swap3A_965, %swap3A_966] {strides = array<i32>} : memref<800x16xf32, #tpu.memory_space<vmem>>, vector<1x16xf32>,
      %swap3A_968 = vector.shape_cast %swap3A_967 : vector<1x16xf32> to vector<16xf32>
      %swap3A_969 = vector.shape_cast %get3A_964 : vector<16xf32> to vector<1x16xf32>
      tpu.vector_store %arg9[%swap3A_965, %swap3A_966], %swap3A_969 {strides = array<i32>} : memref<800x16xf32, #tpu.memory_space<vmem>>, vector<1x16xf32>,
      %scan3A_970 = arith.constant 7 : i32
      %scan3A_971 = arith.addi %scan3A_896, %scan3A_970 : i32
      %get3A_972 = arith.index_cast %scan3A_971 : i32 to index
      %get3A_973 = arith.constant 0 : index
      %get3A_974 = tpu.vector_load %arg7[%get3A_972, %get3A_973] {strides = array<i32>} : memref<800x16xf32, #tpu.memory_space<vmem>>, vector<1x16xf32>,
      %get3A_975 = vector.shape_cast %get3A_974 : vector<1x16xf32> to vector<16xf32>
      %swap3A_976 = arith.index_cast %scan3A_971 : i32 to index
      %swap3A_977 = arith.constant 0 : index
      %swap3A_978 = tpu.vector_load %arg9[%swap3A_976, %swap3A_977] {strides = array<i32>} : memref<800x16xf32, #tpu.memory_space<vmem>>, vector<1x16xf32>,
      %swap3A_979 = vector.shape_cast %swap3A_978 : vector<1x16xf32> to vector<16xf32>
      %swap3A_980 = vector.shape_cast %get3A_975 : vector<16xf32> to vector<1x16xf32>
      tpu.vector_store %arg9[%swap3A_976, %swap3A_977], %swap3A_980 {strides = array<i32>} : memref<800x16xf32, #tpu.memory_space<vmem>>, vector<1x16xf32>,
    }
    %scan3A_755 = arith.constant 800 : i32
    %dma_start3A_756 = arith.constant 22400 : i32
    %dma_start3A_757 = tpu.memref_slice %arg6[%dma_start3A_756] : memref<25600xi32, #tpu.memory_space<vmem>> -> memref<800xi32, #tpu.memory_space<vmem>>
    %dma_start3A_758 = arith.constant 0 : i32
    %dma_start3A_759 = arith.constant 0 : i32
    %dma_start3A_760 = tpu.memref_slice %arg3[%dma_start3A_758, %dma_start3A_759] : memref<100000x16xf32, #tpu.memory_space<hbm>> -> memref<100000x16xf32, #tpu.memory_space<hbm>>
    tpu.enqueue_indirect_dma source(%dma_start3A_760 : memref<100000x16xf32, #tpu.memory_space<hbm>>) target(%arg9 : memref<800x16xf32, #tpu.memory_space<vmem>>) offsets(%dma_start3A_757 : memref<800xi32, #tpu.memory_space<vmem>>) semaphore(%arg12 : memref<!tpu.dma_semaphore, #tpu.memory_space<semaphore_mem>>) {add = true}
    %dma_wait3A_761 = arith.constant 20800 : i32
    %dma_wait3A_762 = tpu.memref_slice %arg6[%dma_wait3A_761] : memref<25600xi32, #tpu.memory_space<vmem>> -> memref<800xi32, #tpu.memory_space<vmem>>
    %dma_wait3A_763 = arith.constant 0 : i32
    %dma_wait3A_764 = arith.constant 0 : i32
    %dma_wait3A_765 = tpu.memref_slice %arg3[%dma_wait3A_763, %dma_wait3A_764] : memref<100000x16xf32, #tpu.memory_space<hbm>> -> memref<100000x16xf32, #tpu.memory_space<hbm>>
    tpu.wait_indirect_dma semaphore(%arg13 : memref<!tpu.dma_semaphore, #tpu.memory_space<semaphore_mem>>) src(%dma_wait3A_765 : memref<100000x16xf32, #tpu.memory_space<hbm>>) dst(%arg10 : memref<800x16xf32, #tpu.memory_space<vmem>>)
    %add3A_766 = arith.constant 20800 : i32
    %add3A_767 = arith.addi %mul3A_2, %add3A_766 : i32
    %dma_start3A_768 = arith.constant 0 : i32
    %dma_start3A_769 = tpu.memref_slice %arg5[%add3A_767, %dma_start3A_768] : memref<819200x16xf32, #tpu.memory_space<hbm>> -> memref<800x16xf32, #tpu.memory_space<hbm>>
    %dma_start3A_770 = arith.constant 0 : i32
    %dma_start3A_771 = tpu.memref_slice %arg5[%add3A_767, %dma_start3A_770] : memref<819200x16xf32, #tpu.memory_space<hbm>> -> memref<800x16xf32, #tpu.memory_space<hbm>>
    tpu.enqueue_dma source(%arg10 : memref<800x16xf32, #tpu.memory_space<vmem>>) target(%dma_start3A_771 : memref<800x16xf32, #tpu.memory_space<hbm>>) target_semaphore(%arg16 : memref<!tpu.dma_semaphore, #tpu.memory_space<semaphore_mem>>)
    %add3A_772 = arith.constant 20800 : i32
    %add3A_773 = arith.addi %mul3A_2, %add3A_772 : i32
    %dma_wait3A_774 = arith.constant 0 : i32
    %dma_wait3A_775 = tpu.memref_slice %arg5[%add3A_773, %dma_wait3A_774] : memref<819200x16xf32, #tpu.memory_space<hbm>> -> memref<800x16xf32, #tpu.memory_space<hbm>>
    %dma_wait3A_776 = arith.constant 0 : i32
    %dma_wait3A_777 = tpu.memref_slice %arg5[%add3A_773, %dma_wait3A_776] : memref<819200x16xf32, #tpu.memory_space<hbm>> -> memref<800x16xf32, #tpu.memory_space<hbm>>
    tpu.wait_dma2 semaphore(%arg16 : memref<!tpu.dma_semaphore, #tpu.memory_space<semaphore_mem>>) src(%arg10 : memref<800x16xf32, #tpu.memory_space<vmem>>) dst(%dma_wait3A_777 : memref<800x16xf32, #tpu.memory_space<hbm>>)
    %scan3A_778 = arith.constant 0 : i32
    %scan3A_779 = arith.constant 0 : i32
    %scan3A_780 = arith.constant 800 : i32
    %scan3A_781 = arith.addi %scan3A_779, %scan3A_780 : i32
    %scan3A_782 = arith.constant 8 : i32
    scf.for %scan3A_896 = %scan3A_779 to %scan3A_781 step %scan3A_782  : i32 {
      %get3A = arith.index_cast %scan3A_896 : i32 to index
      %get3A_897 = arith.constant 0 : index
      %get3A_898 = tpu.vector_load %arg7[%get3A, %get3A_897] {strides = array<i32>} : memref<800x16xf32, #tpu.memory_space<vmem>>, vector<1x16xf32>,
      %get3A_899 = vector.shape_cast %get3A_898 : vector<1x16xf32> to vector<16xf32>
      %swap3A = arith.index_cast %scan3A_896 : i32 to index
      %swap3A_900 = arith.constant 0 : index
      %swap3A_901 = tpu.vector_load %arg10[%swap3A, %swap3A_900] {strides = array<i32>} : memref<800x16xf32, #tpu.memory_space<vmem>>, vector<1x16xf32>,
      %swap3A_902 = vector.shape_cast %swap3A_901 : vector<1x16xf32> to vector<16xf32>
      %swap3A_903 = vector.shape_cast %get3A_899 : vector<16xf32> to vector<1x16xf32>
      tpu.vector_store %arg10[%swap3A, %swap3A_900], %swap3A_903 {strides = array<i32>} : memref<800x16xf32, #tpu.memory_space<vmem>>, vector<1x16xf32>,
      %scan3A_904 = arith.constant 1 : i32
      %scan3A_905 = arith.addi %scan3A_896, %scan3A_904 : i32
      %get3A_906 = arith.index_cast %scan3A_905 : i32 to index
      %get3A_907 = arith.constant 0 : index
      %get3A_908 = tpu.vector_load %arg7[%get3A_906, %get3A_907] {strides = array<i32>} : memref<800x16xf32, #tpu.memory_space<vmem>>, vector<1x16xf32>,
      %get3A_909 = vector.shape_cast %get3A_908 : vector<1x16xf32> to vector<16xf32>
      %swap3A_910 = arith.index_cast %scan3A_905 : i32 to index
      %swap3A_911 = arith.constant 0 : index
      %swap3A_912 = tpu.vector_load %arg10[%swap3A_910, %swap3A_911] {strides = array<i32>} : memref<800x16xf32, #tpu.memory_space<vmem>>, vector<1x16xf32>,
      %swap3A_913 = vector.shape_cast %swap3A_912 : vector<1x16xf32> to vector<16xf32>
      %swap3A_914 = vector.shape_cast %get3A_909 : vector<16xf32> to vector<1x16xf32>
      tpu.vector_store %arg10[%swap3A_910, %swap3A_911], %swap3A_914 {strides = array<i32>} : memref<800x16xf32, #tpu.memory_space<vmem>>, vector<1x16xf32>,
      %scan3A_915 = arith.constant 2 : i32
      %scan3A_916 = arith.addi %scan3A_896, %scan3A_915 : i32
      %get3A_917 = arith.index_cast %scan3A_916 : i32 to index
      %get3A_918 = arith.constant 0 : index
      %get3A_919 = tpu.vector_load %arg7[%get3A_917, %get3A_918] {strides = array<i32>} : memref<800x16xf32, #tpu.memory_space<vmem>>, vector<1x16xf32>,
      %get3A_920 = vector.shape_cast %get3A_919 : vector<1x16xf32> to vector<16xf32>
      %swap3A_921 = arith.index_cast %scan3A_916 : i32 to index
      %swap3A_922 = arith.constant 0 : index
      %swap3A_923 = tpu.vector_load %arg10[%swap3A_921, %swap3A_922] {strides = array<i32>} : memref<800x16xf32, #tpu.memory_space<vmem>>, vector<1x16xf32>,
      %swap3A_924 = vector.shape_cast %swap3A_923 : vector<1x16xf32> to vector<16xf32>
      %swap3A_925 = vector.shape_cast %get3A_920 : vector<16xf32> to vector<1x16xf32>
      tpu.vector_store %arg10[%swap3A_921, %swap3A_922], %swap3A_925 {strides = array<i32>} : memref<800x16xf32, #tpu.memory_space<vmem>>, vector<1x16xf32>,
      %scan3A_926 = arith.constant 3 : i32
      %scan3A_927 = arith.addi %scan3A_896, %scan3A_926 : i32
      %get3A_928 = arith.index_cast %scan3A_927 : i32 to index
      %get3A_929 = arith.constant 0 : index
      %get3A_930 = tpu.vector_load %arg7[%get3A_928, %get3A_929] {strides = array<i32>} : memref<800x16xf32, #tpu.memory_space<vmem>>, vector<1x16xf32>,
      %get3A_931 = vector.shape_cast %get3A_930 : vector<1x16xf32> to vector<16xf32>
      %swap3A_932 = arith.index_cast %scan3A_927 : i32 to index
      %swap3A_933 = arith.constant 0 : index
      %swap3A_934 = tpu.vector_load %arg10[%swap3A_932, %swap3A_933] {strides = array<i32>} : memref<800x16xf32, #tpu.memory_space<vmem>>, vector<1x16xf32>,
      %swap3A_935 = vector.shape_cast %swap3A_934 : vector<1x16xf32> to vector<16xf32>
      %swap3A_936 = vector.shape_cast %get3A_931 : vector<16xf32> to vector<1x16xf32>
      tpu.vector_store %arg10[%swap3A_932, %swap3A_933], %swap3A_936 {strides = array<i32>} : memref<800x16xf32, #tpu.memory_space<vmem>>, vector<1x16xf32>,
      %scan3A_937 = arith.constant 4 : i32
      %scan3A_938 = arith.addi %scan3A_896, %scan3A_937 : i32
      %get3A_939 = arith.index_cast %scan3A_938 : i32 to index
      %get3A_940 = arith.constant 0 : index
      %get3A_941 = tpu.vector_load %arg7[%get3A_939, %get3A_940] {strides = array<i32>} : memref<800x16xf32, #tpu.memory_space<vmem>>, vector<1x16xf32>,
      %get3A_942 = vector.shape_cast %get3A_941 : vector<1x16xf32> to vector<16xf32>
      %swap3A_943 = arith.index_cast %scan3A_938 : i32 to index
      %swap3A_944 = arith.constant 0 : index
      %swap3A_945 = tpu.vector_load %arg10[%swap3A_943, %swap3A_944] {strides = array<i32>} : memref<800x16xf32, #tpu.memory_space<vmem>>, vector<1x16xf32>,
      %swap3A_946 = vector.shape_cast %swap3A_945 : vector<1x16xf32> to vector<16xf32>
      %swap3A_947 = vector.shape_cast %get3A_942 : vector<16xf32> to vector<1x16xf32>
      tpu.vector_store %arg10[%swap3A_943, %swap3A_944], %swap3A_947 {strides = array<i32>} : memref<800x16xf32, #tpu.memory_space<vmem>>, vector<1x16xf32>,
      %scan3A_948 = arith.constant 5 : i32
      %scan3A_949 = arith.addi %scan3A_896, %scan3A_948 : i32
      %get3A_950 = arith.index_cast %scan3A_949 : i32 to index
      %get3A_951 = arith.constant 0 : index
      %get3A_952 = tpu.vector_load %arg7[%get3A_950, %get3A_951] {strides = array<i32>} : memref<800x16xf32, #tpu.memory_space<vmem>>, vector<1x16xf32>,
      %get3A_953 = vector.shape_cast %get3A_952 : vector<1x16xf32> to vector<16xf32>
      %swap3A_954 = arith.index_cast %scan3A_949 : i32 to index
      %swap3A_955 = arith.constant 0 : index
      %swap3A_956 = tpu.vector_load %arg10[%swap3A_954, %swap3A_955] {strides = array<i32>} : memref<800x16xf32, #tpu.memory_space<vmem>>, vector<1x16xf32>,
      %swap3A_957 = vector.shape_cast %swap3A_956 : vector<1x16xf32> to vector<16xf32>
      %swap3A_958 = vector.shape_cast %get3A_953 : vector<16xf32> to vector<1x16xf32>
      tpu.vector_store %arg10[%swap3A_954, %swap3A_955], %swap3A_958 {strides = array<i32>} : memref<800x16xf32, #tpu.memory_space<vmem>>, vector<1x16xf32>,
      %scan3A_959 = arith.constant 6 : i32
      %scan3A_960 = arith.addi %scan3A_896, %scan3A_959 : i32
      %get3A_961 = arith.index_cast %scan3A_960 : i32 to index
      %get3A_962 = arith.constant 0 : index
      %get3A_963 = tpu.vector_load %arg7[%get3A_961, %get3A_962] {strides = array<i32>} : memref<800x16xf32, #tpu.memory_space<vmem>>, vector<1x16xf32>,
      %get3A_964 = vector.shape_cast %get3A_963 : vector<1x16xf32> to vector<16xf32>
      %swap3A_965 = arith.index_cast %scan3A_960 : i32 to index
      %swap3A_966 = arith.constant 0 : index
      %swap3A_967 = tpu.vector_load %arg10[%swap3A_965, %swap3A_966] {strides = array<i32>} : memref<800x16xf32, #tpu.memory_space<vmem>>, vector<1x16xf32>,
      %swap3A_968 = vector.shape_cast %swap3A_967 : vector<1x16xf32> to vector<16xf32>
      %swap3A_969 = vector.shape_cast %get3A_964 : vector<16xf32> to vector<1x16xf32>
      tpu.vector_store %arg10[%swap3A_965, %swap3A_966], %swap3A_969 {strides = array<i32>} : memref<800x16xf32, #tpu.memory_space<vmem>>, vector<1x16xf32>,
      %scan3A_970 = arith.constant 7 : i32
      %scan3A_971 = arith.addi %scan3A_896, %scan3A_970 : i32
      %get3A_972 = arith.index_cast %scan3A_971 : i32 to index
      %get3A_973 = arith.constant 0 : index
      %get3A_974 = tpu.vector_load %arg7[%get3A_972, %get3A_973] {strides = array<i32>} : memref<800x16xf32, #tpu.memory_space<vmem>>, vector<1x16xf32>,
      %get3A_975 = vector.shape_cast %get3A_974 : vector<1x16xf32> to vector<16xf32>
      %swap3A_976 = arith.index_cast %scan3A_971 : i32 to index
      %swap3A_977 = arith.constant 0 : index
      %swap3A_978 = tpu.vector_load %arg10[%swap3A_976, %swap3A_977] {strides = array<i32>} : memref<800x16xf32, #tpu.memory_space<vmem>>, vector<1x16xf32>,
      %swap3A_979 = vector.shape_cast %swap3A_978 : vector<1x16xf32> to vector<16xf32>
      %swap3A_980 = vector.shape_cast %get3A_975 : vector<16xf32> to vector<1x16xf32>
      tpu.vector_store %arg10[%swap3A_976, %swap3A_977], %swap3A_980 {strides = array<i32>} : memref<800x16xf32, #tpu.memory_space<vmem>>, vector<1x16xf32>,
    }
    %scan3A_783 = arith.constant 800 : i32
    %dma_start3A_784 = arith.constant 23200 : i32
    %dma_start3A_785 = tpu.memref_slice %arg6[%dma_start3A_784] : memref<25600xi32, #tpu.memory_space<vmem>> -> memref<800xi32, #tpu.memory_space<vmem>>
    %dma_start3A_786 = arith.constant 0 : i32
    %dma_start3A_787 = arith.constant 0 : i32
    %dma_start3A_788 = tpu.memref_slice %arg3[%dma_start3A_786, %dma_start3A_787] : memref<100000x16xf32, #tpu.memory_space<hbm>> -> memref<100000x16xf32, #tpu.memory_space<hbm>>
    tpu.enqueue_indirect_dma source(%dma_start3A_788 : memref<100000x16xf32, #tpu.memory_space<hbm>>) target(%arg10 : memref<800x16xf32, #tpu.memory_space<vmem>>) offsets(%dma_start3A_785 : memref<800xi32, #tpu.memory_space<vmem>>) semaphore(%arg13 : memref<!tpu.dma_semaphore, #tpu.memory_space<semaphore_mem>>) {add = true}
    %dma_wait3A_789 = arith.constant 21600 : i32
    %dma_wait3A_790 = tpu.memref_slice %arg6[%dma_wait3A_789] : memref<25600xi32, #tpu.memory_space<vmem>> -> memref<800xi32, #tpu.memory_space<vmem>>
    %dma_wait3A_791 = arith.constant 0 : i32
    %dma_wait3A_792 = arith.constant 0 : i32
    %dma_wait3A_793 = tpu.memref_slice %arg3[%dma_wait3A_791, %dma_wait3A_792] : memref<100000x16xf32, #tpu.memory_space<hbm>> -> memref<100000x16xf32, #tpu.memory_space<hbm>>
    tpu.wait_indirect_dma semaphore(%arg11 : memref<!tpu.dma_semaphore, #tpu.memory_space<semaphore_mem>>) src(%dma_wait3A_793 : memref<100000x16xf32, #tpu.memory_space<hbm>>) dst(%arg8 : memref<800x16xf32, #tpu.memory_space<vmem>>)
    %add3A_794 = arith.constant 21600 : i32
    %add3A_795 = arith.addi %mul3A_2, %add3A_794 : i32
    %dma_start3A_796 = arith.constant 0 : i32
    %dma_start3A_797 = tpu.memref_slice %arg5[%add3A_795, %dma_start3A_796] : memref<819200x16xf32, #tpu.memory_space<hbm>> -> memref<800x16xf32, #tpu.memory_space<hbm>>
    %dma_start3A_798 = arith.constant 0 : i32
    %dma_start3A_799 = tpu.memref_slice %arg5[%add3A_795, %dma_start3A_798] : memref<819200x16xf32, #tpu.memory_space<hbm>> -> memref<800x16xf32, #tpu.memory_space<hbm>>
    tpu.enqueue_dma source(%arg8 : memref<800x16xf32, #tpu.memory_space<vmem>>) target(%dma_start3A_799 : memref<800x16xf32, #tpu.memory_space<hbm>>) target_semaphore(%arg14 : memref<!tpu.dma_semaphore, #tpu.memory_space<semaphore_mem>>)
    %add3A_800 = arith.constant 21600 : i32
    %add3A_801 = arith.addi %mul3A_2, %add3A_800 : i32
    %dma_wait3A_802 = arith.constant 0 : i32
    %dma_wait3A_803 = tpu.memref_slice %arg5[%add3A_801, %dma_wait3A_802] : memref<819200x16xf32, #tpu.memory_space<hbm>> -> memref<800x16xf32, #tpu.memory_space<hbm>>
    %dma_wait3A_804 = arith.constant 0 : i32
    %dma_wait3A_805 = tpu.memref_slice %arg5[%add3A_801, %dma_wait3A_804] : memref<819200x16xf32, #tpu.memory_space<hbm>> -> memref<800x16xf32, #tpu.memory_space<hbm>>
    tpu.wait_dma2 semaphore(%arg14 : memref<!tpu.dma_semaphore, #tpu.memory_space<semaphore_mem>>) src(%arg8 : memref<800x16xf32, #tpu.memory_space<vmem>>) dst(%dma_wait3A_805 : memref<800x16xf32, #tpu.memory_space<hbm>>)
    %scan3A_806 = arith.constant 0 : i32
    %scan3A_807 = arith.constant 0 : i32
    %scan3A_808 = arith.constant 800 : i32
    %scan3A_809 = arith.addi %scan3A_807, %scan3A_808 : i32
    %scan3A_810 = arith.constant 8 : i32
    scf.for %scan3A_896 = %scan3A_807 to %scan3A_809 step %scan3A_810  : i32 {
      %get3A = arith.index_cast %scan3A_896 : i32 to index
      %get3A_897 = arith.constant 0 : index
      %get3A_898 = tpu.vector_load %arg7[%get3A, %get3A_897] {strides = array<i32>} : memref<800x16xf32, #tpu.memory_space<vmem>>, vector<1x16xf32>,
      %get3A_899 = vector.shape_cast %get3A_898 : vector<1x16xf32> to vector<16xf32>
      %swap3A = arith.index_cast %scan3A_896 : i32 to index
      %swap3A_900 = arith.constant 0 : index
      %swap3A_901 = tpu.vector_load %arg8[%swap3A, %swap3A_900] {strides = array<i32>} : memref<800x16xf32, #tpu.memory_space<vmem>>, vector<1x16xf32>,
      %swap3A_902 = vector.shape_cast %swap3A_901 : vector<1x16xf32> to vector<16xf32>
      %swap3A_903 = vector.shape_cast %get3A_899 : vector<16xf32> to vector<1x16xf32>
      tpu.vector_store %arg8[%swap3A, %swap3A_900], %swap3A_903 {strides = array<i32>} : memref<800x16xf32, #tpu.memory_space<vmem>>, vector<1x16xf32>,
      %scan3A_904 = arith.constant 1 : i32
      %scan3A_905 = arith.addi %scan3A_896, %scan3A_904 : i32
      %get3A_906 = arith.index_cast %scan3A_905 : i32 to index
      %get3A_907 = arith.constant 0 : index
      %get3A_908 = tpu.vector_load %arg7[%get3A_906, %get3A_907] {strides = array<i32>} : memref<800x16xf32, #tpu.memory_space<vmem>>, vector<1x16xf32>,
      %get3A_909 = vector.shape_cast %get3A_908 : vector<1x16xf32> to vector<16xf32>
      %swap3A_910 = arith.index_cast %scan3A_905 : i32 to index
      %swap3A_911 = arith.constant 0 : index
      %swap3A_912 = tpu.vector_load %arg8[%swap3A_910, %swap3A_911] {strides = array<i32>} : memref<800x16xf32, #tpu.memory_space<vmem>>, vector<1x16xf32>,
      %swap3A_913 = vector.shape_cast %swap3A_912 : vector<1x16xf32> to vector<16xf32>
      %swap3A_914 = vector.shape_cast %get3A_909 : vector<16xf32> to vector<1x16xf32>
      tpu.vector_store %arg8[%swap3A_910, %swap3A_911], %swap3A_914 {strides = array<i32>} : memref<800x16xf32, #tpu.memory_space<vmem>>, vector<1x16xf32>,
      %scan3A_915 = arith.constant 2 : i32
      %scan3A_916 = arith.addi %scan3A_896, %scan3A_915 : i32
      %get3A_917 = arith.index_cast %scan3A_916 : i32 to index
      %get3A_918 = arith.constant 0 : index
      %get3A_919 = tpu.vector_load %arg7[%get3A_917, %get3A_918] {strides = array<i32>} : memref<800x16xf32, #tpu.memory_space<vmem>>, vector<1x16xf32>,
      %get3A_920 = vector.shape_cast %get3A_919 : vector<1x16xf32> to vector<16xf32>
      %swap3A_921 = arith.index_cast %scan3A_916 : i32 to index
      %swap3A_922 = arith.constant 0 : index
      %swap3A_923 = tpu.vector_load %arg8[%swap3A_921, %swap3A_922] {strides = array<i32>} : memref<800x16xf32, #tpu.memory_space<vmem>>, vector<1x16xf32>,
      %swap3A_924 = vector.shape_cast %swap3A_923 : vector<1x16xf32> to vector<16xf32>
      %swap3A_925 = vector.shape_cast %get3A_920 : vector<16xf32> to vector<1x16xf32>
      tpu.vector_store %arg8[%swap3A_921, %swap3A_922], %swap3A_925 {strides = array<i32>} : memref<800x16xf32, #tpu.memory_space<vmem>>, vector<1x16xf32>,
      %scan3A_926 = arith.constant 3 : i32
      %scan3A_927 = arith.addi %scan3A_896, %scan3A_926 : i32
      %get3A_928 = arith.index_cast %scan3A_927 : i32 to index
      %get3A_929 = arith.constant 0 : index
      %get3A_930 = tpu.vector_load %arg7[%get3A_928, %get3A_929] {strides = array<i32>} : memref<800x16xf32, #tpu.memory_space<vmem>>, vector<1x16xf32>,
      %get3A_931 = vector.shape_cast %get3A_930 : vector<1x16xf32> to vector<16xf32>
      %swap3A_932 = arith.index_cast %scan3A_927 : i32 to index
      %swap3A_933 = arith.constant 0 : index
      %swap3A_934 = tpu.vector_load %arg8[%swap3A_932, %swap3A_933] {strides = array<i32>} : memref<800x16xf32, #tpu.memory_space<vmem>>, vector<1x16xf32>,
      %swap3A_935 = vector.shape_cast %swap3A_934 : vector<1x16xf32> to vector<16xf32>
      %swap3A_936 = vector.shape_cast %get3A_931 : vector<16xf32> to vector<1x16xf32>
      tpu.vector_store %arg8[%swap3A_932, %swap3A_933], %swap3A_936 {strides = array<i32>} : memref<800x16xf32, #tpu.memory_space<vmem>>, vector<1x16xf32>,
      %scan3A_937 = arith.constant 4 : i32
      %scan3A_938 = arith.addi %scan3A_896, %scan3A_937 : i32
      %get3A_939 = arith.index_cast %scan3A_938 : i32 to index
      %get3A_940 = arith.constant 0 : index
      %get3A_941 = tpu.vector_load %arg7[%get3A_939, %get3A_940] {strides = array<i32>} : memref<800x16xf32, #tpu.memory_space<vmem>>, vector<1x16xf32>,
      %get3A_942 = vector.shape_cast %get3A_941 : vector<1x16xf32> to vector<16xf32>
      %swap3A_943 = arith.index_cast %scan3A_938 : i32 to index
      %swap3A_944 = arith.constant 0 : index
      %swap3A_945 = tpu.vector_load %arg8[%swap3A_943, %swap3A_944] {strides = array<i32>} : memref<800x16xf32, #tpu.memory_space<vmem>>, vector<1x16xf32>,
      %swap3A_946 = vector.shape_cast %swap3A_945 : vector<1x16xf32> to vector<16xf32>
      %swap3A_947 = vector.shape_cast %get3A_942 : vector<16xf32> to vector<1x16xf32>
      tpu.vector_store %arg8[%swap3A_943, %swap3A_944], %swap3A_947 {strides = array<i32>} : memref<800x16xf32, #tpu.memory_space<vmem>>, vector<1x16xf32>,
      %scan3A_948 = arith.constant 5 : i32
      %scan3A_949 = arith.addi %scan3A_896, %scan3A_948 : i32
      %get3A_950 = arith.index_cast %scan3A_949 : i32 to index
      %get3A_951 = arith.constant 0 : index
      %get3A_952 = tpu.vector_load %arg7[%get3A_950, %get3A_951] {strides = array<i32>} : memref<800x16xf32, #tpu.memory_space<vmem>>, vector<1x16xf32>,
      %get3A_953 = vector.shape_cast %get3A_952 : vector<1x16xf32> to vector<16xf32>
      %swap3A_954 = arith.index_cast %scan3A_949 : i32 to index
      %swap3A_955 = arith.constant 0 : index
      %swap3A_956 = tpu.vector_load %arg8[%swap3A_954, %swap3A_955] {strides = array<i32>} : memref<800x16xf32, #tpu.memory_space<vmem>>, vector<1x16xf32>,
      %swap3A_957 = vector.shape_cast %swap3A_956 : vector<1x16xf32> to vector<16xf32>
      %swap3A_958 = vector.shape_cast %get3A_953 : vector<16xf32> to vector<1x16xf32>
      tpu.vector_store %arg8[%swap3A_954, %swap3A_955], %swap3A_958 {strides = array<i32>} : memref<800x16xf32, #tpu.memory_space<vmem>>, vector<1x16xf32>,
      %scan3A_959 = arith.constant 6 : i32
      %scan3A_960 = arith.addi %scan3A_896, %scan3A_959 : i32
      %get3A_961 = arith.index_cast %scan3A_960 : i32 to index
      %get3A_962 = arith.constant 0 : index
      %get3A_963 = tpu.vector_load %arg7[%get3A_961, %get3A_962] {strides = array<i32>} : memref<800x16xf32, #tpu.memory_space<vmem>>, vector<1x16xf32>,
      %get3A_964 = vector.shape_cast %get3A_963 : vector<1x16xf32> to vector<16xf32>
      %swap3A_965 = arith.index_cast %scan3A_960 : i32 to index
      %swap3A_966 = arith.constant 0 : index
      %swap3A_967 = tpu.vector_load %arg8[%swap3A_965, %swap3A_966] {strides = array<i32>} : memref<800x16xf32, #tpu.memory_space<vmem>>, vector<1x16xf32>,
      %swap3A_968 = vector.shape_cast %swap3A_967 : vector<1x16xf32> to vector<16xf32>
      %swap3A_969 = vector.shape_cast %get3A_964 : vector<16xf32> to vector<1x16xf32>
      tpu.vector_store %arg8[%swap3A_965, %swap3A_966], %swap3A_969 {strides = array<i32>} : memref<800x16xf32, #tpu.memory_space<vmem>>, vector<1x16xf32>,
      %scan3A_970 = arith.constant 7 : i32
      %scan3A_971 = arith.addi %scan3A_896, %scan3A_970 : i32
      %get3A_972 = arith.index_cast %scan3A_971 : i32 to index
      %get3A_973 = arith.constant 0 : index
      %get3A_974 = tpu.vector_load %arg7[%get3A_972, %get3A_973] {strides = array<i32>} : memref<800x16xf32, #tpu.memory_space<vmem>>, vector<1x16xf32>,
      %get3A_975 = vector.shape_cast %get3A_974 : vector<1x16xf32> to vector<16xf32>
      %swap3A_976 = arith.index_cast %scan3A_971 : i32 to index
      %swap3A_977 = arith.constant 0 : index
      %swap3A_978 = tpu.vector_load %arg8[%swap3A_976, %swap3A_977] {strides = array<i32>} : memref<800x16xf32, #tpu.memory_space<vmem>>, vector<1x16xf32>,
      %swap3A_979 = vector.shape_cast %swap3A_978 : vector<1x16xf32> to vector<16xf32>
      %swap3A_980 = vector.shape_cast %get3A_975 : vector<16xf32> to vector<1x16xf32>
      tpu.vector_store %arg8[%swap3A_976, %swap3A_977], %swap3A_980 {strides = array<i32>} : memref<800x16xf32, #tpu.memory_space<vmem>>, vector<1x16xf32>,
    }
    %scan3A_811 = arith.constant 800 : i32
    %dma_start3A_812 = arith.constant 24000 : i32
    %dma_start3A_813 = tpu.memref_slice %arg6[%dma_start3A_812] : memref<25600xi32, #tpu.memory_space<vmem>> -> memref<800xi32, #tpu.memory_space<vmem>>
    %dma_start3A_814 = arith.constant 0 : i32
    %dma_start3A_815 = arith.constant 0 : i32
    %dma_start3A_816 = tpu.memref_slice %arg3[%dma_start3A_814, %dma_start3A_815] : memref<100000x16xf32, #tpu.memory_space<hbm>> -> memref<100000x16xf32, #tpu.memory_space<hbm>>
    tpu.enqueue_indirect_dma source(%dma_start3A_816 : memref<100000x16xf32, #tpu.memory_space<hbm>>) target(%arg8 : memref<800x16xf32, #tpu.memory_space<vmem>>) offsets(%dma_start3A_813 : memref<800xi32, #tpu.memory_space<vmem>>) semaphore(%arg11 : memref<!tpu.dma_semaphore, #tpu.memory_space<semaphore_mem>>) {add = true}
    %dma_wait3A_817 = arith.constant 22400 : i32
    %dma_wait3A_818 = tpu.memref_slice %arg6[%dma_wait3A_817] : memref<25600xi32, #tpu.memory_space<vmem>> -> memref<800xi32, #tpu.memory_space<vmem>>
    %dma_wait3A_819 = arith.constant 0 : i32
    %dma_wait3A_820 = arith.constant 0 : i32
    %dma_wait3A_821 = tpu.memref_slice %arg3[%dma_wait3A_819, %dma_wait3A_820] : memref<100000x16xf32, #tpu.memory_space<hbm>> -> memref<100000x16xf32, #tpu.memory_space<hbm>>
    tpu.wait_indirect_dma semaphore(%arg12 : memref<!tpu.dma_semaphore, #tpu.memory_space<semaphore_mem>>) src(%dma_wait3A_821 : memref<100000x16xf32, #tpu.memory_space<hbm>>) dst(%arg9 : memref<800x16xf32, #tpu.memory_space<vmem>>)
    %add3A_822 = arith.constant 22400 : i32
    %add3A_823 = arith.addi %mul3A_2, %add3A_822 : i32
    %dma_start3A_824 = arith.constant 0 : i32
    %dma_start3A_825 = tpu.memref_slice %arg5[%add3A_823, %dma_start3A_824] : memref<819200x16xf32, #tpu.memory_space<hbm>> -> memref<800x16xf32, #tpu.memory_space<hbm>>
    %dma_start3A_826 = arith.constant 0 : i32
    %dma_start3A_827 = tpu.memref_slice %arg5[%add3A_823, %dma_start3A_826] : memref<819200x16xf32, #tpu.memory_space<hbm>> -> memref<800x16xf32, #tpu.memory_space<hbm>>
    tpu.enqueue_dma source(%arg9 : memref<800x16xf32, #tpu.memory_space<vmem>>) target(%dma_start3A_827 : memref<800x16xf32, #tpu.memory_space<hbm>>) target_semaphore(%arg15 : memref<!tpu.dma_semaphore, #tpu.memory_space<semaphore_mem>>)
    %add3A_828 = arith.constant 22400 : i32
    %add3A_829 = arith.addi %mul3A_2, %add3A_828 : i32
    %dma_wait3A_830 = arith.constant 0 : i32
    %dma_wait3A_831 = tpu.memref_slice %arg5[%add3A_829, %dma_wait3A_830] : memref<819200x16xf32, #tpu.memory_space<hbm>> -> memref<800x16xf32, #tpu.memory_space<hbm>>
    %dma_wait3A_832 = arith.constant 0 : i32
    %dma_wait3A_833 = tpu.memref_slice %arg5[%add3A_829, %dma_wait3A_832] : memref<819200x16xf32, #tpu.memory_space<hbm>> -> memref<800x16xf32, #tpu.memory_space<hbm>>
    tpu.wait_dma2 semaphore(%arg15 : memref<!tpu.dma_semaphore, #tpu.memory_space<semaphore_mem>>) src(%arg9 : memref<800x16xf32, #tpu.memory_space<vmem>>) dst(%dma_wait3A_833 : memref<800x16xf32, #tpu.memory_space<hbm>>)
    %scan3A_834 = arith.constant 0 : i32
    %scan3A_835 = arith.constant 0 : i32
    %scan3A_836 = arith.constant 800 : i32
    %scan3A_837 = arith.addi %scan3A_835, %scan3A_836 : i32
    %scan3A_838 = arith.constant 8 : i32
    scf.for %scan3A_896 = %scan3A_835 to %scan3A_837 step %scan3A_838  : i32 {
      %get3A = arith.index_cast %scan3A_896 : i32 to index
      %get3A_897 = arith.constant 0 : index
      %get3A_898 = tpu.vector_load %arg7[%get3A, %get3A_897] {strides = array<i32>} : memref<800x16xf32, #tpu.memory_space<vmem>>, vector<1x16xf32>,
      %get3A_899 = vector.shape_cast %get3A_898 : vector<1x16xf32> to vector<16xf32>
      %swap3A = arith.index_cast %scan3A_896 : i32 to index
      %swap3A_900 = arith.constant 0 : index
      %swap3A_901 = tpu.vector_load %arg9[%swap3A, %swap3A_900] {strides = array<i32>} : memref<800x16xf32, #tpu.memory_space<vmem>>, vector<1x16xf32>,
      %swap3A_902 = vector.shape_cast %swap3A_901 : vector<1x16xf32> to vector<16xf32>
      %swap3A_903 = vector.shape_cast %get3A_899 : vector<16xf32> to vector<1x16xf32>
      tpu.vector_store %arg9[%swap3A, %swap3A_900], %swap3A_903 {strides = array<i32>} : memref<800x16xf32, #tpu.memory_space<vmem>>, vector<1x16xf32>,
      %scan3A_904 = arith.constant 1 : i32
      %scan3A_905 = arith.addi %scan3A_896, %scan3A_904 : i32
      %get3A_906 = arith.index_cast %scan3A_905 : i32 to index
      %get3A_907 = arith.constant 0 : index
      %get3A_908 = tpu.vector_load %arg7[%get3A_906, %get3A_907] {strides = array<i32>} : memref<800x16xf32, #tpu.memory_space<vmem>>, vector<1x16xf32>,
      %get3A_909 = vector.shape_cast %get3A_908 : vector<1x16xf32> to vector<16xf32>
      %swap3A_910 = arith.index_cast %scan3A_905 : i32 to index
      %swap3A_911 = arith.constant 0 : index
      %swap3A_912 = tpu.vector_load %arg9[%swap3A_910, %swap3A_911] {strides = array<i32>} : memref<800x16xf32, #tpu.memory_space<vmem>>, vector<1x16xf32>,
      %swap3A_913 = vector.shape_cast %swap3A_912 : vector<1x16xf32> to vector<16xf32>
      %swap3A_914 = vector.shape_cast %get3A_909 : vector<16xf32> to vector<1x16xf32>
      tpu.vector_store %arg9[%swap3A_910, %swap3A_911], %swap3A_914 {strides = array<i32>} : memref<800x16xf32, #tpu.memory_space<vmem>>, vector<1x16xf32>,
      %scan3A_915 = arith.constant 2 : i32
      %scan3A_916 = arith.addi %scan3A_896, %scan3A_915 : i32
      %get3A_917 = arith.index_cast %scan3A_916 : i32 to index
      %get3A_918 = arith.constant 0 : index
      %get3A_919 = tpu.vector_load %arg7[%get3A_917, %get3A_918] {strides = array<i32>} : memref<800x16xf32, #tpu.memory_space<vmem>>, vector<1x16xf32>,
      %get3A_920 = vector.shape_cast %get3A_919 : vector<1x16xf32> to vector<16xf32>
      %swap3A_921 = arith.index_cast %scan3A_916 : i32 to index
      %swap3A_922 = arith.constant 0 : index
      %swap3A_923 = tpu.vector_load %arg9[%swap3A_921, %swap3A_922] {strides = array<i32>} : memref<800x16xf32, #tpu.memory_space<vmem>>, vector<1x16xf32>,
      %swap3A_924 = vector.shape_cast %swap3A_923 : vector<1x16xf32> to vector<16xf32>
      %swap3A_925 = vector.shape_cast %get3A_920 : vector<16xf32> to vector<1x16xf32>
      tpu.vector_store %arg9[%swap3A_921, %swap3A_922], %swap3A_925 {strides = array<i32>} : memref<800x16xf32, #tpu.memory_space<vmem>>, vector<1x16xf32>,
      %scan3A_926 = arith.constant 3 : i32
      %scan3A_927 = arith.addi %scan3A_896, %scan3A_926 : i32
      %get3A_928 = arith.index_cast %scan3A_927 : i32 to index
      %get3A_929 = arith.constant 0 : index
      %get3A_930 = tpu.vector_load %arg7[%get3A_928, %get3A_929] {strides = array<i32>} : memref<800x16xf32, #tpu.memory_space<vmem>>, vector<1x16xf32>,
      %get3A_931 = vector.shape_cast %get3A_930 : vector<1x16xf32> to vector<16xf32>
      %swap3A_932 = arith.index_cast %scan3A_927 : i32 to index
      %swap3A_933 = arith.constant 0 : index
      %swap3A_934 = tpu.vector_load %arg9[%swap3A_932, %swap3A_933] {strides = array<i32>} : memref<800x16xf32, #tpu.memory_space<vmem>>, vector<1x16xf32>,
      %swap3A_935 = vector.shape_cast %swap3A_934 : vector<1x16xf32> to vector<16xf32>
      %swap3A_936 = vector.shape_cast %get3A_931 : vector<16xf32> to vector<1x16xf32>
      tpu.vector_store %arg9[%swap3A_932, %swap3A_933], %swap3A_936 {strides = array<i32>} : memref<800x16xf32, #tpu.memory_space<vmem>>, vector<1x16xf32>,
      %scan3A_937 = arith.constant 4 : i32
      %scan3A_938 = arith.addi %scan3A_896, %scan3A_937 : i32
      %get3A_939 = arith.index_cast %scan3A_938 : i32 to index
      %get3A_940 = arith.constant 0 : index
      %get3A_941 = tpu.vector_load %arg7[%get3A_939, %get3A_940] {strides = array<i32>} : memref<800x16xf32, #tpu.memory_space<vmem>>, vector<1x16xf32>,
      %get3A_942 = vector.shape_cast %get3A_941 : vector<1x16xf32> to vector<16xf32>
      %swap3A_943 = arith.index_cast %scan3A_938 : i32 to index
      %swap3A_944 = arith.constant 0 : index
      %swap3A_945 = tpu.vector_load %arg9[%swap3A_943, %swap3A_944] {strides = array<i32>} : memref<800x16xf32, #tpu.memory_space<vmem>>, vector<1x16xf32>,
      %swap3A_946 = vector.shape_cast %swap3A_945 : vector<1x16xf32> to vector<16xf32>
      %swap3A_947 = vector.shape_cast %get3A_942 : vector<16xf32> to vector<1x16xf32>
      tpu.vector_store %arg9[%swap3A_943, %swap3A_944], %swap3A_947 {strides = array<i32>} : memref<800x16xf32, #tpu.memory_space<vmem>>, vector<1x16xf32>,
      %scan3A_948 = arith.constant 5 : i32
      %scan3A_949 = arith.addi %scan3A_896, %scan3A_948 : i32
      %get3A_950 = arith.index_cast %scan3A_949 : i32 to index
      %get3A_951 = arith.constant 0 : index
      %get3A_952 = tpu.vector_load %arg7[%get3A_950, %get3A_951] {strides = array<i32>} : memref<800x16xf32, #tpu.memory_space<vmem>>, vector<1x16xf32>,
      %get3A_953 = vector.shape_cast %get3A_952 : vector<1x16xf32> to vector<16xf32>
      %swap3A_954 = arith.index_cast %scan3A_949 : i32 to index
      %swap3A_955 = arith.constant 0 : index
      %swap3A_956 = tpu.vector_load %arg9[%swap3A_954, %swap3A_955] {strides = array<i32>} : memref<800x16xf32, #tpu.memory_space<vmem>>, vector<1x16xf32>,
      %swap3A_957 = vector.shape_cast %swap3A_956 : vector<1x16xf32> to vector<16xf32>
      %swap3A_958 = vector.shape_cast %get3A_953 : vector<16xf32> to vector<1x16xf32>
      tpu.vector_store %arg9[%swap3A_954, %swap3A_955], %swap3A_958 {strides = array<i32>} : memref<800x16xf32, #tpu.memory_space<vmem>>, vector<1x16xf32>,
      %scan3A_959 = arith.constant 6 : i32
      %scan3A_960 = arith.addi %scan3A_896, %scan3A_959 : i32
      %get3A_961 = arith.index_cast %scan3A_960 : i32 to index
      %get3A_962 = arith.constant 0 : index
      %get3A_963 = tpu.vector_load %arg7[%get3A_961, %get3A_962] {strides = array<i32>} : memref<800x16xf32, #tpu.memory_space<vmem>>, vector<1x16xf32>,
      %get3A_964 = vector.shape_cast %get3A_963 : vector<1x16xf32> to vector<16xf32>
      %swap3A_965 = arith.index_cast %scan3A_960 : i32 to index
      %swap3A_966 = arith.constant 0 : index
      %swap3A_967 = tpu.vector_load %arg9[%swap3A_965, %swap3A_966] {strides = array<i32>} : memref<800x16xf32, #tpu.memory_space<vmem>>, vector<1x16xf32>,
      %swap3A_968 = vector.shape_cast %swap3A_967 : vector<1x16xf32> to vector<16xf32>
      %swap3A_969 = vector.shape_cast %get3A_964 : vector<16xf32> to vector<1x16xf32>
      tpu.vector_store %arg9[%swap3A_965, %swap3A_966], %swap3A_969 {strides = array<i32>} : memref<800x16xf32, #tpu.memory_space<vmem>>, vector<1x16xf32>,
      %scan3A_970 = arith.constant 7 : i32
      %scan3A_971 = arith.addi %scan3A_896, %scan3A_970 : i32
      %get3A_972 = arith.index_cast %scan3A_971 : i32 to index
      %get3A_973 = arith.constant 0 : index
      %get3A_974 = tpu.vector_load %arg7[%get3A_972, %get3A_973] {strides = array<i32>} : memref<800x16xf32, #tpu.memory_space<vmem>>, vector<1x16xf32>,
      %get3A_975 = vector.shape_cast %get3A_974 : vector<1x16xf32> to vector<16xf32>
      %swap3A_976 = arith.index_cast %scan3A_971 : i32 to index
      %swap3A_977 = arith.constant 0 : index
      %swap3A_978 = tpu.vector_load %arg9[%swap3A_976, %swap3A_977] {strides = array<i32>} : memref<800x16xf32, #tpu.memory_space<vmem>>, vector<1x16xf32>,
      %swap3A_979 = vector.shape_cast %swap3A_978 : vector<1x16xf32> to vector<16xf32>
      %swap3A_980 = vector.shape_cast %get3A_975 : vector<16xf32> to vector<1x16xf32>
      tpu.vector_store %arg9[%swap3A_976, %swap3A_977], %swap3A_980 {strides = array<i32>} : memref<800x16xf32, #tpu.memory_space<vmem>>, vector<1x16xf32>,
    }
    %scan3A_839 = arith.constant 800 : i32
    %dma_start3A_840 = arith.constant 24800 : i32
    %dma_start3A_841 = tpu.memref_slice %arg6[%dma_start3A_840] : memref<25600xi32, #tpu.memory_space<vmem>> -> memref<800xi32, #tpu.memory_space<vmem>>
    %dma_start3A_842 = arith.constant 0 : i32
    %dma_start3A_843 = arith.constant 0 : i32
    %dma_start3A_844 = tpu.memref_slice %arg3[%dma_start3A_842, %dma_start3A_843] : memref<100000x16xf32, #tpu.memory_space<hbm>> -> memref<100000x16xf32, #tpu.memory_space<hbm>>
    tpu.enqueue_indirect_dma source(%dma_start3A_844 : memref<100000x16xf32, #tpu.memory_space<hbm>>) target(%arg9 : memref<800x16xf32, #tpu.memory_space<vmem>>) offsets(%dma_start3A_841 : memref<800xi32, #tpu.memory_space<vmem>>) semaphore(%arg12 : memref<!tpu.dma_semaphore, #tpu.memory_space<semaphore_mem>>) {add = true}
    %dma_wait3A_845 = arith.constant 23200 : i32
    %dma_wait3A_846 = tpu.memref_slice %arg6[%dma_wait3A_845] : memref<25600xi32, #tpu.memory_space<vmem>> -> memref<800xi32, #tpu.memory_space<vmem>>
    %dma_wait3A_847 = arith.constant 0 : i32
    %dma_wait3A_848 = arith.constant 0 : i32
    %dma_wait3A_849 = tpu.memref_slice %arg3[%dma_wait3A_847, %dma_wait3A_848] : memref<100000x16xf32, #tpu.memory_space<hbm>> -> memref<100000x16xf32, #tpu.memory_space<hbm>>
    tpu.wait_indirect_dma semaphore(%arg13 : memref<!tpu.dma_semaphore, #tpu.memory_space<semaphore_mem>>) src(%dma_wait3A_849 : memref<100000x16xf32, #tpu.memory_space<hbm>>) dst(%arg10 : memref<800x16xf32, #tpu.memory_space<vmem>>)
    %add3A_850 = arith.constant 23200 : i32
    %add3A_851 = arith.addi %mul3A_2, %add3A_850 : i32
    %dma_start3A_852 = arith.constant 0 : i32
    %dma_start3A_853 = tpu.memref_slice %arg5[%add3A_851, %dma_start3A_852] : memref<819200x16xf32, #tpu.memory_space<hbm>> -> memref<800x16xf32, #tpu.memory_space<hbm>>
    %dma_start3A_854 = arith.constant 0 : i32
    %dma_start3A_855 = tpu.memref_slice %arg5[%add3A_851, %dma_start3A_854] : memref<819200x16xf32, #tpu.memory_space<hbm>> -> memref<800x16xf32, #tpu.memory_space<hbm>>
    tpu.enqueue_dma source(%arg10 : memref<800x16xf32, #tpu.memory_space<vmem>>) target(%dma_start3A_855 : memref<800x16xf32, #tpu.memory_space<hbm>>) target_semaphore(%arg16 : memref<!tpu.dma_semaphore, #tpu.memory_space<semaphore_mem>>)
    %dma_wait3A_856 = arith.constant 24000 : i32
    %dma_wait3A_857 = tpu.memref_slice %arg6[%dma_wait3A_856] : memref<25600xi32, #tpu.memory_space<vmem>> -> memref<800xi32, #tpu.memory_space<vmem>>
    %dma_wait3A_858 = arith.constant 0 : i32
    %dma_wait3A_859 = arith.constant 0 : i32
    %dma_wait3A_860 = tpu.memref_slice %arg3[%dma_wait3A_858, %dma_wait3A_859] : memref<100000x16xf32, #tpu.memory_space<hbm>> -> memref<100000x16xf32, #tpu.memory_space<hbm>>
    tpu.wait_indirect_dma semaphore(%arg11 : memref<!tpu.dma_semaphore, #tpu.memory_space<semaphore_mem>>) src(%dma_wait3A_860 : memref<100000x16xf32, #tpu.memory_space<hbm>>) dst(%arg8 : memref<800x16xf32, #tpu.memory_space<vmem>>)
    %add3A_861 = arith.constant 24000 : i32
    %add3A_862 = arith.addi %mul3A_2, %add3A_861 : i32
    %dma_start3A_863 = arith.constant 0 : i32
    %dma_start3A_864 = tpu.memref_slice %arg5[%add3A_862, %dma_start3A_863] : memref<819200x16xf32, #tpu.memory_space<hbm>> -> memref<800x16xf32, #tpu.memory_space<hbm>>
    %dma_start3A_865 = arith.constant 0 : i32
    %dma_start3A_866 = tpu.memref_slice %arg5[%add3A_862, %dma_start3A_865] : memref<819200x16xf32, #tpu.memory_space<hbm>> -> memref<800x16xf32, #tpu.memory_space<hbm>>
    tpu.enqueue_dma source(%arg8 : memref<800x16xf32, #tpu.memory_space<vmem>>) target(%dma_start3A_866 : memref<800x16xf32, #tpu.memory_space<hbm>>) target_semaphore(%arg14 : memref<!tpu.dma_semaphore, #tpu.memory_space<semaphore_mem>>)
    %dma_wait3A_867 = arith.constant 24800 : i32
    %dma_wait3A_868 = tpu.memref_slice %arg6[%dma_wait3A_867] : memref<25600xi32, #tpu.memory_space<vmem>> -> memref<800xi32, #tpu.memory_space<vmem>>
    %dma_wait3A_869 = arith.constant 0 : i32
    %dma_wait3A_870 = arith.constant 0 : i32
    %dma_wait3A_871 = tpu.memref_slice %arg3[%dma_wait3A_869, %dma_wait3A_870] : memref<100000x16xf32, #tpu.memory_space<hbm>> -> memref<100000x16xf32, #tpu.memory_space<hbm>>
    tpu.wait_indirect_dma semaphore(%arg12 : memref<!tpu.dma_semaphore, #tpu.memory_space<semaphore_mem>>) src(%dma_wait3A_871 : memref<100000x16xf32, #tpu.memory_space<hbm>>) dst(%arg9 : memref<800x16xf32, #tpu.memory_space<vmem>>)
    %add3A_872 = arith.constant 24800 : i32
    %add3A_873 = arith.addi %mul3A_2, %add3A_872 : i32
    %dma_start3A_874 = arith.constant 0 : i32
    %dma_start3A_875 = tpu.memref_slice %arg5[%add3A_873, %dma_start3A_874] : memref<819200x16xf32, #tpu.memory_space<hbm>> -> memref<800x16xf32, #tpu.memory_space<hbm>>
    %dma_start3A_876 = arith.constant 0 : i32
    %dma_start3A_877 = tpu.memref_slice %arg5[%add3A_873, %dma_start3A_876] : memref<819200x16xf32, #tpu.memory_space<hbm>> -> memref<800x16xf32, #tpu.memory_space<hbm>>
    tpu.enqueue_dma source(%arg9 : memref<800x16xf32, #tpu.memory_space<vmem>>) target(%dma_start3A_877 : memref<800x16xf32, #tpu.memory_space<hbm>>) target_semaphore(%arg15 : memref<!tpu.dma_semaphore, #tpu.memory_space<semaphore_mem>>)
    %add3A_878 = arith.constant 23200 : i32
    %add3A_879 = arith.addi %mul3A_2, %add3A_878 : i32
    %dma_wait3A_880 = arith.constant 0 : i32
    %dma_wait3A_881 = tpu.memref_slice %arg5[%add3A_879, %dma_wait3A_880] : memref<819200x16xf32, #tpu.memory_space<hbm>> -> memref<800x16xf32, #tpu.memory_space<hbm>>
    %dma_wait3A_882 = arith.constant 0 : i32
    %dma_wait3A_883 = tpu.memref_slice %arg5[%add3A_879, %dma_wait3A_882] : memref<819200x16xf32, #tpu.memory_space<hbm>> -> memref<800x16xf32, #tpu.memory_space<hbm>>
    tpu.wait_dma2 semaphore(%arg16 : memref<!tpu.dma_semaphore, #tpu.memory_space<semaphore_mem>>) src(%arg10 : memref<800x16xf32, #tpu.memory_space<vmem>>) dst(%dma_wait3A_883 : memref<800x16xf32, #tpu.memory_space<hbm>>)
    %add3A_884 = arith.constant 24000 : i32
    %add3A_885 = arith.addi %mul3A_2, %add3A_884 : i32
    %dma_wait3A_886 = arith.constant 0 : i32
    %dma_wait3A_887 = tpu.memref_slice %arg5[%add3A_885, %dma_wait3A_886] : memref<819200x16xf32, #tpu.memory_space<hbm>> -> memref<800x16xf32, #tpu.memory_space<hbm>>
    %dma_wait3A_888 = arith.constant 0 : i32
    %dma_wait3A_889 = tpu.memref_slice %arg5[%add3A_885, %dma_wait3A_888] : memref<819200x16xf32, #tpu.memory_space<hbm>> -> memref<800x16xf32, #tpu.memory_space<hbm>>
    tpu.wait_dma2 semaphore(%arg14 : memref<!tpu.dma_semaphore, #tpu.memory_space<semaphore_mem>>) src(%arg8 : memref<800x16xf32, #tpu.memory_space<vmem>>) dst(%dma_wait3A_889 : memref<800x16xf32, #tpu.memory_space<hbm>>)
    %add3A_890 = arith.constant 24800 : i32
    %add3A_891 = arith.addi %mul3A_2, %add3A_890 : i32
    %dma_wait3A_892 = arith.constant 0 : i32
    %dma_wait3A_893 = tpu.memref_slice %arg5[%add3A_891, %dma_wait3A_892] : memref<819200x16xf32, #tpu.memory_space<hbm>> -> memref<800x16xf32, #tpu.memory_space<hbm>>
    %dma_wait3A_894 = arith.constant 0 : i32
    %dma_wait3A_895 = tpu.memref_slice %arg5[%add3A_891, %dma_wait3A_894] : memref<819200x16xf32, #tpu.memory_space<hbm>> -> memref<800x16xf32, #tpu.memory_space<hbm>>
    tpu.wait_dma2 semaphore(%arg15 : memref<!tpu.dma_semaphore, #tpu.memory_space<semaphore_mem>>) src(%arg9 : memref<800x16xf32, #tpu.memory_space<vmem>>) dst(%dma_wait3A_895 : memref<800x16xf32, #tpu.memory_space<hbm>>)
    return
  }
}

</mosaic_0001>

<sc_bundles>
// kernel: _sc_embed.3.cloned.1.call-start
scs
__scs_entry_jumppad:
0x0: {  	(pc) =	sbr.rel $0x88, $3  }
0x1: {  	(tag) =	ssettag $0x0;
	lr =	simm.s32 $0x1  }
0x2: {  	[smem:$0x3F9E] =	sst lr;
	_ =	strace $0xD0000000  }
0x3: {  	_ = 	snop  }
0x4: {  	_ = 	snop  }
0x5: {  	_ = 	snop  }
0x6: {  	_ = 	snop  }
0x7: {  	_ = 	snop  }
__scs_overlays_trampoline_lowered:
0x8: {  	[smem:$0x3FAD] =	sst s0  }
0x9: {  	[smem:$0x3FAE] =	sst s1  }
0xa: {  	[smem:$0x3FAF] =	sst s2  }
0xb: {  	[smem:$0x3FB0] =	sst s3  }
0xc: {  	[smem:$0x3FB1] =	sst s4  }
0xd: {  	[smem:$0x3FB2] =	sst s5  }
0xe: {  	[smem:$0x3FB3] =	sst s6  }
0xf: {  	[smem:$0x3FB4] =	sst s7  }
0x10: {  	[smem:$0x3FB5] =	sst s8  }
0x11: {  	[smem:$0x3FB6] =	sst s9;
	s0 =	simm.s32 @!p0 $0x0  }
0x12: {  	s1 =	sld [smem:$0x3F9C];
	s0 =	simm.s32 @p0 $0x1  }
0x13: {  	[smem:$0x3FB7] =	sst s0;
	s0 =	simm.s32 @!p1 $0x0  }
0x14: {  	s2 =	sld [smem:$0x3F9B];
	s0 =	simm.s32 @p1 $0x1  }
0x15: {  	[smem:$0x3FB8] =	sst s0;
	s0 =	simm.s32 @!p2 $0x0  }
0x16: {  	s3 =	sld [smem:$0x3FDB];
	s0 =	simm.s32 @p2 $0x1  }
0x17: {  	s4 =	simm.s32 $0x1BF5;
	[smem:$0x3FBA] =	sst s0  }
0x18: {  	s0 =	sld [smem:$0x3F9D];
	_ =	swait.ge [sflag:s4], $0x0  }
0x19: {  	s7 =	sld [smem:$0x3F9E]  }
0x1a: {  	s8 =	sadd.s32 $0xFFFFE003, lr  }
0x1b: {  	s9 =	sadd.s32 $0xFFFFFEF7, lr;
	s5 =	simm.s32 $0xFFFFFFFF;
	p2 =	slt.u32 s8, $0xFFFFF086  }
0x1c: {  	p1 =	slt.u32 s9, $0xF7A;
	s5 =	simm.s32 @!p2 $0x0  }
0x1d: {  	s5 =	simm.s32 @p1 $0x1;
	p0 =	seq.s32 s7, s2  }
0x1e: {  	s7 =	smul.u32 @!p0 $0xF7A, s2;
	p2 =	seq.s32 @!p0 s5, $0x0  }
0x1f: {  	s9 =	smul.u32 $0xF7A, s1;
	s8 =	simm.s32 @!p0 $0x1BF5;
	p2 =	por !p2, p0  }
0x20: {  	[sflag:s8] =	ssyncset.s32 @!p0 $0xFFFFF086;
	s6 =	sadd.s32 @!p0 s3, s7;
	s7 =	simm.s32 @!p0 $0x108  }
0x21: {  	s3 =	sadd.s32 s3, s9;
	s6 =	sadd.s32 @!p0 $0x88, s6;
	s7 =	simm.s32 @p2 $0x1082  }
0x22: {  	[simem:s7], [sflag:s8] =	dma.local @!p0 [hbm:s6], $0xF7A  }
0x23: {  	s9 =	sor.u32 $0xD0000000, s2;
	s6 =	simm.s32 $0x108;
	_ =	swait.ge @!p0 [sflag:s8], $0x0  }
0x24: {  	s3 =	sadd.s32 $0x88, s3;
	s6 =	simm.s32 @!p1 $0x1082;
	[sflag:s4] =	ssyncset.s32 $0xFFFFF086  }
0x25: {  	[simem:s6], [sflag:s4] =	dma.local [hbm:s3], $0xF7A  }
0x26: {  	[smem:$0x3F9E] =	sst s1;
	(tag) =	ssettag s2;
	_ =	strace s9  }
0x27: {  	s1 =	sld [smem:$0x3FAE]  }
0x28: {  	s2 =	sld [smem:$0x3FAF]  }
0x29: {  	s4 =	sld [smem:$0x3FB1]  }
0x2a: {  	p0 =	seq.s32 s5, $0x0;
	s5 =	sld [smem:$0x3FB2]  }
0x2b: {  	s6 =	sld [smem:$0x3FB3]  }
0x2c: {  	s7 =	sld [smem:$0x3FB4]  }
0x2d: {  	s3 =	simm.s32 $0x108;
	s8 =	sld [smem:$0x3FB5]  }
0x2e: {  	s3 =	simm.s32 @!p0 $0x1082;
	s9 =	sld [smem:$0x3FB6]  }
0x2f: {  	lr =	sadd.s32 s0, s3;
	s0 =	sld [smem:$0x3FAD]  }
0x30: {  	s3 =	sld [smem:$0x3FB0]  }
0x31: {  	[smem:$0x3FB9] =	sst s10  }
0x32: {  	s10 =	sld [smem:$0x3FB7];
	_ =	sdelay $0x3  }
0x33: {  	p0 =	seq.s32 s10, $0x1;
	s10 =	sld [smem:$0x3FB9];
	_ =	sdelay $0x3  }
0x34: {  	[smem:$0x3FB9] =	sst s10  }
0x35: {  	s10 =	sld [smem:$0x3FB8];
	_ =	sdelay $0x3  }
0x36: {  	p1 =	seq.s32 s10, $0x1;
	s10 =	sld [smem:$0x3FB9];
	_ =	sdelay $0x3  }
0x37: {  	[smem:$0x3FB9] =	sst s10  }
0x38: {  	s10 =	sld [smem:$0x3FBA]  }
0x39: {  	_ = 	snop;
	(pc) =	sbr.ind lr, $3  }
0x3a: {  	_ = 	snop  }
0x3b: {  	_ = 	snop  }
0x3c: {  	p2 =	seq.s32 s10, $0x1;
	s10 =	sld [smem:$0x3FB9]  }
0x3d: {  	_ =	shalt  }
0x3e: {  	_ =	shalt  }
0x3f: {  	_ =	shalt  }
0x40: {  	_ =	shalt  }
0x41: {  	_ =	shalt  }
0x42: {  	_ =	shalt  }
0x43: {  	_ =	shalt  }
0x44: {  	_ =	shalt  }
0x45: {  	_ =	shalt  }
0x46: {  	_ =	shalt  }
0x47: {  	_ =	shalt  }
0x48: {  	_ =	shalt  }
0x49: {  	_ =	shalt  }
0x4a: {  	_ =	shalt  }
0x4b: {  	_ =	shalt  }
0x4c: {  	_ =	shalt  }
0x4d: {  	_ =	shalt  }
0x4e: {  	_ =	shalt  }
0x4f: {  	_ =	shalt  }
0x50: {  	_ =	shalt  }
0x51: {  	_ =	shalt  }
0x52: {  	_ =	shalt  }
0x53: {  	_ =	shalt  }
0x54: {  	_ =	shalt  }
0x55: {  	_ =	shalt  }
0x56: {  	_ =	shalt  }
0x57: {  	_ =	shalt  }
0x58: {  	_ =	shalt  }
0x59: {  	_ =	shalt  }
0x5a: {  	_ =	shalt  }
0x5b: {  	_ =	shalt  }
0x5c: {  	_ =	shalt  }
0x5d: {  	_ =	shalt  }
0x5e: {  	_ =	shalt  }
0x5f: {  	_ =	shalt  }
0x60: {  	_ =	shalt  }
0x61: {  	_ =	shalt  }
0x62: {  	_ =	shalt  }
0x63: {  	_ =	shalt  }
0x64: {  	_ =	shalt  }
0x65: {  	_ =	shalt  }
0x66: {  	_ =	shalt  }
0x67: {  	_ =	shalt  }
0x68: {  	_ =	shalt  }
0x69: {  	_ =	shalt  }
0x6a: {  	_ =	shalt  }
0x6b: {  	_ =	shalt  }
0x6c: {  	_ =	shalt  }
0x6d: {  	_ =	shalt  }
0x6e: {  	_ =	shalt  }
0x6f: {  	_ =	shalt  }
0x70: {  	_ =	shalt  }
0x71: {  	_ =	shalt  }
0x72: {  	_ =	shalt  }
0x73: {  	_ =	shalt  }
0x74: {  	_ =	shalt  }
0x75: {  	_ =	shalt  }
0x76: {  	_ =	shalt  }
0x77: {  	_ =	shalt  }
0x78: {  	_ =	shalt  }
0x79: {  	_ =	shalt  }
0x7a: {  	_ =	shalt  }
0x7b: {  	_ =	shalt  }
0x7c: {  	_ =	shalt  }
0x7d: {  	_ =	shalt  }
0x7e: {  	_ =	shalt  }
0x7f: {  	_ =	shalt  }
0x80: {  	_ =	shalt  }
0x81: {  	_ =	shalt  }
0x82: {  	_ =	shalt  }
0x83: {  	_ =	shalt  }
0x84: {  	_ =	shalt  }
0x85: {  	_ =	shalt  }
0x86: {  	_ =	shalt  }
0x87: {  	_ =	shalt  }
.Lfunc_end0:
.L_simem_size_0:
called_computation.1_lowered:
.L_overlay_start_0:
0x88: {  	s2 =	sld [smem:$0x3FD9]  }
0x89: {  	s3 =	sld [smem:$0x3FFE];
	_ =	sdelay $0x1  }
0x8a: {  	s1 =	srdreg.scid  }
0x8b: {  	s0 =	sand.u32 $0x1, s1  }
0x8c: {  	s17 =	sshll.u32 s0, $0xA;
	s2 =	sadd.s32 s3, s2  }
0x8d: {  	s2 =	sadd.s32 s2, s17  }
0x8e: {  	[smem:$0x3FC5] =	sst s2  }
0x8f: {  	_ = 	snop  }
0x90: {  	s2 =	sld [smem:$0x3FC9]  }
0x91: {  	s18 =	sld [smem:$0x3FD0];
	(tm) =	ssettm $0x1  }
0x92: {  	s4 =	sld [smem:$0x3FFB];
	_ =	sdelay $0x3  }
0x93: {  	_ =	strace s4  }
0x94: {  	s4 =	sld [smem:$0x3FFC];
	_ =	sdelay $0x3  }
0x95: {  	_ =	strace s4  }
0x96: {  	s4 =	sld [smem:$0x3FFD];
	_ =	sdelay $0x3  }
0x97: {  	_ =	strace s4  }
0x98: {  	_ =	strace $0x8FFFFFFF  }
0x99: {  	s19 =	sld [smem:$0x3FDB];
	_ =	sdelay $0x1  }
0x9a: {  	s5 =	simm.s32 $_scs_section_size  }
0x9b: {  	s6 =	simm.s32 $_size__tile_overlayer_lowered;
	s7 =	simm.s32 $_tile_overlayer_lowered  }
0x9c: {  	s22 =	simm.s32 $0x1BFF;
	s21 =	sshll.u32 s7, $0x1;
	s4 =	sadd.s32 s5, s19  }
0x9d: {  	s8 =	simm.s32 $0x0;
	s20 =	sshll.u32 s6, $0x1;
	s6 =	sadd.s32 s21, s4  }
0x9e: {  	[timem:s8], [sflag:s22] =	dma.local [hbm:s6], s20  }
0x9f: {  	_ =	swait.ge [sflag:s22], s20  }
0xa0: {  	s5 =	ssub.s32 $0x0, s20;
	[sflag:s22] =	ssyncset.done $0x0  }
0xa1: {  	[sflag:s22] =	ssyncadd.s32 s5;
	_ =	sdelay $0x1  }
0xa2: {  	s23 =	simm.s32 $0x1B8B  }
0xa3: {  	_ =	swait.ge [sflag:s23], $0x1  }
0xa4: {  	[sflag:s23] =	ssyncset.done $0x0  }
0xa5: {  	s25 =	simm.s32 $0x1B8E;
	s24 =	sld [smem:$0x3FFE];
	[sflag:s23] =	ssyncadd.s32 $0xFFFFFFFF  }
0xa6: {  	s26 =	simm.s32 $execute0_lowered;
	[smem:$0x3FD2] =	sst s25  }
0xa7: {  	s6 =	sshll.u32 s26, $0x1;
	_ =	strace $0x80000046;
	[dreg:$0x1] =	wrdreg $0xFFFFFFFF  }
0xa8: {  	s28 =	simm.s32 $_size_execute0_lowered;
	s4 =	sadd.s32 s4, s6;
	[dreg:$0x0] =	wrdreg $0x0  }
0xa9: {  	s6 =	sshll.u32 s28, $0x1;
	[dreg:$0x2] =	wrdreg s4  }
0xaa: {  	[dreg:$0x3] =	wrdreg s6  }
0xab: {  	[dreg:$0x4] =	wrdreg $0xC0  }
0xac: {  	_ =	task [dreg:s8], $0x5FFFF  }
0xad: {  	[dreg:$0x1] =	wrdreg $0xFFFFFFFF  }
0xae: {  	[dreg:$0x0] =	wrdreg $0x60  }
0xaf: {  	[dreg:$0x2] =	wrdreg s2  }
0xb0: {  	[dreg:$0x3] =	wrdreg s24  }
0xb1: {  	[dreg:$0x4] =	wrdreg s18  }
0xb2: {  	[dreg:$0x5] =	wrdreg $0x9  }
0xb3: {  	_ =	task.clear_ibuf [dreg:s8], $0x6FFFF;
	_ =	strace $0x90000046  }
0xb4: {  	s29 =	simm.s32 $0x9;
	_ =	strace $0x80000048  }
0xb5: {  	_ =	swait.ge [sflag:s29], $0x1  }
0xb6: {  	[sflag:s29] =	ssyncadd.s32 $0xFFFFFFFF  }
0xb7: {  	_ =	strace $0x90000048  }
0xb8: {  	_ =	sfence  }
0xb9: {  	s30 =	sld [smem:$0x0];
	_ =	sdelay $0x2  }
0xba: {  	s31 =	sshll.u32 s1, $0xD;
	s1 =	sshrl.u32 s1, $0x2  }
0xbb: {  	s3 =	sand.u32 $0x4000, s31;
	s1 =	sadd.s32 s1, s30  }
0xbc: {  	s0 =	sor.u32 s3, s0;
	s1 =	sshll.u32 s1, $0x11  }
0xbd: {  	s0 =	sor.u32 s1, s0  }
0xbe: {  	s0 =	sadd.s32 $0x8F2B, s0  }
0xbf: {  	[sflag:s0] =	ssyncadd.remote.s32 $0x1  }
0xc0: {  	_ =	sfence.sel $0xFFFF  }
0xc1: {  	[dreg:$0x0] =	wrdreg $0xFFFFFFFF;
	(pc) =	sbr.abs _section_cstart, $3  }
0xc2: {  	[dreg:$0x1] =	wrdreg $0xFFFFFFFF  }
0xc3: {  	_ =	task.clear_ibuf [dreg:s8], $0x2FFFF;
	_ =	strace $0x9FFFFFFF  }
0xc4: {  	(tm) =	ssettm $0x7FFFFFFF  }
0xc5: {  	_ =	shalt  }
tec
execute0_lowered:
.L_overlay_start_1:
0x0: {  	(tag) =	ssettag $0x1  }
0x1: {  	s0 =	rddreg [dreg:$0x0]  }
0x2: {  	s2 =	srdreg.scid;
	s5 =	stileid.u32  }
0x3: {  	s1 =	rddreg [dreg:$0x1];
	s3 =	sand.u32 $0x1, s2;
	s5 =	sshll.u32 s5, $0x1  }
0x4: {  	s4 =	rddreg [dreg:$0x2];
	s2 =	simm.s32 $0x0;
	s5 =	sor.u32 s3, s5  }
0x5: {  	[smem:$0x7FF] =	sst s2;
	s7 =	ssub.s32 $0x2, s3;
	s8 =	smul.u32 $0x64000, s5  }
0x6: {  	s3 =	sadd.s32 $0x1000, s1;
	s1 =	sadd.s32 $0x800, s1;
	s6 =	smul.u32 $0xC80, s5  }
0x7: {  	_ =	strace $0x80000047;
	s5 =	smul.u32 $0xC800, s5;
	s28 =	sshrl.u32 s8, $0x3  }
0x8: {  	[dreg:$0x4] =	wrdreg s1;
	s0 =	sadd.s32 s0, s6;
	s8 =	sadd.s32 s4, s28  }
0x9: {  	s6 =	sadd.s32 s4, s5;
	[dreg:$0x5] =	wrdreg s0;
	s4 =	sadd.s32 $0xC80, s8  }
0xa: {  	s9 =	sshrl.u32 s7, $0x1;
	s5 =	sadd.s32 $0x12C0, s8;
	[dreg:$0x6] =	wrdreg s4  }
0xb: {  	s9 =	ssub.s32 s7, s9;
	s7 =	sadd.s32 $0x1900, s8;
	[dreg:$0x7] =	wrdreg s5  }
0xc: {  	s10 =	sadd.s32 $0x1F40, s8;
	[dreg:$0x8] =	wrdreg s7  }
0xd: {  	s11 =	sadd.s32 $0x2580, s8;
	[dreg:$0x9] =	wrdreg s10  }
0xe: {  	s12 =	sadd.s32 $0x2BC0, s8;
	[dreg:$0xa] =	wrdreg s11  }
0xf: {  	s13 =	sadd.s32 $0x3200, s8;
	[dreg:$0xb] =	wrdreg s12  }
0x10: {  	s14 =	sadd.s32 $0x3840, s8;
	[dreg:$0xc] =	wrdreg s13  }
0x11: {  	s15 =	sadd.s32 $0x3E80, s8;
	[dreg:$0xd] =	wrdreg s14  }
0x12: {  	s16 =	sadd.s32 $0x44C0, s8;
	[dreg:$0xe] =	wrdreg s15  }
0x13: {  	s17 =	sadd.s32 $0x4B00, s8;
	[dreg:$0xf] =	wrdreg s16  }
0x14: {  	s18 =	sadd.s32 $0x5140, s8;
	[dreg:$0x10] =	wrdreg s17  }
0x15: {  	s19 =	sadd.s32 $0x5780, s8;
	[dreg:$0x11] =	wrdreg s18  }
0x16: {  	s20 =	sadd.s32 $0x5DC0, s8;
	[dreg:$0x12] =	wrdreg s19  }
0x17: {  	s21 =	sadd.s32 $0x6400, s8;
	[dreg:$0x13] =	wrdreg s20  }
0x18: {  	s9 =	smax.u32 s9, $0x1;
	s22 =	sadd.s32 $0x6A40, s8;
	[dreg:$0x14] =	wrdreg s21  }
0x19: {  	s23 =	sadd.s32 $0x7080, s8;
	s24 =	sadd.s32 $0x76C0, s8;
	[dreg:$0x15] =	wrdreg s22  }
0x1a: {  	s25 =	sadd.s32 $0x7D00, s8;
	s26 =	sadd.s32 $0x8340, s8;
	[dreg:$0x16] =	wrdreg s23  }
0x1b: {  	s28 =	sadd.s32 $0x8980, s8;
	s29 =	sadd.s32 $0x8FC0, s8;
	[dreg:$0x17] =	wrdreg s24  }
0x1c: {  	s30 =	sadd.s32 $0x9600, s8;
	s31 =	sadd.s32 $0x9C40, s8;
	[dreg:$0x18] =	wrdreg s25  }
0x1d: {  	s1 =	sadd.s32 $0xA280, s8;
	s0 =	sadd.s32 $0xA8C0, s8;
	[dreg:$0x19] =	wrdreg s26  }
0x1e: {  	[dreg:$0x1a] =	wrdreg s28;
	s4 =	sadd.s32 $0xAF00, s8;
	s5 =	sadd.s32 $0xB540, s8  }
0x1f: {  	s7 =	sadd.s32 $0xBB80, s8;
	s8 =	sadd.s32 $0xC1C0, s8;
	s10 =	sadd.s32 $0x640, s6  }
0x20: {  	s11 =	simm.s32 $0x7;
	s12 =	simm.s32 $0x320;
	s13 =	simm.s32 $0x9600  }
0x21: {  	s14 =	simm.s32 $0xC800;
	s15 =	simm.s32 $0xFA00;
	s16 =	simm.s32 $0x1  }
0x22: {  	s17 =	simm.s32 $0x4;
	s18 =	simm.s32 $0x2;
	s19 =	simm.s32 $0x5  }
0x23: {  	s20 =	simm.s32 $0x3;
	s21 =	simm.s32 $0x6;
	s22 =	simm.s32 $0x0  }
.LBB2_1:
0x24: {  	s23 =	rddreg [dreg:$0x5]  }
0x25: {  	[tilespmem:s2], [sflag:$0x7] =	stream.linear.gather [hbm4b:s23+s2], $0x6400, $0x38;
	[tilespmem:$0x12C00] =	vst v63  }
0x26: {  	_ =	swait.ge [sflag:s11], $0x6400  }
0x27: {  	[sflag:s11] =	ssyncset.done $0x0  }
0x28: {  	s24 =	simm.s32 $0x6400;
	s26 =	rddreg [dreg:$0x4];
	[sflag:s11] =	ssyncadd.s32 $0xFFFF9C00  }
0x29: {  	[tilespmem:s24], [sflag:$0x7] =	stream.linear.gather [hbm4b:s26+s2], $0x3200, $0x38;
	[tilespmem:$0x12C00] =	vst v63  }
0x2a: {  	_ =	swait.ge [sflag:s11], $0x3200  }
0x2b: {  	[sflag:s11] =	ssyncset.done $0x0  }
0x2c: {  	s24 =	simm.s32 $0x6440;
	[sflag:s11] =	ssyncadd.s32 $0xFFFFCE00  }
0x2d: {  	v0 =	vld [tilespmem:s24+$0xFFFFFFC0];
	_ =	sdelay $0x3  }
0x2e: {  	s25 =	simm.s32 $0x9640  }
0x2f: {  	[tilespmem:s25+$0xFFFFFFC0] =	vst v0  }
0x30: {  	v0 =	vld [tilespmem:s24+$0xFFFFFFD0];
	_ =	sdelay $0x4  }
0x31: {  	[tilespmem:s25+$0xFFFFFFD0] =	vst v0  }
0x32: {  	v0 =	vld [tilespmem:s24+$0xFFFFFFE0];
	_ =	sdelay $0x4  }
0x33: {  	[tilespmem:s25+$0xFFFFFFE0] =	vst v0  }
0x34: {  	v0 =	vld [tilespmem:s24+$0xFFFFFFF0];
	_ =	sdelay $0x4  }
0x35: {  	[tilespmem:s25+$0xFFFFFFF0] =	vst v0  }
0x36: {  	v0 =	vld [tilespmem:s24+$0x0];
	_ =	sdelay $0x4  }
0x37: {  	[tilespmem:s25+$0x0] =	vst v0  }
0x38: {  	v0 =	vld [tilespmem:s24+$0x10];
	_ =	sdelay $0x4  }
0x39: {  	[tilespmem:s25+$0x10] =	vst v0  }
0x3a: {  	v0 =	vld [tilespmem:s24+$0x20];
	_ =	sdelay $0x4  }
0x3b: {  	[tilespmem:s25+$0x20] =	vst v0  }
0x3c: {  	v0 =	vld [tilespmem:s24+$0x30];
	_ =	sdelay $0x4  }
0x3d: {  	s28 =	simm.s32 $0x64C0;
	s23 =	simm.s32 $0xC840;
	s26 =	simm.s32 $0x0;
	[tilespmem:s25+$0x30] =	vst v0  }
.LBB2_2:
0x3e: {  	v0 =	vld [tilespmem:s28+$0xFFFFFFC0];
	s26 =	sadd.s32 $0x8, s26  }
0x3f: {  	p0 =	slt.u32 s26, $0x318;
	_ =	sdelay $0x2  }
0x40: {  	s25 =	sadd.s32 $0x80, s25  }
0x41: {  	[tilespmem:s25+$0xFFFFFFC0] =	vst v0  }
0x42: {  	v0 =	vld [tilespmem:s28+$0xFFFFFFD0];
	_ =	sdelay $0x4  }
0x43: {  	[tilespmem:s25+$0xFFFFFFD0] =	vst v0  }
0x44: {  	v0 =	vld [tilespmem:s28+$0xFFFFFFE0];
	_ =	sdelay $0x4  }
0x45: {  	[tilespmem:s25+$0xFFFFFFE0] =	vst v0  }
0x46: {  	v0 =	vld [tilespmem:s28+$0xFFFFFFF0];
	_ =	sdelay $0x4  }
0x47: {  	[tilespmem:s25+$0xFFFFFFF0] =	vst v0  }
0x48: {  	v0 =	vld [tilespmem:s28+$0x0];
	_ =	sdelay $0x4  }
0x49: {  	[tilespmem:s25+$0x0] =	vst v0  }
0x4a: {  	v0 =	vld [tilespmem:s28+$0x10];
	_ =	sdelay $0x4  }
0x4b: {  	[tilespmem:s25+$0x10] =	vst v0  }
0x4c: {  	v0 =	vld [tilespmem:s28+$0x20];
	_ =	sdelay $0x4  }
0x4d: {  	[tilespmem:s25+$0x20] =	vst v0  }
0x4e: {  	v0 =	vld [tilespmem:s28+$0x30]  }
.Ltmp0:
0x4f: {  	(pc) =	sbr.rel @p0 .LBB2_2-.Ltmp0, $2  }
0x50: {  	_ =	sdelay $0x2  }
0x51: {  	s28 =	sadd.s32 $0x80, s28;
	[tilespmem:s25+$0x30] =	vst v0  }
0x52: {  	v0 =	vld [tilespmem:s24+$0xFFFFFFC0];
	_ =	sdelay $0x4  }
0x53: {  	[tilespmem:s23+$0xFFFFFFC0] =	vst v0  }
0x54: {  	v0 =	vld [tilespmem:s24+$0xFFFFFFD0];
	_ =	sdelay $0x4  }
0x55: {  	[tilespmem:s23+$0xFFFFFFD0] =	vst v0  }
0x56: {  	v0 =	vld [tilespmem:s24+$0xFFFFFFE0];
	_ =	sdelay $0x4  }
0x57: {  	[tilespmem:s23+$0xFFFFFFE0] =	vst v0  }
0x58: {  	v0 =	vld [tilespmem:s24+$0xFFFFFFF0];
	_ =	sdelay $0x4  }
0x59: {  	[tilespmem:s23+$0xFFFFFFF0] =	vst v0  }
0x5a: {  	v0 =	vld [tilespmem:s24+$0x0];
	_ =	sdelay $0x4  }
0x5b: {  	[tilespmem:s23+$0x0] =	vst v0  }
0x5c: {  	v0 =	vld [tilespmem:s24+$0x10];
	_ =	sdelay $0x4  }
0x5d: {  	[tilespmem:s23+$0x10] =	vst v0  }
0x5e: {  	v0 =	vld [tilespmem:s24+$0x20];
	_ =	sdelay $0x4  }
0x5f: {  	[tilespmem:s23+$0x20] =	vst v0  }
0x60: {  	v0 =	vld [tilespmem:s24+$0x30];
	_ =	sdelay $0x4  }
0x61: {  	s25 =	simm.s32 $0x0;
	s26 =	simm.s32 $0x64C0;
	s24 =	simm.s32 $0xFA40;
	[tilespmem:s23+$0x30] =	vst v0  }
.LBB2_4:
0x62: {  	v0 =	vld [tilespmem:s26+$0xFFFFFFC0];
	s25 =	sadd.s32 $0x8, s25  }
0x63: {  	p0 =	slt.u32 s25, $0x318;
	_ =	sdelay $0x2  }
0x64: {  	s23 =	sadd.s32 $0x80, s23  }
0x65: {  	[tilespmem:s23+$0xFFFFFFC0] =	vst v0  }
0x66: {  	v0 =	vld [tilespmem:s26+$0xFFFFFFD0];
	_ =	sdelay $0x4  }
0x67: {  	[tilespmem:s23+$0xFFFFFFD0] =	vst v0  }
0x68: {  	v0 =	vld [tilespmem:s26+$0xFFFFFFE0];
	_ =	sdelay $0x4  }
0x69: {  	[tilespmem:s23+$0xFFFFFFE0] =	vst v0  }
0x6a: {  	v0 =	vld [tilespmem:s26+$0xFFFFFFF0];
	_ =	sdelay $0x4  }
0x6b: {  	[tilespmem:s23+$0xFFFFFFF0] =	vst v0  }
0x6c: {  	v0 =	vld [tilespmem:s26+$0x0];
	_ =	sdelay $0x4  }
0x6d: {  	[tilespmem:s23+$0x0] =	vst v0  }
0x6e: {  	v0 =	vld [tilespmem:s26+$0x10];
	_ =	sdelay $0x4  }
0x6f: {  	[tilespmem:s23+$0x10] =	vst v0  }
0x70: {  	v0 =	vld [tilespmem:s26+$0x20];
	_ =	sdelay $0x4  }
0x71: {  	[tilespmem:s23+$0x20] =	vst v0  }
0x72: {  	v0 =	vld [tilespmem:s26+$0x30]  }
.Ltmp1:
0x73: {  	(pc) =	sbr.rel @p0 .LBB2_4-.Ltmp1, $3  }
0x74: {  	_ =	sdelay $0x1  }
0x75: {  	s28 =	simm.s32 $0x6440  }
0x76: {  	s26 =	sadd.s32 $0x80, s26;
	[tilespmem:s23+$0x30] =	vst v0  }
0x77: {  	v0 =	vld [tilespmem:s28+$0xFFFFFFC0];
	_ =	sdelay $0x4  }
0x78: {  	[tilespmem:s24+$0xFFFFFFC0] =	vst v0  }
0x79: {  	v0 =	vld [tilespmem:s28+$0xFFFFFFD0];
	_ =	sdelay $0x4  }
0x7a: {  	[tilespmem:s24+$0xFFFFFFD0] =	vst v0  }
0x7b: {  	v0 =	vld [tilespmem:s28+$0xFFFFFFE0];
	_ =	sdelay $0x4  }
0x7c: {  	[tilespmem:s24+$0xFFFFFFE0] =	vst v0  }
0x7d: {  	v0 =	vld [tilespmem:s28+$0xFFFFFFF0];
	_ =	sdelay $0x4  }
0x7e: {  	[tilespmem:s24+$0xFFFFFFF0] =	vst v0  }
0x7f: {  	v0 =	vld [tilespmem:s28+$0x0];
	_ =	sdelay $0x4  }
0x80: {  	[tilespmem:s24+$0x0] =	vst v0  }
0x81: {  	v0 =	vld [tilespmem:s28+$0x10];
	_ =	sdelay $0x4  }
0x82: {  	[tilespmem:s24+$0x10] =	vst v0  }
0x83: {  	v0 =	vld [tilespmem:s28+$0x20];
	_ =	sdelay $0x4  }
0x84: {  	[tilespmem:s24+$0x20] =	vst v0  }
0x85: {  	v0 =	vld [tilespmem:s28+$0x30];
	_ =	sdelay $0x4  }
0x86: {  	s23 =	simm.s32 $0x0;
	s25 =	simm.s32 $0x64C0;
	[tilespmem:s24+$0x30] =	vst v0  }
.LBB2_6:
0x87: {  	v0 =	vld [tilespmem:s25+$0xFFFFFFC0];
	s23 =	sadd.s32 $0x8, s23  }
0x88: {  	p0 =	slt.u32 s23, $0x318;
	_ =	sdelay $0x2  }
0x89: {  	s24 =	sadd.s32 $0x80, s24  }
0x8a: {  	[tilespmem:s24+$0xFFFFFFC0] =	vst v0  }
0x8b: {  	v0 =	vld [tilespmem:s25+$0xFFFFFFD0];
	_ =	sdelay $0x4  }
0x8c: {  	[tilespmem:s24+$0xFFFFFFD0] =	vst v0  }
0x8d: {  	v0 =	vld [tilespmem:s25+$0xFFFFFFE0];
	_ =	sdelay $0x4  }
0x8e: {  	[tilespmem:s24+$0xFFFFFFE0] =	vst v0  }
0x8f: {  	v0 =	vld [tilespmem:s25+$0xFFFFFFF0];
	_ =	sdelay $0x4  }
0x90: {  	[tilespmem:s24+$0xFFFFFFF0] =	vst v0  }
0x91: {  	v0 =	vld [tilespmem:s25+$0x0];
	_ =	sdelay $0x4  }
0x92: {  	[tilespmem:s24+$0x0] =	vst v0  }
0x93: {  	v0 =	vld [tilespmem:s25+$0x10];
	_ =	sdelay $0x4  }
0x94: {  	[tilespmem:s24+$0x10] =	vst v0  }
0x95: {  	v0 =	vld [tilespmem:s25+$0x20];
	_ =	sdelay $0x4  }
0x96: {  	[tilespmem:s24+$0x20] =	vst v0  }
0x97: {  	v0 =	vld [tilespmem:s25+$0x30]  }
.Ltmp2:
0x98: {  	(pc) =	sbr.rel @p0 .LBB2_6-.Ltmp2, $2  }
0x99: {  	_ =	sdelay $0x2  }
0x9a: {  	s25 =	sadd.s32 $0x80, s25;
	[tilespmem:s24+$0x30] =	vst v0  }
0x9b: {  	[tilespmem:s13], [sflag:$0x1] =	stream.indirect.gather.add.f32 [hbm:s3], $0x10, s2, s12, $0xb8;
	[tilespmem:$0x12C00] =	vst v63  }
0x9c: {  	_ = 	snop  }
0x9d: {  	[tilespmem:s14], [sflag:$0x2] =	stream.indirect.gather.add.f32 [hbm:s3], $0x10, s12, s12, $0xb8;
	[tilespmem:$0x12C00] =	vst v63  }
0x9e: {  	s23 =	simm.s32 $0x640  }
0x9f: {  	[tilespmem:s15], [sflag:$0x3] =	stream.indirect.gather.add.f32 [hbm:s3], $0x10, s23, s12, $0xb8;
	[tilespmem:$0x12C00] =	vst v63  }
0xa0: {  	_ =	swait.ge [sflag:s16], $0x3200  }
0xa1: {  	[sflag:s16] =	ssyncset.done $0x0  }
0xa2: {  	[sflag:s16] =	ssyncadd.s32 $0xFFFFCE00  }
0xa3: {  	[hbm4b:s6+s2] =	stream.linear.scatter [tilespmem:s13], [sflag:$0x4], $0x3200, $0x38;
	[tilespmem:$0x12C00] =	vst v63  }
0xa4: {  	_ =	swait.ge [sflag:s17], $0x3200  }
0xa5: {  	[sflag:s17] =	ssyncset.done $0x0  }
0xa6: {  	s24 =	simm.s32 $0x6440;
	[sflag:s17] =	ssyncadd.s32 $0xFFFFCE00  }
0xa7: {  	v0 =	vld [tilespmem:s24+$0xFFFFFFC0];
	_ =	sdelay $0x3  }
0xa8: {  	s23 =	simm.s32 $0x9640  }
0xa9: {  	[tilespmem:s23+$0xFFFFFFC0] =	vst v0  }
0xaa: {  	v0 =	vld [tilespmem:s24+$0xFFFFFFD0];
	_ =	sdelay $0x4  }
0xab: {  	[tilespmem:s23+$0xFFFFFFD0] =	vst v0  }
0xac: {  	v0 =	vld [tilespmem:s24+$0xFFFFFFE0];
	_ =	sdelay $0x4  }
0xad: {  	[tilespmem:s23+$0xFFFFFFE0] =	vst v0  }
0xae: {  	v0 =	vld [tilespmem:s24+$0xFFFFFFF0];
	_ =	sdelay $0x4  }
0xaf: {  	[tilespmem:s23+$0xFFFFFFF0] =	vst v0  }
0xb0: {  	v0 =	vld [tilespmem:s24+$0x0];
	_ =	sdelay $0x4  }
0xb1: {  	[tilespmem:s23+$0x0] =	vst v0  }
0xb2: {  	v0 =	vld [tilespmem:s24+$0x10];
	_ =	sdelay $0x4  }
0xb3: {  	[tilespmem:s23+$0x10] =	vst v0  }
0xb4: {  	v0 =	vld [tilespmem:s24+$0x20];
	_ =	sdelay $0x4  }
0xb5: {  	[tilespmem:s23+$0x20] =	vst v0  }
0xb6: {  	v0 =	vld [tilespmem:s24+$0x30];
	_ =	sdelay $0x4  }
0xb7: {  	s25 =	simm.s32 $0x64C0;
	s24 =	simm.s32 $0x0;
	[tilespmem:s23+$0x30] =	vst v0  }
.LBB2_8:
0xb8: {  	v0 =	vld [tilespmem:s25+$0xFFFFFFC0];
	s24 =	sadd.s32 $0x8, s24  }
0xb9: {  	p0 =	slt.u32 s24, $0x318;
	_ =	sdelay $0x2  }
0xba: {  	s23 =	sadd.s32 $0x80, s23  }
0xbb: {  	[tilespmem:s23+$0xFFFFFFC0] =	vst v0  }
0xbc: {  	v0 =	vld [tilespmem:s25+$0xFFFFFFD0];
	_ =	sdelay $0x4  }
0xbd: {  	[tilespmem:s23+$0xFFFFFFD0] =	vst v0  }
0xbe: {  	v0 =	vld [tilespmem:s25+$0xFFFFFFE0];
	_ =	sdelay $0x4  }
0xbf: {  	[tilespmem:s23+$0xFFFFFFE0] =	vst v0  }
0xc0: {  	v0 =	vld [tilespmem:s25+$0xFFFFFFF0];
	_ =	sdelay $0x4  }
0xc1: {  	[tilespmem:s23+$0xFFFFFFF0] =	vst v0  }
0xc2: {  	v0 =	vld [tilespmem:s25+$0x0];
	_ =	sdelay $0x4  }
0xc3: {  	[tilespmem:s23+$0x0] =	vst v0  }
0xc4: {  	v0 =	vld [tilespmem:s25+$0x10];
	_ =	sdelay $0x4  }
0xc5: {  	[tilespmem:s23+$0x10] =	vst v0  }
0xc6: {  	v0 =	vld [tilespmem:s25+$0x20];
	_ =	sdelay $0x4  }
0xc7: {  	[tilespmem:s23+$0x20] =	vst v0  }
0xc8: {  	v0 =	vld [tilespmem:s25+$0x30]  }
.Ltmp3:
0xc9: {  	(pc) =	sbr.rel @p0 .LBB2_8-.Ltmp3, $2  }
0xca: {  	_ =	sdelay $0x2  }
0xcb: {  	s25 =	sadd.s32 $0x80, s25;
	[tilespmem:s23+$0x30] =	vst v0  }
0xcc: {  	s23 =	simm.s32 $0x960  }
0xcd: {  	[tilespmem:s13], [sflag:$0x1] =	stream.indirect.gather.add.f32 [hbm:s3], $0x10, s23, s12, $0xb8;
	[tilespmem:$0x12C00] =	vst v63  }
0xce: {  	_ =	swait.ge [sflag:s18], $0x3200  }
0xcf: {  	[sflag:s18] =	ssyncset.done $0x0  }
0xd0: {  	[sflag:s18] =	ssyncadd.s32 $0xFFFFCE00  }
0xd1: {  	[hbm4b:s10+s2] =	stream.linear.scatter [tilespmem:s14], [sflag:$0x5], $0x3200, $0x38;
	[tilespmem:$0x12C00] =	vst v63  }
0xd2: {  	_ =	swait.ge [sflag:s19], $0x3200  }
0xd3: {  	[sflag:s19] =	ssyncset.done $0x0  }
0xd4: {  	s24 =	simm.s32 $0x6440;
	[sflag:s19] =	ssyncadd.s32 $0xFFFFCE00  }
0xd5: {  	v0 =	vld [tilespmem:s24+$0xFFFFFFC0];
	_ =	sdelay $0x3  }
0xd6: {  	s23 =	simm.s32 $0xC840  }
0xd7: {  	[tilespmem:s23+$0xFFFFFFC0] =	vst v0  }
0xd8: {  	v0 =	vld [tilespmem:s24+$0xFFFFFFD0];
	_ =	sdelay $0x4  }
0xd9: {  	[tilespmem:s23+$0xFFFFFFD0] =	vst v0  }
0xda: {  	v0 =	vld [tilespmem:s24+$0xFFFFFFE0];
	_ =	sdelay $0x4  }
0xdb: {  	[tilespmem:s23+$0xFFFFFFE0] =	vst v0  }
0xdc: {  	v0 =	vld [tilespmem:s24+$0xFFFFFFF0];
	_ =	sdelay $0x4  }
0xdd: {  	[tilespmem:s23+$0xFFFFFFF0] =	vst v0  }
0xde: {  	v0 =	vld [tilespmem:s24+$0x0];
	_ =	sdelay $0x4  }
0xdf: {  	[tilespmem:s23+$0x0] =	vst v0  }
0xe0: {  	v0 =	vld [tilespmem:s24+$0x10];
	_ =	sdelay $0x4  }
0xe1: {  	[tilespmem:s23+$0x10] =	vst v0  }
0xe2: {  	v0 =	vld [tilespmem:s24+$0x20];
	_ =	sdelay $0x4  }
0xe3: {  	[tilespmem:s23+$0x20] =	vst v0  }
0xe4: {  	v0 =	vld [tilespmem:s24+$0x30];
	_ =	sdelay $0x4  }
0xe5: {  	s25 =	simm.s32 $0x64C0;
	s24 =	simm.s32 $0x0;
	[tilespmem:s23+$0x30] =	vst v0  }
.LBB2_10:
0xe6: {  	v0 =	vld [tilespmem:s25+$0xFFFFFFC0];
	s24 =	sadd.s32 $0x8, s24  }
0xe7: {  	p0 =	slt.u32 s24, $0x318;
	_ =	sdelay $0x2  }
0xe8: {  	s23 =	sadd.s32 $0x80, s23  }
0xe9: {  	[tilespmem:s23+$0xFFFFFFC0] =	vst v0  }
0xea: {  	v0 =	vld [tilespmem:s25+$0xFFFFFFD0];
	_ =	sdelay $0x4  }
0xeb: {  	[tilespmem:s23+$0xFFFFFFD0] =	vst v0  }
0xec: {  	v0 =	vld [tilespmem:s25+$0xFFFFFFE0];
	_ =	sdelay $0x4  }
0xed: {  	[tilespmem:s23+$0xFFFFFFE0] =	vst v0  }
0xee: {  	v0 =	vld [tilespmem:s25+$0xFFFFFFF0];
	_ =	sdelay $0x4  }
0xef: {  	[tilespmem:s23+$0xFFFFFFF0] =	vst v0  }
0xf0: {  	v0 =	vld [tilespmem:s25+$0x0];
	_ =	sdelay $0x4  }
0xf1: {  	[tilespmem:s23+$0x0] =	vst v0  }
0xf2: {  	v0 =	vld [tilespmem:s25+$0x10];
	_ =	sdelay $0x4  }
0xf3: {  	[tilespmem:s23+$0x10] =	vst v0  }
0xf4: {  	v0 =	vld [tilespmem:s25+$0x20];
	_ =	sdelay $0x4  }
0xf5: {  	[tilespmem:s23+$0x20] =	vst v0  }
0xf6: {  	v0 =	vld [tilespmem:s25+$0x30]  }
.Ltmp4:
0xf7: {  	(pc) =	sbr.rel @p0 .LBB2_10-.Ltmp4, $2  }
0xf8: {  	_ =	sdelay $0x2  }
0xf9: {  	s25 =	sadd.s32 $0x80, s25;
	[tilespmem:s23+$0x30] =	vst v0  }
0xfa: {  	s23 =	simm.s32 $0xC80  }
0xfb: {  	[tilespmem:s14], [sflag:$0x2] =	stream.indirect.gather.add.f32 [hbm:s3], $0x10, s23, s12, $0xb8;
	[tilespmem:$0x12C00] =	vst v63  }
0xfc: {  	_ =	swait.ge [sflag:s20], $0x3200  }
0xfd: {  	[sflag:s20] =	ssyncset.done $0x0  }
0xfe: {  	s28 =	rddreg [dreg:$0x6];
	[sflag:s20] =	ssyncadd.s32 $0xFFFFCE00  }
0xff: {  	[hbm4b:s28+s2] =	stream.linear.scatter [tilespmem:s15], [sflag:$0x6], $0x3200, $0x38;
	[tilespmem:$0x12C00] =	vst v63  }
0x100: {  	_ =	swait.ge [sflag:s21], $0x3200  }
0x101: {  	[sflag:s21] =	ssyncset.done $0x0  }
0x102: {  	s24 =	simm.s32 $0x6440;
	[sflag:s21] =	ssyncadd.s32 $0xFFFFCE00  }
0x103: {  	v0 =	vld [tilespmem:s24+$0xFFFFFFC0];
	_ =	sdelay $0x3  }
0x104: {  	s23 =	simm.s32 $0xFA40  }
0x105: {  	[tilespmem:s23+$0xFFFFFFC0] =	vst v0  }
0x106: {  	v0 =	vld [tilespmem:s24+$0xFFFFFFD0];
	_ =	sdelay $0x4  }
0x107: {  	[tilespmem:s23+$0xFFFFFFD0] =	vst v0  }
0x108: {  	v0 =	vld [tilespmem:s24+$0xFFFFFFE0];
	_ =	sdelay $0x4  }
0x109: {  	[tilespmem:s23+$0xFFFFFFE0] =	vst v0  }
0x10a: {  	v0 =	vld [tilespmem:s24+$0xFFFFFFF0];
	_ =	sdelay $0x4  }
0x10b: {  	[tilespmem:s23+$0xFFFFFFF0] =	vst v0  }
0x10c: {  	v0 =	vld [tilespmem:s24+$0x0];
	_ =	sdelay $0x4  }
0x10d: {  	[tilespmem:s23+$0x0] =	vst v0  }
0x10e: {  	v0 =	vld [tilespmem:s24+$0x10];
	_ =	sdelay $0x4  }
0x10f: {  	[tilespmem:s23+$0x10] =	vst v0  }
0x110: {  	v0 =	vld [tilespmem:s24+$0x20];
	_ =	sdelay $0x4  }
0x111: {  	[tilespmem:s23+$0x20] =	vst v0  }
0x112: {  	v0 =	vld [tilespmem:s24+$0x30];
	_ =	sdelay $0x4  }
0x113: {  	s25 =	simm.s32 $0x64C0;
	s24 =	simm.s32 $0x0;
	[tilespmem:s23+$0x30] =	vst v0  }
.LBB2_12:
0x114: {  	v0 =	vld [tilespmem:s25+$0xFFFFFFC0];
	s24 =	sadd.s32 $0x8, s24  }
0x115: {  	p0 =	slt.u32 s24, $0x318;
	_ =	sdelay $0x2  }
0x116: {  	s23 =	sadd.s32 $0x80, s23  }
0x117: {  	[tilespmem:s23+$0xFFFFFFC0] =	vst v0  }
0x118: {  	v0 =	vld [tilespmem:s25+$0xFFFFFFD0];
	_ =	sdelay $0x4  }
0x119: {  	[tilespmem:s23+$0xFFFFFFD0] =	vst v0  }
0x11a: {  	v0 =	vld [tilespmem:s25+$0xFFFFFFE0];
	_ =	sdelay $0x4  }
0x11b: {  	[tilespmem:s23+$0xFFFFFFE0] =	vst v0  }
0x11c: {  	v0 =	vld [tilespmem:s25+$0xFFFFFFF0];
	_ =	sdelay $0x4  }
0x11d: {  	[tilespmem:s23+$0xFFFFFFF0] =	vst v0  }
0x11e: {  	v0 =	vld [tilespmem:s25+$0x0];
	_ =	sdelay $0x4  }
0x11f: {  	[tilespmem:s23+$0x0] =	vst v0  }
0x120: {  	v0 =	vld [tilespmem:s25+$0x10];
	_ =	sdelay $0x4  }
0x121: {  	[tilespmem:s23+$0x10] =	vst v0  }
0x122: {  	v0 =	vld [tilespmem:s25+$0x20];
	_ =	sdelay $0x4  }
0x123: {  	[tilespmem:s23+$0x20] =	vst v0  }
0x124: {  	v0 =	vld [tilespmem:s25+$0x30]  }
.Ltmp5:
0x125: {  	(pc) =	sbr.rel @p0 .LBB2_12-.Ltmp5, $2  }
0x126: {  	_ =	sdelay $0x2  }
0x127: {  	s25 =	sadd.s32 $0x80, s25;
	[tilespmem:s23+$0x30] =	vst v0  }
0x128: {  	s23 =	simm.s32 $0xFA0  }
0x129: {  	[tilespmem:s15], [sflag:$0x3] =	stream.indirect.gather.add.f32 [hbm:s3], $0x10, s23, s12, $0xb8;
	[tilespmem:$0x12C00] =	vst v63  }
0x12a: {  	_ =	swait.ge [sflag:s16], $0x3200  }
0x12b: {  	[sflag:s16] =	ssyncset.done $0x0  }
0x12c: {  	s28 =	rddreg [dreg:$0x7];
	[sflag:s16] =	ssyncadd.s32 $0xFFFFCE00  }
0x12d: {  	[hbm4b:s28+s2] =	stream.linear.scatter [tilespmem:s13], [sflag:$0x4], $0x3200, $0x38;
	[tilespmem:$0x12C00] =	vst v63  }
0x12e: {  	_ =	swait.ge [sflag:s17], $0x3200  }
0x12f: {  	[sflag:s17] =	ssyncset.done $0x0  }
0x130: {  	s24 =	simm.s32 $0x6440;
	[sflag:s17] =	ssyncadd.s32 $0xFFFFCE00  }
0x131: {  	v0 =	vld [tilespmem:s24+$0xFFFFFFC0];
	_ =	sdelay $0x3  }
0x132: {  	s23 =	simm.s32 $0x9640  }
0x133: {  	[tilespmem:s23+$0xFFFFFFC0] =	vst v0  }
0x134: {  	v0 =	vld [tilespmem:s24+$0xFFFFFFD0];
	_ =	sdelay $0x4  }
0x135: {  	[tilespmem:s23+$0xFFFFFFD0] =	vst v0  }
0x136: {  	v0 =	vld [tilespmem:s24+$0xFFFFFFE0];
	_ =	sdelay $0x4  }
0x137: {  	[tilespmem:s23+$0xFFFFFFE0] =	vst v0  }
0x138: {  	v0 =	vld [tilespmem:s24+$0xFFFFFFF0];
	_ =	sdelay $0x4  }
0x139: {  	[tilespmem:s23+$0xFFFFFFF0] =	vst v0  }
0x13a: {  	v0 =	vld [tilespmem:s24+$0x0];
	_ =	sdelay $0x4  }
0x13b: {  	[tilespmem:s23+$0x0] =	vst v0  }
0x13c: {  	v0 =	vld [tilespmem:s24+$0x10];
	_ =	sdelay $0x4  }
0x13d: {  	[tilespmem:s23+$0x10] =	vst v0  }
0x13e: {  	v0 =	vld [tilespmem:s24+$0x20];
	_ =	sdelay $0x4  }
0x13f: {  	[tilespmem:s23+$0x20] =	vst v0  }
0x140: {  	v0 =	vld [tilespmem:s24+$0x30];
	_ =	sdelay $0x4  }
0x141: {  	s25 =	simm.s32 $0x64C0;
	s24 =	simm.s32 $0x0;
	[tilespmem:s23+$0x30] =	vst v0  }
.LBB2_14:
0x142: {  	v0 =	vld [tilespmem:s25+$0xFFFFFFC0];
	s24 =	sadd.s32 $0x8, s24  }
0x143: {  	p0 =	slt.u32 s24, $0x318;
	_ =	sdelay $0x2  }
0x144: {  	s23 =	sadd.s32 $0x80, s23  }
0x145: {  	[tilespmem:s23+$0xFFFFFFC0] =	vst v0  }
0x146: {  	v0 =	vld [tilespmem:s25+$0xFFFFFFD0];
	_ =	sdelay $0x4  }
0x147: {  	[tilespmem:s23+$0xFFFFFFD0] =	vst v0  }
0x148: {  	v0 =	vld [tilespmem:s25+$0xFFFFFFE0];
	_ =	sdelay $0x4  }
0x149: {  	[tilespmem:s23+$0xFFFFFFE0] =	vst v0  }
0x14a: {  	v0 =	vld [tilespmem:s25+$0xFFFFFFF0];
	_ =	sdelay $0x4  }
0x14b: {  	[tilespmem:s23+$0xFFFFFFF0] =	vst v0  }
0x14c: {  	v0 =	vld [tilespmem:s25+$0x0];
	_ =	sdelay $0x4  }
0x14d: {  	[tilespmem:s23+$0x0] =	vst v0  }
0x14e: {  	v0 =	vld [tilespmem:s25+$0x10];
	_ =	sdelay $0x4  }
0x14f: {  	[tilespmem:s23+$0x10] =	vst v0  }
0x150: {  	v0 =	vld [tilespmem:s25+$0x20];
	_ =	sdelay $0x4  }
0x151: {  	[tilespmem:s23+$0x20] =	vst v0  }
0x152: {  	v0 =	vld [tilespmem:s25+$0x30]  }
.Ltmp6:
0x153: {  	(pc) =	sbr.rel @p0 .LBB2_14-.Ltmp6, $2  }
0x154: {  	_ =	sdelay $0x2  }
0x155: {  	s25 =	sadd.s32 $0x80, s25;
	[tilespmem:s23+$0x30] =	vst v0  }
0x156: {  	s23 =	simm.s32 $0x12C0  }
0x157: {  	[tilespmem:s13], [sflag:$0x1] =	stream.indirect.gather.add.f32 [hbm:s3], $0x10, s23, s12, $0xb8;
	[tilespmem:$0x12C00] =	vst v63  }
0x158: {  	_ =	swait.ge [sflag:s18], $0x3200  }
0x159: {  	[sflag:s18] =	ssyncset.done $0x0  }
0x15a: {  	s28 =	rddreg [dreg:$0x8];
	[sflag:s18] =	ssyncadd.s32 $0xFFFFCE00  }
0x15b: {  	[hbm4b:s28+s2] =	stream.linear.scatter [tilespmem:s14], [sflag:$0x5], $0x3200, $0x38;
	[tilespmem:$0x12C00] =	vst v63  }
0x15c: {  	_ =	swait.ge [sflag:s19], $0x3200  }
0x15d: {  	[sflag:s19] =	ssyncset.done $0x0  }
0x15e: {  	s24 =	simm.s32 $0x6440;
	[sflag:s19] =	ssyncadd.s32 $0xFFFFCE00  }
0x15f: {  	v0 =	vld [tilespmem:s24+$0xFFFFFFC0];
	_ =	sdelay $0x3  }
0x160: {  	s23 =	simm.s32 $0xC840  }
0x161: {  	[tilespmem:s23+$0xFFFFFFC0] =	vst v0  }
0x162: {  	v0 =	vld [tilespmem:s24+$0xFFFFFFD0];
	_ =	sdelay $0x4  }
0x163: {  	[tilespmem:s23+$0xFFFFFFD0] =	vst v0  }
0x164: {  	v0 =	vld [tilespmem:s24+$0xFFFFFFE0];
	_ =	sdelay $0x4  }
0x165: {  	[tilespmem:s23+$0xFFFFFFE0] =	vst v0  }
0x166: {  	v0 =	vld [tilespmem:s24+$0xFFFFFFF0];
	_ =	sdelay $0x4  }
0x167: {  	[tilespmem:s23+$0xFFFFFFF0] =	vst v0  }
0x168: {  	v0 =	vld [tilespmem:s24+$0x0];
	_ =	sdelay $0x4  }
0x169: {  	[tilespmem:s23+$0x0] =	vst v0  }
0x16a: {  	v0 =	vld [tilespmem:s24+$0x10];
	_ =	sdelay $0x4  }
0x16b: {  	[tilespmem:s23+$0x10] =	vst v0  }
0x16c: {  	v0 =	vld [tilespmem:s24+$0x20];
	_ =	sdelay $0x4  }
0x16d: {  	[tilespmem:s23+$0x20] =	vst v0  }
0x16e: {  	v0 =	vld [tilespmem:s24+$0x30];
	_ =	sdelay $0x4  }
0x16f: {  	s25 =	simm.s32 $0x64C0;
	s24 =	simm.s32 $0x0;
	[tilespmem:s23+$0x30] =	vst v0  }
.LBB2_16:
0x170: {  	v0 =	vld [tilespmem:s25+$0xFFFFFFC0];
	s24 =	sadd.s32 $0x8, s24  }
0x171: {  	p0 =	slt.u32 s24, $0x318;
	_ =	sdelay $0x2  }
0x172: {  	s23 =	sadd.s32 $0x80, s23  }
0x173: {  	[tilespmem:s23+$0xFFFFFFC0] =	vst v0  }
0x174: {  	v0 =	vld [tilespmem:s25+$0xFFFFFFD0];
	_ =	sdelay $0x4  }
0x175: {  	[tilespmem:s23+$0xFFFFFFD0] =	vst v0  }
0x176: {  	v0 =	vld [tilespmem:s25+$0xFFFFFFE0];
	_ =	sdelay $0x4  }
0x177: {  	[tilespmem:s23+$0xFFFFFFE0] =	vst v0  }
0x178: {  	v0 =	vld [tilespmem:s25+$0xFFFFFFF0];
	_ =	sdelay $0x4  }
0x179: {  	[tilespmem:s23+$0xFFFFFFF0] =	vst v0  }
0x17a: {  	v0 =	vld [tilespmem:s25+$0x0];
	_ =	sdelay $0x4  }
0x17b: {  	[tilespmem:s23+$0x0] =	vst v0  }
0x17c: {  	v0 =	vld [tilespmem:s25+$0x10];
	_ =	sdelay $0x4  }
0x17d: {  	[tilespmem:s23+$0x10] =	vst v0  }
0x17e: {  	v0 =	vld [tilespmem:s25+$0x20];
	_ =	sdelay $0x4  }
0x17f: {  	[tilespmem:s23+$0x20] =	vst v0  }
0x180: {  	v0 =	vld [tilespmem:s25+$0x30]  }
.Ltmp7:
0x181: {  	(pc) =	sbr.rel @p0 .LBB2_16-.Ltmp7, $2  }
0x182: {  	_ =	sdelay $0x2  }
0x183: {  	s25 =	sadd.s32 $0x80, s25;
	[tilespmem:s23+$0x30] =	vst v0  }
0x184: {  	s23 =	simm.s32 $0x15E0  }
0x185: {  	[tilespmem:s14], [sflag:$0x2] =	stream.indirect.gather.add.f32 [hbm:s3], $0x10, s23, s12, $0xb8;
	[tilespmem:$0x12C00] =	vst v63  }
0x186: {  	_ =	swait.ge [sflag:s20], $0x3200  }
0x187: {  	[sflag:s20] =	ssyncset.done $0x0  }
0x188: {  	s28 =	rddreg [dreg:$0x9];
	[sflag:s20] =	ssyncadd.s32 $0xFFFFCE00  }
0x189: {  	[hbm4b:s28+s2] =	stream.linear.scatter [tilespmem:s15], [sflag:$0x6], $0x3200, $0x38;
	[tilespmem:$0x12C00] =	vst v63  }
0x18a: {  	_ =	swait.ge [sflag:s21], $0x3200  }
0x18b: {  	[sflag:s21] =	ssyncset.done $0x0  }
0x18c: {  	s24 =	simm.s32 $0x6440;
	[sflag:s21] =	ssyncadd.s32 $0xFFFFCE00  }
0x18d: {  	v0 =	vld [tilespmem:s24+$0xFFFFFFC0];
	_ =	sdelay $0x3  }
0x18e: {  	s23 =	simm.s32 $0xFA40  }
0x18f: {  	[tilespmem:s23+$0xFFFFFFC0] =	vst v0  }
0x190: {  	v0 =	vld [tilespmem:s24+$0xFFFFFFD0];
	_ =	sdelay $0x4  }
0x191: {  	[tilespmem:s23+$0xFFFFFFD0] =	vst v0  }
0x192: {  	v0 =	vld [tilespmem:s24+$0xFFFFFFE0];
	_ =	sdelay $0x4  }
0x193: {  	[tilespmem:s23+$0xFFFFFFE0] =	vst v0  }
0x194: {  	v0 =	vld [tilespmem:s24+$0xFFFFFFF0];
	_ =	sdelay $0x4  }
0x195: {  	[tilespmem:s23+$0xFFFFFFF0] =	vst v0  }
0x196: {  	v0 =	vld [tilespmem:s24+$0x0];
	_ =	sdelay $0x4  }
0x197: {  	[tilespmem:s23+$0x0] =	vst v0  }
0x198: {  	v0 =	vld [tilespmem:s24+$0x10];
	_ =	sdelay $0x4  }
0x199: {  	[tilespmem:s23+$0x10] =	vst v0  }
0x19a: {  	v0 =	vld [tilespmem:s24+$0x20];
	_ =	sdelay $0x4  }
0x19b: {  	[tilespmem:s23+$0x20] =	vst v0  }
0x19c: {  	v0 =	vld [tilespmem:s24+$0x30];
	_ =	sdelay $0x4  }
0x19d: {  	s25 =	simm.s32 $0x64C0;
	s24 =	simm.s32 $0x0;
	[tilespmem:s23+$0x30] =	vst v0  }
.LBB2_18:
0x19e: {  	v0 =	vld [tilespmem:s25+$0xFFFFFFC0];
	s24 =	sadd.s32 $0x8, s24  }
0x19f: {  	p0 =	slt.u32 s24, $0x318;
	_ =	sdelay $0x2  }
0x1a0: {  	s23 =	sadd.s32 $0x80, s23  }
0x1a1: {  	[tilespmem:s23+$0xFFFFFFC0] =	vst v0  }
0x1a2: {  	v0 =	vld [tilespmem:s25+$0xFFFFFFD0];
	_ =	sdelay $0x4  }
0x1a3: {  	[tilespmem:s23+$0xFFFFFFD0] =	vst v0  }
0x1a4: {  	v0 =	vld [tilespmem:s25+$0xFFFFFFE0];
	_ =	sdelay $0x4  }
0x1a5: {  	[tilespmem:s23+$0xFFFFFFE0] =	vst v0  }
0x1a6: {  	v0 =	vld [tilespmem:s25+$0xFFFFFFF0];
	_ =	sdelay $0x4  }
0x1a7: {  	[tilespmem:s23+$0xFFFFFFF0] =	vst v0  }
0x1a8: {  	v0 =	vld [tilespmem:s25+$0x0];
	_ =	sdelay $0x4  }
0x1a9: {  	[tilespmem:s23+$0x0] =	vst v0  }
0x1aa: {  	v0 =	vld [tilespmem:s25+$0x10];
	_ =	sdelay $0x4  }
0x1ab: {  	[tilespmem:s23+$0x10] =	vst v0  }
0x1ac: {  	v0 =	vld [tilespmem:s25+$0x20];
	_ =	sdelay $0x4  }
0x1ad: {  	[tilespmem:s23+$0x20] =	vst v0  }
0x1ae: {  	v0 =	vld [tilespmem:s25+$0x30]  }
.Ltmp8:
0x1af: {  	(pc) =	sbr.rel @p0 .LBB2_18-.Ltmp8, $2  }
0x1b0: {  	_ =	sdelay $0x2  }
0x1b1: {  	s25 =	sadd.s32 $0x80, s25;
	[tilespmem:s23+$0x30] =	vst v0  }
0x1b2: {  	s23 =	simm.s32 $0x1900  }
0x1b3: {  	[tilespmem:s15], [sflag:$0x3] =	stream.indirect.gather.add.f32 [hbm:s3], $0x10, s23, s12, $0xb8;
	[tilespmem:$0x12C00] =	vst v63  }
0x1b4: {  	_ =	swait.ge [sflag:s16], $0x3200  }
0x1b5: {  	[sflag:s16] =	ssyncset.done $0x0  }
0x1b6: {  	s28 =	rddreg [dreg:$0xa];
	[sflag:s16] =	ssyncadd.s32 $0xFFFFCE00  }
0x1b7: {  	[hbm4b:s28+s2] =	stream.linear.scatter [tilespmem:s13], [sflag:$0x4], $0x3200, $0x38;
	[tilespmem:$0x12C00] =	vst v63  }
0x1b8: {  	_ =	swait.ge [sflag:s17], $0x3200  }
0x1b9: {  	[sflag:s17] =	ssyncset.done $0x0  }
0x1ba: {  	s24 =	simm.s32 $0x6440;
	[sflag:s17] =	ssyncadd.s32 $0xFFFFCE00  }
0x1bb: {  	v0 =	vld [tilespmem:s24+$0xFFFFFFC0];
	_ =	sdelay $0x3  }
0x1bc: {  	s23 =	simm.s32 $0x9640  }
0x1bd: {  	[tilespmem:s23+$0xFFFFFFC0] =	vst v0  }
0x1be: {  	v0 =	vld [tilespmem:s24+$0xFFFFFFD0];
	_ =	sdelay $0x4  }
0x1bf: {  	[tilespmem:s23+$0xFFFFFFD0] =	vst v0  }
0x1c0: {  	v0 =	vld [tilespmem:s24+$0xFFFFFFE0];
	_ =	sdelay $0x4  }
0x1c1: {  	[tilespmem:s23+$0xFFFFFFE0] =	vst v0  }
0x1c2: {  	v0 =	vld [tilespmem:s24+$0xFFFFFFF0];
	_ =	sdelay $0x4  }
0x1c3: {  	[tilespmem:s23+$0xFFFFFFF0] =	vst v0  }
0x1c4: {  	v0 =	vld [tilespmem:s24+$0x0];
	_ =	sdelay $0x4  }
0x1c5: {  	[tilespmem:s23+$0x0] =	vst v0  }
0x1c6: {  	v0 =	vld [tilespmem:s24+$0x10];
	_ =	sdelay $0x4  }
0x1c7: {  	[tilespmem:s23+$0x10] =	vst v0  }
0x1c8: {  	v0 =	vld [tilespmem:s24+$0x20];
	_ =	sdelay $0x4  }
0x1c9: {  	[tilespmem:s23+$0x20] =	vst v0  }
0x1ca: {  	v0 =	vld [tilespmem:s24+$0x30];
	_ =	sdelay $0x4  }
0x1cb: {  	s25 =	simm.s32 $0x64C0;
	s24 =	simm.s32 $0x0;
	[tilespmem:s23+$0x30] =	vst v0  }
.LBB2_20:
0x1cc: {  	v0 =	vld [tilespmem:s25+$0xFFFFFFC0];
	s24 =	sadd.s32 $0x8, s24  }
0x1cd: {  	p0 =	slt.u32 s24, $0x318;
	_ =	sdelay $0x2  }
0x1ce: {  	s23 =	sadd.s32 $0x80, s23  }
0x1cf: {  	[tilespmem:s23+$0xFFFFFFC0] =	vst v0  }
0x1d0: {  	v0 =	vld [tilespmem:s25+$0xFFFFFFD0];
	_ =	sdelay $0x4  }
0x1d1: {  	[tilespmem:s23+$0xFFFFFFD0] =	vst v0  }
0x1d2: {  	v0 =	vld [tilespmem:s25+$0xFFFFFFE0];
	_ =	sdelay $0x4  }
0x1d3: {  	[tilespmem:s23+$0xFFFFFFE0] =	vst v0  }
0x1d4: {  	v0 =	vld [tilespmem:s25+$0xFFFFFFF0];
	_ =	sdelay $0x4  }
0x1d5: {  	[tilespmem:s23+$0xFFFFFFF0] =	vst v0  }
0x1d6: {  	v0 =	vld [tilespmem:s25+$0x0];
	_ =	sdelay $0x4  }
0x1d7: {  	[tilespmem:s23+$0x0] =	vst v0  }
0x1d8: {  	v0 =	vld [tilespmem:s25+$0x10];
	_ =	sdelay $0x4  }
0x1d9: {  	[tilespmem:s23+$0x10] =	vst v0  }
0x1da: {  	v0 =	vld [tilespmem:s25+$0x20];
	_ =	sdelay $0x4  }
0x1db: {  	[tilespmem:s23+$0x20] =	vst v0  }
0x1dc: {  	v0 =	vld [tilespmem:s25+$0x30]  }
.Ltmp9:
0x1dd: {  	(pc) =	sbr.rel @p0 .LBB2_20-.Ltmp9, $2  }
0x1de: {  	_ =	sdelay $0x2  }
0x1df: {  	s25 =	sadd.s32 $0x80, s25;
	[tilespmem:s23+$0x30] =	vst v0  }
0x1e0: {  	s23 =	simm.s32 $0x1C20  }
0x1e1: {  	[tilespmem:s13], [sflag:$0x1] =	stream.indirect.gather.add.f32 [hbm:s3], $0x10, s23, s12, $0xb8;
	[tilespmem:$0x12C00] =	vst v63  }
0x1e2: {  	_ =	swait.ge [sflag:s18], $0x3200  }
0x1e3: {  	[sflag:s18] =	ssyncset.done $0x0  }
0x1e4: {  	s28 =	rddreg [dreg:$0xb];
	[sflag:s18] =	ssyncadd.s32 $0xFFFFCE00  }
0x1e5: {  	[hbm4b:s28+s2] =	stream.linear.scatter [tilespmem:s14], [sflag:$0x5], $0x3200, $0x38;
	[tilespmem:$0x12C00] =	vst v63  }
0x1e6: {  	_ =	swait.ge [sflag:s19], $0x3200  }
0x1e7: {  	[sflag:s19] =	ssyncset.done $0x0  }
0x1e8: {  	s24 =	simm.s32 $0x6440;
	[sflag:s19] =	ssyncadd.s32 $0xFFFFCE00  }
0x1e9: {  	v0 =	vld [tilespmem:s24+$0xFFFFFFC0];
	_ =	sdelay $0x3  }
0x1ea: {  	s23 =	simm.s32 $0xC840  }
0x1eb: {  	[tilespmem:s23+$0xFFFFFFC0] =	vst v0  }
0x1ec: {  	v0 =	vld [tilespmem:s24+$0xFFFFFFD0];
	_ =	sdelay $0x4  }
0x1ed: {  	[tilespmem:s23+$0xFFFFFFD0] =	vst v0  }
0x1ee: {  	v0 =	vld [tilespmem:s24+$0xFFFFFFE0];
	_ =	sdelay $0x4  }
0x1ef: {  	[tilespmem:s23+$0xFFFFFFE0] =	vst v0  }
0x1f0: {  	v0 =	vld [tilespmem:s24+$0xFFFFFFF0];
	_ =	sdelay $0x4  }
0x1f1: {  	[tilespmem:s23+$0xFFFFFFF0] =	vst v0  }
0x1f2: {  	v0 =	vld [tilespmem:s24+$0x0];
	_ =	sdelay $0x4  }
0x1f3: {  	[tilespmem:s23+$0x0] =	vst v0  }
0x1f4: {  	v0 =	vld [tilespmem:s24+$0x10];
	_ =	sdelay $0x4  }
0x1f5: {  	[tilespmem:s23+$0x10] =	vst v0  }
0x1f6: {  	v0 =	vld [tilespmem:s24+$0x20];
	_ =	sdelay $0x4  }
0x1f7: {  	[tilespmem:s23+$0x20] =	vst v0  }
0x1f8: {  	v0 =	vld [tilespmem:s24+$0x30];
	_ =	sdelay $0x4  }
0x1f9: {  	s25 =	simm.s32 $0x64C0;
	s24 =	simm.s32 $0x0;
	[tilespmem:s23+$0x30] =	vst v0  }
.LBB2_22:
0x1fa: {  	v0 =	vld [tilespmem:s25+$0xFFFFFFC0];
	s24 =	sadd.s32 $0x8, s24  }
0x1fb: {  	p0 =	slt.u32 s24, $0x318;
	_ =	sdelay $0x2  }
0x1fc: {  	s23 =	sadd.s32 $0x80, s23  }
0x1fd: {  	[tilespmem:s23+$0xFFFFFFC0] =	vst v0  }
0x1fe: {  	v0 =	vld [tilespmem:s25+$0xFFFFFFD0];
	_ =	sdelay $0x4  }
0x1ff: {  	[tilespmem:s23+$0xFFFFFFD0] =	vst v0  }
0x200: {  	v0 =	vld [tilespmem:s25+$0xFFFFFFE0];
	_ =	sdelay $0x4  }
0x201: {  	[tilespmem:s23+$0xFFFFFFE0] =	vst v0  }
0x202: {  	v0 =	vld [tilespmem:s25+$0xFFFFFFF0];
	_ =	sdelay $0x4  }
0x203: {  	[tilespmem:s23+$0xFFFFFFF0] =	vst v0  }
0x204: {  	v0 =	vld [tilespmem:s25+$0x0];
	_ =	sdelay $0x4  }
0x205: {  	[tilespmem:s23+$0x0] =	vst v0  }
0x206: {  	v0 =	vld [tilespmem:s25+$0x10];
	_ =	sdelay $0x4  }
0x207: {  	[tilespmem:s23+$0x10] =	vst v0  }
0x208: {  	v0 =	vld [tilespmem:s25+$0x20];
	_ =	sdelay $0x4  }
0x209: {  	[tilespmem:s23+$0x20] =	vst v0  }
0x20a: {  	v0 =	vld [tilespmem:s25+$0x30]  }
.Ltmp10:
0x20b: {  	(pc) =	sbr.rel @p0 .LBB2_22-.Ltmp10, $2  }
0x20c: {  	_ =	sdelay $0x2  }
0x20d: {  	s25 =	sadd.s32 $0x80, s25;
	[tilespmem:s23+$0x30] =	vst v0  }
0x20e: {  	s23 =	simm.s32 $0x1F40  }
0x20f: {  	[tilespmem:s14], [sflag:$0x2] =	stream.indirect.gather.add.f32 [hbm:s3], $0x10, s23, s12, $0xb8;
	[tilespmem:$0x12C00] =	vst v63  }
0x210: {  	_ =	swait.ge [sflag:s20], $0x3200  }
0x211: {  	[sflag:s20] =	ssyncset.done $0x0  }
0x212: {  	s28 =	rddreg [dreg:$0xc];
	[sflag:s20] =	ssyncadd.s32 $0xFFFFCE00  }
0x213: {  	[hbm4b:s28+s2] =	stream.linear.scatter [tilespmem:s15], [sflag:$0x6], $0x3200, $0x38;
	[tilespmem:$0x12C00] =	vst v63  }
0x214: {  	_ =	swait.ge [sflag:s21], $0x3200  }
0x215: {  	[sflag:s21] =	ssyncset.done $0x0  }
0x216: {  	s24 =	simm.s32 $0x6440;
	[sflag:s21] =	ssyncadd.s32 $0xFFFFCE00  }
0x217: {  	v0 =	vld [tilespmem:s24+$0xFFFFFFC0];
	_ =	sdelay $0x3  }
0x218: {  	s23 =	simm.s32 $0xFA40  }
0x219: {  	[tilespmem:s23+$0xFFFFFFC0] =	vst v0  }
0x21a: {  	v0 =	vld [tilespmem:s24+$0xFFFFFFD0];
	_ =	sdelay $0x4  }
0x21b: {  	[tilespmem:s23+$0xFFFFFFD0] =	vst v0  }
0x21c: {  	v0 =	vld [tilespmem:s24+$0xFFFFFFE0];
	_ =	sdelay $0x4  }
0x21d: {  	[tilespmem:s23+$0xFFFFFFE0] =	vst v0  }
0x21e: {  	v0 =	vld [tilespmem:s24+$0xFFFFFFF0];
	_ =	sdelay $0x4  }
0x21f: {  	[tilespmem:s23+$0xFFFFFFF0] =	vst v0  }
0x220: {  	v0 =	vld [tilespmem:s24+$0x0];
	_ =	sdelay $0x4  }
0x221: {  	[tilespmem:s23+$0x0] =	vst v0  }
0x222: {  	v0 =	vld [tilespmem:s24+$0x10];
	_ =	sdelay $0x4  }
0x223: {  	[tilespmem:s23+$0x10] =	vst v0  }
0x224: {  	v0 =	vld [tilespmem:s24+$0x20];
	_ =	sdelay $0x4  }
0x225: {  	[tilespmem:s23+$0x20] =	vst v0  }
0x226: {  	v0 =	vld [tilespmem:s24+$0x30];
	_ =	sdelay $0x4  }
0x227: {  	s25 =	simm.s32 $0x64C0;
	s24 =	simm.s32 $0x0;
	[tilespmem:s23+$0x30] =	vst v0  }
.LBB2_24:
0x228: {  	v0 =	vld [tilespmem:s25+$0xFFFFFFC0];
	s24 =	sadd.s32 $0x8, s24  }
0x229: {  	p0 =	slt.u32 s24, $0x318;
	_ =	sdelay $0x2  }
0x22a: {  	s23 =	sadd.s32 $0x80, s23  }
0x22b: {  	[tilespmem:s23+$0xFFFFFFC0] =	vst v0  }
0x22c: {  	v0 =	vld [tilespmem:s25+$0xFFFFFFD0];
	_ =	sdelay $0x4  }
0x22d: {  	[tilespmem:s23+$0xFFFFFFD0] =	vst v0  }
0x22e: {  	v0 =	vld [tilespmem:s25+$0xFFFFFFE0];
	_ =	sdelay $0x4  }
0x22f: {  	[tilespmem:s23+$0xFFFFFFE0] =	vst v0  }
0x230: {  	v0 =	vld [tilespmem:s25+$0xFFFFFFF0];
	_ =	sdelay $0x4  }
0x231: {  	[tilespmem:s23+$0xFFFFFFF0] =	vst v0  }
0x232: {  	v0 =	vld [tilespmem:s25+$0x0];
	_ =	sdelay $0x4  }
0x233: {  	[tilespmem:s23+$0x0] =	vst v0  }
0x234: {  	v0 =	vld [tilespmem:s25+$0x10];
	_ =	sdelay $0x4  }
0x235: {  	[tilespmem:s23+$0x10] =	vst v0  }
0x236: {  	v0 =	vld [tilespmem:s25+$0x20];
	_ =	sdelay $0x4  }
0x237: {  	[tilespmem:s23+$0x20] =	vst v0  }
0x238: {  	v0 =	vld [tilespmem:s25+$0x30]  }
.Ltmp11:
0x239: {  	(pc) =	sbr.rel @p0 .LBB2_24-.Ltmp11, $2  }
0x23a: {  	_ =	sdelay $0x2  }
0x23b: {  	s25 =	sadd.s32 $0x80, s25;
	[tilespmem:s23+$0x30] =	vst v0  }
0x23c: {  	s23 =	simm.s32 $0x2260  }
0x23d: {  	[tilespmem:s15], [sflag:$0x3] =	stream.indirect.gather.add.f32 [hbm:s3], $0x10, s23, s12, $0xb8;
	[tilespmem:$0x12C00] =	vst v63  }
0x23e: {  	_ =	swait.ge [sflag:s16], $0x3200  }
0x23f: {  	[sflag:s16] =	ssyncset.done $0x0  }
0x240: {  	s28 =	rddreg [dreg:$0xd];
	[sflag:s16] =	ssyncadd.s32 $0xFFFFCE00  }
0x241: {  	[hbm4b:s28+s2] =	stream.linear.scatter [tilespmem:s13], [sflag:$0x4], $0x3200, $0x38;
	[tilespmem:$0x12C00] =	vst v63  }
0x242: {  	_ =	swait.ge [sflag:s17], $0x3200  }
0x243: {  	[sflag:s17] =	ssyncset.done $0x0  }
0x244: {  	s24 =	simm.s32 $0x6440;
	[sflag:s17] =	ssyncadd.s32 $0xFFFFCE00  }
0x245: {  	v0 =	vld [tilespmem:s24+$0xFFFFFFC0];
	_ =	sdelay $0x3  }
0x246: {  	s23 =	simm.s32 $0x9640  }
0x247: {  	[tilespmem:s23+$0xFFFFFFC0] =	vst v0  }
0x248: {  	v0 =	vld [tilespmem:s24+$0xFFFFFFD0];
	_ =	sdelay $0x4  }
0x249: {  	[tilespmem:s23+$0xFFFFFFD0] =	vst v0  }
0x24a: {  	v0 =	vld [tilespmem:s24+$0xFFFFFFE0];
	_ =	sdelay $0x4  }
0x24b: {  	[tilespmem:s23+$0xFFFFFFE0] =	vst v0  }
0x24c: {  	v0 =	vld [tilespmem:s24+$0xFFFFFFF0];
	_ =	sdelay $0x4  }
0x24d: {  	[tilespmem:s23+$0xFFFFFFF0] =	vst v0  }
0x24e: {  	v0 =	vld [tilespmem:s24+$0x0];
	_ =	sdelay $0x4  }
0x24f: {  	[tilespmem:s23+$0x0] =	vst v0  }
0x250: {  	v0 =	vld [tilespmem:s24+$0x10];
	_ =	sdelay $0x4  }
0x251: {  	[tilespmem:s23+$0x10] =	vst v0  }
0x252: {  	v0 =	vld [tilespmem:s24+$0x20];
	_ =	sdelay $0x4  }
0x253: {  	[tilespmem:s23+$0x20] =	vst v0  }
0x254: {  	v0 =	vld [tilespmem:s24+$0x30];
	_ =	sdelay $0x4  }
0x255: {  	s25 =	simm.s32 $0x64C0;
	s24 =	simm.s32 $0x0;
	[tilespmem:s23+$0x30] =	vst v0  }
.LBB2_26:
0x256: {  	v0 =	vld [tilespmem:s25+$0xFFFFFFC0];
	s24 =	sadd.s32 $0x8, s24  }
0x257: {  	p0 =	slt.u32 s24, $0x318;
	_ =	sdelay $0x2  }
0x258: {  	s23 =	sadd.s32 $0x80, s23  }
0x259: {  	[tilespmem:s23+$0xFFFFFFC0] =	vst v0  }
0x25a: {  	v0 =	vld [tilespmem:s25+$0xFFFFFFD0];
	_ =	sdelay $0x4  }
0x25b: {  	[tilespmem:s23+$0xFFFFFFD0] =	vst v0  }
0x25c: {  	v0 =	vld [tilespmem:s25+$0xFFFFFFE0];
	_ =	sdelay $0x4  }
0x25d: {  	[tilespmem:s23+$0xFFFFFFE0] =	vst v0  }
0x25e: {  	v0 =	vld [tilespmem:s25+$0xFFFFFFF0];
	_ =	sdelay $0x4  }
0x25f: {  	[tilespmem:s23+$0xFFFFFFF0] =	vst v0  }
0x260: {  	v0 =	vld [tilespmem:s25+$0x0];
	_ =	sdelay $0x4  }
0x261: {  	[tilespmem:s23+$0x0] =	vst v0  }
0x262: {  	v0 =	vld [tilespmem:s25+$0x10];
	_ =	sdelay $0x4  }
0x263: {  	[tilespmem:s23+$0x10] =	vst v0  }
0x264: {  	v0 =	vld [tilespmem:s25+$0x20];
	_ =	sdelay $0x4  }
0x265: {  	[tilespmem:s23+$0x20] =	vst v0  }
0x266: {  	v0 =	vld [tilespmem:s25+$0x30]  }
.Ltmp12:
0x267: {  	(pc) =	sbr.rel @p0 .LBB2_26-.Ltmp12, $2  }
0x268: {  	_ =	sdelay $0x2  }
0x269: {  	s25 =	sadd.s32 $0x80, s25;
	[tilespmem:s23+$0x30] =	vst v0  }
0x26a: {  	s23 =	simm.s32 $0x2580  }
0x26b: {  	[tilespmem:s13], [sflag:$0x1] =	stream.indirect.gather.add.f32 [hbm:s3], $0x10, s23, s12, $0xb8;
	[tilespmem:$0x12C00] =	vst v63  }
0x26c: {  	_ =	swait.ge [sflag:s18], $0x3200  }
0x26d: {  	[sflag:s18] =	ssyncset.done $0x0  }
0x26e: {  	s28 =	rddreg [dreg:$0xe];
	[sflag:s18] =	ssyncadd.s32 $0xFFFFCE00  }
0x26f: {  	[hbm4b:s28+s2] =	stream.linear.scatter [tilespmem:s14], [sflag:$0x5], $0x3200, $0x38;
	[tilespmem:$0x12C00] =	vst v63  }
0x270: {  	_ =	swait.ge [sflag:s19], $0x3200  }
0x271: {  	[sflag:s19] =	ssyncset.done $0x0  }
0x272: {  	s24 =	simm.s32 $0x6440;
	[sflag:s19] =	ssyncadd.s32 $0xFFFFCE00  }
0x273: {  	v0 =	vld [tilespmem:s24+$0xFFFFFFC0];
	_ =	sdelay $0x3  }
0x274: {  	s23 =	simm.s32 $0xC840  }
0x275: {  	[tilespmem:s23+$0xFFFFFFC0] =	vst v0  }
0x276: {  	v0 =	vld [tilespmem:s24+$0xFFFFFFD0];
	_ =	sdelay $0x4  }
0x277: {  	[tilespmem:s23+$0xFFFFFFD0] =	vst v0  }
0x278: {  	v0 =	vld [tilespmem:s24+$0xFFFFFFE0];
	_ =	sdelay $0x4  }
0x279: {  	[tilespmem:s23+$0xFFFFFFE0] =	vst v0  }
0x27a: {  	v0 =	vld [tilespmem:s24+$0xFFFFFFF0];
	_ =	sdelay $0x4  }
0x27b: {  	[tilespmem:s23+$0xFFFFFFF0] =	vst v0  }
0x27c: {  	v0 =	vld [tilespmem:s24+$0x0];
	_ =	sdelay $0x4  }
0x27d: {  	[tilespmem:s23+$0x0] =	vst v0  }
0x27e: {  	v0 =	vld [tilespmem:s24+$0x10];
	_ =	sdelay $0x4  }
0x27f: {  	[tilespmem:s23+$0x10] =	vst v0  }
0x280: {  	v0 =	vld [tilespmem:s24+$0x20];
	_ =	sdelay $0x4  }
0x281: {  	[tilespmem:s23+$0x20] =	vst v0  }
0x282: {  	v0 =	vld [tilespmem:s24+$0x30];
	_ =	sdelay $0x4  }
0x283: {  	s25 =	simm.s32 $0x64C0;
	s24 =	simm.s32 $0x0;
	[tilespmem:s23+$0x30] =	vst v0  }
.LBB2_28:
0x284: {  	v0 =	vld [tilespmem:s25+$0xFFFFFFC0];
	s24 =	sadd.s32 $0x8, s24  }
0x285: {  	p0 =	slt.u32 s24, $0x318;
	_ =	sdelay $0x2  }
0x286: {  	s23 =	sadd.s32 $0x80, s23  }
0x287: {  	[tilespmem:s23+$0xFFFFFFC0] =	vst v0  }
0x288: {  	v0 =	vld [tilespmem:s25+$0xFFFFFFD0];
	_ =	sdelay $0x4  }
0x289: {  	[tilespmem:s23+$0xFFFFFFD0] =	vst v0  }
0x28a: {  	v0 =	vld [tilespmem:s25+$0xFFFFFFE0];
	_ =	sdelay $0x4  }
0x28b: {  	[tilespmem:s23+$0xFFFFFFE0] =	vst v0  }
0x28c: {  	v0 =	vld [tilespmem:s25+$0xFFFFFFF0];
	_ =	sdelay $0x4  }
0x28d: {  	[tilespmem:s23+$0xFFFFFFF0] =	vst v0  }
0x28e: {  	v0 =	vld [tilespmem:s25+$0x0];
	_ =	sdelay $0x4  }
0x28f: {  	[tilespmem:s23+$0x0] =	vst v0  }
0x290: {  	v0 =	vld [tilespmem:s25+$0x10];
	_ =	sdelay $0x4  }
0x291: {  	[tilespmem:s23+$0x10] =	vst v0  }
0x292: {  	v0 =	vld [tilespmem:s25+$0x20];
	_ =	sdelay $0x4  }
0x293: {  	[tilespmem:s23+$0x20] =	vst v0  }
0x294: {  	v0 =	vld [tilespmem:s25+$0x30]  }
.Ltmp13:
0x295: {  	(pc) =	sbr.rel @p0 .LBB2_28-.Ltmp13, $2  }
0x296: {  	_ =	sdelay $0x2  }
0x297: {  	s25 =	sadd.s32 $0x80, s25;
	[tilespmem:s23+$0x30] =	vst v0  }
0x298: {  	s23 =	simm.s32 $0x28A0  }
0x299: {  	[tilespmem:s14], [sflag:$0x2] =	stream.indirect.gather.add.f32 [hbm:s3], $0x10, s23, s12, $0xb8;
	[tilespmem:$0x12C00] =	vst v63  }
0x29a: {  	_ =	swait.ge [sflag:s20], $0x3200  }
0x29b: {  	[sflag:s20] =	ssyncset.done $0x0  }
0x29c: {  	s28 =	rddreg [dreg:$0xf];
	[sflag:s20] =	ssyncadd.s32 $0xFFFFCE00  }
0x29d: {  	[hbm4b:s28+s2] =	stream.linear.scatter [tilespmem:s15], [sflag:$0x6], $0x3200, $0x38;
	[tilespmem:$0x12C00] =	vst v63  }
0x29e: {  	_ =	swait.ge [sflag:s21], $0x3200  }
0x29f: {  	[sflag:s21] =	ssyncset.done $0x0  }
0x2a0: {  	s24 =	simm.s32 $0x6440;
	[sflag:s21] =	ssyncadd.s32 $0xFFFFCE00  }
0x2a1: {  	v0 =	vld [tilespmem:s24+$0xFFFFFFC0];
	_ =	sdelay $0x3  }
0x2a2: {  	s23 =	simm.s32 $0xFA40  }
0x2a3: {  	[tilespmem:s23+$0xFFFFFFC0] =	vst v0  }
0x2a4: {  	v0 =	vld [tilespmem:s24+$0xFFFFFFD0];
	_ =	sdelay $0x4  }
0x2a5: {  	[tilespmem:s23+$0xFFFFFFD0] =	vst v0  }
0x2a6: {  	v0 =	vld [tilespmem:s24+$0xFFFFFFE0];
	_ =	sdelay $0x4  }
0x2a7: {  	[tilespmem:s23+$0xFFFFFFE0] =	vst v0  }
0x2a8: {  	v0 =	vld [tilespmem:s24+$0xFFFFFFF0];
	_ =	sdelay $0x4  }
0x2a9: {  	[tilespmem:s23+$0xFFFFFFF0] =	vst v0  }
0x2aa: {  	v0 =	vld [tilespmem:s24+$0x0];
	_ =	sdelay $0x4  }
0x2ab: {  	[tilespmem:s23+$0x0] =	vst v0  }
0x2ac: {  	v0 =	vld [tilespmem:s24+$0x10];
	_ =	sdelay $0x4  }
0x2ad: {  	[tilespmem:s23+$0x10] =	vst v0  }
0x2ae: {  	v0 =	vld [tilespmem:s24+$0x20];
	_ =	sdelay $0x4  }
0x2af: {  	[tilespmem:s23+$0x20] =	vst v0  }
0x2b0: {  	v0 =	vld [tilespmem:s24+$0x30];
	_ =	sdelay $0x4  }
0x2b1: {  	s25 =	simm.s32 $0x64C0;
	s24 =	simm.s32 $0x0;
	[tilespmem:s23+$0x30] =	vst v0  }
.LBB2_30:
0x2b2: {  	v0 =	vld [tilespmem:s25+$0xFFFFFFC0];
	s24 =	sadd.s32 $0x8, s24  }
0x2b3: {  	p0 =	slt.u32 s24, $0x318;
	_ =	sdelay $0x2  }
0x2b4: {  	s23 =	sadd.s32 $0x80, s23  }
0x2b5: {  	[tilespmem:s23+$0xFFFFFFC0] =	vst v0  }
0x2b6: {  	v0 =	vld [tilespmem:s25+$0xFFFFFFD0];
	_ =	sdelay $0x4  }
0x2b7: {  	[tilespmem:s23+$0xFFFFFFD0] =	vst v0  }
0x2b8: {  	v0 =	vld [tilespmem:s25+$0xFFFFFFE0];
	_ =	sdelay $0x4  }
0x2b9: {  	[tilespmem:s23+$0xFFFFFFE0] =	vst v0  }
0x2ba: {  	v0 =	vld [tilespmem:s25+$0xFFFFFFF0];
	_ =	sdelay $0x4  }
0x2bb: {  	[tilespmem:s23+$0xFFFFFFF0] =	vst v0  }
0x2bc: {  	v0 =	vld [tilespmem:s25+$0x0];
	_ =	sdelay $0x4  }
0x2bd: {  	[tilespmem:s23+$0x0] =	vst v0  }
0x2be: {  	v0 =	vld [tilespmem:s25+$0x10];
	_ =	sdelay $0x4  }
0x2bf: {  	[tilespmem:s23+$0x10] =	vst v0  }
0x2c0: {  	v0 =	vld [tilespmem:s25+$0x20];
	_ =	sdelay $0x4  }
0x2c1: {  	[tilespmem:s23+$0x20] =	vst v0  }
0x2c2: {  	v0 =	vld [tilespmem:s25+$0x30]  }
.Ltmp14:
0x2c3: {  	(pc) =	sbr.rel @p0 .LBB2_30-.Ltmp14, $2  }
0x2c4: {  	_ =	sdelay $0x2  }
0x2c5: {  	s25 =	sadd.s32 $0x80, s25;
	[tilespmem:s23+$0x30] =	vst v0  }
0x2c6: {  	s23 =	simm.s32 $0x2BC0  }
0x2c7: {  	[tilespmem:s15], [sflag:$0x3] =	stream.indirect.gather.add.f32 [hbm:s3], $0x10, s23, s12, $0xb8;
	[tilespmem:$0x12C00] =	vst v63  }
0x2c8: {  	_ =	swait.ge [sflag:s16], $0x3200  }
0x2c9: {  	[sflag:s16] =	ssyncset.done $0x0  }
0x2ca: {  	s28 =	rddreg [dreg:$0x10];
	[sflag:s16] =	ssyncadd.s32 $0xFFFFCE00  }
0x2cb: {  	[hbm4b:s28+s2] =	stream.linear.scatter [tilespmem:s13], [sflag:$0x4], $0x3200, $0x38;
	[tilespmem:$0x12C00] =	vst v63  }
0x2cc: {  	_ =	swait.ge [sflag:s17], $0x3200  }
0x2cd: {  	[sflag:s17] =	ssyncset.done $0x0  }
0x2ce: {  	s24 =	simm.s32 $0x6440;
	[sflag:s17] =	ssyncadd.s32 $0xFFFFCE00  }
0x2cf: {  	v0 =	vld [tilespmem:s24+$0xFFFFFFC0];
	_ =	sdelay $0x3  }
0x2d0: {  	s23 =	simm.s32 $0x9640  }
0x2d1: {  	[tilespmem:s23+$0xFFFFFFC0] =	vst v0  }
0x2d2: {  	v0 =	vld [tilespmem:s24+$0xFFFFFFD0];
	_ =	sdelay $0x4  }
0x2d3: {  	[tilespmem:s23+$0xFFFFFFD0] =	vst v0  }
0x2d4: {  	v0 =	vld [tilespmem:s24+$0xFFFFFFE0];
	_ =	sdelay $0x4  }
0x2d5: {  	[tilespmem:s23+$0xFFFFFFE0] =	vst v0  }
0x2d6: {  	v0 =	vld [tilespmem:s24+$0xFFFFFFF0];
	_ =	sdelay $0x4  }
0x2d7: {  	[tilespmem:s23+$0xFFFFFFF0] =	vst v0  }
0x2d8: {  	v0 =	vld [tilespmem:s24+$0x0];
	_ =	sdelay $0x4  }
0x2d9: {  	[tilespmem:s23+$0x0] =	vst v0  }
0x2da: {  	v0 =	vld [tilespmem:s24+$0x10];
	_ =	sdelay $0x4  }
0x2db: {  	[tilespmem:s23+$0x10] =	vst v0  }
0x2dc: {  	v0 =	vld [tilespmem:s24+$0x20];
	_ =	sdelay $0x4  }
0x2dd: {  	[tilespmem:s23+$0x20] =	vst v0  }
0x2de: {  	v0 =	vld [tilespmem:s24+$0x30];
	_ =	sdelay $0x4  }
0x2df: {  	s25 =	simm.s32 $0x64C0;
	s24 =	simm.s32 $0x0;
	[tilespmem:s23+$0x30] =	vst v0  }
.LBB2_32:
0x2e0: {  	v0 =	vld [tilespmem:s25+$0xFFFFFFC0];
	s24 =	sadd.s32 $0x8, s24  }
0x2e1: {  	p0 =	slt.u32 s24, $0x318;
	_ =	sdelay $0x2  }
0x2e2: {  	s23 =	sadd.s32 $0x80, s23  }
0x2e3: {  	[tilespmem:s23+$0xFFFFFFC0] =	vst v0  }
0x2e4: {  	v0 =	vld [tilespmem:s25+$0xFFFFFFD0];
	_ =	sdelay $0x4  }
0x2e5: {  	[tilespmem:s23+$0xFFFFFFD0] =	vst v0  }
0x2e6: {  	v0 =	vld [tilespmem:s25+$0xFFFFFFE0];
	_ =	sdelay $0x4  }
0x2e7: {  	[tilespmem:s23+$0xFFFFFFE0] =	vst v0  }
0x2e8: {  	v0 =	vld [tilespmem:s25+$0xFFFFFFF0];
	_ =	sdelay $0x4  }
0x2e9: {  	[tilespmem:s23+$0xFFFFFFF0] =	vst v0  }
0x2ea: {  	v0 =	vld [tilespmem:s25+$0x0];
	_ =	sdelay $0x4  }
0x2eb: {  	[tilespmem:s23+$0x0] =	vst v0  }
0x2ec: {  	v0 =	vld [tilespmem:s25+$0x10];
	_ =	sdelay $0x4  }
0x2ed: {  	[tilespmem:s23+$0x10] =	vst v0  }
0x2ee: {  	v0 =	vld [tilespmem:s25+$0x20];
	_ =	sdelay $0x4  }
0x2ef: {  	[tilespmem:s23+$0x20] =	vst v0  }
0x2f0: {  	v0 =	vld [tilespmem:s25+$0x30]  }
.Ltmp15:
0x2f1: {  	(pc) =	sbr.rel @p0 .LBB2_32-.Ltmp15, $2  }
0x2f2: {  	_ =	sdelay $0x2  }
0x2f3: {  	s25 =	sadd.s32 $0x80, s25;
	[tilespmem:s23+$0x30] =	vst v0  }
0x2f4: {  	s23 =	simm.s32 $0x2EE0  }
0x2f5: {  	[tilespmem:s13], [sflag:$0x1] =	stream.indirect.gather.add.f32 [hbm:s3], $0x10, s23, s12, $0xb8;
	[tilespmem:$0x12C00] =	vst v63  }
0x2f6: {  	_ =	swait.ge [sflag:s18], $0x3200  }
0x2f7: {  	[sflag:s18] =	ssyncset.done $0x0  }
0x2f8: {  	s28 =	rddreg [dreg:$0x11];
	[sflag:s18] =	ssyncadd.s32 $0xFFFFCE00  }
0x2f9: {  	[hbm4b:s28+s2] =	stream.linear.scatter [tilespmem:s14], [sflag:$0x5], $0x3200, $0x38;
	[tilespmem:$0x12C00] =	vst v63  }
0x2fa: {  	_ =	swait.ge [sflag:s19], $0x3200  }
0x2fb: {  	[sflag:s19] =	ssyncset.done $0x0  }
0x2fc: {  	s24 =	simm.s32 $0x6440;
	[sflag:s19] =	ssyncadd.s32 $0xFFFFCE00  }
0x2fd: {  	v0 =	vld [tilespmem:s24+$0xFFFFFFC0];
	_ =	sdelay $0x3  }
0x2fe: {  	s23 =	simm.s32 $0xC840  }
0x2ff: {  	[tilespmem:s23+$0xFFFFFFC0] =	vst v0  }
0x300: {  	v0 =	vld [tilespmem:s24+$0xFFFFFFD0];
	_ =	sdelay $0x4  }
0x301: {  	[tilespmem:s23+$0xFFFFFFD0] =	vst v0  }
0x302: {  	v0 =	vld [tilespmem:s24+$0xFFFFFFE0];
	_ =	sdelay $0x4  }
0x303: {  	[tilespmem:s23+$0xFFFFFFE0] =	vst v0  }
0x304: {  	v0 =	vld [tilespmem:s24+$0xFFFFFFF0];
	_ =	sdelay $0x4  }
0x305: {  	[tilespmem:s23+$0xFFFFFFF0] =	vst v0  }
0x306: {  	v0 =	vld [tilespmem:s24+$0x0];
	_ =	sdelay $0x4  }
0x307: {  	[tilespmem:s23+$0x0] =	vst v0  }
0x308: {  	v0 =	vld [tilespmem:s24+$0x10];
	_ =	sdelay $0x4  }
0x309: {  	[tilespmem:s23+$0x10] =	vst v0  }
0x30a: {  	v0 =	vld [tilespmem:s24+$0x20];
	_ =	sdelay $0x4  }
0x30b: {  	[tilespmem:s23+$0x20] =	vst v0  }
0x30c: {  	v0 =	vld [tilespmem:s24+$0x30];
	_ =	sdelay $0x4  }
0x30d: {  	s25 =	simm.s32 $0x64C0;
	s24 =	simm.s32 $0x0;
	[tilespmem:s23+$0x30] =	vst v0  }
.LBB2_34:
0x30e: {  	v0 =	vld [tilespmem:s25+$0xFFFFFFC0];
	s24 =	sadd.s32 $0x8, s24  }
0x30f: {  	p0 =	slt.u32 s24, $0x318;
	_ =	sdelay $0x2  }
0x310: {  	s23 =	sadd.s32 $0x80, s23  }
0x311: {  	[tilespmem:s23+$0xFFFFFFC0] =	vst v0  }
0x312: {  	v0 =	vld [tilespmem:s25+$0xFFFFFFD0];
	_ =	sdelay $0x4  }
0x313: {  	[tilespmem:s23+$0xFFFFFFD0] =	vst v0  }
0x314: {  	v0 =	vld [tilespmem:s25+$0xFFFFFFE0];
	_ =	sdelay $0x4  }
0x315: {  	[tilespmem:s23+$0xFFFFFFE0] =	vst v0  }
0x316: {  	v0 =	vld [tilespmem:s25+$0xFFFFFFF0];
	_ =	sdelay $0x4  }
0x317: {  	[tilespmem:s23+$0xFFFFFFF0] =	vst v0  }
0x318: {  	v0 =	vld [tilespmem:s25+$0x0];
	_ =	sdelay $0x4  }
0x319: {  	[tilespmem:s23+$0x0] =	vst v0  }
0x31a: {  	v0 =	vld [tilespmem:s25+$0x10];
	_ =	sdelay $0x4  }
0x31b: {  	[tilespmem:s23+$0x10] =	vst v0  }
0x31c: {  	v0 =	vld [tilespmem:s25+$0x20];
	_ =	sdelay $0x4  }
0x31d: {  	[tilespmem:s23+$0x20] =	vst v0  }
0x31e: {  	v0 =	vld [tilespmem:s25+$0x30]  }
.Ltmp16:
0x31f: {  	(pc) =	sbr.rel @p0 .LBB2_34-.Ltmp16, $2  }
0x320: {  	_ =	sdelay $0x2  }
0x321: {  	s25 =	sadd.s32 $0x80, s25;
	[tilespmem:s23+$0x30] =	vst v0  }
0x322: {  	s23 =	simm.s32 $0x3200  }
0x323: {  	[tilespmem:s14], [sflag:$0x2] =	stream.indirect.gather.add.f32 [hbm:s3], $0x10, s23, s12, $0xb8;
	[tilespmem:$0x12C00] =	vst v63  }
0x324: {  	_ =	swait.ge [sflag:s20], $0x3200  }
0x325: {  	[sflag:s20] =	ssyncset.done $0x0  }
0x326: {  	s28 =	rddreg [dreg:$0x12];
	[sflag:s20] =	ssyncadd.s32 $0xFFFFCE00  }
0x327: {  	[hbm4b:s28+s2] =	stream.linear.scatter [tilespmem:s15], [sflag:$0x6], $0x3200, $0x38;
	[tilespmem:$0x12C00] =	vst v63  }
0x328: {  	_ =	swait.ge [sflag:s21], $0x3200  }
0x329: {  	[sflag:s21] =	ssyncset.done $0x0  }
0x32a: {  	s24 =	simm.s32 $0x6440;
	[sflag:s21] =	ssyncadd.s32 $0xFFFFCE00  }
0x32b: {  	v0 =	vld [tilespmem:s24+$0xFFFFFFC0];
	_ =	sdelay $0x3  }
0x32c: {  	s23 =	simm.s32 $0xFA40  }
0x32d: {  	[tilespmem:s23+$0xFFFFFFC0] =	vst v0  }
0x32e: {  	v0 =	vld [tilespmem:s24+$0xFFFFFFD0];
	_ =	sdelay $0x4  }
0x32f: {  	[tilespmem:s23+$0xFFFFFFD0] =	vst v0  }
0x330: {  	v0 =	vld [tilespmem:s24+$0xFFFFFFE0];
	_ =	sdelay $0x4  }
0x331: {  	[tilespmem:s23+$0xFFFFFFE0] =	vst v0  }
0x332: {  	v0 =	vld [tilespmem:s24+$0xFFFFFFF0];
	_ =	sdelay $0x4  }
0x333: {  	[tilespmem:s23+$0xFFFFFFF0] =	vst v0  }
0x334: {  	v0 =	vld [tilespmem:s24+$0x0];
	_ =	sdelay $0x4  }
0x335: {  	[tilespmem:s23+$0x0] =	vst v0  }
0x336: {  	v0 =	vld [tilespmem:s24+$0x10];
	_ =	sdelay $0x4  }
0x337: {  	[tilespmem:s23+$0x10] =	vst v0  }
0x338: {  	v0 =	vld [tilespmem:s24+$0x20];
	_ =	sdelay $0x4  }
0x339: {  	[tilespmem:s23+$0x20] =	vst v0  }
0x33a: {  	v0 =	vld [tilespmem:s24+$0x30];
	_ =	sdelay $0x4  }
0x33b: {  	s25 =	simm.s32 $0x64C0;
	s24 =	simm.s32 $0x0;
	[tilespmem:s23+$0x30] =	vst v0  }
.LBB2_36:
0x33c: {  	v0 =	vld [tilespmem:s25+$0xFFFFFFC0];
	s24 =	sadd.s32 $0x8, s24  }
0x33d: {  	p0 =	slt.u32 s24, $0x318;
	_ =	sdelay $0x2  }
0x33e: {  	s23 =	sadd.s32 $0x80, s23  }
0x33f: {  	[tilespmem:s23+$0xFFFFFFC0] =	vst v0  }
0x340: {  	v0 =	vld [tilespmem:s25+$0xFFFFFFD0];
	_ =	sdelay $0x4  }
0x341: {  	[tilespmem:s23+$0xFFFFFFD0] =	vst v0  }
0x342: {  	v0 =	vld [tilespmem:s25+$0xFFFFFFE0];
	_ =	sdelay $0x4  }
0x343: {  	[tilespmem:s23+$0xFFFFFFE0] =	vst v0  }
0x344: {  	v0 =	vld [tilespmem:s25+$0xFFFFFFF0];
	_ =	sdelay $0x4  }
0x345: {  	[tilespmem:s23+$0xFFFFFFF0] =	vst v0  }
0x346: {  	v0 =	vld [tilespmem:s25+$0x0];
	_ =	sdelay $0x4  }
0x347: {  	[tilespmem:s23+$0x0] =	vst v0  }
0x348: {  	v0 =	vld [tilespmem:s25+$0x10];
	_ =	sdelay $0x4  }
0x349: {  	[tilespmem:s23+$0x10] =	vst v0  }
0x34a: {  	v0 =	vld [tilespmem:s25+$0x20];
	_ =	sdelay $0x4  }
0x34b: {  	[tilespmem:s23+$0x20] =	vst v0  }
0x34c: {  	v0 =	vld [tilespmem:s25+$0x30]  }
.Ltmp17:
0x34d: {  	(pc) =	sbr.rel @p0 .LBB2_36-.Ltmp17, $2  }
0x34e: {  	_ =	sdelay $0x2  }
0x34f: {  	s25 =	sadd.s32 $0x80, s25;
	[tilespmem:s23+$0x30] =	vst v0  }
0x350: {  	s23 =	simm.s32 $0x3520  }
0x351: {  	[tilespmem:s15], [sflag:$0x3] =	stream.indirect.gather.add.f32 [hbm:s3], $0x10, s23, s12, $0xb8;
	[tilespmem:$0x12C00] =	vst v63  }
0x352: {  	_ =	swait.ge [sflag:s16], $0x3200  }
0x353: {  	[sflag:s16] =	ssyncset.done $0x0  }
0x354: {  	s28 =	rddreg [dreg:$0x13];
	[sflag:s16] =	ssyncadd.s32 $0xFFFFCE00  }
0x355: {  	[hbm4b:s28+s2] =	stream.linear.scatter [tilespmem:s13], [sflag:$0x4], $0x3200, $0x38;
	[tilespmem:$0x12C00] =	vst v63  }
0x356: {  	_ =	swait.ge [sflag:s17], $0x3200  }
0x357: {  	[sflag:s17] =	ssyncset.done $0x0  }
0x358: {  	s24 =	simm.s32 $0x6440;
	[sflag:s17] =	ssyncadd.s32 $0xFFFFCE00  }
0x359: {  	v0 =	vld [tilespmem:s24+$0xFFFFFFC0];
	_ =	sdelay $0x3  }
0x35a: {  	s23 =	simm.s32 $0x9640  }
0x35b: {  	[tilespmem:s23+$0xFFFFFFC0] =	vst v0  }
0x35c: {  	v0 =	vld [tilespmem:s24+$0xFFFFFFD0];
	_ =	sdelay $0x4  }
0x35d: {  	[tilespmem:s23+$0xFFFFFFD0] =	vst v0  }
0x35e: {  	v0 =	vld [tilespmem:s24+$0xFFFFFFE0];
	_ =	sdelay $0x4  }
0x35f: {  	[tilespmem:s23+$0xFFFFFFE0] =	vst v0  }
0x360: {  	v0 =	vld [tilespmem:s24+$0xFFFFFFF0];
	_ =	sdelay $0x4  }
0x361: {  	[tilespmem:s23+$0xFFFFFFF0] =	vst v0  }
0x362: {  	v0 =	vld [tilespmem:s24+$0x0];
	_ =	sdelay $0x4  }
0x363: {  	[tilespmem:s23+$0x0] =	vst v0  }
0x364: {  	v0 =	vld [tilespmem:s24+$0x10];
	_ =	sdelay $0x4  }
0x365: {  	[tilespmem:s23+$0x10] =	vst v0  }
0x366: {  	v0 =	vld [tilespmem:s24+$0x20];
	_ =	sdelay $0x4  }
0x367: {  	[tilespmem:s23+$0x20] =	vst v0  }
0x368: {  	v0 =	vld [tilespmem:s24+$0x30];
	_ =	sdelay $0x4  }
0x369: {  	s25 =	simm.s32 $0x64C0;
	s24 =	simm.s32 $0x0;
	[tilespmem:s23+$0x30] =	vst v0  }
.LBB2_38:
0x36a: {  	v0 =	vld [tilespmem:s25+$0xFFFFFFC0];
	s24 =	sadd.s32 $0x8, s24  }
0x36b: {  	p0 =	slt.u32 s24, $0x318;
	_ =	sdelay $0x2  }
0x36c: {  	s23 =	sadd.s32 $0x80, s23  }
0x36d: {  	[tilespmem:s23+$0xFFFFFFC0] =	vst v0  }
0x36e: {  	v0 =	vld [tilespmem:s25+$0xFFFFFFD0];
	_ =	sdelay $0x4  }
0x36f: {  	[tilespmem:s23+$0xFFFFFFD0] =	vst v0  }
0x370: {  	v0 =	vld [tilespmem:s25+$0xFFFFFFE0];
	_ =	sdelay $0x4  }
0x371: {  	[tilespmem:s23+$0xFFFFFFE0] =	vst v0  }
0x372: {  	v0 =	vld [tilespmem:s25+$0xFFFFFFF0];
	_ =	sdelay $0x4  }
0x373: {  	[tilespmem:s23+$0xFFFFFFF0] =	vst v0  }
0x374: {  	v0 =	vld [tilespmem:s25+$0x0];
	_ =	sdelay $0x4  }
0x375: {  	[tilespmem:s23+$0x0] =	vst v0  }
0x376: {  	v0 =	vld [tilespmem:s25+$0x10];
	_ =	sdelay $0x4  }
0x377: {  	[tilespmem:s23+$0x10] =	vst v0  }
0x378: {  	v0 =	vld [tilespmem:s25+$0x20];
	_ =	sdelay $0x4  }
0x379: {  	[tilespmem:s23+$0x20] =	vst v0  }
0x37a: {  	v0 =	vld [tilespmem:s25+$0x30]  }
.Ltmp18:
0x37b: {  	(pc) =	sbr.rel @p0 .LBB2_38-.Ltmp18, $2  }
0x37c: {  	_ =	sdelay $0x2  }
0x37d: {  	s25 =	sadd.s32 $0x80, s25;
	[tilespmem:s23+$0x30] =	vst v0  }
0x37e: {  	s23 =	simm.s32 $0x3840  }
0x37f: {  	[tilespmem:s13], [sflag:$0x1] =	stream.indirect.gather.add.f32 [hbm:s3], $0x10, s23, s12, $0xb8;
	[tilespmem:$0x12C00] =	vst v63  }
0x380: {  	_ =	swait.ge [sflag:s18], $0x3200  }
0x381: {  	[sflag:s18] =	ssyncset.done $0x0  }
0x382: {  	s28 =	rddreg [dreg:$0x14];
	[sflag:s18] =	ssyncadd.s32 $0xFFFFCE00  }
0x383: {  	[hbm4b:s28+s2] =	stream.linear.scatter [tilespmem:s14], [sflag:$0x5], $0x3200, $0x38;
	[tilespmem:$0x12C00] =	vst v63  }
0x384: {  	_ =	swait.ge [sflag:s19], $0x3200  }
0x385: {  	[sflag:s19] =	ssyncset.done $0x0  }
0x386: {  	s24 =	simm.s32 $0x6440;
	[sflag:s19] =	ssyncadd.s32 $0xFFFFCE00  }
0x387: {  	v0 =	vld [tilespmem:s24+$0xFFFFFFC0];
	_ =	sdelay $0x3  }
0x388: {  	s23 =	simm.s32 $0xC840  }
0x389: {  	[tilespmem:s23+$0xFFFFFFC0] =	vst v0  }
0x38a: {  	v0 =	vld [tilespmem:s24+$0xFFFFFFD0];
	_ =	sdelay $0x4  }
0x38b: {  	[tilespmem:s23+$0xFFFFFFD0] =	vst v0  }
0x38c: {  	v0 =	vld [tilespmem:s24+$0xFFFFFFE0];
	_ =	sdelay $0x4  }
0x38d: {  	[tilespmem:s23+$0xFFFFFFE0] =	vst v0  }
0x38e: {  	v0 =	vld [tilespmem:s24+$0xFFFFFFF0];
	_ =	sdelay $0x4  }
0x38f: {  	[tilespmem:s23+$0xFFFFFFF0] =	vst v0  }
0x390: {  	v0 =	vld [tilespmem:s24+$0x0];
	_ =	sdelay $0x4  }
0x391: {  	[tilespmem:s23+$0x0] =	vst v0  }
0x392: {  	v0 =	vld [tilespmem:s24+$0x10];
	_ =	sdelay $0x4  }
0x393: {  	[tilespmem:s23+$0x10] =	vst v0  }
0x394: {  	v0 =	vld [tilespmem:s24+$0x20];
	_ =	sdelay $0x4  }
0x395: {  	[tilespmem:s23+$0x20] =	vst v0  }
0x396: {  	v0 =	vld [tilespmem:s24+$0x30];
	_ =	sdelay $0x4  }
0x397: {  	s25 =	simm.s32 $0x64C0;
	s24 =	simm.s32 $0x0;
	[tilespmem:s23+$0x30] =	vst v0  }
.LBB2_40:
0x398: {  	v0 =	vld [tilespmem:s25+$0xFFFFFFC0];
	s24 =	sadd.s32 $0x8, s24  }
0x399: {  	p0 =	slt.u32 s24, $0x318;
	_ =	sdelay $0x2  }
0x39a: {  	s23 =	sadd.s32 $0x80, s23  }
0x39b: {  	[tilespmem:s23+$0xFFFFFFC0] =	vst v0  }
0x39c: {  	v0 =	vld [tilespmem:s25+$0xFFFFFFD0];
	_ =	sdelay $0x4  }
0x39d: {  	[tilespmem:s23+$0xFFFFFFD0] =	vst v0  }
0x39e: {  	v0 =	vld [tilespmem:s25+$0xFFFFFFE0];
	_ =	sdelay $0x4  }
0x39f: {  	[tilespmem:s23+$0xFFFFFFE0] =	vst v0  }
0x3a0: {  	v0 =	vld [tilespmem:s25+$0xFFFFFFF0];
	_ =	sdelay $0x4  }
0x3a1: {  	[tilespmem:s23+$0xFFFFFFF0] =	vst v0  }
0x3a2: {  	v0 =	vld [tilespmem:s25+$0x0];
	_ =	sdelay $0x4  }
0x3a3: {  	[tilespmem:s23+$0x0] =	vst v0  }
0x3a4: {  	v0 =	vld [tilespmem:s25+$0x10];
	_ =	sdelay $0x4  }
0x3a5: {  	[tilespmem:s23+$0x10] =	vst v0  }
0x3a6: {  	v0 =	vld [tilespmem:s25+$0x20];
	_ =	sdelay $0x4  }
0x3a7: {  	[tilespmem:s23+$0x20] =	vst v0  }
0x3a8: {  	v0 =	vld [tilespmem:s25+$0x30]  }
.Ltmp19:
0x3a9: {  	(pc) =	sbr.rel @p0 .LBB2_40-.Ltmp19, $2  }
0x3aa: {  	_ =	sdelay $0x2  }
0x3ab: {  	s25 =	sadd.s32 $0x80, s25;
	[tilespmem:s23+$0x30] =	vst v0  }
0x3ac: {  	s23 =	simm.s32 $0x3B60  }
0x3ad: {  	[tilespmem:s14], [sflag:$0x2] =	stream.indirect.gather.add.f32 [hbm:s3], $0x10, s23, s12, $0xb8;
	[tilespmem:$0x12C00] =	vst v63  }
0x3ae: {  	_ =	swait.ge [sflag:s20], $0x3200  }
0x3af: {  	[sflag:s20] =	ssyncset.done $0x0  }
0x3b0: {  	s28 =	rddreg [dreg:$0x15];
	[sflag:s20] =	ssyncadd.s32 $0xFFFFCE00  }
0x3b1: {  	[hbm4b:s28+s2] =	stream.linear.scatter [tilespmem:s15], [sflag:$0x6], $0x3200, $0x38;
	[tilespmem:$0x12C00] =	vst v63  }
0x3b2: {  	_ =	swait.ge [sflag:s21], $0x3200  }
0x3b3: {  	[sflag:s21] =	ssyncset.done $0x0  }
0x3b4: {  	s24 =	simm.s32 $0x6440;
	[sflag:s21] =	ssyncadd.s32 $0xFFFFCE00  }
0x3b5: {  	v0 =	vld [tilespmem:s24+$0xFFFFFFC0];
	_ =	sdelay $0x3  }
0x3b6: {  	s23 =	simm.s32 $0xFA40  }
0x3b7: {  	[tilespmem:s23+$0xFFFFFFC0] =	vst v0  }
0x3b8: {  	v0 =	vld [tilespmem:s24+$0xFFFFFFD0];
	_ =	sdelay $0x4  }
0x3b9: {  	[tilespmem:s23+$0xFFFFFFD0] =	vst v0  }
0x3ba: {  	v0 =	vld [tilespmem:s24+$0xFFFFFFE0];
	_ =	sdelay $0x4  }
0x3bb: {  	[tilespmem:s23+$0xFFFFFFE0] =	vst v0  }
0x3bc: {  	v0 =	vld [tilespmem:s24+$0xFFFFFFF0];
	_ =	sdelay $0x4  }
0x3bd: {  	[tilespmem:s23+$0xFFFFFFF0] =	vst v0  }
0x3be: {  	v0 =	vld [tilespmem:s24+$0x0];
	_ =	sdelay $0x4  }
0x3bf: {  	[tilespmem:s23+$0x0] =	vst v0  }
0x3c0: {  	v0 =	vld [tilespmem:s24+$0x10];
	_ =	sdelay $0x4  }
0x3c1: {  	[tilespmem:s23+$0x10] =	vst v0  }
0x3c2: {  	v0 =	vld [tilespmem:s24+$0x20];
	_ =	sdelay $0x4  }
0x3c3: {  	[tilespmem:s23+$0x20] =	vst v0  }
0x3c4: {  	v0 =	vld [tilespmem:s24+$0x30];
	_ =	sdelay $0x4  }
0x3c5: {  	s25 =	simm.s32 $0x64C0;
	s24 =	simm.s32 $0x0;
	[tilespmem:s23+$0x30] =	vst v0  }
.LBB2_42:
0x3c6: {  	v0 =	vld [tilespmem:s25+$0xFFFFFFC0];
	s24 =	sadd.s32 $0x8, s24  }
0x3c7: {  	p0 =	slt.u32 s24, $0x318;
	_ =	sdelay $0x2  }
0x3c8: {  	s23 =	sadd.s32 $0x80, s23  }
0x3c9: {  	[tilespmem:s23+$0xFFFFFFC0] =	vst v0  }
0x3ca: {  	v0 =	vld [tilespmem:s25+$0xFFFFFFD0];
	_ =	sdelay $0x4  }
0x3cb: {  	[tilespmem:s23+$0xFFFFFFD0] =	vst v0  }
0x3cc: {  	v0 =	vld [tilespmem:s25+$0xFFFFFFE0];
	_ =	sdelay $0x4  }
0x3cd: {  	[tilespmem:s23+$0xFFFFFFE0] =	vst v0  }
0x3ce: {  	v0 =	vld [tilespmem:s25+$0xFFFFFFF0];
	_ =	sdelay $0x4  }
0x3cf: {  	[tilespmem:s23+$0xFFFFFFF0] =	vst v0  }
0x3d0: {  	v0 =	vld [tilespmem:s25+$0x0];
	_ =	sdelay $0x4  }
0x3d1: {  	[tilespmem:s23+$0x0] =	vst v0  }
0x3d2: {  	v0 =	vld [tilespmem:s25+$0x10];
	_ =	sdelay $0x4  }
0x3d3: {  	[tilespmem:s23+$0x10] =	vst v0  }
0x3d4: {  	v0 =	vld [tilespmem:s25+$0x20];
	_ =	sdelay $0x4  }
0x3d5: {  	[tilespmem:s23+$0x20] =	vst v0  }
0x3d6: {  	v0 =	vld [tilespmem:s25+$0x30]  }
.Ltmp20:
0x3d7: {  	(pc) =	sbr.rel @p0 .LBB2_42-.Ltmp20, $2  }
0x3d8: {  	_ =	sdelay $0x2  }
0x3d9: {  	s25 =	sadd.s32 $0x80, s25;
	[tilespmem:s23+$0x30] =	vst v0  }
0x3da: {  	s23 =	simm.s32 $0x3E80  }
0x3db: {  	[tilespmem:s15], [sflag:$0x3] =	stream.indirect.gather.add.f32 [hbm:s3], $0x10, s23, s12, $0xb8;
	[tilespmem:$0x12C00] =	vst v63  }
0x3dc: {  	_ =	swait.ge [sflag:s16], $0x3200  }
0x3dd: {  	[sflag:s16] =	ssyncset.done $0x0  }
0x3de: {  	s28 =	rddreg [dreg:$0x16];
	[sflag:s16] =	ssyncadd.s32 $0xFFFFCE00  }
0x3df: {  	[hbm4b:s28+s2] =	stream.linear.scatter [tilespmem:s13], [sflag:$0x4], $0x3200, $0x38;
	[tilespmem:$0x12C00] =	vst v63  }
0x3e0: {  	_ =	swait.ge [sflag:s17], $0x3200  }
0x3e1: {  	[sflag:s17] =	ssyncset.done $0x0  }
0x3e2: {  	s24 =	simm.s32 $0x6440;
	[sflag:s17] =	ssyncadd.s32 $0xFFFFCE00  }
0x3e3: {  	v0 =	vld [tilespmem:s24+$0xFFFFFFC0];
	_ =	sdelay $0x3  }
0x3e4: {  	s23 =	simm.s32 $0x9640  }
0x3e5: {  	[tilespmem:s23+$0xFFFFFFC0] =	vst v0  }
0x3e6: {  	v0 =	vld [tilespmem:s24+$0xFFFFFFD0];
	_ =	sdelay $0x4  }
0x3e7: {  	[tilespmem:s23+$0xFFFFFFD0] =	vst v0  }
0x3e8: {  	v0 =	vld [tilespmem:s24+$0xFFFFFFE0];
	_ =	sdelay $0x4  }
0x3e9: {  	[tilespmem:s23+$0xFFFFFFE0] =	vst v0  }
0x3ea: {  	v0 =	vld [tilespmem:s24+$0xFFFFFFF0];
	_ =	sdelay $0x4  }
0x3eb: {  	[tilespmem:s23+$0xFFFFFFF0] =	vst v0  }
0x3ec: {  	v0 =	vld [tilespmem:s24+$0x0];
	_ =	sdelay $0x4  }
0x3ed: {  	[tilespmem:s23+$0x0] =	vst v0  }
0x3ee: {  	v0 =	vld [tilespmem:s24+$0x10];
	_ =	sdelay $0x4  }
0x3ef: {  	[tilespmem:s23+$0x10] =	vst v0  }
0x3f0: {  	v0 =	vld [tilespmem:s24+$0x20];
	_ =	sdelay $0x4  }
0x3f1: {  	[tilespmem:s23+$0x20] =	vst v0  }
0x3f2: {  	v0 =	vld [tilespmem:s24+$0x30];
	_ =	sdelay $0x4  }
0x3f3: {  	s25 =	simm.s32 $0x64C0;
	s24 =	simm.s32 $0x0;
	[tilespmem:s23+$0x30] =	vst v0  }
.LBB2_44:
0x3f4: {  	v0 =	vld [tilespmem:s25+$0xFFFFFFC0];
	s24 =	sadd.s32 $0x8, s24  }
0x3f5: {  	p0 =	slt.u32 s24, $0x318;
	_ =	sdelay $0x2  }
0x3f6: {  	s23 =	sadd.s32 $0x80, s23  }
0x3f7: {  	[tilespmem:s23+$0xFFFFFFC0] =	vst v0  }
0x3f8: {  	v0 =	vld [tilespmem:s25+$0xFFFFFFD0];
	_ =	sdelay $0x4  }
0x3f9: {  	[tilespmem:s23+$0xFFFFFFD0] =	vst v0  }
0x3fa: {  	v0 =	vld [tilespmem:s25+$0xFFFFFFE0];
	_ =	sdelay $0x4  }
0x3fb: {  	[tilespmem:s23+$0xFFFFFFE0] =	vst v0  }
0x3fc: {  	v0 =	vld [tilespmem:s25+$0xFFFFFFF0];
	_ =	sdelay $0x4  }
0x3fd: {  	[tilespmem:s23+$0xFFFFFFF0] =	vst v0  }
0x3fe: {  	v0 =	vld [tilespmem:s25+$0x0];
	_ =	sdelay $0x4  }
0x3ff: {  	[tilespmem:s23+$0x0] =	vst v0  }
0x400: {  	v0 =	vld [tilespmem:s25+$0x10];
	_ =	sdelay $0x4  }
0x401: {  	[tilespmem:s23+$0x10] =	vst v0  }
0x402: {  	v0 =	vld [tilespmem:s25+$0x20];
	_ =	sdelay $0x4  }
0x403: {  	[tilespmem:s23+$0x20] =	vst v0  }
0x404: {  	v0 =	vld [tilespmem:s25+$0x30]  }
.Ltmp21:
0x405: {  	(pc) =	sbr.rel @p0 .LBB2_44-.Ltmp21, $2  }
0x406: {  	_ =	sdelay $0x2  }
0x407: {  	s25 =	sadd.s32 $0x80, s25;
	[tilespmem:s23+$0x30] =	vst v0  }
0x408: {  	s23 =	simm.s32 $0x41A0  }
0x409: {  	[tilespmem:s13], [sflag:$0x1] =	stream.indirect.gather.add.f32 [hbm:s3], $0x10, s23, s12, $0xb8;
	[tilespmem:$0x12C00] =	vst v63  }
0x40a: {  	_ =	swait.ge [sflag:s18], $0x3200  }
0x40b: {  	[sflag:s18] =	ssyncset.done $0x0  }
0x40c: {  	s28 =	rddreg [dreg:$0x17];
	[sflag:s18] =	ssyncadd.s32 $0xFFFFCE00  }
0x40d: {  	[hbm4b:s28+s2] =	stream.linear.scatter [tilespmem:s14], [sflag:$0x5], $0x3200, $0x38;
	[tilespmem:$0x12C00] =	vst v63  }
0x40e: {  	_ =	swait.ge [sflag:s19], $0x3200  }
0x40f: {  	[sflag:s19] =	ssyncset.done $0x0  }
0x410: {  	s24 =	simm.s32 $0x6440;
	[sflag:s19] =	ssyncadd.s32 $0xFFFFCE00  }
0x411: {  	v0 =	vld [tilespmem:s24+$0xFFFFFFC0];
	_ =	sdelay $0x3  }
0x412: {  	s23 =	simm.s32 $0xC840  }
0x413: {  	[tilespmem:s23+$0xFFFFFFC0] =	vst v0  }
0x414: {  	v0 =	vld [tilespmem:s24+$0xFFFFFFD0];
	_ =	sdelay $0x4  }
0x415: {  	[tilespmem:s23+$0xFFFFFFD0] =	vst v0  }
0x416: {  	v0 =	vld [tilespmem:s24+$0xFFFFFFE0];
	_ =	sdelay $0x4  }
0x417: {  	[tilespmem:s23+$0xFFFFFFE0] =	vst v0  }
0x418: {  	v0 =	vld [tilespmem:s24+$0xFFFFFFF0];
	_ =	sdelay $0x4  }
0x419: {  	[tilespmem:s23+$0xFFFFFFF0] =	vst v0  }
0x41a: {  	v0 =	vld [tilespmem:s24+$0x0];
	_ =	sdelay $0x4  }
0x41b: {  	[tilespmem:s23+$0x0] =	vst v0  }
0x41c: {  	v0 =	vld [tilespmem:s24+$0x10];
	_ =	sdelay $0x4  }
0x41d: {  	[tilespmem:s23+$0x10] =	vst v0  }
0x41e: {  	v0 =	vld [tilespmem:s24+$0x20];
	_ =	sdelay $0x4  }
0x41f: {  	[tilespmem:s23+$0x20] =	vst v0  }
0x420: {  	v0 =	vld [tilespmem:s24+$0x30];
	_ =	sdelay $0x4  }
0x421: {  	s25 =	simm.s32 $0x64C0;
	s24 =	simm.s32 $0x0;
	[tilespmem:s23+$0x30] =	vst v0  }
.LBB2_46:
0x422: {  	v0 =	vld [tilespmem:s25+$0xFFFFFFC0];
	s24 =	sadd.s32 $0x8, s24  }
0x423: {  	p0 =	slt.u32 s24, $0x318;
	_ =	sdelay $0x2  }
0x424: {  	s23 =	sadd.s32 $0x80, s23  }
0x425: {  	[tilespmem:s23+$0xFFFFFFC0] =	vst v0  }
0x426: {  	v0 =	vld [tilespmem:s25+$0xFFFFFFD0];
	_ =	sdelay $0x4  }
0x427: {  	[tilespmem:s23+$0xFFFFFFD0] =	vst v0  }
0x428: {  	v0 =	vld [tilespmem:s25+$0xFFFFFFE0];
	_ =	sdelay $0x4  }
0x429: {  	[tilespmem:s23+$0xFFFFFFE0] =	vst v0  }
0x42a: {  	v0 =	vld [tilespmem:s25+$0xFFFFFFF0];
	_ =	sdelay $0x4  }
0x42b: {  	[tilespmem:s23+$0xFFFFFFF0] =	vst v0  }
0x42c: {  	v0 =	vld [tilespmem:s25+$0x0];
	_ =	sdelay $0x4  }
0x42d: {  	[tilespmem:s23+$0x0] =	vst v0  }
0x42e: {  	v0 =	vld [tilespmem:s25+$0x10];
	_ =	sdelay $0x4  }
0x42f: {  	[tilespmem:s23+$0x10] =	vst v0  }
0x430: {  	v0 =	vld [tilespmem:s25+$0x20];
	_ =	sdelay $0x4  }
0x431: {  	[tilespmem:s23+$0x20] =	vst v0  }
0x432: {  	v0 =	vld [tilespmem:s25+$0x30]  }
.Ltmp22:
0x433: {  	(pc) =	sbr.rel @p0 .LBB2_46-.Ltmp22, $2  }
0x434: {  	_ =	sdelay $0x2  }
0x435: {  	s25 =	sadd.s32 $0x80, s25;
	[tilespmem:s23+$0x30] =	vst v0  }
0x436: {  	s23 =	simm.s32 $0x44C0  }
0x437: {  	[tilespmem:s14], [sflag:$0x2] =	stream.indirect.gather.add.f32 [hbm:s3], $0x10, s23, s12, $0xb8;
	[tilespmem:$0x12C00] =	vst v63  }
0x438: {  	_ =	swait.ge [sflag:s20], $0x3200  }
0x439: {  	[sflag:s20] =	ssyncset.done $0x0  }
0x43a: {  	s28 =	rddreg [dreg:$0x18];
	[sflag:s20] =	ssyncadd.s32 $0xFFFFCE00  }
0x43b: {  	[hbm4b:s28+s2] =	stream.linear.scatter [tilespmem:s15], [sflag:$0x6], $0x3200, $0x38;
	[tilespmem:$0x12C00] =	vst v63  }
0x43c: {  	_ =	swait.ge [sflag:s21], $0x3200  }
0x43d: {  	[sflag:s21] =	ssyncset.done $0x0  }
0x43e: {  	s24 =	simm.s32 $0x6440;
	[sflag:s21] =	ssyncadd.s32 $0xFFFFCE00  }
0x43f: {  	v0 =	vld [tilespmem:s24+$0xFFFFFFC0];
	_ =	sdelay $0x3  }
0x440: {  	s23 =	simm.s32 $0xFA40  }
0x441: {  	[tilespmem:s23+$0xFFFFFFC0] =	vst v0  }
0x442: {  	v0 =	vld [tilespmem:s24+$0xFFFFFFD0];
	_ =	sdelay $0x4  }
0x443: {  	[tilespmem:s23+$0xFFFFFFD0] =	vst v0  }
0x444: {  	v0 =	vld [tilespmem:s24+$0xFFFFFFE0];
	_ =	sdelay $0x4  }
0x445: {  	[tilespmem:s23+$0xFFFFFFE0] =	vst v0  }
0x446: {  	v0 =	vld [tilespmem:s24+$0xFFFFFFF0];
	_ =	sdelay $0x4  }
0x447: {  	[tilespmem:s23+$0xFFFFFFF0] =	vst v0  }
0x448: {  	v0 =	vld [tilespmem:s24+$0x0];
	_ =	sdelay $0x4  }
0x449: {  	[tilespmem:s23+$0x0] =	vst v0  }
0x44a: {  	v0 =	vld [tilespmem:s24+$0x10];
	_ =	sdelay $0x4  }
0x44b: {  	[tilespmem:s23+$0x10] =	vst v0  }
0x44c: {  	v0 =	vld [tilespmem:s24+$0x20];
	_ =	sdelay $0x4  }
0x44d: {  	[tilespmem:s23+$0x20] =	vst v0  }
0x44e: {  	v0 =	vld [tilespmem:s24+$0x30];
	_ =	sdelay $0x4  }
0x44f: {  	s25 =	simm.s32 $0x64C0;
	s24 =	simm.s32 $0x0;
	[tilespmem:s23+$0x30] =	vst v0  }
.LBB2_48:
0x450: {  	v0 =	vld [tilespmem:s25+$0xFFFFFFC0];
	s24 =	sadd.s32 $0x8, s24  }
0x451: {  	p0 =	slt.u32 s24, $0x318;
	_ =	sdelay $0x2  }
0x452: {  	s23 =	sadd.s32 $0x80, s23  }
0x453: {  	[tilespmem:s23+$0xFFFFFFC0] =	vst v0  }
0x454: {  	v0 =	vld [tilespmem:s25+$0xFFFFFFD0];
	_ =	sdelay $0x4  }
0x455: {  	[tilespmem:s23+$0xFFFFFFD0] =	vst v0  }
0x456: {  	v0 =	vld [tilespmem:s25+$0xFFFFFFE0];
	_ =	sdelay $0x4  }
0x457: {  	[tilespmem:s23+$0xFFFFFFE0] =	vst v0  }
0x458: {  	v0 =	vld [tilespmem:s25+$0xFFFFFFF0];
	_ =	sdelay $0x4  }
0x459: {  	[tilespmem:s23+$0xFFFFFFF0] =	vst v0  }
0x45a: {  	v0 =	vld [tilespmem:s25+$0x0];
	_ =	sdelay $0x4  }
0x45b: {  	[tilespmem:s23+$0x0] =	vst v0  }
0x45c: {  	v0 =	vld [tilespmem:s25+$0x10];
	_ =	sdelay $0x4  }
0x45d: {  	[tilespmem:s23+$0x10] =	vst v0  }
0x45e: {  	v0 =	vld [tilespmem:s25+$0x20];
	_ =	sdelay $0x4  }
0x45f: {  	[tilespmem:s23+$0x20] =	vst v0  }
0x460: {  	v0 =	vld [tilespmem:s25+$0x30]  }
.Ltmp23:
0x461: {  	(pc) =	sbr.rel @p0 .LBB2_48-.Ltmp23, $2  }
0x462: {  	_ =	sdelay $0x2  }
0x463: {  	s25 =	sadd.s32 $0x80, s25;
	[tilespmem:s23+$0x30] =	vst v0  }
0x464: {  	s23 =	simm.s32 $0x47E0  }
0x465: {  	[tilespmem:s15], [sflag:$0x3] =	stream.indirect.gather.add.f32 [hbm:s3], $0x10, s23, s12, $0xb8;
	[tilespmem:$0x12C00] =	vst v63  }
0x466: {  	_ =	swait.ge [sflag:s16], $0x3200  }
0x467: {  	[sflag:s16] =	ssyncset.done $0x0  }
0x468: {  	s28 =	rddreg [dreg:$0x19];
	[sflag:s16] =	ssyncadd.s32 $0xFFFFCE00  }
0x469: {  	[hbm4b:s28+s2] =	stream.linear.scatter [tilespmem:s13], [sflag:$0x4], $0x3200, $0x38;
	[tilespmem:$0x12C00] =	vst v63  }
0x46a: {  	_ =	swait.ge [sflag:s17], $0x3200  }
0x46b: {  	[sflag:s17] =	ssyncset.done $0x0  }
0x46c: {  	s24 =	simm.s32 $0x6440;
	[sflag:s17] =	ssyncadd.s32 $0xFFFFCE00  }
0x46d: {  	v0 =	vld [tilespmem:s24+$0xFFFFFFC0];
	_ =	sdelay $0x3  }
0x46e: {  	s23 =	simm.s32 $0x9640  }
0x46f: {  	[tilespmem:s23+$0xFFFFFFC0] =	vst v0  }
0x470: {  	v0 =	vld [tilespmem:s24+$0xFFFFFFD0];
	_ =	sdelay $0x4  }
0x471: {  	[tilespmem:s23+$0xFFFFFFD0] =	vst v0  }
0x472: {  	v0 =	vld [tilespmem:s24+$0xFFFFFFE0];
	_ =	sdelay $0x4  }
0x473: {  	[tilespmem:s23+$0xFFFFFFE0] =	vst v0  }
0x474: {  	v0 =	vld [tilespmem:s24+$0xFFFFFFF0];
	_ =	sdelay $0x4  }
0x475: {  	[tilespmem:s23+$0xFFFFFFF0] =	vst v0  }
0x476: {  	v0 =	vld [tilespmem:s24+$0x0];
	_ =	sdelay $0x4  }
0x477: {  	[tilespmem:s23+$0x0] =	vst v0  }
0x478: {  	v0 =	vld [tilespmem:s24+$0x10];
	_ =	sdelay $0x4  }
0x479: {  	[tilespmem:s23+$0x10] =	vst v0  }
0x47a: {  	v0 =	vld [tilespmem:s24+$0x20];
	_ =	sdelay $0x4  }
0x47b: {  	[tilespmem:s23+$0x20] =	vst v0  }
0x47c: {  	v0 =	vld [tilespmem:s24+$0x30];
	_ =	sdelay $0x4  }
0x47d: {  	s25 =	simm.s32 $0x64C0;
	s24 =	simm.s32 $0x0;
	[tilespmem:s23+$0x30] =	vst v0  }
.LBB2_50:
0x47e: {  	v0 =	vld [tilespmem:s25+$0xFFFFFFC0];
	s24 =	sadd.s32 $0x8, s24  }
0x47f: {  	p0 =	slt.u32 s24, $0x318;
	_ =	sdelay $0x2  }
0x480: {  	s23 =	sadd.s32 $0x80, s23  }
0x481: {  	[tilespmem:s23+$0xFFFFFFC0] =	vst v0  }
0x482: {  	v0 =	vld [tilespmem:s25+$0xFFFFFFD0];
	_ =	sdelay $0x4  }
0x483: {  	[tilespmem:s23+$0xFFFFFFD0] =	vst v0  }
0x484: {  	v0 =	vld [tilespmem:s25+$0xFFFFFFE0];
	_ =	sdelay $0x4  }
0x485: {  	[tilespmem:s23+$0xFFFFFFE0] =	vst v0  }
0x486: {  	v0 =	vld [tilespmem:s25+$0xFFFFFFF0];
	_ =	sdelay $0x4  }
0x487: {  	[tilespmem:s23+$0xFFFFFFF0] =	vst v0  }
0x488: {  	v0 =	vld [tilespmem:s25+$0x0];
	_ =	sdelay $0x4  }
0x489: {  	[tilespmem:s23+$0x0] =	vst v0  }
0x48a: {  	v0 =	vld [tilespmem:s25+$0x10];
	_ =	sdelay $0x4  }
0x48b: {  	[tilespmem:s23+$0x10] =	vst v0  }
0x48c: {  	v0 =	vld [tilespmem:s25+$0x20];
	_ =	sdelay $0x4  }
0x48d: {  	[tilespmem:s23+$0x20] =	vst v0  }
0x48e: {  	v0 =	vld [tilespmem:s25+$0x30]  }
.Ltmp24:
0x48f: {  	(pc) =	sbr.rel @p0 .LBB2_50-.Ltmp24, $2  }
0x490: {  	_ =	sdelay $0x2  }
0x491: {  	s25 =	sadd.s32 $0x80, s25;
	[tilespmem:s23+$0x30] =	vst v0  }
0x492: {  	s23 =	simm.s32 $0x4B00  }
0x493: {  	[tilespmem:s13], [sflag:$0x1] =	stream.indirect.gather.add.f32 [hbm:s3], $0x10, s23, s12, $0xb8;
	[tilespmem:$0x12C00] =	vst v63  }
0x494: {  	_ =	swait.ge [sflag:s18], $0x3200  }
0x495: {  	[sflag:s18] =	ssyncset.done $0x0  }
0x496: {  	s28 =	rddreg [dreg:$0x1a];
	[sflag:s18] =	ssyncadd.s32 $0xFFFFCE00  }
0x497: {  	[hbm4b:s28+s2] =	stream.linear.scatter [tilespmem:s14], [sflag:$0x5], $0x3200, $0x38;
	[tilespmem:$0x12C00] =	vst v63  }
0x498: {  	_ =	swait.ge [sflag:s19], $0x3200  }
0x499: {  	[sflag:s19] =	ssyncset.done $0x0  }
0x49a: {  	s24 =	simm.s32 $0x6440;
	[sflag:s19] =	ssyncadd.s32 $0xFFFFCE00  }
0x49b: {  	v0 =	vld [tilespmem:s24+$0xFFFFFFC0];
	_ =	sdelay $0x3  }
0x49c: {  	s23 =	simm.s32 $0xC840  }
0x49d: {  	[tilespmem:s23+$0xFFFFFFC0] =	vst v0  }
0x49e: {  	v0 =	vld [tilespmem:s24+$0xFFFFFFD0];
	_ =	sdelay $0x4  }
0x49f: {  	[tilespmem:s23+$0xFFFFFFD0] =	vst v0  }
0x4a0: {  	v0 =	vld [tilespmem:s24+$0xFFFFFFE0];
	_ =	sdelay $0x4  }
0x4a1: {  	[tilespmem:s23+$0xFFFFFFE0] =	vst v0  }
0x4a2: {  	v0 =	vld [tilespmem:s24+$0xFFFFFFF0];
	_ =	sdelay $0x4  }
0x4a3: {  	[tilespmem:s23+$0xFFFFFFF0] =	vst v0  }
0x4a4: {  	v0 =	vld [tilespmem:s24+$0x0];
	_ =	sdelay $0x4  }
0x4a5: {  	[tilespmem:s23+$0x0] =	vst v0  }
0x4a6: {  	v0 =	vld [tilespmem:s24+$0x10];
	_ =	sdelay $0x4  }
0x4a7: {  	[tilespmem:s23+$0x10] =	vst v0  }
0x4a8: {  	v0 =	vld [tilespmem:s24+$0x20];
	_ =	sdelay $0x4  }
0x4a9: {  	[tilespmem:s23+$0x20] =	vst v0  }
0x4aa: {  	v0 =	vld [tilespmem:s24+$0x30];
	_ =	sdelay $0x4  }
0x4ab: {  	s25 =	simm.s32 $0x64C0;
	s24 =	simm.s32 $0x0;
	[tilespmem:s23+$0x30] =	vst v0  }
.LBB2_52:
0x4ac: {  	v0 =	vld [tilespmem:s25+$0xFFFFFFC0];
	s24 =	sadd.s32 $0x8, s24  }
0x4ad: {  	p0 =	slt.u32 s24, $0x318;
	_ =	sdelay $0x2  }
0x4ae: {  	s23 =	sadd.s32 $0x80, s23  }
0x4af: {  	[tilespmem:s23+$0xFFFFFFC0] =	vst v0  }
0x4b0: {  	v0 =	vld [tilespmem:s25+$0xFFFFFFD0];
	_ =	sdelay $0x4  }
0x4b1: {  	[tilespmem:s23+$0xFFFFFFD0] =	vst v0  }
0x4b2: {  	v0 =	vld [tilespmem:s25+$0xFFFFFFE0];
	_ =	sdelay $0x4  }
0x4b3: {  	[tilespmem:s23+$0xFFFFFFE0] =	vst v0  }
0x4b4: {  	v0 =	vld [tilespmem:s25+$0xFFFFFFF0];
	_ =	sdelay $0x4  }
0x4b5: {  	[tilespmem:s23+$0xFFFFFFF0] =	vst v0  }
0x4b6: {  	v0 =	vld [tilespmem:s25+$0x0];
	_ =	sdelay $0x4  }
0x4b7: {  	[tilespmem:s23+$0x0] =	vst v0  }
0x4b8: {  	v0 =	vld [tilespmem:s25+$0x10];
	_ =	sdelay $0x4  }
0x4b9: {  	[tilespmem:s23+$0x10] =	vst v0  }
0x4ba: {  	v0 =	vld [tilespmem:s25+$0x20];
	_ =	sdelay $0x4  }
0x4bb: {  	[tilespmem:s23+$0x20] =	vst v0  }
0x4bc: {  	v0 =	vld [tilespmem:s25+$0x30]  }
.Ltmp25:
0x4bd: {  	(pc) =	sbr.rel @p0 .LBB2_52-.Ltmp25, $2  }
0x4be: {  	_ =	sdelay $0x2  }
0x4bf: {  	s25 =	sadd.s32 $0x80, s25;
	[tilespmem:s23+$0x30] =	vst v0  }
0x4c0: {  	s23 =	simm.s32 $0x4E20  }
0x4c1: {  	[tilespmem:s14], [sflag:$0x2] =	stream.indirect.gather.add.f32 [hbm:s3], $0x10, s23, s12, $0xb8;
	[tilespmem:$0x12C00] =	vst v63  }
0x4c2: {  	_ =	swait.ge [sflag:s20], $0x3200  }
0x4c3: {  	[sflag:s20] =	ssyncset.done $0x0  }
0x4c4: {  	[sflag:s20] =	ssyncadd.s32 $0xFFFFCE00  }
0x4c5: {  	[hbm4b:s29+s2] =	stream.linear.scatter [tilespmem:s15], [sflag:$0x6], $0x3200, $0x38;
	[tilespmem:$0x12C00] =	vst v63  }
0x4c6: {  	_ =	swait.ge [sflag:s21], $0x3200  }
0x4c7: {  	[sflag:s21] =	ssyncset.done $0x0  }
0x4c8: {  	s24 =	simm.s32 $0x6440;
	[sflag:s21] =	ssyncadd.s32 $0xFFFFCE00  }
0x4c9: {  	v0 =	vld [tilespmem:s24+$0xFFFFFFC0];
	_ =	sdelay $0x3  }
0x4ca: {  	s23 =	simm.s32 $0xFA40  }
0x4cb: {  	[tilespmem:s23+$0xFFFFFFC0] =	vst v0  }
0x4cc: {  	v0 =	vld [tilespmem:s24+$0xFFFFFFD0];
	_ =	sdelay $0x4  }
0x4cd: {  	[tilespmem:s23+$0xFFFFFFD0] =	vst v0  }
0x4ce: {  	v0 =	vld [tilespmem:s24+$0xFFFFFFE0];
	_ =	sdelay $0x4  }
0x4cf: {  	[tilespmem:s23+$0xFFFFFFE0] =	vst v0  }
0x4d0: {  	v0 =	vld [tilespmem:s24+$0xFFFFFFF0];
	_ =	sdelay $0x4  }
0x4d1: {  	[tilespmem:s23+$0xFFFFFFF0] =	vst v0  }
0x4d2: {  	v0 =	vld [tilespmem:s24+$0x0];
	_ =	sdelay $0x4  }
0x4d3: {  	[tilespmem:s23+$0x0] =	vst v0  }
0x4d4: {  	v0 =	vld [tilespmem:s24+$0x10];
	_ =	sdelay $0x4  }
0x4d5: {  	[tilespmem:s23+$0x10] =	vst v0  }
0x4d6: {  	v0 =	vld [tilespmem:s24+$0x20];
	_ =	sdelay $0x4  }
0x4d7: {  	[tilespmem:s23+$0x20] =	vst v0  }
0x4d8: {  	v0 =	vld [tilespmem:s24+$0x30];
	_ =	sdelay $0x4  }
0x4d9: {  	s25 =	simm.s32 $0x64C0;
	s24 =	simm.s32 $0x0;
	[tilespmem:s23+$0x30] =	vst v0  }
.LBB2_54:
0x4da: {  	v0 =	vld [tilespmem:s25+$0xFFFFFFC0];
	s24 =	sadd.s32 $0x8, s24  }
0x4db: {  	p0 =	slt.u32 s24, $0x318;
	_ =	sdelay $0x2  }
0x4dc: {  	s23 =	sadd.s32 $0x80, s23  }
0x4dd: {  	[tilespmem:s23+$0xFFFFFFC0] =	vst v0  }
0x4de: {  	v0 =	vld [tilespmem:s25+$0xFFFFFFD0];
	_ =	sdelay $0x4  }
0x4df: {  	[tilespmem:s23+$0xFFFFFFD0] =	vst v0  }
0x4e0: {  	v0 =	vld [tilespmem:s25+$0xFFFFFFE0];
	_ =	sdelay $0x4  }
0x4e1: {  	[tilespmem:s23+$0xFFFFFFE0] =	vst v0  }
0x4e2: {  	v0 =	vld [tilespmem:s25+$0xFFFFFFF0];
	_ =	sdelay $0x4  }
0x4e3: {  	[tilespmem:s23+$0xFFFFFFF0] =	vst v0  }
0x4e4: {  	v0 =	vld [tilespmem:s25+$0x0];
	_ =	sdelay $0x4  }
0x4e5: {  	[tilespmem:s23+$0x0] =	vst v0  }
0x4e6: {  	v0 =	vld [tilespmem:s25+$0x10];
	_ =	sdelay $0x4  }
0x4e7: {  	[tilespmem:s23+$0x10] =	vst v0  }
0x4e8: {  	v0 =	vld [tilespmem:s25+$0x20];
	_ =	sdelay $0x4  }
0x4e9: {  	[tilespmem:s23+$0x20] =	vst v0  }
0x4ea: {  	v0 =	vld [tilespmem:s25+$0x30]  }
.Ltmp26:
0x4eb: {  	(pc) =	sbr.rel @p0 .LBB2_54-.Ltmp26, $2  }
0x4ec: {  	_ =	sdelay $0x2  }
0x4ed: {  	s25 =	sadd.s32 $0x80, s25;
	[tilespmem:s23+$0x30] =	vst v0  }
0x4ee: {  	s23 =	simm.s32 $0x5140  }
0x4ef: {  	[tilespmem:s15], [sflag:$0x3] =	stream.indirect.gather.add.f32 [hbm:s3], $0x10, s23, s12, $0xb8;
	[tilespmem:$0x12C00] =	vst v63  }
0x4f0: {  	_ =	swait.ge [sflag:s16], $0x3200  }
0x4f1: {  	[sflag:s16] =	ssyncset.done $0x0  }
0x4f2: {  	[sflag:s16] =	ssyncadd.s32 $0xFFFFCE00  }
0x4f3: {  	[hbm4b:s30+s2] =	stream.linear.scatter [tilespmem:s13], [sflag:$0x4], $0x3200, $0x38;
	[tilespmem:$0x12C00] =	vst v63  }
0x4f4: {  	_ =	swait.ge [sflag:s17], $0x3200  }
0x4f5: {  	[sflag:s17] =	ssyncset.done $0x0  }
0x4f6: {  	s24 =	simm.s32 $0x6440;
	[sflag:s17] =	ssyncadd.s32 $0xFFFFCE00  }
0x4f7: {  	v0 =	vld [tilespmem:s24+$0xFFFFFFC0];
	_ =	sdelay $0x3  }
0x4f8: {  	s23 =	simm.s32 $0x9640  }
0x4f9: {  	[tilespmem:s23+$0xFFFFFFC0] =	vst v0  }
0x4fa: {  	v0 =	vld [tilespmem:s24+$0xFFFFFFD0];
	_ =	sdelay $0x4  }
0x4fb: {  	[tilespmem:s23+$0xFFFFFFD0] =	vst v0  }
0x4fc: {  	v0 =	vld [tilespmem:s24+$0xFFFFFFE0];
	_ =	sdelay $0x4  }
0x4fd: {  	[tilespmem:s23+$0xFFFFFFE0] =	vst v0  }
0x4fe: {  	v0 =	vld [tilespmem:s24+$0xFFFFFFF0];
	_ =	sdelay $0x4  }
0x4ff: {  	[tilespmem:s23+$0xFFFFFFF0] =	vst v0  }
0x500: {  	v0 =	vld [tilespmem:s24+$0x0];
	_ =	sdelay $0x4  }
0x501: {  	[tilespmem:s23+$0x0] =	vst v0  }
0x502: {  	v0 =	vld [tilespmem:s24+$0x10];
	_ =	sdelay $0x4  }
0x503: {  	[tilespmem:s23+$0x10] =	vst v0  }
0x504: {  	v0 =	vld [tilespmem:s24+$0x20];
	_ =	sdelay $0x4  }
0x505: {  	[tilespmem:s23+$0x20] =	vst v0  }
0x506: {  	v0 =	vld [tilespmem:s24+$0x30];
	_ =	sdelay $0x4  }
0x507: {  	s25 =	simm.s32 $0x64C0;
	s24 =	simm.s32 $0x0;
	[tilespmem:s23+$0x30] =	vst v0  }
.LBB2_56:
0x508: {  	v0 =	vld [tilespmem:s25+$0xFFFFFFC0];
	s24 =	sadd.s32 $0x8, s24  }
0x509: {  	p0 =	slt.u32 s24, $0x318;
	_ =	sdelay $0x2  }
0x50a: {  	s23 =	sadd.s32 $0x80, s23  }
0x50b: {  	[tilespmem:s23+$0xFFFFFFC0] =	vst v0  }
0x50c: {  	v0 =	vld [tilespmem:s25+$0xFFFFFFD0];
	_ =	sdelay $0x4  }
0x50d: {  	[tilespmem:s23+$0xFFFFFFD0] =	vst v0  }
0x50e: {  	v0 =	vld [tilespmem:s25+$0xFFFFFFE0];
	_ =	sdelay $0x4  }
0x50f: {  	[tilespmem:s23+$0xFFFFFFE0] =	vst v0  }
0x510: {  	v0 =	vld [tilespmem:s25+$0xFFFFFFF0];
	_ =	sdelay $0x4  }
0x511: {  	[tilespmem:s23+$0xFFFFFFF0] =	vst v0  }
0x512: {  	v0 =	vld [tilespmem:s25+$0x0];
	_ =	sdelay $0x4  }
0x513: {  	[tilespmem:s23+$0x0] =	vst v0  }
0x514: {  	v0 =	vld [tilespmem:s25+$0x10];
	_ =	sdelay $0x4  }
0x515: {  	[tilespmem:s23+$0x10] =	vst v0  }
0x516: {  	v0 =	vld [tilespmem:s25+$0x20];
	_ =	sdelay $0x4  }
0x517: {  	[tilespmem:s23+$0x20] =	vst v0  }
0x518: {  	v0 =	vld [tilespmem:s25+$0x30]  }
.Ltmp27:
0x519: {  	(pc) =	sbr.rel @p0 .LBB2_56-.Ltmp27, $2  }
0x51a: {  	_ =	sdelay $0x2  }
0x51b: {  	s25 =	sadd.s32 $0x80, s25;
	[tilespmem:s23+$0x30] =	vst v0  }
0x51c: {  	s23 =	simm.s32 $0x5460  }
0x51d: {  	[tilespmem:s13], [sflag:$0x1] =	stream.indirect.gather.add.f32 [hbm:s3], $0x10, s23, s12, $0xb8;
	[tilespmem:$0x12C00] =	vst v63  }
0x51e: {  	_ =	swait.ge [sflag:s18], $0x3200  }
0x51f: {  	[sflag:s18] =	ssyncset.done $0x0  }
0x520: {  	[sflag:s18] =	ssyncadd.s32 $0xFFFFCE00  }
0x521: {  	[hbm4b:s31+s2] =	stream.linear.scatter [tilespmem:s14], [sflag:$0x5], $0x3200, $0x38;
	[tilespmem:$0x12C00] =	vst v63  }
0x522: {  	_ =	swait.ge [sflag:s19], $0x3200  }
0x523: {  	[sflag:s19] =	ssyncset.done $0x0  }
0x524: {  	s24 =	simm.s32 $0x6440;
	[sflag:s19] =	ssyncadd.s32 $0xFFFFCE00  }
0x525: {  	v0 =	vld [tilespmem:s24+$0xFFFFFFC0];
	_ =	sdelay $0x3  }
0x526: {  	s23 =	simm.s32 $0xC840  }
0x527: {  	[tilespmem:s23+$0xFFFFFFC0] =	vst v0  }
0x528: {  	v0 =	vld [tilespmem:s24+$0xFFFFFFD0];
	_ =	sdelay $0x4  }
0x529: {  	[tilespmem:s23+$0xFFFFFFD0] =	vst v0  }
0x52a: {  	v0 =	vld [tilespmem:s24+$0xFFFFFFE0];
	_ =	sdelay $0x4  }
0x52b: {  	[tilespmem:s23+$0xFFFFFFE0] =	vst v0  }
0x52c: {  	v0 =	vld [tilespmem:s24+$0xFFFFFFF0];
	_ =	sdelay $0x4  }
0x52d: {  	[tilespmem:s23+$0xFFFFFFF0] =	vst v0  }
0x52e: {  	v0 =	vld [tilespmem:s24+$0x0];
	_ =	sdelay $0x4  }
0x52f: {  	[tilespmem:s23+$0x0] =	vst v0  }
0x530: {  	v0 =	vld [tilespmem:s24+$0x10];
	_ =	sdelay $0x4  }
0x531: {  	[tilespmem:s23+$0x10] =	vst v0  }
0x532: {  	v0 =	vld [tilespmem:s24+$0x20];
	_ =	sdelay $0x4  }
0x533: {  	[tilespmem:s23+$0x20] =	vst v0  }
0x534: {  	v0 =	vld [tilespmem:s24+$0x30];
	_ =	sdelay $0x4  }
0x535: {  	s25 =	simm.s32 $0x64C0;
	s24 =	simm.s32 $0x0;
	[tilespmem:s23+$0x30] =	vst v0  }
.LBB2_58:
0x536: {  	v0 =	vld [tilespmem:s25+$0xFFFFFFC0];
	s24 =	sadd.s32 $0x8, s24  }
0x537: {  	p0 =	slt.u32 s24, $0x318;
	_ =	sdelay $0x2  }
0x538: {  	s23 =	sadd.s32 $0x80, s23  }
0x539: {  	[tilespmem:s23+$0xFFFFFFC0] =	vst v0  }
0x53a: {  	v0 =	vld [tilespmem:s25+$0xFFFFFFD0];
	_ =	sdelay $0x4  }
0x53b: {  	[tilespmem:s23+$0xFFFFFFD0] =	vst v0  }
0x53c: {  	v0 =	vld [tilespmem:s25+$0xFFFFFFE0];
	_ =	sdelay $0x4  }
0x53d: {  	[tilespmem:s23+$0xFFFFFFE0] =	vst v0  }
0x53e: {  	v0 =	vld [tilespmem:s25+$0xFFFFFFF0];
	_ =	sdelay $0x4  }
0x53f: {  	[tilespmem:s23+$0xFFFFFFF0] =	vst v0  }
0x540: {  	v0 =	vld [tilespmem:s25+$0x0];
	_ =	sdelay $0x4  }
0x541: {  	[tilespmem:s23+$0x0] =	vst v0  }
0x542: {  	v0 =	vld [tilespmem:s25+$0x10];
	_ =	sdelay $0x4  }
0x543: {  	[tilespmem:s23+$0x10] =	vst v0  }
0x544: {  	v0 =	vld [tilespmem:s25+$0x20];
	_ =	sdelay $0x4  }
0x545: {  	[tilespmem:s23+$0x20] =	vst v0  }
0x546: {  	v0 =	vld [tilespmem:s25+$0x30]  }
.Ltmp28:
0x547: {  	(pc) =	sbr.rel @p0 .LBB2_58-.Ltmp28, $2  }
0x548: {  	_ =	sdelay $0x2  }
0x549: {  	s25 =	sadd.s32 $0x80, s25;
	[tilespmem:s23+$0x30] =	vst v0  }
0x54a: {  	s23 =	simm.s32 $0x5780  }
0x54b: {  	[tilespmem:s14], [sflag:$0x2] =	stream.indirect.gather.add.f32 [hbm:s3], $0x10, s23, s12, $0xb8;
	[tilespmem:$0x12C00] =	vst v63  }
0x54c: {  	_ =	swait.ge [sflag:s20], $0x3200  }
0x54d: {  	[sflag:s20] =	ssyncset.done $0x0  }
0x54e: {  	[sflag:s20] =	ssyncadd.s32 $0xFFFFCE00  }
0x54f: {  	[hbm4b:s1+s2] =	stream.linear.scatter [tilespmem:s15], [sflag:$0x6], $0x3200, $0x38;
	[tilespmem:$0x12C00] =	vst v63  }
0x550: {  	_ =	swait.ge [sflag:s21], $0x3200  }
0x551: {  	[sflag:s21] =	ssyncset.done $0x0  }
0x552: {  	s24 =	simm.s32 $0x6440;
	[sflag:s21] =	ssyncadd.s32 $0xFFFFCE00  }
0x553: {  	v0 =	vld [tilespmem:s24+$0xFFFFFFC0];
	_ =	sdelay $0x3  }
0x554: {  	s23 =	simm.s32 $0xFA40  }
0x555: {  	[tilespmem:s23+$0xFFFFFFC0] =	vst v0  }
0x556: {  	v0 =	vld [tilespmem:s24+$0xFFFFFFD0];
	_ =	sdelay $0x4  }
0x557: {  	[tilespmem:s23+$0xFFFFFFD0] =	vst v0  }
0x558: {  	v0 =	vld [tilespmem:s24+$0xFFFFFFE0];
	_ =	sdelay $0x4  }
0x559: {  	[tilespmem:s23+$0xFFFFFFE0] =	vst v0  }
0x55a: {  	v0 =	vld [tilespmem:s24+$0xFFFFFFF0];
	_ =	sdelay $0x4  }
0x55b: {  	[tilespmem:s23+$0xFFFFFFF0] =	vst v0  }
0x55c: {  	v0 =	vld [tilespmem:s24+$0x0];
	_ =	sdelay $0x4  }
0x55d: {  	[tilespmem:s23+$0x0] =	vst v0  }
0x55e: {  	v0 =	vld [tilespmem:s24+$0x10];
	_ =	sdelay $0x4  }
0x55f: {  	[tilespmem:s23+$0x10] =	vst v0  }
0x560: {  	v0 =	vld [tilespmem:s24+$0x20];
	_ =	sdelay $0x4  }
0x561: {  	[tilespmem:s23+$0x20] =	vst v0  }
0x562: {  	v0 =	vld [tilespmem:s24+$0x30];
	_ =	sdelay $0x4  }
0x563: {  	s25 =	simm.s32 $0x64C0;
	s24 =	simm.s32 $0x0;
	[tilespmem:s23+$0x30] =	vst v0  }
.LBB2_60:
0x564: {  	v0 =	vld [tilespmem:s25+$0xFFFFFFC0];
	s24 =	sadd.s32 $0x8, s24  }
0x565: {  	p0 =	slt.u32 s24, $0x318;
	_ =	sdelay $0x2  }
0x566: {  	s23 =	sadd.s32 $0x80, s23  }
0x567: {  	[tilespmem:s23+$0xFFFFFFC0] =	vst v0  }
0x568: {  	v0 =	vld [tilespmem:s25+$0xFFFFFFD0];
	_ =	sdelay $0x4  }
0x569: {  	[tilespmem:s23+$0xFFFFFFD0] =	vst v0  }
0x56a: {  	v0 =	vld [tilespmem:s25+$0xFFFFFFE0];
	_ =	sdelay $0x4  }
0x56b: {  	[tilespmem:s23+$0xFFFFFFE0] =	vst v0  }
0x56c: {  	v0 =	vld [tilespmem:s25+$0xFFFFFFF0];
	_ =	sdelay $0x4  }
0x56d: {  	[tilespmem:s23+$0xFFFFFFF0] =	vst v0  }
0x56e: {  	v0 =	vld [tilespmem:s25+$0x0];
	_ =	sdelay $0x4  }
0x56f: {  	[tilespmem:s23+$0x0] =	vst v0  }
0x570: {  	v0 =	vld [tilespmem:s25+$0x10];
	_ =	sdelay $0x4  }
0x571: {  	[tilespmem:s23+$0x10] =	vst v0  }
0x572: {  	v0 =	vld [tilespmem:s25+$0x20];
	_ =	sdelay $0x4  }
0x573: {  	[tilespmem:s23+$0x20] =	vst v0  }
0x574: {  	v0 =	vld [tilespmem:s25+$0x30]  }
.Ltmp29:
0x575: {  	(pc) =	sbr.rel @p0 .LBB2_60-.Ltmp29, $2  }
0x576: {  	_ =	sdelay $0x2  }
0x577: {  	s25 =	sadd.s32 $0x80, s25;
	[tilespmem:s23+$0x30] =	vst v0  }
0x578: {  	s23 =	simm.s32 $0x5AA0  }
0x579: {  	[tilespmem:s15], [sflag:$0x3] =	stream.indirect.gather.add.f32 [hbm:s3], $0x10, s23, s12, $0xb8;
	[tilespmem:$0x12C00] =	vst v63  }
0x57a: {  	_ =	swait.ge [sflag:s16], $0x3200  }
0x57b: {  	[sflag:s16] =	ssyncset.done $0x0  }
0x57c: {  	[sflag:s16] =	ssyncadd.s32 $0xFFFFCE00  }
0x57d: {  	[hbm4b:s0+s2] =	stream.linear.scatter [tilespmem:s13], [sflag:$0x4], $0x3200, $0x38;
	[tilespmem:$0x12C00] =	vst v63  }
0x57e: {  	_ =	swait.ge [sflag:s17], $0x3200  }
0x57f: {  	[sflag:s17] =	ssyncset.done $0x0  }
0x580: {  	s24 =	simm.s32 $0x6440;
	[sflag:s17] =	ssyncadd.s32 $0xFFFFCE00  }
0x581: {  	v0 =	vld [tilespmem:s24+$0xFFFFFFC0];
	_ =	sdelay $0x3  }
0x582: {  	s23 =	simm.s32 $0x9640  }
0x583: {  	[tilespmem:s23+$0xFFFFFFC0] =	vst v0  }
0x584: {  	v0 =	vld [tilespmem:s24+$0xFFFFFFD0];
	_ =	sdelay $0x4  }
0x585: {  	[tilespmem:s23+$0xFFFFFFD0] =	vst v0  }
0x586: {  	v0 =	vld [tilespmem:s24+$0xFFFFFFE0];
	_ =	sdelay $0x4  }
0x587: {  	[tilespmem:s23+$0xFFFFFFE0] =	vst v0  }
0x588: {  	v0 =	vld [tilespmem:s24+$0xFFFFFFF0];
	_ =	sdelay $0x4  }
0x589: {  	[tilespmem:s23+$0xFFFFFFF0] =	vst v0  }
0x58a: {  	v0 =	vld [tilespmem:s24+$0x0];
	_ =	sdelay $0x4  }
0x58b: {  	[tilespmem:s23+$0x0] =	vst v0  }
0x58c: {  	v0 =	vld [tilespmem:s24+$0x10];
	_ =	sdelay $0x4  }
0x58d: {  	[tilespmem:s23+$0x10] =	vst v0  }
0x58e: {  	v0 =	vld [tilespmem:s24+$0x20];
	_ =	sdelay $0x4  }
0x58f: {  	[tilespmem:s23+$0x20] =	vst v0  }
0x590: {  	v0 =	vld [tilespmem:s24+$0x30];
	_ =	sdelay $0x4  }
0x591: {  	s25 =	simm.s32 $0x64C0;
	s24 =	simm.s32 $0x0;
	[tilespmem:s23+$0x30] =	vst v0  }
.LBB2_62:
0x592: {  	v0 =	vld [tilespmem:s25+$0xFFFFFFC0];
	s24 =	sadd.s32 $0x8, s24  }
0x593: {  	p0 =	slt.u32 s24, $0x318;
	_ =	sdelay $0x2  }
0x594: {  	s23 =	sadd.s32 $0x80, s23  }
0x595: {  	[tilespmem:s23+$0xFFFFFFC0] =	vst v0  }
0x596: {  	v0 =	vld [tilespmem:s25+$0xFFFFFFD0];
	_ =	sdelay $0x4  }
0x597: {  	[tilespmem:s23+$0xFFFFFFD0] =	vst v0  }
0x598: {  	v0 =	vld [tilespmem:s25+$0xFFFFFFE0];
	_ =	sdelay $0x4  }
0x599: {  	[tilespmem:s23+$0xFFFFFFE0] =	vst v0  }
0x59a: {  	v0 =	vld [tilespmem:s25+$0xFFFFFFF0];
	_ =	sdelay $0x4  }
0x59b: {  	[tilespmem:s23+$0xFFFFFFF0] =	vst v0  }
0x59c: {  	v0 =	vld [tilespmem:s25+$0x0];
	_ =	sdelay $0x4  }
0x59d: {  	[tilespmem:s23+$0x0] =	vst v0  }
0x59e: {  	v0 =	vld [tilespmem:s25+$0x10];
	_ =	sdelay $0x4  }
0x59f: {  	[tilespmem:s23+$0x10] =	vst v0  }
0x5a0: {  	v0 =	vld [tilespmem:s25+$0x20];
	_ =	sdelay $0x4  }
0x5a1: {  	[tilespmem:s23+$0x20] =	vst v0  }
0x5a2: {  	v0 =	vld [tilespmem:s25+$0x30]  }
.Ltmp30:
0x5a3: {  	(pc) =	sbr.rel @p0 .LBB2_62-.Ltmp30, $2  }
0x5a4: {  	_ =	sdelay $0x2  }
0x5a5: {  	s25 =	sadd.s32 $0x80, s25;
	[tilespmem:s23+$0x30] =	vst v0  }
0x5a6: {  	s23 =	simm.s32 $0x5DC0  }
0x5a7: {  	[tilespmem:s13], [sflag:$0x1] =	stream.indirect.gather.add.f32 [hbm:s3], $0x10, s23, s12, $0xb8;
	[tilespmem:$0x12C00] =	vst v63  }
0x5a8: {  	_ =	swait.ge [sflag:s18], $0x3200  }
0x5a9: {  	[sflag:s18] =	ssyncset.done $0x0  }
0x5aa: {  	[sflag:s18] =	ssyncadd.s32 $0xFFFFCE00  }
0x5ab: {  	[hbm4b:s4+s2] =	stream.linear.scatter [tilespmem:s14], [sflag:$0x5], $0x3200, $0x38;
	[tilespmem:$0x12C00] =	vst v63  }
0x5ac: {  	_ =	swait.ge [sflag:s19], $0x3200  }
0x5ad: {  	[sflag:s19] =	ssyncset.done $0x0  }
0x5ae: {  	s24 =	simm.s32 $0x6440;
	[sflag:s19] =	ssyncadd.s32 $0xFFFFCE00  }
0x5af: {  	v0 =	vld [tilespmem:s24+$0xFFFFFFC0];
	_ =	sdelay $0x3  }
0x5b0: {  	s23 =	simm.s32 $0xC840  }
0x5b1: {  	[tilespmem:s23+$0xFFFFFFC0] =	vst v0  }
0x5b2: {  	v0 =	vld [tilespmem:s24+$0xFFFFFFD0];
	_ =	sdelay $0x4  }
0x5b3: {  	[tilespmem:s23+$0xFFFFFFD0] =	vst v0  }
0x5b4: {  	v0 =	vld [tilespmem:s24+$0xFFFFFFE0];
	_ =	sdelay $0x4  }
0x5b5: {  	[tilespmem:s23+$0xFFFFFFE0] =	vst v0  }
0x5b6: {  	v0 =	vld [tilespmem:s24+$0xFFFFFFF0];
	_ =	sdelay $0x4  }
0x5b7: {  	[tilespmem:s23+$0xFFFFFFF0] =	vst v0  }
0x5b8: {  	v0 =	vld [tilespmem:s24+$0x0];
	_ =	sdelay $0x4  }
0x5b9: {  	[tilespmem:s23+$0x0] =	vst v0  }
0x5ba: {  	v0 =	vld [tilespmem:s24+$0x10];
	_ =	sdelay $0x4  }
0x5bb: {  	[tilespmem:s23+$0x10] =	vst v0  }
0x5bc: {  	v0 =	vld [tilespmem:s24+$0x20];
	_ =	sdelay $0x4  }
0x5bd: {  	[tilespmem:s23+$0x20] =	vst v0  }
0x5be: {  	v0 =	vld [tilespmem:s24+$0x30];
	_ =	sdelay $0x4  }
0x5bf: {  	s25 =	simm.s32 $0x64C0;
	s24 =	simm.s32 $0x0;
	[tilespmem:s23+$0x30] =	vst v0  }
.LBB2_64:
0x5c0: {  	v0 =	vld [tilespmem:s25+$0xFFFFFFC0];
	s24 =	sadd.s32 $0x8, s24  }
0x5c1: {  	p0 =	slt.u32 s24, $0x318;
	_ =	sdelay $0x2  }
0x5c2: {  	s23 =	sadd.s32 $0x80, s23  }
0x5c3: {  	[tilespmem:s23+$0xFFFFFFC0] =	vst v0  }
0x5c4: {  	v0 =	vld [tilespmem:s25+$0xFFFFFFD0];
	_ =	sdelay $0x4  }
0x5c5: {  	[tilespmem:s23+$0xFFFFFFD0] =	vst v0  }
0x5c6: {  	v0 =	vld [tilespmem:s25+$0xFFFFFFE0];
	_ =	sdelay $0x4  }
0x5c7: {  	[tilespmem:s23+$0xFFFFFFE0] =	vst v0  }
0x5c8: {  	v0 =	vld [tilespmem:s25+$0xFFFFFFF0];
	_ =	sdelay $0x4  }
0x5c9: {  	[tilespmem:s23+$0xFFFFFFF0] =	vst v0  }
0x5ca: {  	v0 =	vld [tilespmem:s25+$0x0];
	_ =	sdelay $0x4  }
0x5cb: {  	[tilespmem:s23+$0x0] =	vst v0  }
0x5cc: {  	v0 =	vld [tilespmem:s25+$0x10];
	_ =	sdelay $0x4  }
0x5cd: {  	[tilespmem:s23+$0x10] =	vst v0  }
0x5ce: {  	v0 =	vld [tilespmem:s25+$0x20];
	_ =	sdelay $0x4  }
0x5cf: {  	[tilespmem:s23+$0x20] =	vst v0  }
0x5d0: {  	v0 =	vld [tilespmem:s25+$0x30]  }
.Ltmp31:
0x5d1: {  	(pc) =	sbr.rel @p0 .LBB2_64-.Ltmp31, $2  }
0x5d2: {  	_ =	sdelay $0x2  }
0x5d3: {  	s25 =	sadd.s32 $0x80, s25;
	[tilespmem:s23+$0x30] =	vst v0  }
0x5d4: {  	s23 =	simm.s32 $0x60E0  }
0x5d5: {  	[tilespmem:s14], [sflag:$0x2] =	stream.indirect.gather.add.f32 [hbm:s3], $0x10, s23, s12, $0xb8;
	[tilespmem:$0x12C00] =	vst v63  }
0x5d6: {  	_ =	swait.ge [sflag:s20], $0x3200  }
0x5d7: {  	[sflag:s20] =	ssyncset.done $0x0  }
0x5d8: {  	[sflag:s20] =	ssyncadd.s32 $0xFFFFCE00  }
0x5d9: {  	[hbm4b:s5+s2] =	stream.linear.scatter [tilespmem:s15], [sflag:$0x6], $0x3200, $0x38;
	[tilespmem:$0x12C00] =	vst v63  }
0x5da: {  	_ =	swait.ge [sflag:s16], $0x3200  }
0x5db: {  	[sflag:s16] =	ssyncset.done $0x0  }
0x5dc: {  	[sflag:s16] =	ssyncadd.s32 $0xFFFFCE00  }
0x5dd: {  	[hbm4b:s7+s2] =	stream.linear.scatter [tilespmem:s13], [sflag:$0x4], $0x3200, $0x38;
	[tilespmem:$0x12C00] =	vst v63  }
0x5de: {  	_ =	swait.ge [sflag:s18], $0x3200  }
0x5df: {  	[sflag:s18] =	ssyncset.done $0x0  }
0x5e0: {  	[sflag:s18] =	ssyncadd.s32 $0xFFFFCE00  }
0x5e1: {  	[hbm4b:s8+s2] =	stream.linear.scatter [tilespmem:s14], [sflag:$0x5], $0x3200, $0x38;
	[tilespmem:$0x12C00] =	vst v63  }
0x5e2: {  	_ =	swait.ge [sflag:s21], $0x3200  }
0x5e3: {  	[sflag:s21] =	ssyncset.done $0x0  }
0x5e4: {  	s22 =	sadd.s32 $0x1, s22;
	[sflag:s21] =	ssyncadd.s32 $0xFFFFCE00  }
0x5e5: {  	p0 =	sne.s32 s22, s9;
	_ =	swait.ge [sflag:s17], $0x3200  }
.Ltmp32:
0x5e6: {  	[sflag:s17] =	ssyncset.done $0x0;
	(pc) =	sbr.rel @p0 .LBB2_1-.Ltmp32, $4  }
0x5e7: {  	[sflag:s17] =	ssyncadd.s32 $0xFFFFCE00  }
0x5e8: {  	_ =	swait.ge [sflag:s19], $0x3200  }
0x5e9: {  	[sflag:s19] =	ssyncset.done $0x0  }
0x5ea: {  	[sflag:s19] =	ssyncadd.s32 $0xFFFFCE00  }
0x5eb: {  	_ =	sfence.sel $0x180000  }
0x5ec: {  	[bflag:$0x0] =	sbarrier.arrive $0xFFFF  }
0x5ed: {  	_ =	strace $0x90000047  }
0x5ee: {  	s0 =	stileid.u32;
	[bflag:$0x2] =	sbarrier.arrive $0xFFFF  }
0x5ef: {  	p0 =	sne.s32 s0, $0x0;
	s0 =	rddreg [dreg:$0x3]  }
0x5f0: {  	s0 =	sadd.s32 @!p0 $0x100000, s0  }
0x5f1: {  	[sflag:s0] =	ssyncadd.tile.s32 @!p0 $0x1;
	_ =	shalt  }
.Lfunc_end2:
_tile_overlayer_lowered:
.L_overlay_start_2:
0x5f2: {  	(tag) =	ssettag $0x2  }
0x5f3: {  	s0 =	rddreg [dreg:$0x0];
	s2 =	stileid.u32  }
0x5f4: {  	s1 =	rddreg [dreg:$0x1];
	p0 =	sne.s32 s2, $0x0  }
0x5f5: {  	s3 =	rddreg [dreg:$0x2];
	[bflag:$0x3] =	sbarrier.arrive $0xFFFF;
	s2 =	simm.s32 @!p0 $0x1C07  }
0x5f6: {  	[timem:s3], [sflag:s2] =	dma.local @!p0 [hbm:s0], s1  }
0x5f7: {  	s0 =	simm.s32 @!p0 $0x7  }
0x5f8: {  	_ =	swait.ge @!p0 [sflag:s0], s1  }
0x5f9: {  	s1 =	ssub.s32 @!p0 $0x0, s1;
	[sflag:s0] =	ssyncset.done @!p0 $0x0  }
0x5fa: {  	[sflag:s0] =	ssyncadd.s32 @!p0 s1  }
0x5fb: {  	[bflag:$0x3] =	sbarrier.arrive $0xFFFF  }
0x5fc: {  	_ =	shalt  }

// kernel: sparse-core-data-format-call.cloned.1.call-start
scs
called_computation_lowered:
.L_overlay_start_0:
0x0: {  	s2 =	sld [smem:$0x3FD9]  }
0x1: {  	s3 =	sld [smem:$0x3FFE];
	_ =	sdelay $0x1  }
0x2: {  	s1 =	srdreg.scid  }
0x3: {  	s0 =	sand.u32 $0x1, s1  }
0x4: {  	s18 =	sshll.u32 s0, $0xA;
	s2 =	sadd.s32 s3, s2  }
0x5: {  	s2 =	sadd.s32 s2, s18  }
0x6: {  	[smem:$0x3FC5] =	sst s2  }
0x7: {  	_ = 	snop  }
0x8: {  	s2 =	sld [smem:$0x3FD0];
	(tm) =	ssettm $0x1  }
0x9: {  	s19 =	sld [smem:$0x3FFB];
	_ =	sdelay $0x3  }
0xa: {  	_ =	strace s19  }
0xb: {  	s3 =	sld [smem:$0x3FFC];
	_ =	sdelay $0x3  }
0xc: {  	_ =	strace s3  }
0xd: {  	s3 =	sld [smem:$0x3FFD];
	_ =	sdelay $0x3  }
0xe: {  	_ =	strace s3  }
0xf: {  	_ =	strace $0x8FFFFFFF  }
0x10: {  	s20 =	sld [smem:$0x3FDB];
	_ =	sdelay $0x1  }
0x11: {  	s4 =	simm.s32 $_scs_section_size  }
0x12: {  	s5 =	simm.s32 $_size__tile_overlayer_lowered;
	s6 =	simm.s32 $_tile_overlayer_lowered  }
0x13: {  	s23 =	simm.s32 $0x1BFF;
	s22 =	sshll.u32 s6, $0x1;
	s3 =	sadd.s32 s4, s20  }
0x14: {  	s7 =	simm.s32 $0x0;
	s21 =	sshll.u32 s5, $0x1;
	s5 =	sadd.s32 s22, s3  }
0x15: {  	[timem:s7], [sflag:s23] =	dma.local [hbm:s5], s21  }
0x16: {  	_ =	swait.ge [sflag:s23], s21  }
0x17: {  	s4 =	ssub.s32 $0x0, s21;
	[sflag:s23] =	ssyncset.done $0x0  }
0x18: {  	[sflag:s23] =	ssyncadd.s32 s4;
	_ =	sdelay $0x1  }
0x19: {  	s24 =	simm.s32 $0x1B8B  }
0x1a: {  	_ =	swait.ge [sflag:s24], $0x1  }
0x1b: {  	[sflag:s24] =	ssyncset.done $0x0  }
0x1c: {  	s26 =	simm.s32 $0x1B8E;
	s25 =	sld [smem:$0x3FFE];
	[sflag:s24] =	ssyncadd.s32 $0xFFFFFFFF  }
0x1d: {  	s27 =	simm.s32 $execute0_lowered;
	[smem:$0x3FD2] =	sst s26  }
0x1e: {  	s5 =	sshll.u32 s27, $0x1;
	_ =	strace $0x80000049;
	[dreg:$0x1] =	wrdreg $0xFFFFFFFF  }
0x1f: {  	s28 =	simm.s32 $_size_execute0_lowered;
	s3 =	sadd.s32 s3, s5;
	[dreg:$0x0] =	wrdreg $0x0  }
0x20: {  	s5 =	sshll.u32 s28, $0x1;
	[dreg:$0x2] =	wrdreg s3  }
0x21: {  	[dreg:$0x3] =	wrdreg s5  }
0x22: {  	[dreg:$0x4] =	wrdreg $0xC0  }
0x23: {  	_ =	task [dreg:s7], $0x5FFFF  }
0x24: {  	[dreg:$0x1] =	wrdreg $0xFFFFFFFF  }
0x25: {  	[dreg:$0x0] =	wrdreg $0x60  }
0x26: {  	[dreg:$0x2] =	wrdreg s25  }
0x27: {  	[dreg:$0x3] =	wrdreg s2  }
0x28: {  	[dreg:$0x4] =	wrdreg $0x9  }
0x29: {  	_ =	task.clear_ibuf [dreg:s7], $0x5FFFF;
	_ =	strace $0x90000049  }
0x2a: {  	s29 =	simm.s32 $0x9;
	_ =	strace $0x8000004B  }
0x2b: {  	_ =	swait.ge [sflag:s29], $0x1  }
0x2c: {  	[sflag:s29] =	ssyncadd.s32 $0xFFFFFFFF  }
0x2d: {  	_ =	strace $0x9000004B  }
0x2e: {  	_ =	sfence  }
0x2f: {  	s30 =	sld [smem:$0x0];
	_ =	sdelay $0x2  }
0x30: {  	s31 =	sshll.u32 s1, $0xD;
	s1 =	sshrl.u32 s1, $0x2  }
0x31: {  	s3 =	sand.u32 $0x4000, s31;
	s1 =	sadd.s32 s1, s30  }
0x32: {  	s0 =	sor.u32 s3, s0;
	s1 =	sshll.u32 s1, $0x11  }
0x33: {  	s0 =	sor.u32 s1, s0  }
0x34: {  	s0 =	sadd.s32 $0x8F2B, s0  }
0x35: {  	[sflag:s0] =	ssyncadd.remote.s32 $0x1  }
0x36: {  	_ =	sfence.sel $0xFFFF  }
0x37: {  	[dreg:$0x0] =	wrdreg $0xFFFFFFFF;
	(pc) =	sbr.abs _section_cstart, $3  }
0x38: {  	[dreg:$0x1] =	wrdreg $0xFFFFFFFF  }
0x39: {  	_ =	task.clear_ibuf [dreg:s7], $0x2FFFF;
	_ =	strace $0x9FFFFFFF  }
0x3a: {  	(tm) =	ssettm $0x7FFFFFFF  }
0x3b: {  	_ =	shalt  }
tec
execute0_lowered:
.L_overlay_start_1:
0x0: {  	(tag) =	ssettag $0x1  }
0x1: {  	s0 =	srdreg.scid  }
0x2: {  	s1 =	sshll.u32 s0, $0x4  }
0x3: {  	s4 =	rddreg [dreg:$0x0];
	s0 =	stileid.u32;
	s1 =	sand.u32 $0x10, s1  }
0x4: {  	s2 =	rddreg [dreg:$0x1];
	s7 =	simm.s32 $0x1;
	s1 =	sor.u32 s0, s1  }
0x5: {  	s8 =	simm.s32 $0x2;
	s11 =	simm.s32 $0x0;
	s3 =	sshll.u32 s1, $0x7  }
0x6: {  	s10 =	simm.s32 $0x0;
	s4 =	sadd.s32 $0x800, s4;
	s6 =	ssub.s32 $0xC8000, s3  }
.Ltmp0:
0x7: {  	s1 =	rddreg [dreg:$0x2];
	s5 =	sand.u32 $0xF80, s6;
	(pc) =	sbr.rel .LBB1_1-.Ltmp0, $4  }
0x8: {  	_ =	strace $0x8000004A;
	s9 =	smov.u32 s3;
	p0 =	sne.s32 s5, $0x0  }
0x9: {  	s6 =	sshrl.u32 s6, $0xC;
	s5 =	simm.s32 $0x1;
	s7 =	simm.s32 @!p0 $0x0  }
0xa: {  	[sflag:s5] =	ssyncpa.u1 $0x0;
	p0 =	por $0x0, $0x0;
	s6 =	sadd.s32 s7, s6  }
0xb: {  	[sflag:s8] =	ssyncpa.u1 $0x0;
	s8 =	simm.s32 $0x640000;
	s7 =	sadd.s32 $0x1, s6  }
.LBB1_4:
0xc: {  	s14 =	sshll.u32 s11, $0x3  }
0xd: {  	s30 =	sand.u32 $0x7F, s11;
	s15 =	sand.u32 $0xFFFFFC00, s14  }
0xe: {  	s11 =	sor.u32 s30, s15  }
0xf: {  	s15 =	smulhi.u32 $0x51EB851F, s11  }
0x10: {  	s14 =	smulhi.u32 $0x51EB851F, s14  }
0x11: {  	s15 =	sshrl.u32 s15, $0x12  }
0x12: {  	s14 =	sshrl.u32 s14, $0x12;
	s15 =	smul.u32 $0xC8000, s15  }
0x13: {  	[tilespmem:s12+$0xFFFFFFFC ss:$0x81] =	vst.msk $0xffff, v1;
	s14 =	sand.u32 $0xF, s14  }
0x14: {  	[tilespmem:s12+$0xFFFFFFFD ss:$0x81] =	vst.msk $0xffff, v2;
	s14 =	smul.u32 $0x19000, s14;
	s11 =	ssub.s32 s11, s15  }
0x15: {  	[tilespmem:s12+$0xFFFFFFFE ss:$0x81] =	vst.msk $0xffff, v0;
	s15 =	sand.u32 $0x7, s11  }
0x16: {  	[tilespmem:s12+$0xFFFFFFFF ss:$0x81] =	vst.msk $0xffff, v4;
	s14 =	sadd.s32 s2, s14;
	s11 =	sshrl.u32 s11, $0x3;
	s15 =	sshll.u32 s15, $0x12  }
0x17: {  	[tilespmem:s12+$0xFFFFFFF9 ss:$0x81] =	vst.msk $0xffff, v3;
	s11 =	sadd.s32 s11, s14;
	s31 =	sor.u32 $0x400, s15  }
0x18: {  	[hbm4b:s11+s31] =	stream.strided.scatter [tilespmem:s13], [sflag:$0x2], $0x800, s8, s31, $0x20;
	[tilespmem:$0x2020] =	vst v63  }
.LBB1_5:
0x19: {  	s13 =	sadd.s32 $0x1000, s9  }
0x1a: {  	p2 =	sgt.s32 s13, $0xC7FFF  }
0x1b: {  	s13 =	smov.u32 @p2 s3;
	p2 =	sne.s32 s10, s7  }
.Ltmp1:
0x1c: {  	p1 =	slt.u32 s10, $0x2;
	(pc) =	sbr.rel @!p2 .LBB1_6-.Ltmp1, $4  }
0x1d: {  	s12 =	simm.s32 @!p1 $0x2  }
0x1e: {  	s14 =	sadd.s32 $0x1, s10;
	_ =	swait.ge @!p1 [sflag:s12], $0x800  }
0x1f: {  	s11 =	smov.u32 s9;
	p0 =	por !p0, !p0;
	[sflag:s12] =	ssyncset.done @!p1 $0x0  }
0x20: {  	s10 =	smov.u32 s14;
	s9 =	smov.u32 s13;
	[sflag:s12] =	ssyncadd.s32 @!p1 $0xFFFFF800  }
.LBB1_1:
0x21: {  	p1 =	sge.u32 s10, s6  }
0x22: {  	s12 =	sand.u32 @!p1 $0x1FFFFFF, s9  }
0x23: {  	s13 =	smulhi.u32 @!p1 $0x147AE15, s12;
	_ =	sdelay $0x1  }
0x24: {  	s13 =	sshrl.u32 @!p1 s13, $0xC  }
0x25: {  	s13 =	smul.u32 @!p1 $0xC8000, s13;
	_ =	sdelay $0x1  }
0x26: {  	s31 =	sadd.s32 $0xFFFFFFFF, s10;
	s14 =	sxor.u32 @!p1 $0xFFFFFFFF, s10;
	s12 =	ssub.s32 @!p1 s12, s13  }
0x27: {  	s15 =	simm.s32 @!p1 $0x80;
	s14 =	sshll.u32 @!p1 s14, $0xB;
	s12 =	sshll.u32 @!p1 s12, $0x4  }
0x28: {  	s13 =	sand.u32 @!p1 $0x800, s14;
	s14 =	simm.s32 @!p1 $0x10;
	s12 =	sadd.s32 @!p1 s4, s12  }
0x29: {  	[tilespmem:s13], [sflag:$0x1] =	stream.strided.gather @!p1 [hbm4b:s12+s14], $0x800, s15, s14, $0x38;
	[tilespmem:$0x2020] =	vst v63  }
0x2a: {  	p1 =	sge.u32 s31, s6  }
.Ltmp2:
0x2b: {  	_ = 	snop;
	(pc) =	sbr.rel @p1 .LBB1_5-.Ltmp2, $1  }
0x2c: {  	_ =	sdelay $0x3  }
0x2d: {  	s12 =	simm.s32 $0x1  }
0x2e: {  	_ =	swait.ge [sflag:s5], $0x800;
	s12 =	simm.s32 @!p0 $0x0  }
0x2f: {  	[sflag:s5] =	ssyncset.done $0x0;
	s13 =	sshll.u32 s12, $0xB  }
0x30: {  	[sflag:s5] =	ssyncadd.s32 $0xFFFFF800;
	s15 =	sor.u32 $0x40, s13  }
0x31: {  	v3 =	vld [tilespmem:s15+$0x30]  }
0x32: {  	s12 =	smul.u32 $0x2040, s12;
	v4 =	vld [tilespmem:s15+$0xFFFFFFD0]  }
0x33: {  	v5 =	vld [tilespmem:s15+$0xFFFFFFE0]  }
0x34: {  	s31 =	sand.u32 $0x1, s10;
	s12 =	sshrl.u32 s12, $0x2;
	v1 =	vld [tilespmem:s15+$0xFFFFFFF0]  }
0x35: {  	s13 =	smul.u32 $0x2040, s31;
	v2 =	vld [tilespmem:s15+$0x0];
	s12 =	sor.u32 $0x1007, s12  }
0x36: {  	v0 =	vld [tilespmem:s15+$0x10];
	[tilespmem:s12+$0x0 ss:$0x81] =	vst.msk $0xffff, v3  }
0x37: {  	s13 =	sshrl.u32 s13, $0x2;
	[tilespmem:s12+$0xFFFFFFFA ss:$0x81] =	vst.msk $0xffff, v4;
	v4 =	vld [tilespmem:s15+$0x20]  }
0x38: {  	s14 =	simm.s32 $0x0;
	s13 =	sor.u32 $0x1000, s13;
	v3 =	vld [tilespmem:s15+$0xFFFFFFC0];
	[tilespmem:s12+$0xFFFFFFFB ss:$0x81] =	vst.msk $0xffff, v5;
	s15 =	sadd.s32 $0x80, s15  }
.LBB1_3:
0x39: {  	v5 =	vld [tilespmem:s15+$0x30];
	s14 =	sadd.s32 $0x8, s14;
	[tilespmem:s12+$0xFFFFFFFC ss:$0x81] =	vst.msk $0xffff, v1  }
0x3a: {  	v6 =	vld [tilespmem:s15+$0xFFFFFFD0];
	p1 =	slt.u32 s14, $0x78;
	[tilespmem:s12+$0xFFFFFFFD ss:$0x81] =	vst.msk $0xffff, v2  }
0x3b: {  	v7 =	vld [tilespmem:s15+$0xFFFFFFE0];
	[tilespmem:s12+$0xFFFFFFFE ss:$0x81] =	vst.msk $0xffff, v0  }
.Ltmp3:
0x3c: {  	v1 =	vld [tilespmem:s15+$0xFFFFFFF0];
	[tilespmem:s12+$0xFFFFFFFF ss:$0x81] =	vst.msk $0xffff, v4;
	(pc) =	sbr.rel @p1 .LBB1_3-.Ltmp3, $4  }
0x3d: {  	v2 =	vld [tilespmem:s15+$0x0];
	[tilespmem:s12+$0xFFFFFFF9 ss:$0x81] =	vst.msk $0xffff, v3;
	s12 =	sadd.s32 $0x8, s12  }
0x3e: {  	v0 =	vld [tilespmem:s15+$0x10];
	[tilespmem:s12+$0x0 ss:$0x81] =	vst.msk $0xffff, v5  }
0x3f: {  	[tilespmem:s12+$0xFFFFFFFA ss:$0x81] =	vst.msk $0xffff, v6;
	v4 =	vld [tilespmem:s15+$0x20]  }
0x40: {  	v3 =	vld [tilespmem:s15+$0xFFFFFFC0];
	[tilespmem:s12+$0xFFFFFFFB ss:$0x81] =	vst.msk $0xffff, v7;
	s15 =	sadd.s32 $0x80, s15  }
.Ltmp4:
0x41: {  	_ = 	snop;
	(pc) =	sbr.rel .LBB1_4-.Ltmp4, $1  }
0x42: {  	_ =	sdelay $0x3  }
.LBB1_6:
0x43: {  	_ =	sfence.sel $0x180000  }
0x44: {  	s2 =	simm.s32 $0x1;
	[bflag:$0x0] =	sbarrier.arrive $0xFFFF  }
0x45: {  	s31 =	simm.s32 $0x2;
	[sflag:s2] =	ssyncpa.u1 $0x1  }
0x46: {  	[sflag:s31] =	ssyncpa.u1 $0x1  }
0x47: {  	p0 =	sne.s32 s0, $0x0;
	_ =	strace $0x9000004A  }
0x48: {  	s0 =	sadd.s32 @!p0 $0x100000, s1;
	[bflag:$0x2] =	sbarrier.arrive $0xFFFF  }
0x49: {  	[sflag:s0] =	ssyncadd.tile.s32 @!p0 $0x1;
	_ =	shalt  }
.Lfunc_end1:
_tile_overlayer_lowered:
.L_overlay_start_2:
0x4a: {  	(tag) =	ssettag $0x2  }
0x4b: {  	s0 =	rddreg [dreg:$0x0];
	s2 =	stileid.u32  }
0x4c: {  	s1 =	rddreg [dreg:$0x1];
	p0 =	sne.s32 s2, $0x0  }
0x4d: {  	s3 =	rddreg [dreg:$0x2];
	[bflag:$0x3] =	sbarrier.arrive $0xFFFF;
	s2 =	simm.s32 @!p0 $0x1C01  }
0x4e: {  	[timem:s3], [sflag:s2] =	dma.local @!p0 [hbm:s0], s1  }
0x4f: {  	s0 =	simm.s32 @!p0 $0x1  }
0x50: {  	_ =	swait.ge @!p0 [sflag:s0], s1  }
0x51: {  	s1 =	ssub.s32 @!p0 $0x0, s1;
	[sflag:s0] =	ssyncset.done @!p0 $0x0  }
0x52: {  	[sflag:s0] =	ssyncadd.s32 @!p0 s1  }
0x53: {  	[bflag:$0x3] =	sbarrier.arrive $0xFFFF  }
0x54: {  	_ =	shalt  }

</sc_bundles>
